<compile_context>
chip_gen: v7x
topology: tpu7x:2x2x1
jax: 0.10.2.dev20260603
libtpu: 0.0.44.dev20260713+nightly
codegen_flags: <defaults>
</compile_context>

<pallas_src>
import functools

import jax
import jax.numpy as jnp
from jax import lax
from jax.experimental import pallas as pl
from jax.experimental.pallas import tpu as pltpu
from jax.experimental.pallas import tpu_sc as plsc



def _density_mv_body(w1_ref, b1_ref, t_ref, x_ref):
    t = t_ref[0]
    w1 = w1_ref[...]
    acc = lax.dot_general(w1, t, (((1,), (0,)), ((), ())),
                          preferred_element_type=jnp.float32,
                          precision=lax.Precision.DEFAULT)
    x_ref[0] = acc + b1_ref[0]


def _density_mv(tflat, w1, b1):
    B, C, HW = tflat.shape
    TILE = 4096
    grid = (B, HW // TILE)
    return pl.pallas_call(
        _density_mv_body,
        grid=grid,
        in_specs=[
            pl.BlockSpec((1, C), lambda b, t: (0, 0)),
            pl.BlockSpec(memory_space=pltpu.SMEM),
            pl.BlockSpec((1, C, TILE), lambda b, t: (b, 0, t)),
        ],
        out_specs=pl.BlockSpec((1, 1, TILE), lambda b, t: (b, 0, t)),
        out_shape=jax.ShapeDtypeStruct((B, 1, HW), jnp.float32),
    )(w1, b1, tflat)



def _shift2d(x, dy, dx):
    H, W = x.shape
    if dy > 0:
        x = jnp.concatenate([x[dy:, :], jnp.zeros((dy, W), x.dtype)], axis=0)
    elif dy < 0:
        x = jnp.concatenate([jnp.zeros((-dy, W), x.dtype), x[:dy, :]], axis=0)
    if dx > 0:
        x = jnp.concatenate([x[:, dx:], jnp.zeros((H, dx), x.dtype)], axis=1)
    elif dx < 0:
        x = jnp.concatenate([jnp.zeros((H, -dx), x.dtype), x[:, :dx]], axis=1)
    return x


def _conv_body(w2_ref, b2_ref, x_ref, d_ref):
    x = x_ref[0]
    xb = x.astype(jnp.bfloat16).astype(jnp.float32)
    acc = jnp.zeros_like(x)
    for i in range(3):
        for j in range(3):
            w = w2_ref[i * 3 + j].astype(jnp.bfloat16).astype(jnp.float32)
            acc = acc + w * _shift2d(xb, 2 * (i - 1), 2 * (j - 1))
    d_ref[0] = jnp.maximum(acc + b2_ref[0] + x, 0.0)


def _conv_relu(x, w2, b2):
    B, H, W = x.shape
    return pl.pallas_call(
        _conv_body,
        grid=(B,),
        in_specs=[
            pl.BlockSpec(memory_space=pltpu.SMEM),
            pl.BlockSpec(memory_space=pltpu.SMEM),
            pl.BlockSpec((1, H, W), lambda b: (b, 0, 0)),
        ],
        out_specs=pl.BlockSpec((1, H, W), lambda b: (b, 0, 0)),
        out_shape=jax.ShapeDtypeStruct((B, H, W), jnp.float32),
    )(w2, b2, x)



def _xor_shuffle(arr, pos, d):
    if d < 128:
        ax, sz, ds = 2, arr.shape[2], d
    else:
        ax, sz, ds = 1, arr.shape[1], d // 128
    r_p = pltpu.roll(arr, ds, axis=ax)
    r_m = pltpu.roll(arr, sz - ds, axis=ax)
    bit = (pos & d) != 0
    return jnp.where(bit, r_p, r_m)


def _sort_body(g_ref, d_ref, te_ref, wt_ref, bt_ref,
               topk_ref, tflat_ref, mask_ref, tadd_ref):
    B, S, L = d_ref.shape
    N = S * L
    K = N // 2
    v0 = d_ref[...]
    s_iota = lax.broadcasted_iota(jnp.int32, (B, S, L), 1)
    l_iota = lax.broadcasted_iota(jnp.int32, (B, S, L), 2)
    pos = s_iota * L + l_iota

    v = v0
    idx = pos
    for m in range(1, 13):
        kk = 1 << m
        for jb in range(m - 1, -1, -1):
            d = 1 << jb
            pv = _xor_shuffle(v, pos, d)
            pidx = _xor_shuffle(idx, pos, d)
            g = (v > pv) | ((v == pv) & (idx < pidx))
            is_upper = (pos & d) != 0
            is_asc = (pos & kk) != 0
            keep = g ^ is_upper ^ is_asc
            v = jnp.where(keep, v, pv)
            idx = jnp.where(keep, idx, pidx)

    topk = idx[:, :S // 2, :]
    topk_ref[...] = topk
    b_iota = lax.broadcasted_iota(jnp.int32, (B, S // 2, L), 0)
    tflat_ref[...] = topk + b_iota * N

    t = v[:, (S // 2 - 1):(S // 2), (L - 1):L]
    gt = (v0 > t)
    eq = (v0 == t)
    n_gt = jnp.sum(gt.astype(jnp.float32), axis=(1, 2), keepdims=True)
    c = eq.astype(jnp.float32)
    sh = 1
    while sh < L:
        rolled = pltpu.roll(c, sh, axis=2)
        c = c + jnp.where(l_iota >= sh, rolled, 0.0)
        sh *= 2
    row_tot = c[:, :, (L - 1):L]
    inc = row_tot
    sh = 1
    while sh < S:
        rolled = pltpu.roll(inc, sh, axis=1)
        s1 = lax.broadcasted_iota(jnp.int32, (B, S, 1), 1)
        inc = inc + jnp.where(s1 >= sh, rolled, 0.0)
        sh *= 2
    excl = inc - row_tot
    cs = c + excl
    quota = jnp.float32(K) - n_gt
    sel = gt | (eq & (cs <= quota))
    mask_ref[...] = sel.astype(jnp.float32)

    te = te_ref[...]
    wt = wt_ref[...]
    tf = lax.dot_general(te, wt, (((1,), (1,)), ((), ())),
                         preferred_element_type=jnp.float32) + bt_ref[...]
    tf = jnp.maximum(tf, 0.0) * 0.1
    mu = jnp.mean(tf, axis=1, keepdims=True)
    var = jnp.mean((tf - mu) * (tf - mu), axis=1, keepdims=True)
    tfn = (tf - mu) * lax.rsqrt(var + 1e-5)
    gate = 1.0 / (1.0 + jnp.exp(-g_ref[0]))
    tadd_ref[...] = tfn * gate


def _sort_topk(d3, text_emb, wt, bt, gate_param):
    B, S, L = d3.shape
    E, T = wt.shape
    out_shapes = (
        jax.ShapeDtypeStruct((B, S // 2, L), jnp.int32),
        jax.ShapeDtypeStruct((B, S // 2, L), jnp.int32),
        jax.ShapeDtypeStruct((B, S, L), jnp.float32),
        jax.ShapeDtypeStruct((B, E), jnp.float32),
    )
    return pl.pallas_call(
        _sort_body,
        in_specs=[
            pl.BlockSpec(memory_space=pltpu.SMEM),
            pl.BlockSpec((B, S, L), lambda: (0, 0, 0)),
            pl.BlockSpec((B, T), lambda: (0, 0)),
            pl.BlockSpec((E, T), lambda: (0, 0)),
            pl.BlockSpec((1, E), lambda: (0, 0)),
        ],
        out_specs=(
            pl.BlockSpec((B, S // 2, L), lambda: (0, 0, 0)),
            pl.BlockSpec((B, S // 2, L), lambda: (0, 0, 0)),
            pl.BlockSpec((B, S, L), lambda: (0, 0, 0)),
            pl.BlockSpec((B, E), lambda: (0, 0)),
        ),
        out_shape=out_shapes,
    )(gate_param, d3, text_emb, wt, bt)



def _fused_body(t_ref, m_ref, ws_ref, bs_ref, wo_ref, bo_ref, ta_ref,
                out_ref, tmp_ref):
    x = t_ref[0]
    ws = ws_ref[...]
    wo = wo_ref[...]
    mid = lax.dot_general(ws, x, (((1,), (0,)), ((), ())),
                          preferred_element_type=jnp.float32) + bs_ref[...]
    E = mid.shape[0]
    mu = jnp.mean(mid, axis=0, keepdims=True)
    var = jnp.mean((mid - mu) * (mid - mu), axis=0, keepdims=True)
    normed = (mid - mu) * lax.rsqrt(var + 1e-5)
    ta_col = jnp.transpose(ta_ref[0])
    fpre = normed + ta_col
    outc = lax.dot_general(wo, fpre, (((1,), (0,)), ((), ())),
                           preferred_element_type=jnp.float32) + bo_ref[...]
    s_in = jnp.sqrt(jnp.sum(x * x, axis=0, keepdims=True))
    s_out = jnp.sqrt(jnp.sum(outc * outc, axis=0, keepdims=True))
    scale = s_in / jnp.maximum(s_out, 1e-12)
    outs = outc * scale
    sel = m_ref[0] > 0.0
    out_ref[0] = jnp.where(sel, outs, x)
    tmp_ref[0] = jnp.transpose(outs)


def _fused(tflat, mask, ws, bs_col, wo, bo_col, text_add):
    B, C, HW = tflat.shape
    E = ws.shape[0]
    TILE = 2048
    grid = (B, HW // TILE)
    return pl.pallas_call(
        _fused_body,
        grid=grid,
        in_specs=[
            pl.BlockSpec((1, C, TILE), lambda b, t: (b, 0, t)),
            pl.BlockSpec((1, 1, TILE), lambda b, t: (b, 0, t)),
            pl.BlockSpec((E, C), lambda b, t: (0, 0)),
            pl.BlockSpec((E, 1), lambda b, t: (0, 0)),
            pl.BlockSpec((C, E), lambda b, t: (0, 0)),
            pl.BlockSpec((C, 1), lambda b, t: (0, 0)),
            pl.BlockSpec((1, 1, E), lambda b, t: (b, 0, 0)),
        ],
        out_specs=(
            pl.BlockSpec((1, C, TILE), lambda b, t: (b, 0, t)),
            pl.BlockSpec((1, TILE, C), lambda b, t: (b, t, 0)),
        ),
        out_shape=(
            jax.ShapeDtypeStruct((B, C, HW), jnp.float32),
            jax.ShapeDtypeStruct((B, HW, C), jnp.float32),
        ),
    )(tflat, mask, ws, bs_col, wo, bo_col, text_add)



_NC, _NS = 2, 16
_NW = _NC * _NS


def _sc_gather(tmp_rows, idx_flat, C):
    (NR,) = idx_flat.shape
    R = NR // _NW
    CH = 64
    NCHUNK = R // CH
    mesh = plsc.VectorSubcoreMesh(core_axis_name="c", subcore_axis_name="s")

    @functools.partial(
        pl.kernel, mesh=mesh,
        out_type=jax.ShapeDtypeStruct((NR, C), jnp.float32),
        scratch_types=[
            pltpu.VMEM((R,), jnp.int32),
            pltpu.VMEM((CH, C), jnp.float32),
            pltpu.VMEM((CH, C), jnp.float32),
            pltpu.SemaphoreType.DMA,
            pltpu.SemaphoreType.DMA,
            pltpu.SemaphoreType.DMA,
            pltpu.SemaphoreType.DMA,
        ],
    )
    def k(tmp_hbm, idx_hbm, out_hbm, idx_v, rows0, rows1, sg0, sg1, sw0, sw1):
        wid = lax.axis_index("s") * _NC + lax.axis_index("c")
        base = wid * R
        pltpu.sync_copy(idx_hbm.at[pl.ds(base, R)], idx_v)
        rows = (rows0, rows1)
        sg = (sg0, sg1)
        sw = (sw0, sw1)
        gathers = [None] * NCHUNK
        writes = [None] * NCHUNK
        gathers[0] = pltpu.async_copy(
            tmp_hbm.at[idx_v.at[pl.ds(0, CH)]], rows[0], sg[0])
        for i in range(NCHUNK):
            b = i % 2
            if i + 1 < NCHUNK:
                b2 = (i + 1) % 2
                if i >= 1:
                    writes[i - 1].wait()
                gathers[i + 1] = pltpu.async_copy(
                    tmp_hbm.at[idx_v.at[pl.ds((i + 1) * CH, CH)]],
                    rows[b2], sg[b2])
            gathers[i].wait()
            writes[i] = pltpu.async_copy(
                rows[b], out_hbm.at[pl.ds(base + i * CH, CH)], sw[b])
        writes[NCHUNK - 2].wait()
        writes[NCHUNK - 1].wait()

    return k(tmp_rows, idx_flat)



def kernel(tensor, text_emb, W1, b1, W2, b2, Ws, bs, Wt, bt, Wo, bo, gate_param):
    B, C, H, Wd = tensor.shape
    HW = H * Wd
    K = HW // 2
    E = Ws.shape[0]

    tflat = tensor.reshape(B, C, HW)
    x = _density_mv(tflat, W1.reshape(1, C), b1)
    dens = _conv_relu(x.reshape(B, H, Wd), W2.reshape(9), b2)
    d3 = dens.reshape(B, HW // 128, 128)
    topk3, tflat3, mask3, text_add = _sort_topk(
        d3, text_emb, Wt, bt.reshape(1, E), gate_param)
    topk_idx = topk3.reshape(B, K)
    idx_flat = tflat3.reshape(B * K)
    mask = mask3.reshape(B, 1, HW)
    out, tmp = _fused(tflat, mask, Ws, bs.reshape(E, 1), Wo, bo.reshape(C, 1),
                      text_add.reshape(B, 1, E))
    fused_sparse = _sc_gather(tmp.reshape(B * HW, C), idx_flat, C)
    return (out.reshape(B, C, H, Wd), dens.reshape(B, 1, H, Wd), topk_idx,
            fused_sparse.reshape(B, K, C))

# --- scband reference (transcript-rebuilt; emitter-appended) ---
"""Pipeline reference for scband-sparse-text-fusion-31009663877510 (READ-ONLY COPY).

The authoritative reference and input builder live on the scoring server;
editing this copy changes nothing except your own understanding.
"""

import jax, jax.numpy as jnp
import numpy as np


def _ln(x):
    m = jnp.mean(x, axis=-1, keepdims=True)
    v = jnp.var(x, axis=-1, keepdims=True)
    return (x - m) / jnp.sqrt(v + 1e-5)


def _forward(tensor, text_emb, W1, b1, W2, b2, Ws, bs, Wt, bt, Wo, bo, gate_param):
    B, C, H, Wd = tensor.shape
    topk_ratio = 0.5
    fusion_scale = 0.1
    feat_flat = jnp.transpose(tensor.reshape(B, C, H * Wd), (0, 2, 1))
    num_topk = max(1, int(H * Wd * topk_ratio))
    dn = ('NCHW', 'OIHW', 'NCHW')
    x = jax.lax.conv_general_dilated(tensor, W1, (1, 1), [(0, 0), (0, 0)], dimension_numbers=dn) + b1.reshape(1, -1, 1, 1)
    x1 = jax.lax.conv_general_dilated(x, W2, (1, 1), [(2, 2), (2, 2)], rhs_dilation=(2, 2), dimension_numbers=dn) + b2.reshape(1, -1, 1, 1)
    density_map = jax.nn.relu(x1 + x)
    density_flat = density_map.reshape(B, -1)
    topk_vals, topk_idx = jax.lax.top_k(density_flat, num_topk)
    sparse_feat = jnp.take_along_axis(feat_flat, topk_idx[:, :, None], axis=1)
    text_feat = text_emb @ Wt.T + bt
    text_feat = jax.nn.relu(text_feat) * fusion_scale
    fused_sparse = sparse_feat @ Ws.T + bs
    fused_sparse_norm = _ln(fused_sparse)
    text_feat_norm = _ln(text_feat)[:, None, :]
    gate = jax.nn.sigmoid(gate_param)
    fused_sparse = fused_sparse_norm + gate * text_feat_norm
    fused_sparse = fused_sparse @ Wo.T + bo
    nrm = jnp.linalg.norm(fused_sparse, axis=-1, keepdims=True)
    fused_sparse = fused_sparse / jnp.maximum(nrm, 1e-12) * jnp.linalg.norm(sparse_feat, axis=-1, keepdims=True)
    tensor_flat = feat_flat.at[jnp.arange(B)[:, None], topk_idx].set(fused_sparse)
    out = jnp.transpose(tensor_flat, (0, 2, 1)).reshape(B, C, H, Wd)
    return out, density_map, topk_idx, fused_sparse


def setup_inputs(seed: int = 0) -> dict:
    key = jax.random.key(seed)
    ks = jax.random.split(key, 8)
    B, C, H, W = 8, 512, 64, 64
    embed_dim, text_dim = 256, 768
    inp = {}
    inp['tensor'] = jax.random.normal(ks[0], (B, C, H, W), dtype=jnp.float32)
    inp['text_emb'] = jax.random.normal(ks[1], (B, text_dim), dtype=jnp.float32)
    inp['W1'] = jax.random.normal(ks[2], (1, C, 1, 1), dtype=jnp.float32) * 0.02
    inp['b1'] = jnp.zeros((1,), dtype=jnp.float32)
    inp['W2'] = jax.random.normal(ks[3], (1, 1, 3, 3), dtype=jnp.float32) * 0.1
    inp['b2'] = jnp.zeros((1,), dtype=jnp.float32)
    inp['Ws'] = jax.random.normal(ks[4], (embed_dim, C), dtype=jnp.float32) * 0.02
    inp['bs'] = jnp.zeros((embed_dim,), dtype=jnp.float32)
    inp['Wt'] = jax.random.normal(ks[5], (embed_dim, text_dim), dtype=jnp.float32) * 0.02
    inp['bt'] = jnp.zeros((embed_dim,), dtype=jnp.float32)
    inp['Wo'] = jax.random.normal(ks[6], (C, embed_dim), dtype=jnp.float32) * 0.02
    inp['bo'] = jnp.zeros((C,), dtype=jnp.float32)
    inp['gate_param'] = jnp.zeros((1,), dtype=jnp.float32)
    return inp


def reference(tensor, text_emb, W1, b1, W2, b2, Ws, bs, Wt, bt, Wo, bo, gate_param):
    return _forward(tensor, text_emb, W1, b1, W2, b2, Ws, bs, Wt, bt, Wo, bo, gate_param)

if __name__ == "__main__":
    import jax
    _d = setup_inputs()
    print(jax.jit(kernel)(*tuple(_d.values())))

</pallas_src>

<mosaic_0001>
#map = affine_map<(d0, d1) -> (0, 0)>
#map1 = affine_map<(d0, d1) -> (0)>
module attributes {stable_mosaic.version = 14 : i64} {
  func.func @k(%arg0: i32, %arg1: i32, %arg2: memref<32768x512xf32, #tpu.memory_space<hbm>>, %arg3: memref<16384xi32, #tpu.memory_space<hbm>>, %arg4: memref<16384x512xf32, #tpu.memory_space<hbm>>, %arg5: memref<512xi32, #tpu.memory_space<vmem>>, %arg6: memref<64x512xf32, #tpu.memory_space<vmem>>, %arg7: memref<64x512xf32, #tpu.memory_space<vmem>>, %arg8: memref<!tpu.dma_semaphore, #tpu.memory_space<semaphore_mem>>, %arg9: memref<!tpu.dma_semaphore, #tpu.memory_space<semaphore_mem>>, %arg10: memref<!tpu.dma_semaphore, #tpu.memory_space<semaphore_mem>>, %arg11: memref<!tpu.dma_semaphore, #tpu.memory_space<semaphore_mem>>) attributes {dimension_semantics = [#tpu.dimension_semantics<core_parallel>, #tpu.dimension_semantics<subcore_parallel>], iteration_bounds = array<i64: 2, 16>, scalar_prefetch = 0 : i64, scratch_operands = 7 : i64, tpu.core_type = #tpu.core_type<sc_vector_subcore>, window_params = [{transform_indices = #map}, {transform_indices = #map1}, {transform_indices = #map}]} {
    %mul3A = arith.constant 2 : i32
    %mul3A_0 = arith.muli %arg1, %mul3A : i32
    %add3A = arith.addi %mul3A_0, %arg0 : i32
    %mul3A_1 = arith.constant 512 : i32
    %mul3A_2 = arith.muli %add3A, %mul3A_1 : i32
    "tpu.region"() ({
      %run_scoped3A = tpu.sem_alloc : memref<!tpu.dma_semaphore, #tpu.memory_space<semaphore_mem>>
      %dma_start3A_161 = tpu.memref_slice %arg3[%mul3A_2] : memref<16384xi32, #tpu.memory_space<hbm>> -> memref<512xi32, #tpu.memory_space<hbm>>
      %dma_start3A_162 = tpu.memref_slice %arg3[%mul3A_2] : memref<16384xi32, #tpu.memory_space<hbm>> -> memref<512xi32, #tpu.memory_space<hbm>>
      tpu.enqueue_dma source(%dma_start3A_162 : memref<512xi32, #tpu.memory_space<hbm>>) target(%arg5 : memref<512xi32, #tpu.memory_space<vmem>>) target_semaphore(%run_scoped3A : memref<!tpu.dma_semaphore, #tpu.memory_space<semaphore_mem>>)
      %dma_wait3A_163 = tpu.memref_slice %arg3[%mul3A_2] : memref<16384xi32, #tpu.memory_space<hbm>> -> memref<512xi32, #tpu.memory_space<hbm>>
      %dma_wait3A_164 = tpu.memref_slice %arg3[%mul3A_2] : memref<16384xi32, #tpu.memory_space<hbm>> -> memref<512xi32, #tpu.memory_space<hbm>>
      tpu.wait_dma2 semaphore(%run_scoped3A : memref<!tpu.dma_semaphore, #tpu.memory_space<semaphore_mem>>) src(%dma_wait3A_164 : memref<512xi32, #tpu.memory_space<hbm>>) dst(%arg5 : memref<512xi32, #tpu.memory_space<vmem>>)
      tpu.yield
    }) : () -> ()
    %dma_start3A = arith.constant 0 : i32
    %dma_start3A_3 = tpu.memref_slice %arg5[%dma_start3A] : memref<512xi32, #tpu.memory_space<vmem>> -> memref<64xi32, #tpu.memory_space<vmem>>
    %dma_start3A_4 = arith.constant 0 : i32
    %dma_start3A_5 = arith.constant 0 : i32
    %dma_start3A_6 = tpu.memref_slice %arg2[%dma_start3A_4, %dma_start3A_5] : memref<32768x512xf32, #tpu.memory_space<hbm>> -> memref<32768x512xf32, #tpu.memory_space<hbm>>
    tpu.enqueue_indirect_dma source(%dma_start3A_6 : memref<32768x512xf32, #tpu.memory_space<hbm>>) target(%arg6 : memref<64x512xf32, #tpu.memory_space<vmem>>) offsets(%dma_start3A_3 : memref<64xi32, #tpu.memory_space<vmem>>) semaphore(%arg8 : memref<!tpu.dma_semaphore, #tpu.memory_space<semaphore_mem>>)
    %dma_start3A_7 = arith.constant 64 : i32
    %dma_start3A_8 = tpu.memref_slice %arg5[%dma_start3A_7] : memref<512xi32, #tpu.memory_space<vmem>> -> memref<64xi32, #tpu.memory_space<vmem>>
    %dma_start3A_9 = arith.constant 0 : i32
    %dma_start3A_10 = arith.constant 0 : i32
    %dma_start3A_11 = tpu.memref_slice %arg2[%dma_start3A_9, %dma_start3A_10] : memref<32768x512xf32, #tpu.memory_space<hbm>> -> memref<32768x512xf32, #tpu.memory_space<hbm>>
    tpu.enqueue_indirect_dma source(%dma_start3A_11 : memref<32768x512xf32, #tpu.memory_space<hbm>>) target(%arg7 : memref<64x512xf32, #tpu.memory_space<vmem>>) offsets(%dma_start3A_8 : memref<64xi32, #tpu.memory_space<vmem>>) semaphore(%arg9 : memref<!tpu.dma_semaphore, #tpu.memory_space<semaphore_mem>>)
    %dma_wait3A = arith.constant 0 : i32
    %dma_wait3A_12 = tpu.memref_slice %arg5[%dma_wait3A] : memref<512xi32, #tpu.memory_space<vmem>> -> memref<64xi32, #tpu.memory_space<vmem>>
    %dma_wait3A_13 = arith.constant 0 : i32
    %dma_wait3A_14 = arith.constant 0 : i32
    %dma_wait3A_15 = tpu.memref_slice %arg2[%dma_wait3A_13, %dma_wait3A_14] : memref<32768x512xf32, #tpu.memory_space<hbm>> -> memref<32768x512xf32, #tpu.memory_space<hbm>>
    tpu.wait_indirect_dma semaphore(%arg8 : memref<!tpu.dma_semaphore, #tpu.memory_space<semaphore_mem>>) src(%dma_wait3A_15 : memref<32768x512xf32, #tpu.memory_space<hbm>>) dst(%arg6 : memref<64x512xf32, #tpu.memory_space<vmem>>)
    %add3A_16 = arith.constant 0 : i32
    %add3A_17 = arith.addi %mul3A_2, %add3A_16 : i32
    %dma_start3A_18 = arith.constant 0 : i32
    %dma_start3A_19 = tpu.memref_slice %arg4[%add3A_17, %dma_start3A_18] : memref<16384x512xf32, #tpu.memory_space<hbm>> -> memref<64x512xf32, #tpu.memory_space<hbm>>
    %dma_start3A_20 = arith.constant 0 : i32
    %dma_start3A_21 = tpu.memref_slice %arg4[%add3A_17, %dma_start3A_20] : memref<16384x512xf32, #tpu.memory_space<hbm>> -> memref<64x512xf32, #tpu.memory_space<hbm>>
    tpu.enqueue_dma source(%arg6 : memref<64x512xf32, #tpu.memory_space<vmem>>) target(%dma_start3A_21 : memref<64x512xf32, #tpu.memory_space<hbm>>) target_semaphore(%arg10 : memref<!tpu.dma_semaphore, #tpu.memory_space<semaphore_mem>>)
    %dma_wait3A_22 = arith.constant 0 : i32
    %dma_wait3A_23 = tpu.memref_slice %arg4[%add3A_17, %dma_wait3A_22] : memref<16384x512xf32, #tpu.memory_space<hbm>> -> memref<64x512xf32, #tpu.memory_space<hbm>>
    %dma_wait3A_24 = arith.constant 0 : i32
    %dma_wait3A_25 = tpu.memref_slice %arg4[%add3A_17, %dma_wait3A_24] : memref<16384x512xf32, #tpu.memory_space<hbm>> -> memref<64x512xf32, #tpu.memory_space<hbm>>
    tpu.wait_dma2 semaphore(%arg10 : memref<!tpu.dma_semaphore, #tpu.memory_space<semaphore_mem>>) src(%arg6 : memref<64x512xf32, #tpu.memory_space<vmem>>) dst(%dma_wait3A_25 : memref<64x512xf32, #tpu.memory_space<hbm>>)
    %dma_start3A_26 = arith.constant 128 : i32
    %dma_start3A_27 = tpu.memref_slice %arg5[%dma_start3A_26] : memref<512xi32, #tpu.memory_space<vmem>> -> memref<64xi32, #tpu.memory_space<vmem>>
    %dma_start3A_28 = arith.constant 0 : i32
    %dma_start3A_29 = arith.constant 0 : i32
    %dma_start3A_30 = tpu.memref_slice %arg2[%dma_start3A_28, %dma_start3A_29] : memref<32768x512xf32, #tpu.memory_space<hbm>> -> memref<32768x512xf32, #tpu.memory_space<hbm>>
    tpu.enqueue_indirect_dma source(%dma_start3A_30 : memref<32768x512xf32, #tpu.memory_space<hbm>>) target(%arg6 : memref<64x512xf32, #tpu.memory_space<vmem>>) offsets(%dma_start3A_27 : memref<64xi32, #tpu.memory_space<vmem>>) semaphore(%arg8 : memref<!tpu.dma_semaphore, #tpu.memory_space<semaphore_mem>>)
    %dma_wait3A_31 = arith.constant 64 : i32
    %dma_wait3A_32 = tpu.memref_slice %arg5[%dma_wait3A_31] : memref<512xi32, #tpu.memory_space<vmem>> -> memref<64xi32, #tpu.memory_space<vmem>>
    %dma_wait3A_33 = arith.constant 0 : i32
    %dma_wait3A_34 = arith.constant 0 : i32
    %dma_wait3A_35 = tpu.memref_slice %arg2[%dma_wait3A_33, %dma_wait3A_34] : memref<32768x512xf32, #tpu.memory_space<hbm>> -> memref<32768x512xf32, #tpu.memory_space<hbm>>
    tpu.wait_indirect_dma semaphore(%arg9 : memref<!tpu.dma_semaphore, #tpu.memory_space<semaphore_mem>>) src(%dma_wait3A_35 : memref<32768x512xf32, #tpu.memory_space<hbm>>) dst(%arg7 : memref<64x512xf32, #tpu.memory_space<vmem>>)
    %add3A_36 = arith.constant 64 : i32
    %add3A_37 = arith.addi %mul3A_2, %add3A_36 : i32
    %dma_start3A_38 = arith.constant 0 : i32
    %dma_start3A_39 = tpu.memref_slice %arg4[%add3A_37, %dma_start3A_38] : memref<16384x512xf32, #tpu.memory_space<hbm>> -> memref<64x512xf32, #tpu.memory_space<hbm>>
    %dma_start3A_40 = arith.constant 0 : i32
    %dma_start3A_41 = tpu.memref_slice %arg4[%add3A_37, %dma_start3A_40] : memref<16384x512xf32, #tpu.memory_space<hbm>> -> memref<64x512xf32, #tpu.memory_space<hbm>>
    tpu.enqueue_dma source(%arg7 : memref<64x512xf32, #tpu.memory_space<vmem>>) target(%dma_start3A_41 : memref<64x512xf32, #tpu.memory_space<hbm>>) target_semaphore(%arg11 : memref<!tpu.dma_semaphore, #tpu.memory_space<semaphore_mem>>)
    %dma_wait3A_42 = arith.constant 0 : i32
    %dma_wait3A_43 = tpu.memref_slice %arg4[%add3A_37, %dma_wait3A_42] : memref<16384x512xf32, #tpu.memory_space<hbm>> -> memref<64x512xf32, #tpu.memory_space<hbm>>
    %dma_wait3A_44 = arith.constant 0 : i32
    %dma_wait3A_45 = tpu.memref_slice %arg4[%add3A_37, %dma_wait3A_44] : memref<16384x512xf32, #tpu.memory_space<hbm>> -> memref<64x512xf32, #tpu.memory_space<hbm>>
    tpu.wait_dma2 semaphore(%arg11 : memref<!tpu.dma_semaphore, #tpu.memory_space<semaphore_mem>>) src(%arg7 : memref<64x512xf32, #tpu.memory_space<vmem>>) dst(%dma_wait3A_45 : memref<64x512xf32, #tpu.memory_space<hbm>>)
    %dma_start3A_46 = arith.constant 192 : i32
    %dma_start3A_47 = tpu.memref_slice %arg5[%dma_start3A_46] : memref<512xi32, #tpu.memory_space<vmem>> -> memref<64xi32, #tpu.memory_space<vmem>>
    %dma_start3A_48 = arith.constant 0 : i32
    %dma_start3A_49 = arith.constant 0 : i32
    %dma_start3A_50 = tpu.memref_slice %arg2[%dma_start3A_48, %dma_start3A_49] : memref<32768x512xf32, #tpu.memory_space<hbm>> -> memref<32768x512xf32, #tpu.memory_space<hbm>>
    tpu.enqueue_indirect_dma source(%dma_start3A_50 : memref<32768x512xf32, #tpu.memory_space<hbm>>) target(%arg7 : memref<64x512xf32, #tpu.memory_space<vmem>>) offsets(%dma_start3A_47 : memref<64xi32, #tpu.memory_space<vmem>>) semaphore(%arg9 : memref<!tpu.dma_semaphore, #tpu.memory_space<semaphore_mem>>)
    %dma_wait3A_51 = arith.constant 128 : i32
    %dma_wait3A_52 = tpu.memref_slice %arg5[%dma_wait3A_51] : memref<512xi32, #tpu.memory_space<vmem>> -> memref<64xi32, #tpu.memory_space<vmem>>
    %dma_wait3A_53 = arith.constant 0 : i32
    %dma_wait3A_54 = arith.constant 0 : i32
    %dma_wait3A_55 = tpu.memref_slice %arg2[%dma_wait3A_53, %dma_wait3A_54] : memref<32768x512xf32, #tpu.memory_space<hbm>> -> memref<32768x512xf32, #tpu.memory_space<hbm>>
    tpu.wait_indirect_dma semaphore(%arg8 : memref<!tpu.dma_semaphore, #tpu.memory_space<semaphore_mem>>) src(%dma_wait3A_55 : memref<32768x512xf32, #tpu.memory_space<hbm>>) dst(%arg6 : memref<64x512xf32, #tpu.memory_space<vmem>>)
    %add3A_56 = arith.constant 128 : i32
    %add3A_57 = arith.addi %mul3A_2, %add3A_56 : i32
    %dma_start3A_58 = arith.constant 0 : i32
    %dma_start3A_59 = tpu.memref_slice %arg4[%add3A_57, %dma_start3A_58] : memref<16384x512xf32, #tpu.memory_space<hbm>> -> memref<64x512xf32, #tpu.memory_space<hbm>>
    %dma_start3A_60 = arith.constant 0 : i32
    %dma_start3A_61 = tpu.memref_slice %arg4[%add3A_57, %dma_start3A_60] : memref<16384x512xf32, #tpu.memory_space<hbm>> -> memref<64x512xf32, #tpu.memory_space<hbm>>
    tpu.enqueue_dma source(%arg6 : memref<64x512xf32, #tpu.memory_space<vmem>>) target(%dma_start3A_61 : memref<64x512xf32, #tpu.memory_space<hbm>>) target_semaphore(%arg10 : memref<!tpu.dma_semaphore, #tpu.memory_space<semaphore_mem>>)
    %dma_wait3A_62 = arith.constant 0 : i32
    %dma_wait3A_63 = tpu.memref_slice %arg4[%add3A_57, %dma_wait3A_62] : memref<16384x512xf32, #tpu.memory_space<hbm>> -> memref<64x512xf32, #tpu.memory_space<hbm>>
    %dma_wait3A_64 = arith.constant 0 : i32
    %dma_wait3A_65 = tpu.memref_slice %arg4[%add3A_57, %dma_wait3A_64] : memref<16384x512xf32, #tpu.memory_space<hbm>> -> memref<64x512xf32, #tpu.memory_space<hbm>>
    tpu.wait_dma2 semaphore(%arg10 : memref<!tpu.dma_semaphore, #tpu.memory_space<semaphore_mem>>) src(%arg6 : memref<64x512xf32, #tpu.memory_space<vmem>>) dst(%dma_wait3A_65 : memref<64x512xf32, #tpu.memory_space<hbm>>)
    %dma_start3A_66 = arith.constant 256 : i32
    %dma_start3A_67 = tpu.memref_slice %arg5[%dma_start3A_66] : memref<512xi32, #tpu.memory_space<vmem>> -> memref<64xi32, #tpu.memory_space<vmem>>
    %dma_start3A_68 = arith.constant 0 : i32
    %dma_start3A_69 = arith.constant 0 : i32
    %dma_start3A_70 = tpu.memref_slice %arg2[%dma_start3A_68, %dma_start3A_69] : memref<32768x512xf32, #tpu.memory_space<hbm>> -> memref<32768x512xf32, #tpu.memory_space<hbm>>
    tpu.enqueue_indirect_dma source(%dma_start3A_70 : memref<32768x512xf32, #tpu.memory_space<hbm>>) target(%arg6 : memref<64x512xf32, #tpu.memory_space<vmem>>) offsets(%dma_start3A_67 : memref<64xi32, #tpu.memory_space<vmem>>) semaphore(%arg8 : memref<!tpu.dma_semaphore, #tpu.memory_space<semaphore_mem>>)
    %dma_wait3A_71 = arith.constant 192 : i32
    %dma_wait3A_72 = tpu.memref_slice %arg5[%dma_wait3A_71] : memref<512xi32, #tpu.memory_space<vmem>> -> memref<64xi32, #tpu.memory_space<vmem>>
    %dma_wait3A_73 = arith.constant 0 : i32
    %dma_wait3A_74 = arith.constant 0 : i32
    %dma_wait3A_75 = tpu.memref_slice %arg2[%dma_wait3A_73, %dma_wait3A_74] : memref<32768x512xf32, #tpu.memory_space<hbm>> -> memref<32768x512xf32, #tpu.memory_space<hbm>>
    tpu.wait_indirect_dma semaphore(%arg9 : memref<!tpu.dma_semaphore, #tpu.memory_space<semaphore_mem>>) src(%dma_wait3A_75 : memref<32768x512xf32, #tpu.memory_space<hbm>>) dst(%arg7 : memref<64x512xf32, #tpu.memory_space<vmem>>)
    %add3A_76 = arith.constant 192 : i32
    %add3A_77 = arith.addi %mul3A_2, %add3A_76 : i32
    %dma_start3A_78 = arith.constant 0 : i32
    %dma_start3A_79 = tpu.memref_slice %arg4[%add3A_77, %dma_start3A_78] : memref<16384x512xf32, #tpu.memory_space<hbm>> -> memref<64x512xf32, #tpu.memory_space<hbm>>
    %dma_start3A_80 = arith.constant 0 : i32
    %dma_start3A_81 = tpu.memref_slice %arg4[%add3A_77, %dma_start3A_80] : memref<16384x512xf32, #tpu.memory_space<hbm>> -> memref<64x512xf32, #tpu.memory_space<hbm>>
    tpu.enqueue_dma source(%arg7 : memref<64x512xf32, #tpu.memory_space<vmem>>) target(%dma_start3A_81 : memref<64x512xf32, #tpu.memory_space<hbm>>) target_semaphore(%arg11 : memref<!tpu.dma_semaphore, #tpu.memory_space<semaphore_mem>>)
    %dma_wait3A_82 = arith.constant 0 : i32
    %dma_wait3A_83 = tpu.memref_slice %arg4[%add3A_77, %dma_wait3A_82] : memref<16384x512xf32, #tpu.memory_space<hbm>> -> memref<64x512xf32, #tpu.memory_space<hbm>>
    %dma_wait3A_84 = arith.constant 0 : i32
    %dma_wait3A_85 = tpu.memref_slice %arg4[%add3A_77, %dma_wait3A_84] : memref<16384x512xf32, #tpu.memory_space<hbm>> -> memref<64x512xf32, #tpu.memory_space<hbm>>
    tpu.wait_dma2 semaphore(%arg11 : memref<!tpu.dma_semaphore, #tpu.memory_space<semaphore_mem>>) src(%arg7 : memref<64x512xf32, #tpu.memory_space<vmem>>) dst(%dma_wait3A_85 : memref<64x512xf32, #tpu.memory_space<hbm>>)
    %dma_start3A_86 = arith.constant 320 : i32
    %dma_start3A_87 = tpu.memref_slice %arg5[%dma_start3A_86] : memref<512xi32, #tpu.memory_space<vmem>> -> memref<64xi32, #tpu.memory_space<vmem>>
    %dma_start3A_88 = arith.constant 0 : i32
    %dma_start3A_89 = arith.constant 0 : i32
    %dma_start3A_90 = tpu.memref_slice %arg2[%dma_start3A_88, %dma_start3A_89] : memref<32768x512xf32, #tpu.memory_space<hbm>> -> memref<32768x512xf32, #tpu.memory_space<hbm>>
    tpu.enqueue_indirect_dma source(%dma_start3A_90 : memref<32768x512xf32, #tpu.memory_space<hbm>>) target(%arg7 : memref<64x512xf32, #tpu.memory_space<vmem>>) offsets(%dma_start3A_87 : memref<64xi32, #tpu.memory_space<vmem>>) semaphore(%arg9 : memref<!tpu.dma_semaphore, #tpu.memory_space<semaphore_mem>>)
    %dma_wait3A_91 = arith.constant 256 : i32
    %dma_wait3A_92 = tpu.memref_slice %arg5[%dma_wait3A_91] : memref<512xi32, #tpu.memory_space<vmem>> -> memref<64xi32, #tpu.memory_space<vmem>>
    %dma_wait3A_93 = arith.constant 0 : i32
    %dma_wait3A_94 = arith.constant 0 : i32
    %dma_wait3A_95 = tpu.memref_slice %arg2[%dma_wait3A_93, %dma_wait3A_94] : memref<32768x512xf32, #tpu.memory_space<hbm>> -> memref<32768x512xf32, #tpu.memory_space<hbm>>
    tpu.wait_indirect_dma semaphore(%arg8 : memref<!tpu.dma_semaphore, #tpu.memory_space<semaphore_mem>>) src(%dma_wait3A_95 : memref<32768x512xf32, #tpu.memory_space<hbm>>) dst(%arg6 : memref<64x512xf32, #tpu.memory_space<vmem>>)
    %add3A_96 = arith.constant 256 : i32
    %add3A_97 = arith.addi %mul3A_2, %add3A_96 : i32
    %dma_start3A_98 = arith.constant 0 : i32
    %dma_start3A_99 = tpu.memref_slice %arg4[%add3A_97, %dma_start3A_98] : memref<16384x512xf32, #tpu.memory_space<hbm>> -> memref<64x512xf32, #tpu.memory_space<hbm>>
    %dma_start3A_100 = arith.constant 0 : i32
    %dma_start3A_101 = tpu.memref_slice %arg4[%add3A_97, %dma_start3A_100] : memref<16384x512xf32, #tpu.memory_space<hbm>> -> memref<64x512xf32, #tpu.memory_space<hbm>>
    tpu.enqueue_dma source(%arg6 : memref<64x512xf32, #tpu.memory_space<vmem>>) target(%dma_start3A_101 : memref<64x512xf32, #tpu.memory_space<hbm>>) target_semaphore(%arg10 : memref<!tpu.dma_semaphore, #tpu.memory_space<semaphore_mem>>)
    %dma_wait3A_102 = arith.constant 0 : i32
    %dma_wait3A_103 = tpu.memref_slice %arg4[%add3A_97, %dma_wait3A_102] : memref<16384x512xf32, #tpu.memory_space<hbm>> -> memref<64x512xf32, #tpu.memory_space<hbm>>
    %dma_wait3A_104 = arith.constant 0 : i32
    %dma_wait3A_105 = tpu.memref_slice %arg4[%add3A_97, %dma_wait3A_104] : memref<16384x512xf32, #tpu.memory_space<hbm>> -> memref<64x512xf32, #tpu.memory_space<hbm>>
    tpu.wait_dma2 semaphore(%arg10 : memref<!tpu.dma_semaphore, #tpu.memory_space<semaphore_mem>>) src(%arg6 : memref<64x512xf32, #tpu.memory_space<vmem>>) dst(%dma_wait3A_105 : memref<64x512xf32, #tpu.memory_space<hbm>>)
    %dma_start3A_106 = arith.constant 384 : i32
    %dma_start3A_107 = tpu.memref_slice %arg5[%dma_start3A_106] : memref<512xi32, #tpu.memory_space<vmem>> -> memref<64xi32, #tpu.memory_space<vmem>>
    %dma_start3A_108 = arith.constant 0 : i32
    %dma_start3A_109 = arith.constant 0 : i32
    %dma_start3A_110 = tpu.memref_slice %arg2[%dma_start3A_108, %dma_start3A_109] : memref<32768x512xf32, #tpu.memory_space<hbm>> -> memref<32768x512xf32, #tpu.memory_space<hbm>>
    tpu.enqueue_indirect_dma source(%dma_start3A_110 : memref<32768x512xf32, #tpu.memory_space<hbm>>) target(%arg6 : memref<64x512xf32, #tpu.memory_space<vmem>>) offsets(%dma_start3A_107 : memref<64xi32, #tpu.memory_space<vmem>>) semaphore(%arg8 : memref<!tpu.dma_semaphore, #tpu.memory_space<semaphore_mem>>)
    %dma_wait3A_111 = arith.constant 320 : i32
    %dma_wait3A_112 = tpu.memref_slice %arg5[%dma_wait3A_111] : memref<512xi32, #tpu.memory_space<vmem>> -> memref<64xi32, #tpu.memory_space<vmem>>
    %dma_wait3A_113 = arith.constant 0 : i32
    %dma_wait3A_114 = arith.constant 0 : i32
    %dma_wait3A_115 = tpu.memref_slice %arg2[%dma_wait3A_113, %dma_wait3A_114] : memref<32768x512xf32, #tpu.memory_space<hbm>> -> memref<32768x512xf32, #tpu.memory_space<hbm>>
    tpu.wait_indirect_dma semaphore(%arg9 : memref<!tpu.dma_semaphore, #tpu.memory_space<semaphore_mem>>) src(%dma_wait3A_115 : memref<32768x512xf32, #tpu.memory_space<hbm>>) dst(%arg7 : memref<64x512xf32, #tpu.memory_space<vmem>>)
    %add3A_116 = arith.constant 320 : i32
    %add3A_117 = arith.addi %mul3A_2, %add3A_116 : i32
    %dma_start3A_118 = arith.constant 0 : i32
    %dma_start3A_119 = tpu.memref_slice %arg4[%add3A_117, %dma_start3A_118] : memref<16384x512xf32, #tpu.memory_space<hbm>> -> memref<64x512xf32, #tpu.memory_space<hbm>>
    %dma_start3A_120 = arith.constant 0 : i32
    %dma_start3A_121 = tpu.memref_slice %arg4[%add3A_117, %dma_start3A_120] : memref<16384x512xf32, #tpu.memory_space<hbm>> -> memref<64x512xf32, #tpu.memory_space<hbm>>
    tpu.enqueue_dma source(%arg7 : memref<64x512xf32, #tpu.memory_space<vmem>>) target(%dma_start3A_121 : memref<64x512xf32, #tpu.memory_space<hbm>>) target_semaphore(%arg11 : memref<!tpu.dma_semaphore, #tpu.memory_space<semaphore_mem>>)
    %dma_wait3A_122 = arith.constant 0 : i32
    %dma_wait3A_123 = tpu.memref_slice %arg4[%add3A_117, %dma_wait3A_122] : memref<16384x512xf32, #tpu.memory_space<hbm>> -> memref<64x512xf32, #tpu.memory_space<hbm>>
    %dma_wait3A_124 = arith.constant 0 : i32
    %dma_wait3A_125 = tpu.memref_slice %arg4[%add3A_117, %dma_wait3A_124] : memref<16384x512xf32, #tpu.memory_space<hbm>> -> memref<64x512xf32, #tpu.memory_space<hbm>>
    tpu.wait_dma2 semaphore(%arg11 : memref<!tpu.dma_semaphore, #tpu.memory_space<semaphore_mem>>) src(%arg7 : memref<64x512xf32, #tpu.memory_space<vmem>>) dst(%dma_wait3A_125 : memref<64x512xf32, #tpu.memory_space<hbm>>)
    %dma_start3A_126 = arith.constant 448 : i32
    %dma_start3A_127 = tpu.memref_slice %arg5[%dma_start3A_126] : memref<512xi32, #tpu.memory_space<vmem>> -> memref<64xi32, #tpu.memory_space<vmem>>
    %dma_start3A_128 = arith.constant 0 : i32
    %dma_start3A_129 = arith.constant 0 : i32
    %dma_start3A_130 = tpu.memref_slice %arg2[%dma_start3A_128, %dma_start3A_129] : memref<32768x512xf32, #tpu.memory_space<hbm>> -> memref<32768x512xf32, #tpu.memory_space<hbm>>
    tpu.enqueue_indirect_dma source(%dma_start3A_130 : memref<32768x512xf32, #tpu.memory_space<hbm>>) target(%arg7 : memref<64x512xf32, #tpu.memory_space<vmem>>) offsets(%dma_start3A_127 : memref<64xi32, #tpu.memory_space<vmem>>) semaphore(%arg9 : memref<!tpu.dma_semaphore, #tpu.memory_space<semaphore_mem>>)
    %dma_wait3A_131 = arith.constant 384 : i32
    %dma_wait3A_132 = tpu.memref_slice %arg5[%dma_wait3A_131] : memref<512xi32, #tpu.memory_space<vmem>> -> memref<64xi32, #tpu.memory_space<vmem>>
    %dma_wait3A_133 = arith.constant 0 : i32
    %dma_wait3A_134 = arith.constant 0 : i32
    %dma_wait3A_135 = tpu.memref_slice %arg2[%dma_wait3A_133, %dma_wait3A_134] : memref<32768x512xf32, #tpu.memory_space<hbm>> -> memref<32768x512xf32, #tpu.memory_space<hbm>>
    tpu.wait_indirect_dma semaphore(%arg8 : memref<!tpu.dma_semaphore, #tpu.memory_space<semaphore_mem>>) src(%dma_wait3A_135 : memref<32768x512xf32, #tpu.memory_space<hbm>>) dst(%arg6 : memref<64x512xf32, #tpu.memory_space<vmem>>)
    %add3A_136 = arith.constant 384 : i32
    %add3A_137 = arith.addi %mul3A_2, %add3A_136 : i32
    %dma_start3A_138 = arith.constant 0 : i32
    %dma_start3A_139 = tpu.memref_slice %arg4[%add3A_137, %dma_start3A_138] : memref<16384x512xf32, #tpu.memory_space<hbm>> -> memref<64x512xf32, #tpu.memory_space<hbm>>
    %dma_start3A_140 = arith.constant 0 : i32
    %dma_start3A_141 = tpu.memref_slice %arg4[%add3A_137, %dma_start3A_140] : memref<16384x512xf32, #tpu.memory_space<hbm>> -> memref<64x512xf32, #tpu.memory_space<hbm>>
    tpu.enqueue_dma source(%arg6 : memref<64x512xf32, #tpu.memory_space<vmem>>) target(%dma_start3A_141 : memref<64x512xf32, #tpu.memory_space<hbm>>) target_semaphore(%arg10 : memref<!tpu.dma_semaphore, #tpu.memory_space<semaphore_mem>>)
    %dma_wait3A_142 = arith.constant 448 : i32
    %dma_wait3A_143 = tpu.memref_slice %arg5[%dma_wait3A_142] : memref<512xi32, #tpu.memory_space<vmem>> -> memref<64xi32, #tpu.memory_space<vmem>>
    %dma_wait3A_144 = arith.constant 0 : i32
    %dma_wait3A_145 = arith.constant 0 : i32
    %dma_wait3A_146 = tpu.memref_slice %arg2[%dma_wait3A_144, %dma_wait3A_145] : memref<32768x512xf32, #tpu.memory_space<hbm>> -> memref<32768x512xf32, #tpu.memory_space<hbm>>
    tpu.wait_indirect_dma semaphore(%arg9 : memref<!tpu.dma_semaphore, #tpu.memory_space<semaphore_mem>>) src(%dma_wait3A_146 : memref<32768x512xf32, #tpu.memory_space<hbm>>) dst(%arg7 : memref<64x512xf32, #tpu.memory_space<vmem>>)
    %add3A_147 = arith.constant 448 : i32
    %add3A_148 = arith.addi %mul3A_2, %add3A_147 : i32
    %dma_start3A_149 = arith.constant 0 : i32
    %dma_start3A_150 = tpu.memref_slice %arg4[%add3A_148, %dma_start3A_149] : memref<16384x512xf32, #tpu.memory_space<hbm>> -> memref<64x512xf32, #tpu.memory_space<hbm>>
    %dma_start3A_151 = arith.constant 0 : i32
    %dma_start3A_152 = tpu.memref_slice %arg4[%add3A_148, %dma_start3A_151] : memref<16384x512xf32, #tpu.memory_space<hbm>> -> memref<64x512xf32, #tpu.memory_space<hbm>>
    tpu.enqueue_dma source(%arg7 : memref<64x512xf32, #tpu.memory_space<vmem>>) target(%dma_start3A_152 : memref<64x512xf32, #tpu.memory_space<hbm>>) target_semaphore(%arg11 : memref<!tpu.dma_semaphore, #tpu.memory_space<semaphore_mem>>)
    %dma_wait3A_153 = arith.constant 0 : i32
    %dma_wait3A_154 = tpu.memref_slice %arg4[%add3A_137, %dma_wait3A_153] : memref<16384x512xf32, #tpu.memory_space<hbm>> -> memref<64x512xf32, #tpu.memory_space<hbm>>
    %dma_wait3A_155 = arith.constant 0 : i32
    %dma_wait3A_156 = tpu.memref_slice %arg4[%add3A_137, %dma_wait3A_155] : memref<16384x512xf32, #tpu.memory_space<hbm>> -> memref<64x512xf32, #tpu.memory_space<hbm>>
    tpu.wait_dma2 semaphore(%arg10 : memref<!tpu.dma_semaphore, #tpu.memory_space<semaphore_mem>>) src(%arg6 : memref<64x512xf32, #tpu.memory_space<vmem>>) dst(%dma_wait3A_156 : memref<64x512xf32, #tpu.memory_space<hbm>>)
    %dma_wait3A_157 = arith.constant 0 : i32
    %dma_wait3A_158 = tpu.memref_slice %arg4[%add3A_148, %dma_wait3A_157] : memref<16384x512xf32, #tpu.memory_space<hbm>> -> memref<64x512xf32, #tpu.memory_space<hbm>>
    %dma_wait3A_159 = arith.constant 0 : i32
    %dma_wait3A_160 = tpu.memref_slice %arg4[%add3A_148, %dma_wait3A_159] : memref<16384x512xf32, #tpu.memory_space<hbm>> -> memref<64x512xf32, #tpu.memory_space<hbm>>
    tpu.wait_dma2 semaphore(%arg11 : memref<!tpu.dma_semaphore, #tpu.memory_space<semaphore_mem>>) src(%arg7 : memref<64x512xf32, #tpu.memory_space<vmem>>) dst(%dma_wait3A_160 : memref<64x512xf32, #tpu.memory_space<hbm>>)
    return
  }
}

module attributes {stable_mosaic.version = 14 : i64} {
  func.func @_density_mv_body(%arg0: i32, %arg1: i32, %arg2: memref<1x512xf32, #tpu.memory_space<vmem>>, %arg3: memref<1xf32, #tpu.memory_space<smem>>, %arg4: memref<1x512x4096xf32, #tpu.memory_space<vmem>>, %arg5: memref<1x1x4096xf32, #tpu.memory_space<vmem>>) attributes {dimension_semantics = [#tpu.dimension_semantics<arbitrary>, #tpu.dimension_semantics<arbitrary>], iteration_bounds = array<i64: 8, 1>, scalar_prefetch = 0 : i64, scratch_operands = 0 : i64, tpu.core_type = #tpu.core_type<tc>, window_params = [{pipeline_mode = #tpu.pipeline_mode<synchronous>, transform_indices = @transform_0, window_bounds = array<i64: 1, 512>}, {transform_indices = @transform_1, window_bounds = array<i64: 1>}, {transform_indices = @transform_2, window_bounds = array<i64: 1, 512, 4096>}, {transform_indices = @transform_3, window_bounds = array<i64: 1, 1, 4096>}]} {
    %get3A = arith.constant 0 : index
    %get3A_0 = arith.constant 0 : index
    %get3A_1 = arith.constant 0 : index
    %get3A_2 = vector.load %arg4[%get3A, %get3A_0, %get3A_1] : memref<1x512x4096xf32, #tpu.memory_space<vmem>>, vector<1x512x4096xf32>
    %get3A_3 = vector.shape_cast %get3A_2 : vector<1x512x4096xf32> to vector<512x4096xf32>
    %get3A_4 = arith.constant 0 : index
    %get3A_5 = arith.constant 0 : index
    %get3A_6 = vector.load %arg2[%get3A_4, %get3A_5] : memref<1x512xf32, #tpu.memory_space<vmem>>, vector<1x512xf32>
    %dot_general3A = arith.constant dense<0.000000e+00> : vector<1x4096xf32>
    %dot_general3A_7 = tpu.matmul %get3A_6, %get3A_3, %dot_general3A {dimension_numbers = #tpu.dot_dimension_numbers<[1], [0], [0], [1], [0, 0, 1, 1], [], []>, transpose_lhs_hint = false} : vector<1x512xf32>, vector<512x4096xf32>, vector<1x4096xf32> -> vector<1x4096xf32>
    %get3A_8 = arith.constant 0 : index
    %get3A_9 = memref.load %arg3[%get3A_8] : memref<1xf32, #tpu.memory_space<smem>>
    %add3A = vector.broadcast %get3A_9 : f32 to vector<1x4096xf32>
    %add3A_10 = arith.addf %dot_general3A_7, %add3A : vector<1x4096xf32>
    %swap3A = arith.constant 0 : index
    %swap3A_11 = arith.constant 0 : index
    %swap3A_12 = arith.constant 0 : index
    %swap3A_13 = vector.load %arg5[%swap3A, %swap3A_11, %swap3A_12] : memref<1x1x4096xf32, #tpu.memory_space<vmem>>, vector<1x1x4096xf32>
    %swap3A_14 = vector.shape_cast %swap3A_13 : vector<1x1x4096xf32> to vector<1x4096xf32>
    %swap3A_15 = vector.shape_cast %add3A_10 : vector<1x4096xf32> to vector<1x1x4096xf32>
    tpu.vector_store %arg5[%swap3A, %swap3A_11, %swap3A_12], %swap3A_15 {strides = array<i32>} : memref<1x1x4096xf32, #tpu.memory_space<vmem>>, vector<1x1x4096xf32>,
    return
  }
  func.func @transform_0(%arg0: i32, %arg1: i32) -> (i32, i32) {
    %c0_i32 = arith.constant 0 : i32
    %c0_i32_0 = arith.constant 0 : i32
    %c0_i32_1 = arith.constant 0 : i32
    return %c0_i32, %c0_i32_0 : i32, i32
  }
  func.func @transform_1(%arg0: i32, %arg1: i32) -> i32 {
    %c0_i32 = arith.constant 0 : i32
    %c0_i32_0 = arith.constant 0 : i32
    return %c0_i32 : i32
  }
  func.func @transform_2(%arg0: i32, %arg1: i32) -> (i32, i32, i32) {
    %c0_i32 = arith.constant 0 : i32
    %c0_i32_0 = arith.constant 0 : i32
    return %arg0, %c0_i32, %arg1 : i32, i32, i32
  }
  func.func @transform_3(%arg0: i32, %arg1: i32) -> (i32, i32, i32) {
    %c0_i32 = arith.constant 0 : i32
    %c0_i32_0 = arith.constant 0 : i32
    return %arg0, %c0_i32, %arg1 : i32, i32, i32
  }
}

module attributes {stable_mosaic.version = 14 : i64} {
  func.func @_conv_body(%arg0: i32, %arg1: memref<9xf32, #tpu.memory_space<smem>>, %arg2: memref<1xf32, #tpu.memory_space<smem>>, %arg3: memref<1x64x64xf32, #tpu.memory_space<vmem>>, %arg4: memref<1x64x64xf32, #tpu.memory_space<vmem>>) attributes {dimension_semantics = [#tpu.dimension_semantics<arbitrary>], iteration_bounds = array<i64: 8>, scalar_prefetch = 0 : i64, scratch_operands = 0 : i64, tpu.core_type = #tpu.core_type<tc>, window_params = [{transform_indices = @transform_0, window_bounds = array<i64: 9>}, {transform_indices = @transform_1, window_bounds = array<i64: 1>}, {transform_indices = @transform_2, window_bounds = array<i64: 1, 64, 64>}, {transform_indices = @transform_3, window_bounds = array<i64: 1, 64, 64>}]} {
    %get3A = arith.constant 0 : index
    %get3A_0 = arith.constant 0 : index
    %get3A_1 = arith.constant 0 : index
    %get3A_2 = vector.load %arg3[%get3A, %get3A_0, %get3A_1] : memref<1x64x64xf32, #tpu.memory_space<vmem>>, vector<1x64x64xf32>
    %get3A_3 = vector.shape_cast %get3A_2 : vector<1x64x64xf32> to vector<64x64xf32>
    %convert_element_type3A = arith.truncf %get3A_3 : vector<64x64xf32> to vector<64x64xbf16>
    %convert_element_type3A_4 = arith.extf %convert_element_type3A : vector<64x64xbf16> to vector<64x64xf32>
    %broadcast_in_dim3A = arith.constant 0.000000e+00 : f32
    %broadcast_in_dim3A_5 = vector.broadcast %broadcast_in_dim3A : f32 to vector<64x64xf32>
    %get3A_6 = arith.constant 0 : index
    %get3A_7 = memref.load %arg1[%get3A_6] : memref<9xf32, #tpu.memory_space<smem>>
    %convert_element_type3A_8 = arith.truncf %get3A_7 : f32 to bf16
    %convert_element_type3A_9 = arith.extf %convert_element_type3A_8 : bf16 to f32
    %broadcast_in_dim3A_10 = arith.constant 0.000000e+00 : f32
    %broadcast_in_dim3A_11 = vector.broadcast %broadcast_in_dim3A_10 : f32 to vector<2x64xf32>
    %slice3A = vector.extract_strided_slice %convert_element_type3A_4 {offsets = [0, 0], sizes = [62, 64], strides = [1, 1]} : vector<64x64xf32> to vector<62x64xf32>
    %concatenate3A = tpu.concatenate %broadcast_in_dim3A_11, %slice3A in 0 : vector<2x64xf32>, vector<62x64xf32> -> vector<64x64xf32>
    %broadcast_in_dim3A_12 = arith.constant 0.000000e+00 : f32
    %broadcast_in_dim3A_13 = vector.broadcast %broadcast_in_dim3A_12 : f32 to vector<64x2xf32>
    %slice3A_14 = vector.extract_strided_slice %concatenate3A {offsets = [0, 0], sizes = [64, 62], strides = [1, 1]} : vector<64x64xf32> to vector<64x62xf32>
    %concatenate3A_15 = tpu.concatenate %broadcast_in_dim3A_13, %slice3A_14 in 1 : vector<64x2xf32>, vector<64x62xf32> -> vector<64x64xf32>
    %mul3A = vector.broadcast %convert_element_type3A_9 : f32 to vector<64x64xf32>
    %mul3A_16 = arith.mulf %mul3A, %concatenate3A_15 : vector<64x64xf32>
    %add3A = arith.addf %broadcast_in_dim3A_5, %mul3A_16 : vector<64x64xf32>
    %get3A_17 = arith.constant 1 : index
    %get3A_18 = memref.load %arg1[%get3A_17] : memref<9xf32, #tpu.memory_space<smem>>
    %convert_element_type3A_19 = arith.truncf %get3A_18 : f32 to bf16
    %convert_element_type3A_20 = arith.extf %convert_element_type3A_19 : bf16 to f32
    %broadcast_in_dim3A_21 = arith.constant 0.000000e+00 : f32
    %broadcast_in_dim3A_22 = vector.broadcast %broadcast_in_dim3A_21 : f32 to vector<2x64xf32>
    %slice3A_23 = vector.extract_strided_slice %convert_element_type3A_4 {offsets = [0, 0], sizes = [62, 64], strides = [1, 1]} : vector<64x64xf32> to vector<62x64xf32>
    %concatenate3A_24 = tpu.concatenate %broadcast_in_dim3A_22, %slice3A_23 in 0 : vector<2x64xf32>, vector<62x64xf32> -> vector<64x64xf32>
    %mul3A_25 = vector.broadcast %convert_element_type3A_20 : f32 to vector<64x64xf32>
    %mul3A_26 = arith.mulf %mul3A_25, %concatenate3A_24 : vector<64x64xf32>
    %add3A_27 = arith.addf %add3A, %mul3A_26 : vector<64x64xf32>
    %get3A_28 = arith.constant 2 : index
    %get3A_29 = memref.load %arg1[%get3A_28] : memref<9xf32, #tpu.memory_space<smem>>
    %convert_element_type3A_30 = arith.truncf %get3A_29 : f32 to bf16
    %convert_element_type3A_31 = arith.extf %convert_element_type3A_30 : bf16 to f32
    %broadcast_in_dim3A_32 = arith.constant 0.000000e+00 : f32
    %broadcast_in_dim3A_33 = vector.broadcast %broadcast_in_dim3A_32 : f32 to vector<2x64xf32>
    %slice3A_34 = vector.extract_strided_slice %convert_element_type3A_4 {offsets = [0, 0], sizes = [62, 64], strides = [1, 1]} : vector<64x64xf32> to vector<62x64xf32>
    %concatenate3A_35 = tpu.concatenate %broadcast_in_dim3A_33, %slice3A_34 in 0 : vector<2x64xf32>, vector<62x64xf32> -> vector<64x64xf32>
    %slice3A_36 = vector.extract_strided_slice %concatenate3A_35 {offsets = [0, 2], sizes = [64, 62], strides = [1, 1]} : vector<64x64xf32> to vector<64x62xf32>
    %broadcast_in_dim3A_37 = arith.constant 0.000000e+00 : f32
    %broadcast_in_dim3A_38 = vector.broadcast %broadcast_in_dim3A_37 : f32 to vector<64x2xf32>
    %concatenate3A_39 = tpu.concatenate %slice3A_36, %broadcast_in_dim3A_38 in 1 : vector<64x62xf32>, vector<64x2xf32> -> vector<64x64xf32>
    %mul3A_40 = vector.broadcast %convert_element_type3A_31 : f32 to vector<64x64xf32>
    %mul3A_41 = arith.mulf %mul3A_40, %concatenate3A_39 : vector<64x64xf32>
    %add3A_42 = arith.addf %add3A_27, %mul3A_41 : vector<64x64xf32>
    %get3A_43 = arith.constant 3 : index
    %get3A_44 = memref.load %arg1[%get3A_43] : memref<9xf32, #tpu.memory_space<smem>>
    %convert_element_type3A_45 = arith.truncf %get3A_44 : f32 to bf16
    %convert_element_type3A_46 = arith.extf %convert_element_type3A_45 : bf16 to f32
    %broadcast_in_dim3A_47 = arith.constant 0.000000e+00 : f32
    %broadcast_in_dim3A_48 = vector.broadcast %broadcast_in_dim3A_47 : f32 to vector<64x2xf32>
    %slice3A_49 = vector.extract_strided_slice %convert_element_type3A_4 {offsets = [0, 0], sizes = [64, 62], strides = [1, 1]} : vector<64x64xf32> to vector<64x62xf32>
    %concatenate3A_50 = tpu.concatenate %broadcast_in_dim3A_48, %slice3A_49 in 1 : vector<64x2xf32>, vector<64x62xf32> -> vector<64x64xf32>
    %mul3A_51 = vector.broadcast %convert_element_type3A_46 : f32 to vector<64x64xf32>
    %mul3A_52 = arith.mulf %mul3A_51, %concatenate3A_50 : vector<64x64xf32>
    %add3A_53 = arith.addf %add3A_42, %mul3A_52 : vector<64x64xf32>
    %get3A_54 = arith.constant 4 : index
    %get3A_55 = memref.load %arg1[%get3A_54] : memref<9xf32, #tpu.memory_space<smem>>
    %convert_element_type3A_56 = arith.truncf %get3A_55 : f32 to bf16
    %convert_element_type3A_57 = arith.extf %convert_element_type3A_56 : bf16 to f32
    %mul3A_58 = vector.broadcast %convert_element_type3A_57 : f32 to vector<64x64xf32>
    %mul3A_59 = arith.mulf %mul3A_58, %convert_element_type3A_4 : vector<64x64xf32>
    %add3A_60 = arith.addf %add3A_53, %mul3A_59 : vector<64x64xf32>
    %get3A_61 = arith.constant 5 : index
    %get3A_62 = memref.load %arg1[%get3A_61] : memref<9xf32, #tpu.memory_space<smem>>
    %convert_element_type3A_63 = arith.truncf %get3A_62 : f32 to bf16
    %convert_element_type3A_64 = arith.extf %convert_element_type3A_63 : bf16 to f32
    %slice3A_65 = vector.extract_strided_slice %convert_element_type3A_4 {offsets = [0, 2], sizes = [64, 62], strides = [1, 1]} : vector<64x64xf32> to vector<64x62xf32>
    %broadcast_in_dim3A_66 = arith.constant 0.000000e+00 : f32
    %broadcast_in_dim3A_67 = vector.broadcast %broadcast_in_dim3A_66 : f32 to vector<64x2xf32>
    %concatenate3A_68 = tpu.concatenate %slice3A_65, %broadcast_in_dim3A_67 in 1 : vector<64x62xf32>, vector<64x2xf32> -> vector<64x64xf32>
    %mul3A_69 = vector.broadcast %convert_element_type3A_64 : f32 to vector<64x64xf32>
    %mul3A_70 = arith.mulf %mul3A_69, %concatenate3A_68 : vector<64x64xf32>
    %add3A_71 = arith.addf %add3A_60, %mul3A_70 : vector<64x64xf32>
    %get3A_72 = arith.constant 6 : index
    %get3A_73 = memref.load %arg1[%get3A_72] : memref<9xf32, #tpu.memory_space<smem>>
    %convert_element_type3A_74 = arith.truncf %get3A_73 : f32 to bf16
    %convert_element_type3A_75 = arith.extf %convert_element_type3A_74 : bf16 to f32
    %slice3A_76 = vector.extract_strided_slice %convert_element_type3A_4 {offsets = [2, 0], sizes = [62, 64], strides = [1, 1]} : vector<64x64xf32> to vector<62x64xf32>
    %broadcast_in_dim3A_77 = arith.constant 0.000000e+00 : f32
    %broadcast_in_dim3A_78 = vector.broadcast %broadcast_in_dim3A_77 : f32 to vector<2x64xf32>
    %concatenate3A_79 = tpu.concatenate %slice3A_76, %broadcast_in_dim3A_78 in 0 : vector<62x64xf32>, vector<2x64xf32> -> vector<64x64xf32>
    %broadcast_in_dim3A_80 = arith.constant 0.000000e+00 : f32
    %broadcast_in_dim3A_81 = vector.broadcast %broadcast_in_dim3A_80 : f32 to vector<64x2xf32>
    %slice3A_82 = vector.extract_strided_slice %concatenate3A_79 {offsets = [0, 0], sizes = [64, 62], strides = [1, 1]} : vector<64x64xf32> to vector<64x62xf32>
    %concatenate3A_83 = tpu.concatenate %broadcast_in_dim3A_81, %slice3A_82 in 1 : vector<64x2xf32>, vector<64x62xf32> -> vector<64x64xf32>
    %mul3A_84 = vector.broadcast %convert_element_type3A_75 : f32 to vector<64x64xf32>
    %mul3A_85 = arith.mulf %mul3A_84, %concatenate3A_83 : vector<64x64xf32>
    %add3A_86 = arith.addf %add3A_71, %mul3A_85 : vector<64x64xf32>
    %get3A_87 = arith.constant 7 : index
    %get3A_88 = memref.load %arg1[%get3A_87] : memref<9xf32, #tpu.memory_space<smem>>
    %convert_element_type3A_89 = arith.truncf %get3A_88 : f32 to bf16
    %convert_element_type3A_90 = arith.extf %convert_element_type3A_89 : bf16 to f32
    %slice3A_91 = vector.extract_strided_slice %convert_element_type3A_4 {offsets = [2, 0], sizes = [62, 64], strides = [1, 1]} : vector<64x64xf32> to vector<62x64xf32>
    %broadcast_in_dim3A_92 = arith.constant 0.000000e+00 : f32
    %broadcast_in_dim3A_93 = vector.broadcast %broadcast_in_dim3A_92 : f32 to vector<2x64xf32>
    %concatenate3A_94 = tpu.concatenate %slice3A_91, %broadcast_in_dim3A_93 in 0 : vector<62x64xf32>, vector<2x64xf32> -> vector<64x64xf32>
    %mul3A_95 = vector.broadcast %convert_element_type3A_90 : f32 to vector<64x64xf32>
    %mul3A_96 = arith.mulf %mul3A_95, %concatenate3A_94 : vector<64x64xf32>
    %add3A_97 = arith.addf %add3A_86, %mul3A_96 : vector<64x64xf32>
    %get3A_98 = arith.constant 8 : index
    %get3A_99 = memref.load %arg1[%get3A_98] : memref<9xf32, #tpu.memory_space<smem>>
    %convert_element_type3A_100 = arith.truncf %get3A_99 : f32 to bf16
    %convert_element_type3A_101 = arith.extf %convert_element_type3A_100 : bf16 to f32
    %slice3A_102 = vector.extract_strided_slice %convert_element_type3A_4 {offsets = [2, 0], sizes = [62, 64], strides = [1, 1]} : vector<64x64xf32> to vector<62x64xf32>
    %broadcast_in_dim3A_103 = arith.constant 0.000000e+00 : f32
    %broadcast_in_dim3A_104 = vector.broadcast %broadcast_in_dim3A_103 : f32 to vector<2x64xf32>
    %concatenate3A_105 = tpu.concatenate %slice3A_102, %broadcast_in_dim3A_104 in 0 : vector<62x64xf32>, vector<2x64xf32> -> vector<64x64xf32>
    %slice3A_106 = vector.extract_strided_slice %concatenate3A_105 {offsets = [0, 2], sizes = [64, 62], strides = [1, 1]} : vector<64x64xf32> to vector<64x62xf32>
    %broadcast_in_dim3A_107 = arith.constant 0.000000e+00 : f32
    %broadcast_in_dim3A_108 = vector.broadcast %broadcast_in_dim3A_107 : f32 to vector<64x2xf32>
    %concatenate3A_109 = tpu.concatenate %slice3A_106, %broadcast_in_dim3A_108 in 1 : vector<64x62xf32>, vector<64x2xf32> -> vector<64x64xf32>
    %mul3A_110 = vector.broadcast %convert_element_type3A_101 : f32 to vector<64x64xf32>
    %mul3A_111 = arith.mulf %mul3A_110, %concatenate3A_109 : vector<64x64xf32>
    %add3A_112 = arith.addf %add3A_97, %mul3A_111 : vector<64x64xf32>
    %get3A_113 = arith.constant 0 : index
    %get3A_114 = memref.load %arg2[%get3A_113] : memref<1xf32, #tpu.memory_space<smem>>
    %add3A_115 = vector.broadcast %get3A_114 : f32 to vector<64x64xf32>
    %add3A_116 = arith.addf %add3A_112, %add3A_115 : vector<64x64xf32>
    %add3A_117 = arith.addf %add3A_116, %get3A_3 : vector<64x64xf32>
    %max3A = arith.constant 0.000000e+00 : f32
    %max3A_118 = vector.broadcast %max3A : f32 to vector<64x64xf32>
    %max3A_119 = arith.maximumf %add3A_117, %max3A_118 : vector<64x64xf32>
    %swap3A = arith.constant 0 : index
    %swap3A_120 = arith.constant 0 : index
    %swap3A_121 = arith.constant 0 : index
    %swap3A_122 = vector.load %arg4[%swap3A, %swap3A_120, %swap3A_121] : memref<1x64x64xf32, #tpu.memory_space<vmem>>, vector<1x64x64xf32>
    %swap3A_123 = vector.shape_cast %swap3A_122 : vector<1x64x64xf32> to vector<64x64xf32>
    %swap3A_124 = vector.shape_cast %max3A_119 : vector<64x64xf32> to vector<1x64x64xf32>
    tpu.vector_store %arg4[%swap3A, %swap3A_120, %swap3A_121], %swap3A_124 {strides = array<i32>} : memref<1x64x64xf32, #tpu.memory_space<vmem>>, vector<1x64x64xf32>,
    return
  }
  func.func @transform_0(%arg0: i32) -> i32 {
    %c0_i32 = arith.constant 0 : i32
    %c0_i32_0 = arith.constant 0 : i32
    return %c0_i32 : i32
  }
  func.func @transform_1(%arg0: i32) -> i32 {
    %c0_i32 = arith.constant 0 : i32
    %c0_i32_0 = arith.constant 0 : i32
    return %c0_i32 : i32
  }
  func.func @transform_2(%arg0: i32) -> (i32, i32, i32) {
    %c0_i32 = arith.constant 0 : i32
    %c0_i32_0 = arith.constant 0 : i32
    %c0_i32_1 = arith.constant 0 : i32
    return %arg0, %c0_i32, %c0_i32_0 : i32, i32, i32
  }
  func.func @transform_3(%arg0: i32) -> (i32, i32, i32) {
    %c0_i32 = arith.constant 0 : i32
    %c0_i32_0 = arith.constant 0 : i32
    %c0_i32_1 = arith.constant 0 : i32
    return %arg0, %c0_i32, %c0_i32_0 : i32, i32, i32
  }
}

module attributes {stable_mosaic.version = 14 : i64} {
  func.func @_fused_body(%arg0: i32, %arg1: i32, %arg2: memref<1x512x2048xf32, #tpu.memory_space<vmem>>, %arg3: memref<1x1x2048xf32, #tpu.memory_space<vmem>>, %arg4: memref<256x512xf32, #tpu.memory_space<vmem>>, %arg5: memref<256x1xf32, #tpu.memory_space<vmem>>, %arg6: memref<512x256xf32, #tpu.memory_space<vmem>>, %arg7: memref<512x1xf32, #tpu.memory_space<vmem>>, %arg8: memref<1x1x256xf32, #tpu.memory_space<vmem>>, %arg9: memref<1x512x2048xf32, #tpu.memory_space<vmem>>, %arg10: memref<1x2048x512xf32, #tpu.memory_space<vmem>>) attributes {dimension_semantics = [#tpu.dimension_semantics<arbitrary>, #tpu.dimension_semantics<arbitrary>], iteration_bounds = array<i64: 8, 2>, scalar_prefetch = 0 : i64, scratch_operands = 0 : i64, tpu.core_type = #tpu.core_type<tc>, window_params = [{transform_indices = @transform_0, window_bounds = array<i64: 1, 512, 2048>}, {transform_indices = @transform_1, window_bounds = array<i64: 1, 1, 2048>}, {pipeline_mode = #tpu.pipeline_mode<synchronous>, transform_indices = @transform_2, window_bounds = array<i64: 256, 512>}, {pipeline_mode = #tpu.pipeline_mode<synchronous>, transform_indices = @transform_3, window_bounds = array<i64: 256, 1>}, {pipeline_mode = #tpu.pipeline_mode<synchronous>, transform_indices = @transform_4, window_bounds = array<i64: 512, 256>}, {pipeline_mode = #tpu.pipeline_mode<synchronous>, transform_indices = @transform_5, window_bounds = array<i64: 512, 1>}, {transform_indices = @transform_6, window_bounds = array<i64: 1, 1, 256>}, {transform_indices = @transform_7, window_bounds = array<i64: 1, 512, 2048>}, {transform_indices = @transform_8, window_bounds = array<i64: 1, 2048, 512>}]} {
    %get3A = arith.constant 0 : index
    %get3A_0 = arith.constant 0 : index
    %get3A_1 = arith.constant 0 : index
    %get3A_2 = vector.load %arg2[%get3A, %get3A_0, %get3A_1] : memref<1x512x2048xf32, #tpu.memory_space<vmem>>, vector<1x512x2048xf32>
    %get3A_3 = vector.shape_cast %get3A_2 : vector<1x512x2048xf32> to vector<512x2048xf32>
    %get3A_4 = arith.constant 0 : index
    %get3A_5 = arith.constant 0 : index
    %get3A_6 = vector.load %arg4[%get3A_4, %get3A_5] : memref<256x512xf32, #tpu.memory_space<vmem>>, vector<256x512xf32>
    %get3A_7 = arith.constant 0 : index
    %get3A_8 = arith.constant 0 : index
    %get3A_9 = vector.load %arg6[%get3A_7, %get3A_8] : memref<512x256xf32, #tpu.memory_space<vmem>>, vector<512x256xf32>
    %dot_general3A = arith.constant dense<0.000000e+00> : vector<256x2048xf32>
    %dot_general3A_10 = tpu.matmul %get3A_6, %get3A_3, %dot_general3A {dimension_numbers = #tpu.dot_dimension_numbers<[1], [0], [0], [1], [0, 0, 1, 1], [], []>, transpose_lhs_hint = false} : vector<256x512xf32>, vector<512x2048xf32>, vector<256x2048xf32> -> vector<256x2048xf32>
    %get3A_11 = arith.constant 0 : index
    %get3A_12 = arith.constant 0 : index
    %get3A_13 = vector.load %arg5[%get3A_11, %get3A_12] : memref<256x1xf32, #tpu.memory_space<vmem>>, vector<256x1xf32>
    %add3A = vector.broadcast %get3A_13 : vector<256x1xf32> to vector<256x2048xf32>
    %add3A_14 = arith.addf %dot_general3A_10, %add3A : vector<256x2048xf32>
    %reduce_sum3A = arith.constant dense<0.000000e+00> : vector<2048xf32>
    %reduce_sum3A_15 = vector.multi_reduction <add>, %add3A_14, %reduce_sum3A [0] : vector<256x2048xf32> to vector<2048xf32>
    %broadcast_in_dim3A = vector.shape_cast %reduce_sum3A_15 : vector<2048xf32> to vector<1x2048xf32>
    %div3A = arith.constant 2.560000e+02 : f32
    %div3A_16 = vector.broadcast %div3A : f32 to vector<1x2048xf32>
    %div3A_17 = arith.divf %broadcast_in_dim3A, %div3A_16 : vector<1x2048xf32>
    %sub3A = vector.broadcast %div3A_17 : vector<1x2048xf32> to vector<256x2048xf32>
    %sub3A_18 = arith.subf %add3A_14, %sub3A : vector<256x2048xf32>
    %sub3A_19 = vector.broadcast %div3A_17 : vector<1x2048xf32> to vector<256x2048xf32>
    %sub3A_20 = arith.subf %add3A_14, %sub3A_19 : vector<256x2048xf32>
    %mul3A = arith.mulf %sub3A_18, %sub3A_20 : vector<256x2048xf32>
    %reduce_sum3A_21 = arith.constant dense<0.000000e+00> : vector<2048xf32>
    %reduce_sum3A_22 = vector.multi_reduction <add>, %mul3A, %reduce_sum3A_21 [0] : vector<256x2048xf32> to vector<2048xf32>
    %broadcast_in_dim3A_23 = vector.shape_cast %reduce_sum3A_22 : vector<2048xf32> to vector<1x2048xf32>
    %div3A_24 = arith.constant 2.560000e+02 : f32
    %div3A_25 = vector.broadcast %div3A_24 : f32 to vector<1x2048xf32>
    %div3A_26 = arith.divf %broadcast_in_dim3A_23, %div3A_25 : vector<1x2048xf32>
    %sub3A_27 = vector.broadcast %div3A_17 : vector<1x2048xf32> to vector<256x2048xf32>
    %sub3A_28 = arith.subf %add3A_14, %sub3A_27 : vector<256x2048xf32>
    %add3A_29 = arith.constant 9.99999974E-6 : f32
    %add3A_30 = vector.broadcast %add3A_29 : f32 to vector<1x2048xf32>
    %add3A_31 = arith.addf %div3A_26, %add3A_30 : vector<1x2048xf32>
    %rsqrt3A = math.rsqrt %add3A_31 : vector<1x2048xf32>
    %mul3A_32 = vector.broadcast %rsqrt3A : vector<1x2048xf32> to vector<256x2048xf32>
    %mul3A_33 = arith.mulf %sub3A_28, %mul3A_32 : vector<256x2048xf32>
    %get3A_34 = arith.constant 0 : index
    %get3A_35 = arith.constant 0 : index
    %get3A_36 = arith.constant 0 : index
    %get3A_37 = vector.load %arg8[%get3A_34, %get3A_35, %get3A_36] : memref<1x1x256xf32, #tpu.memory_space<vmem>>, vector<1x1x256xf32>
    %get3A_38 = vector.shape_cast %get3A_37 : vector<1x1x256xf32> to vector<1x256xf32>
    %transpose3A = tpu.transpose %get3A_38, [1, 0] : vector<1x256xf32> -> vector<256x1xf32>
    %add3A_39 = vector.broadcast %transpose3A : vector<256x1xf32> to vector<256x2048xf32>
    %add3A_40 = arith.addf %mul3A_33, %add3A_39 : vector<256x2048xf32>
    %dot_general3A_41 = arith.constant dense<0.000000e+00> : vector<512x2048xf32>
    %dot_general3A_42 = tpu.matmul %get3A_9, %add3A_40, %dot_general3A_41 {dimension_numbers = #tpu.dot_dimension_numbers<[1], [0], [0], [1], [0, 0, 1, 1], [], []>, transpose_lhs_hint = false} : vector<512x256xf32>, vector<256x2048xf32>, vector<512x2048xf32> -> vector<512x2048xf32>
    %get3A_43 = arith.constant 0 : index
    %get3A_44 = arith.constant 0 : index
    %get3A_45 = vector.load %arg7[%get3A_43, %get3A_44] : memref<512x1xf32, #tpu.memory_space<vmem>>, vector<512x1xf32>
    %add3A_46 = vector.broadcast %get3A_45 : vector<512x1xf32> to vector<512x2048xf32>
    %add3A_47 = arith.addf %dot_general3A_42, %add3A_46 : vector<512x2048xf32>
    %mul3A_48 = arith.mulf %get3A_3, %get3A_3 : vector<512x2048xf32>
    %reduce_sum3A_49 = arith.constant dense<0.000000e+00> : vector<2048xf32>
    %reduce_sum3A_50 = vector.multi_reduction <add>, %mul3A_48, %reduce_sum3A_49 [0] : vector<512x2048xf32> to vector<2048xf32>
    %broadcast_in_dim3A_51 = vector.shape_cast %reduce_sum3A_50 : vector<2048xf32> to vector<1x2048xf32>
    %sqrt3A = math.sqrt %broadcast_in_dim3A_51 : vector<1x2048xf32>
    %mul3A_52 = arith.mulf %add3A_47, %add3A_47 : vector<512x2048xf32>
    %reduce_sum3A_53 = arith.constant dense<0.000000e+00> : vector<2048xf32>
    %reduce_sum3A_54 = vector.multi_reduction <add>, %mul3A_52, %reduce_sum3A_53 [0] : vector<512x2048xf32> to vector<2048xf32>
    %broadcast_in_dim3A_55 = vector.shape_cast %reduce_sum3A_54 : vector<2048xf32> to vector<1x2048xf32>
    %sqrt3A_56 = math.sqrt %broadcast_in_dim3A_55 : vector<1x2048xf32>
    %max3A = arith.constant 9.99999996E-13 : f32
    %max3A_57 = vector.broadcast %max3A : f32 to vector<1x2048xf32>
    %max3A_58 = arith.maximumf %sqrt3A_56, %max3A_57 : vector<1x2048xf32>
    %div3A_59 = arith.divf %sqrt3A, %max3A_58 : vector<1x2048xf32>
    %mul3A_60 = vector.broadcast %div3A_59 : vector<1x2048xf32> to vector<512x2048xf32>
    %mul3A_61 = arith.mulf %add3A_47, %mul3A_60 : vector<512x2048xf32>
    %get3A_62 = arith.constant 0 : index
    %get3A_63 = arith.constant 0 : index
    %get3A_64 = arith.constant 0 : index
    %get3A_65 = vector.load %arg3[%get3A_62, %get3A_63, %get3A_64] : memref<1x1x2048xf32, #tpu.memory_space<vmem>>, vector<1x1x2048xf32>
    %get3A_66 = vector.shape_cast %get3A_65 : vector<1x1x2048xf32> to vector<1x2048xf32>
    %gt3A = arith.constant 0.000000e+00 : f32
    %gt3A_67 = vector.broadcast %gt3A : f32 to vector<1x2048xf32>
    %gt3A_68 = arith.cmpf ogt, %get3A_66, %gt3A_67 : vector<1x2048xf32>
    %broadcast_in_dim3A_69 = vector.shape_cast %gt3A_68 : vector<1x2048xi1> to vector<1x2048xi1>
    %broadcast_in_dim3A_70 = vector.broadcast %broadcast_in_dim3A_69 : vector<1x2048xi1> to vector<512x2048xi1>
    %select_n3A = arith.select %broadcast_in_dim3A_70, %mul3A_61, %get3A_3 : vector<512x2048xi1>, vector<512x2048xf32>
    %swap3A = arith.constant 0 : index
    %swap3A_71 = arith.constant 0 : index
    %swap3A_72 = arith.constant 0 : index
    %swap3A_73 = vector.load %arg9[%swap3A, %swap3A_71, %swap3A_72] : memref<1x512x2048xf32, #tpu.memory_space<vmem>>, vector<1x512x2048xf32>
    %swap3A_74 = vector.shape_cast %swap3A_73 : vector<1x512x2048xf32> to vector<512x2048xf32>
    %swap3A_75 = vector.shape_cast %select_n3A : vector<512x2048xf32> to vector<1x512x2048xf32>
    tpu.vector_store %arg9[%swap3A, %swap3A_71, %swap3A_72], %swap3A_75 {strides = array<i32>} : memref<1x512x2048xf32, #tpu.memory_space<vmem>>, vector<1x512x2048xf32>,
    %transpose3A_76 = tpu.transpose %mul3A_61, [1, 0] : vector<512x2048xf32> -> vector<2048x512xf32>
    %swap3A_77 = arith.constant 0 : index
    %swap3A_78 = arith.constant 0 : index
    %swap3A_79 = arith.constant 0 : index
    %swap3A_80 = vector.load %arg10[%swap3A_77, %swap3A_78, %swap3A_79] : memref<1x2048x512xf32, #tpu.memory_space<vmem>>, vector<1x2048x512xf32>
    %swap3A_81 = vector.shape_cast %swap3A_80 : vector<1x2048x512xf32> to vector<2048x512xf32>
    %swap3A_82 = vector.shape_cast %transpose3A_76 : vector<2048x512xf32> to vector<1x2048x512xf32>
    tpu.vector_store %arg10[%swap3A_77, %swap3A_78, %swap3A_79], %swap3A_82 {strides = array<i32>} : memref<1x2048x512xf32, #tpu.memory_space<vmem>>, vector<1x2048x512xf32>,
    return
  }
  func.func @transform_0(%arg0: i32, %arg1: i32) -> (i32, i32, i32) {
    %c0_i32 = arith.constant 0 : i32
    %c0_i32_0 = arith.constant 0 : i32
    return %arg0, %c0_i32, %arg1 : i32, i32, i32
  }
  func.func @transform_1(%arg0: i32, %arg1: i32) -> (i32, i32, i32) {
    %c0_i32 = arith.constant 0 : i32
    %c0_i32_0 = arith.constant 0 : i32
    return %arg0, %c0_i32, %arg1 : i32, i32, i32
  }
  func.func @transform_2(%arg0: i32, %arg1: i32) -> (i32, i32) {
    %c0_i32 = arith.constant 0 : i32
    %c0_i32_0 = arith.constant 0 : i32
    %c0_i32_1 = arith.constant 0 : i32
    return %c0_i32, %c0_i32_0 : i32, i32
  }
  func.func @transform_3(%arg0: i32, %arg1: i32) -> (i32, i32) {
    %c0_i32 = arith.constant 0 : i32
    %c0_i32_0 = arith.constant 0 : i32
    %c0_i32_1 = arith.constant 0 : i32
    return %c0_i32, %c0_i32_0 : i32, i32
  }
  func.func @transform_4(%arg0: i32, %arg1: i32) -> (i32, i32) {
    %c0_i32 = arith.constant 0 : i32
    %c0_i32_0 = arith.constant 0 : i32
    %c0_i32_1 = arith.constant 0 : i32
    return %c0_i32, %c0_i32_0 : i32, i32
  }
  func.func @transform_5(%arg0: i32, %arg1: i32) -> (i32, i32) {
    %c0_i32 = arith.constant 0 : i32
    %c0_i32_0 = arith.constant 0 : i32
    %c0_i32_1 = arith.constant 0 : i32
    return %c0_i32, %c0_i32_0 : i32, i32
  }
  func.func @transform_6(%arg0: i32, %arg1: i32) -> (i32, i32, i32) {
    %c0_i32 = arith.constant 0 : i32
    %c0_i32_0 = arith.constant 0 : i32
    %c0_i32_1 = arith.constant 0 : i32
    return %arg0, %c0_i32, %c0_i32_0 : i32, i32, i32
  }
  func.func @transform_7(%arg0: i32, %arg1: i32) -> (i32, i32, i32) {
    %c0_i32 = arith.constant 0 : i32
    %c0_i32_0 = arith.constant 0 : i32
    return %arg0, %c0_i32, %arg1 : i32, i32, i32
  }
  func.func @transform_8(%arg0: i32, %arg1: i32) -> (i32, i32, i32) {
    %c0_i32 = arith.constant 0 : i32
    %c0_i32_0 = arith.constant 0 : i32
    return %arg0, %arg1, %c0_i32 : i32, i32, i32
  }
}

module attributes {stable_mosaic.version = 14 : i64} {
  func.func @_sort_body(%arg0: memref<1xf32, #tpu.memory_space<smem>>, %arg1: memref<8x32x128xf32, #tpu.memory_space<vmem>>, %arg2: memref<8x768xf32, #tpu.memory_space<vmem>>, %arg3: memref<256x768xf32, #tpu.memory_space<vmem>>, %arg4: memref<1x256xf32, #tpu.memory_space<vmem>>, %arg5: memref<8x16x128xi32, #tpu.memory_space<vmem>>, %arg6: memref<8x16x128xi32, #tpu.memory_space<vmem>>, %arg7: memref<8x32x128xf32, #tpu.memory_space<vmem>>, %arg8: memref<8x256xf32, #tpu.memory_space<vmem>>) attributes {dimension_semantics = [], scalar_prefetch = 0 : i64, scratch_operands = 0 : i64, tpu.core_type = #tpu.core_type<tc>} {
    %get3A = arith.constant 0 : index
    %get3A_0 = arith.constant 0 : index
    %get3A_1 = arith.constant 0 : index
    %get3A_2 = vector.load %arg1[%get3A, %get3A_0, %get3A_1] : memref<8x32x128xf32, #tpu.memory_space<vmem>>, vector<8x32x128xf32>
    %iota3A = tpu.iota {dimensions = array<i32: 1>} : vector<8x32x128xi32>
    %iota3A_3 = tpu.iota {dimensions = array<i32: 2>} : vector<8x32x128xi32>
    %mul3A = arith.constant 128 : i32
    %mul3A_4 = vector.broadcast %mul3A : i32 to vector<8x32x128xi32>
    %mul3A_5 = arith.muli %iota3A, %mul3A_4 : vector<8x32x128xi32>
    %add3A = arith.addi %mul3A_5, %iota3A_3 : vector<8x32x128xi32>
    %roll3A = arith.constant 1 : i32
    %roll3A_6 = tpu.dynamic_rotate %get3A_2 by %roll3A dim 2 : vector<8x32x128xf32>, i32 -> vector<8x32x128xf32>
    %roll3A_7 = arith.constant 127 : i32
    %roll3A_8 = tpu.dynamic_rotate %get3A_2 by %roll3A_7 dim 2 : vector<8x32x128xf32>, i32 -> vector<8x32x128xf32>
    %and3A = arith.constant 1 : i32
    %and3A_9 = vector.broadcast %and3A : i32 to vector<8x32x128xi32>
    %and3A_10 = arith.andi %add3A, %and3A_9 : vector<8x32x128xi32>
    %ne3A = arith.constant 0 : i32
    %ne3A_11 = vector.broadcast %ne3A : i32 to vector<8x32x128xi32>
    %ne3A_12 = arith.cmpi ne, %and3A_10, %ne3A_11 : vector<8x32x128xi32>
    %select_n3A = arith.select %ne3A_12, %roll3A_6, %roll3A_8 : vector<8x32x128xi1>, vector<8x32x128xf32>
    %roll3A_13 = arith.constant 1 : i32
    %roll3A_14 = tpu.dynamic_rotate %add3A by %roll3A_13 dim 2 : vector<8x32x128xi32>, i32 -> vector<8x32x128xi32>
    %roll3A_15 = arith.constant 127 : i32
    %roll3A_16 = tpu.dynamic_rotate %add3A by %roll3A_15 dim 2 : vector<8x32x128xi32>, i32 -> vector<8x32x128xi32>
    %and3A_17 = arith.constant 1 : i32
    %and3A_18 = vector.broadcast %and3A_17 : i32 to vector<8x32x128xi32>
    %and3A_19 = arith.andi %add3A, %and3A_18 : vector<8x32x128xi32>
    %ne3A_20 = arith.constant 0 : i32
    %ne3A_21 = vector.broadcast %ne3A_20 : i32 to vector<8x32x128xi32>
    %ne3A_22 = arith.cmpi ne, %and3A_19, %ne3A_21 : vector<8x32x128xi32>
    %select_n3A_23 = arith.select %ne3A_22, %roll3A_14, %roll3A_16 : vector<8x32x128xi1>, vector<8x32x128xi32>
    %gt3A = arith.cmpf ogt, %get3A_2, %select_n3A : vector<8x32x128xf32>
    %eq3A = arith.cmpf oeq, %get3A_2, %select_n3A : vector<8x32x128xf32>
    %lt3A = arith.cmpi slt, %add3A, %select_n3A_23 : vector<8x32x128xi32>
    %and3A_24 = arith.andi %eq3A, %lt3A : vector<8x32x128xi1>
    %or3A = arith.ori %gt3A, %and3A_24 : vector<8x32x128xi1>
    %and3A_25 = arith.constant 1 : i32
    %and3A_26 = vector.broadcast %and3A_25 : i32 to vector<8x32x128xi32>
    %and3A_27 = arith.andi %add3A, %and3A_26 : vector<8x32x128xi32>
    %ne3A_28 = arith.constant 0 : i32
    %ne3A_29 = vector.broadcast %ne3A_28 : i32 to vector<8x32x128xi32>
    %ne3A_30 = arith.cmpi ne, %and3A_27, %ne3A_29 : vector<8x32x128xi32>
    %and3A_31 = arith.constant 2 : i32
    %and3A_32 = vector.broadcast %and3A_31 : i32 to vector<8x32x128xi32>
    %and3A_33 = arith.andi %add3A, %and3A_32 : vector<8x32x128xi32>
    %ne3A_34 = arith.constant 0 : i32
    %ne3A_35 = vector.broadcast %ne3A_34 : i32 to vector<8x32x128xi32>
    %ne3A_36 = arith.cmpi ne, %and3A_33, %ne3A_35 : vector<8x32x128xi32>
    %xor3A = arith.xori %or3A, %ne3A_30 : vector<8x32x128xi1>
    %xor3A_37 = arith.xori %xor3A, %ne3A_36 : vector<8x32x128xi1>
    %select_n3A_38 = arith.select %xor3A_37, %get3A_2, %select_n3A : vector<8x32x128xi1>, vector<8x32x128xf32>
    %select_n3A_39 = arith.select %xor3A_37, %add3A, %select_n3A_23 : vector<8x32x128xi1>, vector<8x32x128xi32>
    %roll3A_40 = arith.constant 2 : i32
    %roll3A_41 = tpu.dynamic_rotate %select_n3A_38 by %roll3A_40 dim 2 : vector<8x32x128xf32>, i32 -> vector<8x32x128xf32>
    %roll3A_42 = arith.constant 126 : i32
    %roll3A_43 = tpu.dynamic_rotate %select_n3A_38 by %roll3A_42 dim 2 : vector<8x32x128xf32>, i32 -> vector<8x32x128xf32>
    %and3A_44 = arith.constant 2 : i32
    %and3A_45 = vector.broadcast %and3A_44 : i32 to vector<8x32x128xi32>
    %and3A_46 = arith.andi %add3A, %and3A_45 : vector<8x32x128xi32>
    %ne3A_47 = arith.constant 0 : i32
    %ne3A_48 = vector.broadcast %ne3A_47 : i32 to vector<8x32x128xi32>
    %ne3A_49 = arith.cmpi ne, %and3A_46, %ne3A_48 : vector<8x32x128xi32>
    %select_n3A_50 = arith.select %ne3A_49, %roll3A_41, %roll3A_43 : vector<8x32x128xi1>, vector<8x32x128xf32>
    %roll3A_51 = arith.constant 2 : i32
    %roll3A_52 = tpu.dynamic_rotate %select_n3A_39 by %roll3A_51 dim 2 : vector<8x32x128xi32>, i32 -> vector<8x32x128xi32>
    %roll3A_53 = arith.constant 126 : i32
    %roll3A_54 = tpu.dynamic_rotate %select_n3A_39 by %roll3A_53 dim 2 : vector<8x32x128xi32>, i32 -> vector<8x32x128xi32>
    %and3A_55 = arith.constant 2 : i32
    %and3A_56 = vector.broadcast %and3A_55 : i32 to vector<8x32x128xi32>
    %and3A_57 = arith.andi %add3A, %and3A_56 : vector<8x32x128xi32>
    %ne3A_58 = arith.constant 0 : i32
    %ne3A_59 = vector.broadcast %ne3A_58 : i32 to vector<8x32x128xi32>
    %ne3A_60 = arith.cmpi ne, %and3A_57, %ne3A_59 : vector<8x32x128xi32>
    %select_n3A_61 = arith.select %ne3A_60, %roll3A_52, %roll3A_54 : vector<8x32x128xi1>, vector<8x32x128xi32>
    %gt3A_62 = arith.cmpf ogt, %select_n3A_38, %select_n3A_50 : vector<8x32x128xf32>
    %eq3A_63 = arith.cmpf oeq, %select_n3A_38, %select_n3A_50 : vector<8x32x128xf32>
    %lt3A_64 = arith.cmpi slt, %select_n3A_39, %select_n3A_61 : vector<8x32x128xi32>
    %and3A_65 = arith.andi %eq3A_63, %lt3A_64 : vector<8x32x128xi1>
    %or3A_66 = arith.ori %gt3A_62, %and3A_65 : vector<8x32x128xi1>
    %and3A_67 = arith.constant 2 : i32
    %and3A_68 = vector.broadcast %and3A_67 : i32 to vector<8x32x128xi32>
    %and3A_69 = arith.andi %add3A, %and3A_68 : vector<8x32x128xi32>
    %ne3A_70 = arith.constant 0 : i32
    %ne3A_71 = vector.broadcast %ne3A_70 : i32 to vector<8x32x128xi32>
    %ne3A_72 = arith.cmpi ne, %and3A_69, %ne3A_71 : vector<8x32x128xi32>
    %and3A_73 = arith.constant 4 : i32
    %and3A_74 = vector.broadcast %and3A_73 : i32 to vector<8x32x128xi32>
    %and3A_75 = arith.andi %add3A, %and3A_74 : vector<8x32x128xi32>
    %ne3A_76 = arith.constant 0 : i32
    %ne3A_77 = vector.broadcast %ne3A_76 : i32 to vector<8x32x128xi32>
    %ne3A_78 = arith.cmpi ne, %and3A_75, %ne3A_77 : vector<8x32x128xi32>
    %xor3A_79 = arith.xori %or3A_66, %ne3A_72 : vector<8x32x128xi1>
    %xor3A_80 = arith.xori %xor3A_79, %ne3A_78 : vector<8x32x128xi1>
    %select_n3A_81 = arith.select %xor3A_80, %select_n3A_38, %select_n3A_50 : vector<8x32x128xi1>, vector<8x32x128xf32>
    %select_n3A_82 = arith.select %xor3A_80, %select_n3A_39, %select_n3A_61 : vector<8x32x128xi1>, vector<8x32x128xi32>
    %roll3A_83 = arith.constant 1 : i32
    %roll3A_84 = tpu.dynamic_rotate %select_n3A_81 by %roll3A_83 dim 2 : vector<8x32x128xf32>, i32 -> vector<8x32x128xf32>
    %roll3A_85 = arith.constant 127 : i32
    %roll3A_86 = tpu.dynamic_rotate %select_n3A_81 by %roll3A_85 dim 2 : vector<8x32x128xf32>, i32 -> vector<8x32x128xf32>
    %and3A_87 = arith.constant 1 : i32
    %and3A_88 = vector.broadcast %and3A_87 : i32 to vector<8x32x128xi32>
    %and3A_89 = arith.andi %add3A, %and3A_88 : vector<8x32x128xi32>
    %ne3A_90 = arith.constant 0 : i32
    %ne3A_91 = vector.broadcast %ne3A_90 : i32 to vector<8x32x128xi32>
    %ne3A_92 = arith.cmpi ne, %and3A_89, %ne3A_91 : vector<8x32x128xi32>
    %select_n3A_93 = arith.select %ne3A_92, %roll3A_84, %roll3A_86 : vector<8x32x128xi1>, vector<8x32x128xf32>
    %roll3A_94 = arith.constant 1 : i32
    %roll3A_95 = tpu.dynamic_rotate %select_n3A_82 by %roll3A_94 dim 2 : vector<8x32x128xi32>, i32 -> vector<8x32x128xi32>
    %roll3A_96 = arith.constant 127 : i32
    %roll3A_97 = tpu.dynamic_rotate %select_n3A_82 by %roll3A_96 dim 2 : vector<8x32x128xi32>, i32 -> vector<8x32x128xi32>
    %and3A_98 = arith.constant 1 : i32
    %and3A_99 = vector.broadcast %and3A_98 : i32 to vector<8x32x128xi32>
    %and3A_100 = arith.andi %add3A, %and3A_99 : vector<8x32x128xi32>
    %ne3A_101 = arith.constant 0 : i32
    %ne3A_102 = vector.broadcast %ne3A_101 : i32 to vector<8x32x128xi32>
    %ne3A_103 = arith.cmpi ne, %and3A_100, %ne3A_102 : vector<8x32x128xi32>
    %select_n3A_104 = arith.select %ne3A_103, %roll3A_95, %roll3A_97 : vector<8x32x128xi1>, vector<8x32x128xi32>
    %gt3A_105 = arith.cmpf ogt, %select_n3A_81, %select_n3A_93 : vector<8x32x128xf32>
    %eq3A_106 = arith.cmpf oeq, %select_n3A_81, %select_n3A_93 : vector<8x32x128xf32>
    %lt3A_107 = arith.cmpi slt, %select_n3A_82, %select_n3A_104 : vector<8x32x128xi32>
    %and3A_108 = arith.andi %eq3A_106, %lt3A_107 : vector<8x32x128xi1>
    %or3A_109 = arith.ori %gt3A_105, %and3A_108 : vector<8x32x128xi1>
    %and3A_110 = arith.constant 1 : i32
    %and3A_111 = vector.broadcast %and3A_110 : i32 to vector<8x32x128xi32>
    %and3A_112 = arith.andi %add3A, %and3A_111 : vector<8x32x128xi32>
    %ne3A_113 = arith.constant 0 : i32
    %ne3A_114 = vector.broadcast %ne3A_113 : i32 to vector<8x32x128xi32>
    %ne3A_115 = arith.cmpi ne, %and3A_112, %ne3A_114 : vector<8x32x128xi32>
    %and3A_116 = arith.constant 4 : i32
    %and3A_117 = vector.broadcast %and3A_116 : i32 to vector<8x32x128xi32>
    %and3A_118 = arith.andi %add3A, %and3A_117 : vector<8x32x128xi32>
    %ne3A_119 = arith.constant 0 : i32
    %ne3A_120 = vector.broadcast %ne3A_119 : i32 to vector<8x32x128xi32>
    %ne3A_121 = arith.cmpi ne, %and3A_118, %ne3A_120 : vector<8x32x128xi32>
    %xor3A_122 = arith.xori %or3A_109, %ne3A_115 : vector<8x32x128xi1>
    %xor3A_123 = arith.xori %xor3A_122, %ne3A_121 : vector<8x32x128xi1>
    %select_n3A_124 = arith.select %xor3A_123, %select_n3A_81, %select_n3A_93 : vector<8x32x128xi1>, vector<8x32x128xf32>
    %select_n3A_125 = arith.select %xor3A_123, %select_n3A_82, %select_n3A_104 : vector<8x32x128xi1>, vector<8x32x128xi32>
    %roll3A_126 = arith.constant 4 : i32
    %roll3A_127 = tpu.dynamic_rotate %select_n3A_124 by %roll3A_126 dim 2 : vector<8x32x128xf32>, i32 -> vector<8x32x128xf32>
    %roll3A_128 = arith.constant 124 : i32
    %roll3A_129 = tpu.dynamic_rotate %select_n3A_124 by %roll3A_128 dim 2 : vector<8x32x128xf32>, i32 -> vector<8x32x128xf32>
    %and3A_130 = arith.constant 4 : i32
    %and3A_131 = vector.broadcast %and3A_130 : i32 to vector<8x32x128xi32>
    %and3A_132 = arith.andi %add3A, %and3A_131 : vector<8x32x128xi32>
    %ne3A_133 = arith.constant 0 : i32
    %ne3A_134 = vector.broadcast %ne3A_133 : i32 to vector<8x32x128xi32>
    %ne3A_135 = arith.cmpi ne, %and3A_132, %ne3A_134 : vector<8x32x128xi32>
    %select_n3A_136 = arith.select %ne3A_135, %roll3A_127, %roll3A_129 : vector<8x32x128xi1>, vector<8x32x128xf32>
    %roll3A_137 = arith.constant 4 : i32
    %roll3A_138 = tpu.dynamic_rotate %select_n3A_125 by %roll3A_137 dim 2 : vector<8x32x128xi32>, i32 -> vector<8x32x128xi32>
    %roll3A_139 = arith.constant 124 : i32
    %roll3A_140 = tpu.dynamic_rotate %select_n3A_125 by %roll3A_139 dim 2 : vector<8x32x128xi32>, i32 -> vector<8x32x128xi32>
    %and3A_141 = arith.constant 4 : i32
    %and3A_142 = vector.broadcast %and3A_141 : i32 to vector<8x32x128xi32>
    %and3A_143 = arith.andi %add3A, %and3A_142 : vector<8x32x128xi32>
    %ne3A_144 = arith.constant 0 : i32
    %ne3A_145 = vector.broadcast %ne3A_144 : i32 to vector<8x32x128xi32>
    %ne3A_146 = arith.cmpi ne, %and3A_143, %ne3A_145 : vector<8x32x128xi32>
    %select_n3A_147 = arith.select %ne3A_146, %roll3A_138, %roll3A_140 : vector<8x32x128xi1>, vector<8x32x128xi32>
    %gt3A_148 = arith.cmpf ogt, %select_n3A_124, %select_n3A_136 : vector<8x32x128xf32>
    %eq3A_149 = arith.cmpf oeq, %select_n3A_124, %select_n3A_136 : vector<8x32x128xf32>
    %lt3A_150 = arith.cmpi slt, %select_n3A_125, %select_n3A_147 : vector<8x32x128xi32>
    %and3A_151 = arith.andi %eq3A_149, %lt3A_150 : vector<8x32x128xi1>
    %or3A_152 = arith.ori %gt3A_148, %and3A_151 : vector<8x32x128xi1>
    %and3A_153 = arith.constant 4 : i32
    %and3A_154 = vector.broadcast %and3A_153 : i32 to vector<8x32x128xi32>
    %and3A_155 = arith.andi %add3A, %and3A_154 : vector<8x32x128xi32>
    %ne3A_156 = arith.constant 0 : i32
    %ne3A_157 = vector.broadcast %ne3A_156 : i32 to vector<8x32x128xi32>
    %ne3A_158 = arith.cmpi ne, %and3A_155, %ne3A_157 : vector<8x32x128xi32>
    %and3A_159 = arith.constant 8 : i32
    %and3A_160 = vector.broadcast %and3A_159 : i32 to vector<8x32x128xi32>
    %and3A_161 = arith.andi %add3A, %and3A_160 : vector<8x32x128xi32>
    %ne3A_162 = arith.constant 0 : i32
    %ne3A_163 = vector.broadcast %ne3A_162 : i32 to vector<8x32x128xi32>
    %ne3A_164 = arith.cmpi ne, %and3A_161, %ne3A_163 : vector<8x32x128xi32>
    %xor3A_165 = arith.xori %or3A_152, %ne3A_158 : vector<8x32x128xi1>
    %xor3A_166 = arith.xori %xor3A_165, %ne3A_164 : vector<8x32x128xi1>
    %select_n3A_167 = arith.select %xor3A_166, %select_n3A_124, %select_n3A_136 : vector<8x32x128xi1>, vector<8x32x128xf32>
    %select_n3A_168 = arith.select %xor3A_166, %select_n3A_125, %select_n3A_147 : vector<8x32x128xi1>, vector<8x32x128xi32>
    %roll3A_169 = arith.constant 2 : i32
    %roll3A_170 = tpu.dynamic_rotate %select_n3A_167 by %roll3A_169 dim 2 : vector<8x32x128xf32>, i32 -> vector<8x32x128xf32>
    %roll3A_171 = arith.constant 126 : i32
    %roll3A_172 = tpu.dynamic_rotate %select_n3A_167 by %roll3A_171 dim 2 : vector<8x32x128xf32>, i32 -> vector<8x32x128xf32>
    %and3A_173 = arith.constant 2 : i32
    %and3A_174 = vector.broadcast %and3A_173 : i32 to vector<8x32x128xi32>
    %and3A_175 = arith.andi %add3A, %and3A_174 : vector<8x32x128xi32>
    %ne3A_176 = arith.constant 0 : i32
    %ne3A_177 = vector.broadcast %ne3A_176 : i32 to vector<8x32x128xi32>
    %ne3A_178 = arith.cmpi ne, %and3A_175, %ne3A_177 : vector<8x32x128xi32>
    %select_n3A_179 = arith.select %ne3A_178, %roll3A_170, %roll3A_172 : vector<8x32x128xi1>, vector<8x32x128xf32>
    %roll3A_180 = arith.constant 2 : i32
    %roll3A_181 = tpu.dynamic_rotate %select_n3A_168 by %roll3A_180 dim 2 : vector<8x32x128xi32>, i32 -> vector<8x32x128xi32>
    %roll3A_182 = arith.constant 126 : i32
    %roll3A_183 = tpu.dynamic_rotate %select_n3A_168 by %roll3A_182 dim 2 : vector<8x32x128xi32>, i32 -> vector<8x32x128xi32>
    %and3A_184 = arith.constant 2 : i32
    %and3A_185 = vector.broadcast %and3A_184 : i32 to vector<8x32x128xi32>
    %and3A_186 = arith.andi %add3A, %and3A_185 : vector<8x32x128xi32>
    %ne3A_187 = arith.constant 0 : i32
    %ne3A_188 = vector.broadcast %ne3A_187 : i32 to vector<8x32x128xi32>
    %ne3A_189 = arith.cmpi ne, %and3A_186, %ne3A_188 : vector<8x32x128xi32>
    %select_n3A_190 = arith.select %ne3A_189, %roll3A_181, %roll3A_183 : vector<8x32x128xi1>, vector<8x32x128xi32>
    %gt3A_191 = arith.cmpf ogt, %select_n3A_167, %select_n3A_179 : vector<8x32x128xf32>
    %eq3A_192 = arith.cmpf oeq, %select_n3A_167, %select_n3A_179 : vector<8x32x128xf32>
    %lt3A_193 = arith.cmpi slt, %select_n3A_168, %select_n3A_190 : vector<8x32x128xi32>
    %and3A_194 = arith.andi %eq3A_192, %lt3A_193 : vector<8x32x128xi1>
    %or3A_195 = arith.ori %gt3A_191, %and3A_194 : vector<8x32x128xi1>
    %and3A_196 = arith.constant 2 : i32
    %and3A_197 = vector.broadcast %and3A_196 : i32 to vector<8x32x128xi32>
    %and3A_198 = arith.andi %add3A, %and3A_197 : vector<8x32x128xi32>
    %ne3A_199 = arith.constant 0 : i32
    %ne3A_200 = vector.broadcast %ne3A_199 : i32 to vector<8x32x128xi32>
    %ne3A_201 = arith.cmpi ne, %and3A_198, %ne3A_200 : vector<8x32x128xi32>
    %and3A_202 = arith.constant 8 : i32
    %and3A_203 = vector.broadcast %and3A_202 : i32 to vector<8x32x128xi32>
    %and3A_204 = arith.andi %add3A, %and3A_203 : vector<8x32x128xi32>
    %ne3A_205 = arith.constant 0 : i32
    %ne3A_206 = vector.broadcast %ne3A_205 : i32 to vector<8x32x128xi32>
    %ne3A_207 = arith.cmpi ne, %and3A_204, %ne3A_206 : vector<8x32x128xi32>
    %xor3A_208 = arith.xori %or3A_195, %ne3A_201 : vector<8x32x128xi1>
    %xor3A_209 = arith.xori %xor3A_208, %ne3A_207 : vector<8x32x128xi1>
    %select_n3A_210 = arith.select %xor3A_209, %select_n3A_167, %select_n3A_179 : vector<8x32x128xi1>, vector<8x32x128xf32>
    %select_n3A_211 = arith.select %xor3A_209, %select_n3A_168, %select_n3A_190 : vector<8x32x128xi1>, vector<8x32x128xi32>
    %roll3A_212 = arith.constant 1 : i32
    %roll3A_213 = tpu.dynamic_rotate %select_n3A_210 by %roll3A_212 dim 2 : vector<8x32x128xf32>, i32 -> vector<8x32x128xf32>
    %roll3A_214 = arith.constant 127 : i32
    %roll3A_215 = tpu.dynamic_rotate %select_n3A_210 by %roll3A_214 dim 2 : vector<8x32x128xf32>, i32 -> vector<8x32x128xf32>
    %and3A_216 = arith.constant 1 : i32
    %and3A_217 = vector.broadcast %and3A_216 : i32 to vector<8x32x128xi32>
    %and3A_218 = arith.andi %add3A, %and3A_217 : vector<8x32x128xi32>
    %ne3A_219 = arith.constant 0 : i32
    %ne3A_220 = vector.broadcast %ne3A_219 : i32 to vector<8x32x128xi32>
    %ne3A_221 = arith.cmpi ne, %and3A_218, %ne3A_220 : vector<8x32x128xi32>
    %select_n3A_222 = arith.select %ne3A_221, %roll3A_213, %roll3A_215 : vector<8x32x128xi1>, vector<8x32x128xf32>
    %roll3A_223 = arith.constant 1 : i32
    %roll3A_224 = tpu.dynamic_rotate %select_n3A_211 by %roll3A_223 dim 2 : vector<8x32x128xi32>, i32 -> vector<8x32x128xi32>
    %roll3A_225 = arith.constant 127 : i32
    %roll3A_226 = tpu.dynamic_rotate %select_n3A_211 by %roll3A_225 dim 2 : vector<8x32x128xi32>, i32 -> vector<8x32x128xi32>
    %and3A_227 = arith.constant 1 : i32
    %and3A_228 = vector.broadcast %and3A_227 : i32 to vector<8x32x128xi32>
    %and3A_229 = arith.andi %add3A, %and3A_228 : vector<8x32x128xi32>
    %ne3A_230 = arith.constant 0 : i32
    %ne3A_231 = vector.broadcast %ne3A_230 : i32 to vector<8x32x128xi32>
    %ne3A_232 = arith.cmpi ne, %and3A_229, %ne3A_231 : vector<8x32x128xi32>
    %select_n3A_233 = arith.select %ne3A_232, %roll3A_224, %roll3A_226 : vector<8x32x128xi1>, vector<8x32x128xi32>
    %gt3A_234 = arith.cmpf ogt, %select_n3A_210, %select_n3A_222 : vector<8x32x128xf32>
    %eq3A_235 = arith.cmpf oeq, %select_n3A_210, %select_n3A_222 : vector<8x32x128xf32>
    %lt3A_236 = arith.cmpi slt, %select_n3A_211, %select_n3A_233 : vector<8x32x128xi32>
    %and3A_237 = arith.andi %eq3A_235, %lt3A_236 : vector<8x32x128xi1>
    %or3A_238 = arith.ori %gt3A_234, %and3A_237 : vector<8x32x128xi1>
    %and3A_239 = arith.constant 1 : i32
    %and3A_240 = vector.broadcast %and3A_239 : i32 to vector<8x32x128xi32>
    %and3A_241 = arith.andi %add3A, %and3A_240 : vector<8x32x128xi32>
    %ne3A_242 = arith.constant 0 : i32
    %ne3A_243 = vector.broadcast %ne3A_242 : i32 to vector<8x32x128xi32>
    %ne3A_244 = arith.cmpi ne, %and3A_241, %ne3A_243 : vector<8x32x128xi32>
    %and3A_245 = arith.constant 8 : i32
    %and3A_246 = vector.broadcast %and3A_245 : i32 to vector<8x32x128xi32>
    %and3A_247 = arith.andi %add3A, %and3A_246 : vector<8x32x128xi32>
    %ne3A_248 = arith.constant 0 : i32
    %ne3A_249 = vector.broadcast %ne3A_248 : i32 to vector<8x32x128xi32>
    %ne3A_250 = arith.cmpi ne, %and3A_247, %ne3A_249 : vector<8x32x128xi32>
    %xor3A_251 = arith.xori %or3A_238, %ne3A_244 : vector<8x32x128xi1>
    %xor3A_252 = arith.xori %xor3A_251, %ne3A_250 : vector<8x32x128xi1>
    %select_n3A_253 = arith.select %xor3A_252, %select_n3A_210, %select_n3A_222 : vector<8x32x128xi1>, vector<8x32x128xf32>
    %select_n3A_254 = arith.select %xor3A_252, %select_n3A_211, %select_n3A_233 : vector<8x32x128xi1>, vector<8x32x128xi32>
    %roll3A_255 = arith.constant 8 : i32
    %roll3A_256 = tpu.dynamic_rotate %select_n3A_253 by %roll3A_255 dim 2 : vector<8x32x128xf32>, i32 -> vector<8x32x128xf32>
    %roll3A_257 = arith.constant 120 : i32
    %roll3A_258 = tpu.dynamic_rotate %select_n3A_253 by %roll3A_257 dim 2 : vector<8x32x128xf32>, i32 -> vector<8x32x128xf32>
    %and3A_259 = arith.constant 8 : i32
    %and3A_260 = vector.broadcast %and3A_259 : i32 to vector<8x32x128xi32>
    %and3A_261 = arith.andi %add3A, %and3A_260 : vector<8x32x128xi32>
    %ne3A_262 = arith.constant 0 : i32
    %ne3A_263 = vector.broadcast %ne3A_262 : i32 to vector<8x32x128xi32>
    %ne3A_264 = arith.cmpi ne, %and3A_261, %ne3A_263 : vector<8x32x128xi32>
    %select_n3A_265 = arith.select %ne3A_264, %roll3A_256, %roll3A_258 : vector<8x32x128xi1>, vector<8x32x128xf32>
    %roll3A_266 = arith.constant 8 : i32
    %roll3A_267 = tpu.dynamic_rotate %select_n3A_254 by %roll3A_266 dim 2 : vector<8x32x128xi32>, i32 -> vector<8x32x128xi32>
    %roll3A_268 = arith.constant 120 : i32
    %roll3A_269 = tpu.dynamic_rotate %select_n3A_254 by %roll3A_268 dim 2 : vector<8x32x128xi32>, i32 -> vector<8x32x128xi32>
    %and3A_270 = arith.constant 8 : i32
    %and3A_271 = vector.broadcast %and3A_270 : i32 to vector<8x32x128xi32>
    %and3A_272 = arith.andi %add3A, %and3A_271 : vector<8x32x128xi32>
    %ne3A_273 = arith.constant 0 : i32
    %ne3A_274 = vector.broadcast %ne3A_273 : i32 to vector<8x32x128xi32>
    %ne3A_275 = arith.cmpi ne, %and3A_272, %ne3A_274 : vector<8x32x128xi32>
    %select_n3A_276 = arith.select %ne3A_275, %roll3A_267, %roll3A_269 : vector<8x32x128xi1>, vector<8x32x128xi32>
    %gt3A_277 = arith.cmpf ogt, %select_n3A_253, %select_n3A_265 : vector<8x32x128xf32>
    %eq3A_278 = arith.cmpf oeq, %select_n3A_253, %select_n3A_265 : vector<8x32x128xf32>
    %lt3A_279 = arith.cmpi slt, %select_n3A_254, %select_n3A_276 : vector<8x32x128xi32>
    %and3A_280 = arith.andi %eq3A_278, %lt3A_279 : vector<8x32x128xi1>
    %or3A_281 = arith.ori %gt3A_277, %and3A_280 : vector<8x32x128xi1>
    %and3A_282 = arith.constant 8 : i32
    %and3A_283 = vector.broadcast %and3A_282 : i32 to vector<8x32x128xi32>
    %and3A_284 = arith.andi %add3A, %and3A_283 : vector<8x32x128xi32>
    %ne3A_285 = arith.constant 0 : i32
    %ne3A_286 = vector.broadcast %ne3A_285 : i32 to vector<8x32x128xi32>
    %ne3A_287 = arith.cmpi ne, %and3A_284, %ne3A_286 : vector<8x32x128xi32>
    %and3A_288 = arith.constant 16 : i32
    %and3A_289 = vector.broadcast %and3A_288 : i32 to vector<8x32x128xi32>
    %and3A_290 = arith.andi %add3A, %and3A_289 : vector<8x32x128xi32>
    %ne3A_291 = arith.constant 0 : i32
    %ne3A_292 = vector.broadcast %ne3A_291 : i32 to vector<8x32x128xi32>
    %ne3A_293 = arith.cmpi ne, %and3A_290, %ne3A_292 : vector<8x32x128xi32>
    %xor3A_294 = arith.xori %or3A_281, %ne3A_287 : vector<8x32x128xi1>
    %xor3A_295 = arith.xori %xor3A_294, %ne3A_293 : vector<8x32x128xi1>
    %select_n3A_296 = arith.select %xor3A_295, %select_n3A_253, %select_n3A_265 : vector<8x32x128xi1>, vector<8x32x128xf32>
    %select_n3A_297 = arith.select %xor3A_295, %select_n3A_254, %select_n3A_276 : vector<8x32x128xi1>, vector<8x32x128xi32>
    %roll3A_298 = arith.constant 4 : i32
    %roll3A_299 = tpu.dynamic_rotate %select_n3A_296 by %roll3A_298 dim 2 : vector<8x32x128xf32>, i32 -> vector<8x32x128xf32>
    %roll3A_300 = arith.constant 124 : i32
    %roll3A_301 = tpu.dynamic_rotate %select_n3A_296 by %roll3A_300 dim 2 : vector<8x32x128xf32>, i32 -> vector<8x32x128xf32>
    %and3A_302 = arith.constant 4 : i32
    %and3A_303 = vector.broadcast %and3A_302 : i32 to vector<8x32x128xi32>
    %and3A_304 = arith.andi %add3A, %and3A_303 : vector<8x32x128xi32>
    %ne3A_305 = arith.constant 0 : i32
    %ne3A_306 = vector.broadcast %ne3A_305 : i32 to vector<8x32x128xi32>
    %ne3A_307 = arith.cmpi ne, %and3A_304, %ne3A_306 : vector<8x32x128xi32>
    %select_n3A_308 = arith.select %ne3A_307, %roll3A_299, %roll3A_301 : vector<8x32x128xi1>, vector<8x32x128xf32>
    %roll3A_309 = arith.constant 4 : i32
    %roll3A_310 = tpu.dynamic_rotate %select_n3A_297 by %roll3A_309 dim 2 : vector<8x32x128xi32>, i32 -> vector<8x32x128xi32>
    %roll3A_311 = arith.constant 124 : i32
    %roll3A_312 = tpu.dynamic_rotate %select_n3A_297 by %roll3A_311 dim 2 : vector<8x32x128xi32>, i32 -> vector<8x32x128xi32>
    %and3A_313 = arith.constant 4 : i32
    %and3A_314 = vector.broadcast %and3A_313 : i32 to vector<8x32x128xi32>
    %and3A_315 = arith.andi %add3A, %and3A_314 : vector<8x32x128xi32>
    %ne3A_316 = arith.constant 0 : i32
    %ne3A_317 = vector.broadcast %ne3A_316 : i32 to vector<8x32x128xi32>
    %ne3A_318 = arith.cmpi ne, %and3A_315, %ne3A_317 : vector<8x32x128xi32>
    %select_n3A_319 = arith.select %ne3A_318, %roll3A_310, %roll3A_312 : vector<8x32x128xi1>, vector<8x32x128xi32>
    %gt3A_320 = arith.cmpf ogt, %select_n3A_296, %select_n3A_308 : vector<8x32x128xf32>
    %eq3A_321 = arith.cmpf oeq, %select_n3A_296, %select_n3A_308 : vector<8x32x128xf32>
    %lt3A_322 = arith.cmpi slt, %select_n3A_297, %select_n3A_319 : vector<8x32x128xi32>
    %and3A_323 = arith.andi %eq3A_321, %lt3A_322 : vector<8x32x128xi1>
    %or3A_324 = arith.ori %gt3A_320, %and3A_323 : vector<8x32x128xi1>
    %and3A_325 = arith.constant 4 : i32
    %and3A_326 = vector.broadcast %and3A_325 : i32 to vector<8x32x128xi32>
    %and3A_327 = arith.andi %add3A, %and3A_326 : vector<8x32x128xi32>
    %ne3A_328 = arith.constant 0 : i32
    %ne3A_329 = vector.broadcast %ne3A_328 : i32 to vector<8x32x128xi32>
    %ne3A_330 = arith.cmpi ne, %and3A_327, %ne3A_329 : vector<8x32x128xi32>
    %and3A_331 = arith.constant 16 : i32
    %and3A_332 = vector.broadcast %and3A_331 : i32 to vector<8x32x128xi32>
    %and3A_333 = arith.andi %add3A, %and3A_332 : vector<8x32x128xi32>
    %ne3A_334 = arith.constant 0 : i32
    %ne3A_335 = vector.broadcast %ne3A_334 : i32 to vector<8x32x128xi32>
    %ne3A_336 = arith.cmpi ne, %and3A_333, %ne3A_335 : vector<8x32x128xi32>
    %xor3A_337 = arith.xori %or3A_324, %ne3A_330 : vector<8x32x128xi1>
    %xor3A_338 = arith.xori %xor3A_337, %ne3A_336 : vector<8x32x128xi1>
    %select_n3A_339 = arith.select %xor3A_338, %select_n3A_296, %select_n3A_308 : vector<8x32x128xi1>, vector<8x32x128xf32>
    %select_n3A_340 = arith.select %xor3A_338, %select_n3A_297, %select_n3A_319 : vector<8x32x128xi1>, vector<8x32x128xi32>
    %roll3A_341 = arith.constant 2 : i32
    %roll3A_342 = tpu.dynamic_rotate %select_n3A_339 by %roll3A_341 dim 2 : vector<8x32x128xf32>, i32 -> vector<8x32x128xf32>
    %roll3A_343 = arith.constant 126 : i32
    %roll3A_344 = tpu.dynamic_rotate %select_n3A_339 by %roll3A_343 dim 2 : vector<8x32x128xf32>, i32 -> vector<8x32x128xf32>
    %and3A_345 = arith.constant 2 : i32
    %and3A_346 = vector.broadcast %and3A_345 : i32 to vector<8x32x128xi32>
    %and3A_347 = arith.andi %add3A, %and3A_346 : vector<8x32x128xi32>
    %ne3A_348 = arith.constant 0 : i32
    %ne3A_349 = vector.broadcast %ne3A_348 : i32 to vector<8x32x128xi32>
    %ne3A_350 = arith.cmpi ne, %and3A_347, %ne3A_349 : vector<8x32x128xi32>
    %select_n3A_351 = arith.select %ne3A_350, %roll3A_342, %roll3A_344 : vector<8x32x128xi1>, vector<8x32x128xf32>
    %roll3A_352 = arith.constant 2 : i32
    %roll3A_353 = tpu.dynamic_rotate %select_n3A_340 by %roll3A_352 dim 2 : vector<8x32x128xi32>, i32 -> vector<8x32x128xi32>
    %roll3A_354 = arith.constant 126 : i32
    %roll3A_355 = tpu.dynamic_rotate %select_n3A_340 by %roll3A_354 dim 2 : vector<8x32x128xi32>, i32 -> vector<8x32x128xi32>
    %and3A_356 = arith.constant 2 : i32
    %and3A_357 = vector.broadcast %and3A_356 : i32 to vector<8x32x128xi32>
    %and3A_358 = arith.andi %add3A, %and3A_357 : vector<8x32x128xi32>
    %ne3A_359 = arith.constant 0 : i32
    %ne3A_360 = vector.broadcast %ne3A_359 : i32 to vector<8x32x128xi32>
    %ne3A_361 = arith.cmpi ne, %and3A_358, %ne3A_360 : vector<8x32x128xi32>
    %select_n3A_362 = arith.select %ne3A_361, %roll3A_353, %roll3A_355 : vector<8x32x128xi1>, vector<8x32x128xi32>
    %gt3A_363 = arith.cmpf ogt, %select_n3A_339, %select_n3A_351 : vector<8x32x128xf32>
    %eq3A_364 = arith.cmpf oeq, %select_n3A_339, %select_n3A_351 : vector<8x32x128xf32>
    %lt3A_365 = arith.cmpi slt, %select_n3A_340, %select_n3A_362 : vector<8x32x128xi32>
    %and3A_366 = arith.andi %eq3A_364, %lt3A_365 : vector<8x32x128xi1>
    %or3A_367 = arith.ori %gt3A_363, %and3A_366 : vector<8x32x128xi1>
    %and3A_368 = arith.constant 2 : i32
    %and3A_369 = vector.broadcast %and3A_368 : i32 to vector<8x32x128xi32>
    %and3A_370 = arith.andi %add3A, %and3A_369 : vector<8x32x128xi32>
    %ne3A_371 = arith.constant 0 : i32
    %ne3A_372 = vector.broadcast %ne3A_371 : i32 to vector<8x32x128xi32>
    %ne3A_373 = arith.cmpi ne, %and3A_370, %ne3A_372 : vector<8x32x128xi32>
    %and3A_374 = arith.constant 16 : i32
    %and3A_375 = vector.broadcast %and3A_374 : i32 to vector<8x32x128xi32>
    %and3A_376 = arith.andi %add3A, %and3A_375 : vector<8x32x128xi32>
    %ne3A_377 = arith.constant 0 : i32
    %ne3A_378 = vector.broadcast %ne3A_377 : i32 to vector<8x32x128xi32>
    %ne3A_379 = arith.cmpi ne, %and3A_376, %ne3A_378 : vector<8x32x128xi32>
    %xor3A_380 = arith.xori %or3A_367, %ne3A_373 : vector<8x32x128xi1>
    %xor3A_381 = arith.xori %xor3A_380, %ne3A_379 : vector<8x32x128xi1>
    %select_n3A_382 = arith.select %xor3A_381, %select_n3A_339, %select_n3A_351 : vector<8x32x128xi1>, vector<8x32x128xf32>
    %select_n3A_383 = arith.select %xor3A_381, %select_n3A_340, %select_n3A_362 : vector<8x32x128xi1>, vector<8x32x128xi32>
    %roll3A_384 = arith.constant 1 : i32
    %roll3A_385 = tpu.dynamic_rotate %select_n3A_382 by %roll3A_384 dim 2 : vector<8x32x128xf32>, i32 -> vector<8x32x128xf32>
    %roll3A_386 = arith.constant 127 : i32
    %roll3A_387 = tpu.dynamic_rotate %select_n3A_382 by %roll3A_386 dim 2 : vector<8x32x128xf32>, i32 -> vector<8x32x128xf32>
    %and3A_388 = arith.constant 1 : i32
    %and3A_389 = vector.broadcast %and3A_388 : i32 to vector<8x32x128xi32>
    %and3A_390 = arith.andi %add3A, %and3A_389 : vector<8x32x128xi32>
    %ne3A_391 = arith.constant 0 : i32
    %ne3A_392 = vector.broadcast %ne3A_391 : i32 to vector<8x32x128xi32>
    %ne3A_393 = arith.cmpi ne, %and3A_390, %ne3A_392 : vector<8x32x128xi32>
    %select_n3A_394 = arith.select %ne3A_393, %roll3A_385, %roll3A_387 : vector<8x32x128xi1>, vector<8x32x128xf32>
    %roll3A_395 = arith.constant 1 : i32
    %roll3A_396 = tpu.dynamic_rotate %select_n3A_383 by %roll3A_395 dim 2 : vector<8x32x128xi32>, i32 -> vector<8x32x128xi32>
    %roll3A_397 = arith.constant 127 : i32
    %roll3A_398 = tpu.dynamic_rotate %select_n3A_383 by %roll3A_397 dim 2 : vector<8x32x128xi32>, i32 -> vector<8x32x128xi32>
    %and3A_399 = arith.constant 1 : i32
    %and3A_400 = vector.broadcast %and3A_399 : i32 to vector<8x32x128xi32>
    %and3A_401 = arith.andi %add3A, %and3A_400 : vector<8x32x128xi32>
    %ne3A_402 = arith.constant 0 : i32
    %ne3A_403 = vector.broadcast %ne3A_402 : i32 to vector<8x32x128xi32>
    %ne3A_404 = arith.cmpi ne, %and3A_401, %ne3A_403 : vector<8x32x128xi32>
    %select_n3A_405 = arith.select %ne3A_404, %roll3A_396, %roll3A_398 : vector<8x32x128xi1>, vector<8x32x128xi32>
    %gt3A_406 = arith.cmpf ogt, %select_n3A_382, %select_n3A_394 : vector<8x32x128xf32>
    %eq3A_407 = arith.cmpf oeq, %select_n3A_382, %select_n3A_394 : vector<8x32x128xf32>
    %lt3A_408 = arith.cmpi slt, %select_n3A_383, %select_n3A_405 : vector<8x32x128xi32>
    %and3A_409 = arith.andi %eq3A_407, %lt3A_408 : vector<8x32x128xi1>
    %or3A_410 = arith.ori %gt3A_406, %and3A_409 : vector<8x32x128xi1>
    %and3A_411 = arith.constant 1 : i32
    %and3A_412 = vector.broadcast %and3A_411 : i32 to vector<8x32x128xi32>
    %and3A_413 = arith.andi %add3A, %and3A_412 : vector<8x32x128xi32>
    %ne3A_414 = arith.constant 0 : i32
    %ne3A_415 = vector.broadcast %ne3A_414 : i32 to vector<8x32x128xi32>
    %ne3A_416 = arith.cmpi ne, %and3A_413, %ne3A_415 : vector<8x32x128xi32>
    %and3A_417 = arith.constant 16 : i32
    %and3A_418 = vector.broadcast %and3A_417 : i32 to vector<8x32x128xi32>
    %and3A_419 = arith.andi %add3A, %and3A_418 : vector<8x32x128xi32>
    %ne3A_420 = arith.constant 0 : i32
    %ne3A_421 = vector.broadcast %ne3A_420 : i32 to vector<8x32x128xi32>
    %ne3A_422 = arith.cmpi ne, %and3A_419, %ne3A_421 : vector<8x32x128xi32>
    %xor3A_423 = arith.xori %or3A_410, %ne3A_416 : vector<8x32x128xi1>
    %xor3A_424 = arith.xori %xor3A_423, %ne3A_422 : vector<8x32x128xi1>
    %select_n3A_425 = arith.select %xor3A_424, %select_n3A_382, %select_n3A_394 : vector<8x32x128xi1>, vector<8x32x128xf32>
    %select_n3A_426 = arith.select %xor3A_424, %select_n3A_383, %select_n3A_405 : vector<8x32x128xi1>, vector<8x32x128xi32>
    %roll3A_427 = arith.constant 16 : i32
    %roll3A_428 = tpu.dynamic_rotate %select_n3A_425 by %roll3A_427 dim 2 : vector<8x32x128xf32>, i32 -> vector<8x32x128xf32>
    %roll3A_429 = arith.constant 112 : i32
    %roll3A_430 = tpu.dynamic_rotate %select_n3A_425 by %roll3A_429 dim 2 : vector<8x32x128xf32>, i32 -> vector<8x32x128xf32>
    %and3A_431 = arith.constant 16 : i32
    %and3A_432 = vector.broadcast %and3A_431 : i32 to vector<8x32x128xi32>
    %and3A_433 = arith.andi %add3A, %and3A_432 : vector<8x32x128xi32>
    %ne3A_434 = arith.constant 0 : i32
    %ne3A_435 = vector.broadcast %ne3A_434 : i32 to vector<8x32x128xi32>
    %ne3A_436 = arith.cmpi ne, %and3A_433, %ne3A_435 : vector<8x32x128xi32>
    %select_n3A_437 = arith.select %ne3A_436, %roll3A_428, %roll3A_430 : vector<8x32x128xi1>, vector<8x32x128xf32>
    %roll3A_438 = arith.constant 16 : i32
    %roll3A_439 = tpu.dynamic_rotate %select_n3A_426 by %roll3A_438 dim 2 : vector<8x32x128xi32>, i32 -> vector<8x32x128xi32>
    %roll3A_440 = arith.constant 112 : i32
    %roll3A_441 = tpu.dynamic_rotate %select_n3A_426 by %roll3A_440 dim 2 : vector<8x32x128xi32>, i32 -> vector<8x32x128xi32>
    %and3A_442 = arith.constant 16 : i32
    %and3A_443 = vector.broadcast %and3A_442 : i32 to vector<8x32x128xi32>
    %and3A_444 = arith.andi %add3A, %and3A_443 : vector<8x32x128xi32>
    %ne3A_445 = arith.constant 0 : i32
    %ne3A_446 = vector.broadcast %ne3A_445 : i32 to vector<8x32x128xi32>
    %ne3A_447 = arith.cmpi ne, %and3A_444, %ne3A_446 : vector<8x32x128xi32>
    %select_n3A_448 = arith.select %ne3A_447, %roll3A_439, %roll3A_441 : vector<8x32x128xi1>, vector<8x32x128xi32>
    %gt3A_449 = arith.cmpf ogt, %select_n3A_425, %select_n3A_437 : vector<8x32x128xf32>
    %eq3A_450 = arith.cmpf oeq, %select_n3A_425, %select_n3A_437 : vector<8x32x128xf32>
    %lt3A_451 = arith.cmpi slt, %select_n3A_426, %select_n3A_448 : vector<8x32x128xi32>
    %and3A_452 = arith.andi %eq3A_450, %lt3A_451 : vector<8x32x128xi1>
    %or3A_453 = arith.ori %gt3A_449, %and3A_452 : vector<8x32x128xi1>
    %and3A_454 = arith.constant 16 : i32
    %and3A_455 = vector.broadcast %and3A_454 : i32 to vector<8x32x128xi32>
    %and3A_456 = arith.andi %add3A, %and3A_455 : vector<8x32x128xi32>
    %ne3A_457 = arith.constant 0 : i32
    %ne3A_458 = vector.broadcast %ne3A_457 : i32 to vector<8x32x128xi32>
    %ne3A_459 = arith.cmpi ne, %and3A_456, %ne3A_458 : vector<8x32x128xi32>
    %and3A_460 = arith.constant 32 : i32
    %and3A_461 = vector.broadcast %and3A_460 : i32 to vector<8x32x128xi32>
    %and3A_462 = arith.andi %add3A, %and3A_461 : vector<8x32x128xi32>
    %ne3A_463 = arith.constant 0 : i32
    %ne3A_464 = vector.broadcast %ne3A_463 : i32 to vector<8x32x128xi32>
    %ne3A_465 = arith.cmpi ne, %and3A_462, %ne3A_464 : vector<8x32x128xi32>
    %xor3A_466 = arith.xori %or3A_453, %ne3A_459 : vector<8x32x128xi1>
    %xor3A_467 = arith.xori %xor3A_466, %ne3A_465 : vector<8x32x128xi1>
    %select_n3A_468 = arith.select %xor3A_467, %select_n3A_425, %select_n3A_437 : vector<8x32x128xi1>, vector<8x32x128xf32>
    %select_n3A_469 = arith.select %xor3A_467, %select_n3A_426, %select_n3A_448 : vector<8x32x128xi1>, vector<8x32x128xi32>
    %roll3A_470 = arith.constant 8 : i32
    %roll3A_471 = tpu.dynamic_rotate %select_n3A_468 by %roll3A_470 dim 2 : vector<8x32x128xf32>, i32 -> vector<8x32x128xf32>
    %roll3A_472 = arith.constant 120 : i32
    %roll3A_473 = tpu.dynamic_rotate %select_n3A_468 by %roll3A_472 dim 2 : vector<8x32x128xf32>, i32 -> vector<8x32x128xf32>
    %and3A_474 = arith.constant 8 : i32
    %and3A_475 = vector.broadcast %and3A_474 : i32 to vector<8x32x128xi32>
    %and3A_476 = arith.andi %add3A, %and3A_475 : vector<8x32x128xi32>
    %ne3A_477 = arith.constant 0 : i32
    %ne3A_478 = vector.broadcast %ne3A_477 : i32 to vector<8x32x128xi32>
    %ne3A_479 = arith.cmpi ne, %and3A_476, %ne3A_478 : vector<8x32x128xi32>
    %select_n3A_480 = arith.select %ne3A_479, %roll3A_471, %roll3A_473 : vector<8x32x128xi1>, vector<8x32x128xf32>
    %roll3A_481 = arith.constant 8 : i32
    %roll3A_482 = tpu.dynamic_rotate %select_n3A_469 by %roll3A_481 dim 2 : vector<8x32x128xi32>, i32 -> vector<8x32x128xi32>
    %roll3A_483 = arith.constant 120 : i32
    %roll3A_484 = tpu.dynamic_rotate %select_n3A_469 by %roll3A_483 dim 2 : vector<8x32x128xi32>, i32 -> vector<8x32x128xi32>
    %and3A_485 = arith.constant 8 : i32
    %and3A_486 = vector.broadcast %and3A_485 : i32 to vector<8x32x128xi32>
    %and3A_487 = arith.andi %add3A, %and3A_486 : vector<8x32x128xi32>
    %ne3A_488 = arith.constant 0 : i32
    %ne3A_489 = vector.broadcast %ne3A_488 : i32 to vector<8x32x128xi32>
    %ne3A_490 = arith.cmpi ne, %and3A_487, %ne3A_489 : vector<8x32x128xi32>
    %select_n3A_491 = arith.select %ne3A_490, %roll3A_482, %roll3A_484 : vector<8x32x128xi1>, vector<8x32x128xi32>
    %gt3A_492 = arith.cmpf ogt, %select_n3A_468, %select_n3A_480 : vector<8x32x128xf32>
    %eq3A_493 = arith.cmpf oeq, %select_n3A_468, %select_n3A_480 : vector<8x32x128xf32>
    %lt3A_494 = arith.cmpi slt, %select_n3A_469, %select_n3A_491 : vector<8x32x128xi32>
    %and3A_495 = arith.andi %eq3A_493, %lt3A_494 : vector<8x32x128xi1>
    %or3A_496 = arith.ori %gt3A_492, %and3A_495 : vector<8x32x128xi1>
    %and3A_497 = arith.constant 8 : i32
    %and3A_498 = vector.broadcast %and3A_497 : i32 to vector<8x32x128xi32>
    %and3A_499 = arith.andi %add3A, %and3A_498 : vector<8x32x128xi32>
    %ne3A_500 = arith.constant 0 : i32
    %ne3A_501 = vector.broadcast %ne3A_500 : i32 to vector<8x32x128xi32>
    %ne3A_502 = arith.cmpi ne, %and3A_499, %ne3A_501 : vector<8x32x128xi32>
    %and3A_503 = arith.constant 32 : i32
    %and3A_504 = vector.broadcast %and3A_503 : i32 to vector<8x32x128xi32>
    %and3A_505 = arith.andi %add3A, %and3A_504 : vector<8x32x128xi32>
    %ne3A_506 = arith.constant 0 : i32
    %ne3A_507 = vector.broadcast %ne3A_506 : i32 to vector<8x32x128xi32>
    %ne3A_508 = arith.cmpi ne, %and3A_505, %ne3A_507 : vector<8x32x128xi32>
    %xor3A_509 = arith.xori %or3A_496, %ne3A_502 : vector<8x32x128xi1>
    %xor3A_510 = arith.xori %xor3A_509, %ne3A_508 : vector<8x32x128xi1>
    %select_n3A_511 = arith.select %xor3A_510, %select_n3A_468, %select_n3A_480 : vector<8x32x128xi1>, vector<8x32x128xf32>
    %select_n3A_512 = arith.select %xor3A_510, %select_n3A_469, %select_n3A_491 : vector<8x32x128xi1>, vector<8x32x128xi32>
    %roll3A_513 = arith.constant 4 : i32
    %roll3A_514 = tpu.dynamic_rotate %select_n3A_511 by %roll3A_513 dim 2 : vector<8x32x128xf32>, i32 -> vector<8x32x128xf32>
    %roll3A_515 = arith.constant 124 : i32
    %roll3A_516 = tpu.dynamic_rotate %select_n3A_511 by %roll3A_515 dim 2 : vector<8x32x128xf32>, i32 -> vector<8x32x128xf32>
    %and3A_517 = arith.constant 4 : i32
    %and3A_518 = vector.broadcast %and3A_517 : i32 to vector<8x32x128xi32>
    %and3A_519 = arith.andi %add3A, %and3A_518 : vector<8x32x128xi32>
    %ne3A_520 = arith.constant 0 : i32
    %ne3A_521 = vector.broadcast %ne3A_520 : i32 to vector<8x32x128xi32>
    %ne3A_522 = arith.cmpi ne, %and3A_519, %ne3A_521 : vector<8x32x128xi32>
    %select_n3A_523 = arith.select %ne3A_522, %roll3A_514, %roll3A_516 : vector<8x32x128xi1>, vector<8x32x128xf32>
    %roll3A_524 = arith.constant 4 : i32
    %roll3A_525 = tpu.dynamic_rotate %select_n3A_512 by %roll3A_524 dim 2 : vector<8x32x128xi32>, i32 -> vector<8x32x128xi32>
    %roll3A_526 = arith.constant 124 : i32
    %roll3A_527 = tpu.dynamic_rotate %select_n3A_512 by %roll3A_526 dim 2 : vector<8x32x128xi32>, i32 -> vector<8x32x128xi32>
    %and3A_528 = arith.constant 4 : i32
    %and3A_529 = vector.broadcast %and3A_528 : i32 to vector<8x32x128xi32>
    %and3A_530 = arith.andi %add3A, %and3A_529 : vector<8x32x128xi32>
    %ne3A_531 = arith.constant 0 : i32
    %ne3A_532 = vector.broadcast %ne3A_531 : i32 to vector<8x32x128xi32>
    %ne3A_533 = arith.cmpi ne, %and3A_530, %ne3A_532 : vector<8x32x128xi32>
    %select_n3A_534 = arith.select %ne3A_533, %roll3A_525, %roll3A_527 : vector<8x32x128xi1>, vector<8x32x128xi32>
    %gt3A_535 = arith.cmpf ogt, %select_n3A_511, %select_n3A_523 : vector<8x32x128xf32>
    %eq3A_536 = arith.cmpf oeq, %select_n3A_511, %select_n3A_523 : vector<8x32x128xf32>
    %lt3A_537 = arith.cmpi slt, %select_n3A_512, %select_n3A_534 : vector<8x32x128xi32>
    %and3A_538 = arith.andi %eq3A_536, %lt3A_537 : vector<8x32x128xi1>
    %or3A_539 = arith.ori %gt3A_535, %and3A_538 : vector<8x32x128xi1>
    %and3A_540 = arith.constant 4 : i32
    %and3A_541 = vector.broadcast %and3A_540 : i32 to vector<8x32x128xi32>
    %and3A_542 = arith.andi %add3A, %and3A_541 : vector<8x32x128xi32>
    %ne3A_543 = arith.constant 0 : i32
    %ne3A_544 = vector.broadcast %ne3A_543 : i32 to vector<8x32x128xi32>
    %ne3A_545 = arith.cmpi ne, %and3A_542, %ne3A_544 : vector<8x32x128xi32>
    %and3A_546 = arith.constant 32 : i32
    %and3A_547 = vector.broadcast %and3A_546 : i32 to vector<8x32x128xi32>
    %and3A_548 = arith.andi %add3A, %and3A_547 : vector<8x32x128xi32>
    %ne3A_549 = arith.constant 0 : i32
    %ne3A_550 = vector.broadcast %ne3A_549 : i32 to vector<8x32x128xi32>
    %ne3A_551 = arith.cmpi ne, %and3A_548, %ne3A_550 : vector<8x32x128xi32>
    %xor3A_552 = arith.xori %or3A_539, %ne3A_545 : vector<8x32x128xi1>
    %xor3A_553 = arith.xori %xor3A_552, %ne3A_551 : vector<8x32x128xi1>
    %select_n3A_554 = arith.select %xor3A_553, %select_n3A_511, %select_n3A_523 : vector<8x32x128xi1>, vector<8x32x128xf32>
    %select_n3A_555 = arith.select %xor3A_553, %select_n3A_512, %select_n3A_534 : vector<8x32x128xi1>, vector<8x32x128xi32>
    %roll3A_556 = arith.constant 2 : i32
    %roll3A_557 = tpu.dynamic_rotate %select_n3A_554 by %roll3A_556 dim 2 : vector<8x32x128xf32>, i32 -> vector<8x32x128xf32>
    %roll3A_558 = arith.constant 126 : i32
    %roll3A_559 = tpu.dynamic_rotate %select_n3A_554 by %roll3A_558 dim 2 : vector<8x32x128xf32>, i32 -> vector<8x32x128xf32>
    %and3A_560 = arith.constant 2 : i32
    %and3A_561 = vector.broadcast %and3A_560 : i32 to vector<8x32x128xi32>
    %and3A_562 = arith.andi %add3A, %and3A_561 : vector<8x32x128xi32>
    %ne3A_563 = arith.constant 0 : i32
    %ne3A_564 = vector.broadcast %ne3A_563 : i32 to vector<8x32x128xi32>
    %ne3A_565 = arith.cmpi ne, %and3A_562, %ne3A_564 : vector<8x32x128xi32>
    %select_n3A_566 = arith.select %ne3A_565, %roll3A_557, %roll3A_559 : vector<8x32x128xi1>, vector<8x32x128xf32>
    %roll3A_567 = arith.constant 2 : i32
    %roll3A_568 = tpu.dynamic_rotate %select_n3A_555 by %roll3A_567 dim 2 : vector<8x32x128xi32>, i32 -> vector<8x32x128xi32>
    %roll3A_569 = arith.constant 126 : i32
    %roll3A_570 = tpu.dynamic_rotate %select_n3A_555 by %roll3A_569 dim 2 : vector<8x32x128xi32>, i32 -> vector<8x32x128xi32>
    %and3A_571 = arith.constant 2 : i32
    %and3A_572 = vector.broadcast %and3A_571 : i32 to vector<8x32x128xi32>
    %and3A_573 = arith.andi %add3A, %and3A_572 : vector<8x32x128xi32>
    %ne3A_574 = arith.constant 0 : i32
    %ne3A_575 = vector.broadcast %ne3A_574 : i32 to vector<8x32x128xi32>
    %ne3A_576 = arith.cmpi ne, %and3A_573, %ne3A_575 : vector<8x32x128xi32>
    %select_n3A_577 = arith.select %ne3A_576, %roll3A_568, %roll3A_570 : vector<8x32x128xi1>, vector<8x32x128xi32>
    %gt3A_578 = arith.cmpf ogt, %select_n3A_554, %select_n3A_566 : vector<8x32x128xf32>
    %eq3A_579 = arith.cmpf oeq, %select_n3A_554, %select_n3A_566 : vector<8x32x128xf32>
    %lt3A_580 = arith.cmpi slt, %select_n3A_555, %select_n3A_577 : vector<8x32x128xi32>
    %and3A_581 = arith.andi %eq3A_579, %lt3A_580 : vector<8x32x128xi1>
    %or3A_582 = arith.ori %gt3A_578, %and3A_581 : vector<8x32x128xi1>
    %and3A_583 = arith.constant 2 : i32
    %and3A_584 = vector.broadcast %and3A_583 : i32 to vector<8x32x128xi32>
    %and3A_585 = arith.andi %add3A, %and3A_584 : vector<8x32x128xi32>
    %ne3A_586 = arith.constant 0 : i32
    %ne3A_587 = vector.broadcast %ne3A_586 : i32 to vector<8x32x128xi32>
    %ne3A_588 = arith.cmpi ne, %and3A_585, %ne3A_587 : vector<8x32x128xi32>
    %and3A_589 = arith.constant 32 : i32
    %and3A_590 = vector.broadcast %and3A_589 : i32 to vector<8x32x128xi32>
    %and3A_591 = arith.andi %add3A, %and3A_590 : vector<8x32x128xi32>
    %ne3A_592 = arith.constant 0 : i32
    %ne3A_593 = vector.broadcast %ne3A_592 : i32 to vector<8x32x128xi32>
    %ne3A_594 = arith.cmpi ne, %and3A_591, %ne3A_593 : vector<8x32x128xi32>
    %xor3A_595 = arith.xori %or3A_582, %ne3A_588 : vector<8x32x128xi1>
    %xor3A_596 = arith.xori %xor3A_595, %ne3A_594 : vector<8x32x128xi1>
    %select_n3A_597 = arith.select %xor3A_596, %select_n3A_554, %select_n3A_566 : vector<8x32x128xi1>, vector<8x32x128xf32>
    %select_n3A_598 = arith.select %xor3A_596, %select_n3A_555, %select_n3A_577 : vector<8x32x128xi1>, vector<8x32x128xi32>
    %roll3A_599 = arith.constant 1 : i32
    %roll3A_600 = tpu.dynamic_rotate %select_n3A_597 by %roll3A_599 dim 2 : vector<8x32x128xf32>, i32 -> vector<8x32x128xf32>
    %roll3A_601 = arith.constant 127 : i32
    %roll3A_602 = tpu.dynamic_rotate %select_n3A_597 by %roll3A_601 dim 2 : vector<8x32x128xf32>, i32 -> vector<8x32x128xf32>
    %and3A_603 = arith.constant 1 : i32
    %and3A_604 = vector.broadcast %and3A_603 : i32 to vector<8x32x128xi32>
    %and3A_605 = arith.andi %add3A, %and3A_604 : vector<8x32x128xi32>
    %ne3A_606 = arith.constant 0 : i32
    %ne3A_607 = vector.broadcast %ne3A_606 : i32 to vector<8x32x128xi32>
    %ne3A_608 = arith.cmpi ne, %and3A_605, %ne3A_607 : vector<8x32x128xi32>
    %select_n3A_609 = arith.select %ne3A_608, %roll3A_600, %roll3A_602 : vector<8x32x128xi1>, vector<8x32x128xf32>
    %roll3A_610 = arith.constant 1 : i32
    %roll3A_611 = tpu.dynamic_rotate %select_n3A_598 by %roll3A_610 dim 2 : vector<8x32x128xi32>, i32 -> vector<8x32x128xi32>
    %roll3A_612 = arith.constant 127 : i32
    %roll3A_613 = tpu.dynamic_rotate %select_n3A_598 by %roll3A_612 dim 2 : vector<8x32x128xi32>, i32 -> vector<8x32x128xi32>
    %and3A_614 = arith.constant 1 : i32
    %and3A_615 = vector.broadcast %and3A_614 : i32 to vector<8x32x128xi32>
    %and3A_616 = arith.andi %add3A, %and3A_615 : vector<8x32x128xi32>
    %ne3A_617 = arith.constant 0 : i32
    %ne3A_618 = vector.broadcast %ne3A_617 : i32 to vector<8x32x128xi32>
    %ne3A_619 = arith.cmpi ne, %and3A_616, %ne3A_618 : vector<8x32x128xi32>
    %select_n3A_620 = arith.select %ne3A_619, %roll3A_611, %roll3A_613 : vector<8x32x128xi1>, vector<8x32x128xi32>
    %gt3A_621 = arith.cmpf ogt, %select_n3A_597, %select_n3A_609 : vector<8x32x128xf32>
    %eq3A_622 = arith.cmpf oeq, %select_n3A_597, %select_n3A_609 : vector<8x32x128xf32>
    %lt3A_623 = arith.cmpi slt, %select_n3A_598, %select_n3A_620 : vector<8x32x128xi32>
    %and3A_624 = arith.andi %eq3A_622, %lt3A_623 : vector<8x32x128xi1>
    %or3A_625 = arith.ori %gt3A_621, %and3A_624 : vector<8x32x128xi1>
    %and3A_626 = arith.constant 1 : i32
    %and3A_627 = vector.broadcast %and3A_626 : i32 to vector<8x32x128xi32>
    %and3A_628 = arith.andi %add3A, %and3A_627 : vector<8x32x128xi32>
    %ne3A_629 = arith.constant 0 : i32
    %ne3A_630 = vector.broadcast %ne3A_629 : i32 to vector<8x32x128xi32>
    %ne3A_631 = arith.cmpi ne, %and3A_628, %ne3A_630 : vector<8x32x128xi32>
    %and3A_632 = arith.constant 32 : i32
    %and3A_633 = vector.broadcast %and3A_632 : i32 to vector<8x32x128xi32>
    %and3A_634 = arith.andi %add3A, %and3A_633 : vector<8x32x128xi32>
    %ne3A_635 = arith.constant 0 : i32
    %ne3A_636 = vector.broadcast %ne3A_635 : i32 to vector<8x32x128xi32>
    %ne3A_637 = arith.cmpi ne, %and3A_634, %ne3A_636 : vector<8x32x128xi32>
    %xor3A_638 = arith.xori %or3A_625, %ne3A_631 : vector<8x32x128xi1>
    %xor3A_639 = arith.xori %xor3A_638, %ne3A_637 : vector<8x32x128xi1>
    %select_n3A_640 = arith.select %xor3A_639, %select_n3A_597, %select_n3A_609 : vector<8x32x128xi1>, vector<8x32x128xf32>
    %select_n3A_641 = arith.select %xor3A_639, %select_n3A_598, %select_n3A_620 : vector<8x32x128xi1>, vector<8x32x128xi32>
    %roll3A_642 = arith.constant 32 : i32
    %roll3A_643 = tpu.dynamic_rotate %select_n3A_640 by %roll3A_642 dim 2 : vector<8x32x128xf32>, i32 -> vector<8x32x128xf32>
    %roll3A_644 = arith.constant 96 : i32
    %roll3A_645 = tpu.dynamic_rotate %select_n3A_640 by %roll3A_644 dim 2 : vector<8x32x128xf32>, i32 -> vector<8x32x128xf32>
    %and3A_646 = arith.constant 32 : i32
    %and3A_647 = vector.broadcast %and3A_646 : i32 to vector<8x32x128xi32>
    %and3A_648 = arith.andi %add3A, %and3A_647 : vector<8x32x128xi32>
    %ne3A_649 = arith.constant 0 : i32
    %ne3A_650 = vector.broadcast %ne3A_649 : i32 to vector<8x32x128xi32>
    %ne3A_651 = arith.cmpi ne, %and3A_648, %ne3A_650 : vector<8x32x128xi32>
    %select_n3A_652 = arith.select %ne3A_651, %roll3A_643, %roll3A_645 : vector<8x32x128xi1>, vector<8x32x128xf32>
    %roll3A_653 = arith.constant 32 : i32
    %roll3A_654 = tpu.dynamic_rotate %select_n3A_641 by %roll3A_653 dim 2 : vector<8x32x128xi32>, i32 -> vector<8x32x128xi32>
    %roll3A_655 = arith.constant 96 : i32
    %roll3A_656 = tpu.dynamic_rotate %select_n3A_641 by %roll3A_655 dim 2 : vector<8x32x128xi32>, i32 -> vector<8x32x128xi32>
    %and3A_657 = arith.constant 32 : i32
    %and3A_658 = vector.broadcast %and3A_657 : i32 to vector<8x32x128xi32>
    %and3A_659 = arith.andi %add3A, %and3A_658 : vector<8x32x128xi32>
    %ne3A_660 = arith.constant 0 : i32
    %ne3A_661 = vector.broadcast %ne3A_660 : i32 to vector<8x32x128xi32>
    %ne3A_662 = arith.cmpi ne, %and3A_659, %ne3A_661 : vector<8x32x128xi32>
    %select_n3A_663 = arith.select %ne3A_662, %roll3A_654, %roll3A_656 : vector<8x32x128xi1>, vector<8x32x128xi32>
    %gt3A_664 = arith.cmpf ogt, %select_n3A_640, %select_n3A_652 : vector<8x32x128xf32>
    %eq3A_665 = arith.cmpf oeq, %select_n3A_640, %select_n3A_652 : vector<8x32x128xf32>
    %lt3A_666 = arith.cmpi slt, %select_n3A_641, %select_n3A_663 : vector<8x32x128xi32>
    %and3A_667 = arith.andi %eq3A_665, %lt3A_666 : vector<8x32x128xi1>
    %or3A_668 = arith.ori %gt3A_664, %and3A_667 : vector<8x32x128xi1>
    %and3A_669 = arith.constant 32 : i32
    %and3A_670 = vector.broadcast %and3A_669 : i32 to vector<8x32x128xi32>
    %and3A_671 = arith.andi %add3A, %and3A_670 : vector<8x32x128xi32>
    %ne3A_672 = arith.constant 0 : i32
    %ne3A_673 = vector.broadcast %ne3A_672 : i32 to vector<8x32x128xi32>
    %ne3A_674 = arith.cmpi ne, %and3A_671, %ne3A_673 : vector<8x32x128xi32>
    %and3A_675 = arith.constant 64 : i32
    %and3A_676 = vector.broadcast %and3A_675 : i32 to vector<8x32x128xi32>
    %and3A_677 = arith.andi %add3A, %and3A_676 : vector<8x32x128xi32>
    %ne3A_678 = arith.constant 0 : i32
    %ne3A_679 = vector.broadcast %ne3A_678 : i32 to vector<8x32x128xi32>
    %ne3A_680 = arith.cmpi ne, %and3A_677, %ne3A_679 : vector<8x32x128xi32>
    %xor3A_681 = arith.xori %or3A_668, %ne3A_674 : vector<8x32x128xi1>
    %xor3A_682 = arith.xori %xor3A_681, %ne3A_680 : vector<8x32x128xi1>
    %select_n3A_683 = arith.select %xor3A_682, %select_n3A_640, %select_n3A_652 : vector<8x32x128xi1>, vector<8x32x128xf32>
    %select_n3A_684 = arith.select %xor3A_682, %select_n3A_641, %select_n3A_663 : vector<8x32x128xi1>, vector<8x32x128xi32>
    %roll3A_685 = arith.constant 16 : i32
    %roll3A_686 = tpu.dynamic_rotate %select_n3A_683 by %roll3A_685 dim 2 : vector<8x32x128xf32>, i32 -> vector<8x32x128xf32>
    %roll3A_687 = arith.constant 112 : i32
    %roll3A_688 = tpu.dynamic_rotate %select_n3A_683 by %roll3A_687 dim 2 : vector<8x32x128xf32>, i32 -> vector<8x32x128xf32>
    %and3A_689 = arith.constant 16 : i32
    %and3A_690 = vector.broadcast %and3A_689 : i32 to vector<8x32x128xi32>
    %and3A_691 = arith.andi %add3A, %and3A_690 : vector<8x32x128xi32>
    %ne3A_692 = arith.constant 0 : i32
    %ne3A_693 = vector.broadcast %ne3A_692 : i32 to vector<8x32x128xi32>
    %ne3A_694 = arith.cmpi ne, %and3A_691, %ne3A_693 : vector<8x32x128xi32>
    %select_n3A_695 = arith.select %ne3A_694, %roll3A_686, %roll3A_688 : vector<8x32x128xi1>, vector<8x32x128xf32>
    %roll3A_696 = arith.constant 16 : i32
    %roll3A_697 = tpu.dynamic_rotate %select_n3A_684 by %roll3A_696 dim 2 : vector<8x32x128xi32>, i32 -> vector<8x32x128xi32>
    %roll3A_698 = arith.constant 112 : i32
    %roll3A_699 = tpu.dynamic_rotate %select_n3A_684 by %roll3A_698 dim 2 : vector<8x32x128xi32>, i32 -> vector<8x32x128xi32>
    %and3A_700 = arith.constant 16 : i32
    %and3A_701 = vector.broadcast %and3A_700 : i32 to vector<8x32x128xi32>
    %and3A_702 = arith.andi %add3A, %and3A_701 : vector<8x32x128xi32>
    %ne3A_703 = arith.constant 0 : i32
    %ne3A_704 = vector.broadcast %ne3A_703 : i32 to vector<8x32x128xi32>
    %ne3A_705 = arith.cmpi ne, %and3A_702, %ne3A_704 : vector<8x32x128xi32>
    %select_n3A_706 = arith.select %ne3A_705, %roll3A_697, %roll3A_699 : vector<8x32x128xi1>, vector<8x32x128xi32>
    %gt3A_707 = arith.cmpf ogt, %select_n3A_683, %select_n3A_695 : vector<8x32x128xf32>
    %eq3A_708 = arith.cmpf oeq, %select_n3A_683, %select_n3A_695 : vector<8x32x128xf32>
    %lt3A_709 = arith.cmpi slt, %select_n3A_684, %select_n3A_706 : vector<8x32x128xi32>
    %and3A_710 = arith.andi %eq3A_708, %lt3A_709 : vector<8x32x128xi1>
    %or3A_711 = arith.ori %gt3A_707, %and3A_710 : vector<8x32x128xi1>
    %and3A_712 = arith.constant 16 : i32
    %and3A_713 = vector.broadcast %and3A_712 : i32 to vector<8x32x128xi32>
    %and3A_714 = arith.andi %add3A, %and3A_713 : vector<8x32x128xi32>
    %ne3A_715 = arith.constant 0 : i32
    %ne3A_716 = vector.broadcast %ne3A_715 : i32 to vector<8x32x128xi32>
    %ne3A_717 = arith.cmpi ne, %and3A_714, %ne3A_716 : vector<8x32x128xi32>
    %and3A_718 = arith.constant 64 : i32
    %and3A_719 = vector.broadcast %and3A_718 : i32 to vector<8x32x128xi32>
    %and3A_720 = arith.andi %add3A, %and3A_719 : vector<8x32x128xi32>
    %ne3A_721 = arith.constant 0 : i32
    %ne3A_722 = vector.broadcast %ne3A_721 : i32 to vector<8x32x128xi32>
    %ne3A_723 = arith.cmpi ne, %and3A_720, %ne3A_722 : vector<8x32x128xi32>
    %xor3A_724 = arith.xori %or3A_711, %ne3A_717 : vector<8x32x128xi1>
    %xor3A_725 = arith.xori %xor3A_724, %ne3A_723 : vector<8x32x128xi1>
    %select_n3A_726 = arith.select %xor3A_725, %select_n3A_683, %select_n3A_695 : vector<8x32x128xi1>, vector<8x32x128xf32>
    %select_n3A_727 = arith.select %xor3A_725, %select_n3A_684, %select_n3A_706 : vector<8x32x128xi1>, vector<8x32x128xi32>
    %roll3A_728 = arith.constant 8 : i32
    %roll3A_729 = tpu.dynamic_rotate %select_n3A_726 by %roll3A_728 dim 2 : vector<8x32x128xf32>, i32 -> vector<8x32x128xf32>
    %roll3A_730 = arith.constant 120 : i32
    %roll3A_731 = tpu.dynamic_rotate %select_n3A_726 by %roll3A_730 dim 2 : vector<8x32x128xf32>, i32 -> vector<8x32x128xf32>
    %and3A_732 = arith.constant 8 : i32
    %and3A_733 = vector.broadcast %and3A_732 : i32 to vector<8x32x128xi32>
    %and3A_734 = arith.andi %add3A, %and3A_733 : vector<8x32x128xi32>
    %ne3A_735 = arith.constant 0 : i32
    %ne3A_736 = vector.broadcast %ne3A_735 : i32 to vector<8x32x128xi32>
    %ne3A_737 = arith.cmpi ne, %and3A_734, %ne3A_736 : vector<8x32x128xi32>
    %select_n3A_738 = arith.select %ne3A_737, %roll3A_729, %roll3A_731 : vector<8x32x128xi1>, vector<8x32x128xf32>
    %roll3A_739 = arith.constant 8 : i32
    %roll3A_740 = tpu.dynamic_rotate %select_n3A_727 by %roll3A_739 dim 2 : vector<8x32x128xi32>, i32 -> vector<8x32x128xi32>
    %roll3A_741 = arith.constant 120 : i32
    %roll3A_742 = tpu.dynamic_rotate %select_n3A_727 by %roll3A_741 dim 2 : vector<8x32x128xi32>, i32 -> vector<8x32x128xi32>
    %and3A_743 = arith.constant 8 : i32
    %and3A_744 = vector.broadcast %and3A_743 : i32 to vector<8x32x128xi32>
    %and3A_745 = arith.andi %add3A, %and3A_744 : vector<8x32x128xi32>
    %ne3A_746 = arith.constant 0 : i32
    %ne3A_747 = vector.broadcast %ne3A_746 : i32 to vector<8x32x128xi32>
    %ne3A_748 = arith.cmpi ne, %and3A_745, %ne3A_747 : vector<8x32x128xi32>
    %select_n3A_749 = arith.select %ne3A_748, %roll3A_740, %roll3A_742 : vector<8x32x128xi1>, vector<8x32x128xi32>
    %gt3A_750 = arith.cmpf ogt, %select_n3A_726, %select_n3A_738 : vector<8x32x128xf32>
    %eq3A_751 = arith.cmpf oeq, %select_n3A_726, %select_n3A_738 : vector<8x32x128xf32>
    %lt3A_752 = arith.cmpi slt, %select_n3A_727, %select_n3A_749 : vector<8x32x128xi32>
    %and3A_753 = arith.andi %eq3A_751, %lt3A_752 : vector<8x32x128xi1>
    %or3A_754 = arith.ori %gt3A_750, %and3A_753 : vector<8x32x128xi1>
    %and3A_755 = arith.constant 8 : i32
    %and3A_756 = vector.broadcast %and3A_755 : i32 to vector<8x32x128xi32>
    %and3A_757 = arith.andi %add3A, %and3A_756 : vector<8x32x128xi32>
    %ne3A_758 = arith.constant 0 : i32
    %ne3A_759 = vector.broadcast %ne3A_758 : i32 to vector<8x32x128xi32>
    %ne3A_760 = arith.cmpi ne, %and3A_757, %ne3A_759 : vector<8x32x128xi32>
    %and3A_761 = arith.constant 64 : i32
    %and3A_762 = vector.broadcast %and3A_761 : i32 to vector<8x32x128xi32>
    %and3A_763 = arith.andi %add3A, %and3A_762 : vector<8x32x128xi32>
    %ne3A_764 = arith.constant 0 : i32
    %ne3A_765 = vector.broadcast %ne3A_764 : i32 to vector<8x32x128xi32>
    %ne3A_766 = arith.cmpi ne, %and3A_763, %ne3A_765 : vector<8x32x128xi32>
    %xor3A_767 = arith.xori %or3A_754, %ne3A_760 : vector<8x32x128xi1>
    %xor3A_768 = arith.xori %xor3A_767, %ne3A_766 : vector<8x32x128xi1>
    %select_n3A_769 = arith.select %xor3A_768, %select_n3A_726, %select_n3A_738 : vector<8x32x128xi1>, vector<8x32x128xf32>
    %select_n3A_770 = arith.select %xor3A_768, %select_n3A_727, %select_n3A_749 : vector<8x32x128xi1>, vector<8x32x128xi32>
    %roll3A_771 = arith.constant 4 : i32
    %roll3A_772 = tpu.dynamic_rotate %select_n3A_769 by %roll3A_771 dim 2 : vector<8x32x128xf32>, i32 -> vector<8x32x128xf32>
    %roll3A_773 = arith.constant 124 : i32
    %roll3A_774 = tpu.dynamic_rotate %select_n3A_769 by %roll3A_773 dim 2 : vector<8x32x128xf32>, i32 -> vector<8x32x128xf32>
    %and3A_775 = arith.constant 4 : i32
    %and3A_776 = vector.broadcast %and3A_775 : i32 to vector<8x32x128xi32>
    %and3A_777 = arith.andi %add3A, %and3A_776 : vector<8x32x128xi32>
    %ne3A_778 = arith.constant 0 : i32
    %ne3A_779 = vector.broadcast %ne3A_778 : i32 to vector<8x32x128xi32>
    %ne3A_780 = arith.cmpi ne, %and3A_777, %ne3A_779 : vector<8x32x128xi32>
    %select_n3A_781 = arith.select %ne3A_780, %roll3A_772, %roll3A_774 : vector<8x32x128xi1>, vector<8x32x128xf32>
    %roll3A_782 = arith.constant 4 : i32
    %roll3A_783 = tpu.dynamic_rotate %select_n3A_770 by %roll3A_782 dim 2 : vector<8x32x128xi32>, i32 -> vector<8x32x128xi32>
    %roll3A_784 = arith.constant 124 : i32
    %roll3A_785 = tpu.dynamic_rotate %select_n3A_770 by %roll3A_784 dim 2 : vector<8x32x128xi32>, i32 -> vector<8x32x128xi32>
    %and3A_786 = arith.constant 4 : i32
    %and3A_787 = vector.broadcast %and3A_786 : i32 to vector<8x32x128xi32>
    %and3A_788 = arith.andi %add3A, %and3A_787 : vector<8x32x128xi32>
    %ne3A_789 = arith.constant 0 : i32
    %ne3A_790 = vector.broadcast %ne3A_789 : i32 to vector<8x32x128xi32>
    %ne3A_791 = arith.cmpi ne, %and3A_788, %ne3A_790 : vector<8x32x128xi32>
    %select_n3A_792 = arith.select %ne3A_791, %roll3A_783, %roll3A_785 : vector<8x32x128xi1>, vector<8x32x128xi32>
    %gt3A_793 = arith.cmpf ogt, %select_n3A_769, %select_n3A_781 : vector<8x32x128xf32>
    %eq3A_794 = arith.cmpf oeq, %select_n3A_769, %select_n3A_781 : vector<8x32x128xf32>
    %lt3A_795 = arith.cmpi slt, %select_n3A_770, %select_n3A_792 : vector<8x32x128xi32>
    %and3A_796 = arith.andi %eq3A_794, %lt3A_795 : vector<8x32x128xi1>
    %or3A_797 = arith.ori %gt3A_793, %and3A_796 : vector<8x32x128xi1>
    %and3A_798 = arith.constant 4 : i32
    %and3A_799 = vector.broadcast %and3A_798 : i32 to vector<8x32x128xi32>
    %and3A_800 = arith.andi %add3A, %and3A_799 : vector<8x32x128xi32>
    %ne3A_801 = arith.constant 0 : i32
    %ne3A_802 = vector.broadcast %ne3A_801 : i32 to vector<8x32x128xi32>
    %ne3A_803 = arith.cmpi ne, %and3A_800, %ne3A_802 : vector<8x32x128xi32>
    %and3A_804 = arith.constant 64 : i32
    %and3A_805 = vector.broadcast %and3A_804 : i32 to vector<8x32x128xi32>
    %and3A_806 = arith.andi %add3A, %and3A_805 : vector<8x32x128xi32>
    %ne3A_807 = arith.constant 0 : i32
    %ne3A_808 = vector.broadcast %ne3A_807 : i32 to vector<8x32x128xi32>
    %ne3A_809 = arith.cmpi ne, %and3A_806, %ne3A_808 : vector<8x32x128xi32>
    %xor3A_810 = arith.xori %or3A_797, %ne3A_803 : vector<8x32x128xi1>
    %xor3A_811 = arith.xori %xor3A_810, %ne3A_809 : vector<8x32x128xi1>
    %select_n3A_812 = arith.select %xor3A_811, %select_n3A_769, %select_n3A_781 : vector<8x32x128xi1>, vector<8x32x128xf32>
    %select_n3A_813 = arith.select %xor3A_811, %select_n3A_770, %select_n3A_792 : vector<8x32x128xi1>, vector<8x32x128xi32>
    %roll3A_814 = arith.constant 2 : i32
    %roll3A_815 = tpu.dynamic_rotate %select_n3A_812 by %roll3A_814 dim 2 : vector<8x32x128xf32>, i32 -> vector<8x32x128xf32>
    %roll3A_816 = arith.constant 126 : i32
    %roll3A_817 = tpu.dynamic_rotate %select_n3A_812 by %roll3A_816 dim 2 : vector<8x32x128xf32>, i32 -> vector<8x32x128xf32>
    %and3A_818 = arith.constant 2 : i32
    %and3A_819 = vector.broadcast %and3A_818 : i32 to vector<8x32x128xi32>
    %and3A_820 = arith.andi %add3A, %and3A_819 : vector<8x32x128xi32>
    %ne3A_821 = arith.constant 0 : i32
    %ne3A_822 = vector.broadcast %ne3A_821 : i32 to vector<8x32x128xi32>
    %ne3A_823 = arith.cmpi ne, %and3A_820, %ne3A_822 : vector<8x32x128xi32>
    %select_n3A_824 = arith.select %ne3A_823, %roll3A_815, %roll3A_817 : vector<8x32x128xi1>, vector<8x32x128xf32>
    %roll3A_825 = arith.constant 2 : i32
    %roll3A_826 = tpu.dynamic_rotate %select_n3A_813 by %roll3A_825 dim 2 : vector<8x32x128xi32>, i32 -> vector<8x32x128xi32>
    %roll3A_827 = arith.constant 126 : i32
    %roll3A_828 = tpu.dynamic_rotate %select_n3A_813 by %roll3A_827 dim 2 : vector<8x32x128xi32>, i32 -> vector<8x32x128xi32>
    %and3A_829 = arith.constant 2 : i32
    %and3A_830 = vector.broadcast %and3A_829 : i32 to vector<8x32x128xi32>
    %and3A_831 = arith.andi %add3A, %and3A_830 : vector<8x32x128xi32>
    %ne3A_832 = arith.constant 0 : i32
    %ne3A_833 = vector.broadcast %ne3A_832 : i32 to vector<8x32x128xi32>
    %ne3A_834 = arith.cmpi ne, %and3A_831, %ne3A_833 : vector<8x32x128xi32>
    %select_n3A_835 = arith.select %ne3A_834, %roll3A_826, %roll3A_828 : vector<8x32x128xi1>, vector<8x32x128xi32>
    %gt3A_836 = arith.cmpf ogt, %select_n3A_812, %select_n3A_824 : vector<8x32x128xf32>
    %eq3A_837 = arith.cmpf oeq, %select_n3A_812, %select_n3A_824 : vector<8x32x128xf32>
    %lt3A_838 = arith.cmpi slt, %select_n3A_813, %select_n3A_835 : vector<8x32x128xi32>
    %and3A_839 = arith.andi %eq3A_837, %lt3A_838 : vector<8x32x128xi1>
    %or3A_840 = arith.ori %gt3A_836, %and3A_839 : vector<8x32x128xi1>
    %and3A_841 = arith.constant 2 : i32
    %and3A_842 = vector.broadcast %and3A_841 : i32 to vector<8x32x128xi32>
    %and3A_843 = arith.andi %add3A, %and3A_842 : vector<8x32x128xi32>
    %ne3A_844 = arith.constant 0 : i32
    %ne3A_845 = vector.broadcast %ne3A_844 : i32 to vector<8x32x128xi32>
    %ne3A_846 = arith.cmpi ne, %and3A_843, %ne3A_845 : vector<8x32x128xi32>
    %and3A_847 = arith.constant 64 : i32
    %and3A_848 = vector.broadcast %and3A_847 : i32 to vector<8x32x128xi32>
    %and3A_849 = arith.andi %add3A, %and3A_848 : vector<8x32x128xi32>
    %ne3A_850 = arith.constant 0 : i32
    %ne3A_851 = vector.broadcast %ne3A_850 : i32 to vector<8x32x128xi32>
    %ne3A_852 = arith.cmpi ne, %and3A_849, %ne3A_851 : vector<8x32x128xi32>
    %xor3A_853 = arith.xori %or3A_840, %ne3A_846 : vector<8x32x128xi1>
    %xor3A_854 = arith.xori %xor3A_853, %ne3A_852 : vector<8x32x128xi1>
    %select_n3A_855 = arith.select %xor3A_854, %select_n3A_812, %select_n3A_824 : vector<8x32x128xi1>, vector<8x32x128xf32>
    %select_n3A_856 = arith.select %xor3A_854, %select_n3A_813, %select_n3A_835 : vector<8x32x128xi1>, vector<8x32x128xi32>
    %roll3A_857 = arith.constant 1 : i32
    %roll3A_858 = tpu.dynamic_rotate %select_n3A_855 by %roll3A_857 dim 2 : vector<8x32x128xf32>, i32 -> vector<8x32x128xf32>
    %roll3A_859 = arith.constant 127 : i32
    %roll3A_860 = tpu.dynamic_rotate %select_n3A_855 by %roll3A_859 dim 2 : vector<8x32x128xf32>, i32 -> vector<8x32x128xf32>
    %and3A_861 = arith.constant 1 : i32
    %and3A_862 = vector.broadcast %and3A_861 : i32 to vector<8x32x128xi32>
    %and3A_863 = arith.andi %add3A, %and3A_862 : vector<8x32x128xi32>
    %ne3A_864 = arith.constant 0 : i32
    %ne3A_865 = vector.broadcast %ne3A_864 : i32 to vector<8x32x128xi32>
    %ne3A_866 = arith.cmpi ne, %and3A_863, %ne3A_865 : vector<8x32x128xi32>
    %select_n3A_867 = arith.select %ne3A_866, %roll3A_858, %roll3A_860 : vector<8x32x128xi1>, vector<8x32x128xf32>
    %roll3A_868 = arith.constant 1 : i32
    %roll3A_869 = tpu.dynamic_rotate %select_n3A_856 by %roll3A_868 dim 2 : vector<8x32x128xi32>, i32 -> vector<8x32x128xi32>
    %roll3A_870 = arith.constant 127 : i32
    %roll3A_871 = tpu.dynamic_rotate %select_n3A_856 by %roll3A_870 dim 2 : vector<8x32x128xi32>, i32 -> vector<8x32x128xi32>
    %and3A_872 = arith.constant 1 : i32
    %and3A_873 = vector.broadcast %and3A_872 : i32 to vector<8x32x128xi32>
    %and3A_874 = arith.andi %add3A, %and3A_873 : vector<8x32x128xi32>
    %ne3A_875 = arith.constant 0 : i32
    %ne3A_876 = vector.broadcast %ne3A_875 : i32 to vector<8x32x128xi32>
    %ne3A_877 = arith.cmpi ne, %and3A_874, %ne3A_876 : vector<8x32x128xi32>
    %select_n3A_878 = arith.select %ne3A_877, %roll3A_869, %roll3A_871 : vector<8x32x128xi1>, vector<8x32x128xi32>
    %gt3A_879 = arith.cmpf ogt, %select_n3A_855, %select_n3A_867 : vector<8x32x128xf32>
    %eq3A_880 = arith.cmpf oeq, %select_n3A_855, %select_n3A_867 : vector<8x32x128xf32>
    %lt3A_881 = arith.cmpi slt, %select_n3A_856, %select_n3A_878 : vector<8x32x128xi32>
    %and3A_882 = arith.andi %eq3A_880, %lt3A_881 : vector<8x32x128xi1>
    %or3A_883 = arith.ori %gt3A_879, %and3A_882 : vector<8x32x128xi1>
    %and3A_884 = arith.constant 1 : i32
    %and3A_885 = vector.broadcast %and3A_884 : i32 to vector<8x32x128xi32>
    %and3A_886 = arith.andi %add3A, %and3A_885 : vector<8x32x128xi32>
    %ne3A_887 = arith.constant 0 : i32
    %ne3A_888 = vector.broadcast %ne3A_887 : i32 to vector<8x32x128xi32>
    %ne3A_889 = arith.cmpi ne, %and3A_886, %ne3A_888 : vector<8x32x128xi32>
    %and3A_890 = arith.constant 64 : i32
    %and3A_891 = vector.broadcast %and3A_890 : i32 to vector<8x32x128xi32>
    %and3A_892 = arith.andi %add3A, %and3A_891 : vector<8x32x128xi32>
    %ne3A_893 = arith.constant 0 : i32
    %ne3A_894 = vector.broadcast %ne3A_893 : i32 to vector<8x32x128xi32>
    %ne3A_895 = arith.cmpi ne, %and3A_892, %ne3A_894 : vector<8x32x128xi32>
    %xor3A_896 = arith.xori %or3A_883, %ne3A_889 : vector<8x32x128xi1>
    %xor3A_897 = arith.xori %xor3A_896, %ne3A_895 : vector<8x32x128xi1>
    %select_n3A_898 = arith.select %xor3A_897, %select_n3A_855, %select_n3A_867 : vector<8x32x128xi1>, vector<8x32x128xf32>
    %select_n3A_899 = arith.select %xor3A_897, %select_n3A_856, %select_n3A_878 : vector<8x32x128xi1>, vector<8x32x128xi32>
    %roll3A_900 = arith.constant 64 : i32
    %roll3A_901 = tpu.dynamic_rotate %select_n3A_898 by %roll3A_900 dim 2 : vector<8x32x128xf32>, i32 -> vector<8x32x128xf32>
    %roll3A_902 = arith.constant 64 : i32
    %roll3A_903 = tpu.dynamic_rotate %select_n3A_898 by %roll3A_902 dim 2 : vector<8x32x128xf32>, i32 -> vector<8x32x128xf32>
    %and3A_904 = arith.constant 64 : i32
    %and3A_905 = vector.broadcast %and3A_904 : i32 to vector<8x32x128xi32>
    %and3A_906 = arith.andi %add3A, %and3A_905 : vector<8x32x128xi32>
    %ne3A_907 = arith.constant 0 : i32
    %ne3A_908 = vector.broadcast %ne3A_907 : i32 to vector<8x32x128xi32>
    %ne3A_909 = arith.cmpi ne, %and3A_906, %ne3A_908 : vector<8x32x128xi32>
    %select_n3A_910 = arith.select %ne3A_909, %roll3A_901, %roll3A_903 : vector<8x32x128xi1>, vector<8x32x128xf32>
    %roll3A_911 = arith.constant 64 : i32
    %roll3A_912 = tpu.dynamic_rotate %select_n3A_899 by %roll3A_911 dim 2 : vector<8x32x128xi32>, i32 -> vector<8x32x128xi32>
    %roll3A_913 = arith.constant 64 : i32
    %roll3A_914 = tpu.dynamic_rotate %select_n3A_899 by %roll3A_913 dim 2 : vector<8x32x128xi32>, i32 -> vector<8x32x128xi32>
    %and3A_915 = arith.constant 64 : i32
    %and3A_916 = vector.broadcast %and3A_915 : i32 to vector<8x32x128xi32>
    %and3A_917 = arith.andi %add3A, %and3A_916 : vector<8x32x128xi32>
    %ne3A_918 = arith.constant 0 : i32
    %ne3A_919 = vector.broadcast %ne3A_918 : i32 to vector<8x32x128xi32>
    %ne3A_920 = arith.cmpi ne, %and3A_917, %ne3A_919 : vector<8x32x128xi32>
    %select_n3A_921 = arith.select %ne3A_920, %roll3A_912, %roll3A_914 : vector<8x32x128xi1>, vector<8x32x128xi32>
    %gt3A_922 = arith.cmpf ogt, %select_n3A_898, %select_n3A_910 : vector<8x32x128xf32>
    %eq3A_923 = arith.cmpf oeq, %select_n3A_898, %select_n3A_910 : vector<8x32x128xf32>
    %lt3A_924 = arith.cmpi slt, %select_n3A_899, %select_n3A_921 : vector<8x32x128xi32>
    %and3A_925 = arith.andi %eq3A_923, %lt3A_924 : vector<8x32x128xi1>
    %or3A_926 = arith.ori %gt3A_922, %and3A_925 : vector<8x32x128xi1>
    %and3A_927 = arith.constant 64 : i32
    %and3A_928 = vector.broadcast %and3A_927 : i32 to vector<8x32x128xi32>
    %and3A_929 = arith.andi %add3A, %and3A_928 : vector<8x32x128xi32>
    %ne3A_930 = arith.constant 0 : i32
    %ne3A_931 = vector.broadcast %ne3A_930 : i32 to vector<8x32x128xi32>
    %ne3A_932 = arith.cmpi ne, %and3A_929, %ne3A_931 : vector<8x32x128xi32>
    %and3A_933 = arith.constant 128 : i32
    %and3A_934 = vector.broadcast %and3A_933 : i32 to vector<8x32x128xi32>
    %and3A_935 = arith.andi %add3A, %and3A_934 : vector<8x32x128xi32>
    %ne3A_936 = arith.constant 0 : i32
    %ne3A_937 = vector.broadcast %ne3A_936 : i32 to vector<8x32x128xi32>
    %ne3A_938 = arith.cmpi ne, %and3A_935, %ne3A_937 : vector<8x32x128xi32>
    %xor3A_939 = arith.xori %or3A_926, %ne3A_932 : vector<8x32x128xi1>
    %xor3A_940 = arith.xori %xor3A_939, %ne3A_938 : vector<8x32x128xi1>
    %select_n3A_941 = arith.select %xor3A_940, %select_n3A_898, %select_n3A_910 : vector<8x32x128xi1>, vector<8x32x128xf32>
    %select_n3A_942 = arith.select %xor3A_940, %select_n3A_899, %select_n3A_921 : vector<8x32x128xi1>, vector<8x32x128xi32>
    %roll3A_943 = arith.constant 32 : i32
    %roll3A_944 = tpu.dynamic_rotate %select_n3A_941 by %roll3A_943 dim 2 : vector<8x32x128xf32>, i32 -> vector<8x32x128xf32>
    %roll3A_945 = arith.constant 96 : i32
    %roll3A_946 = tpu.dynamic_rotate %select_n3A_941 by %roll3A_945 dim 2 : vector<8x32x128xf32>, i32 -> vector<8x32x128xf32>
    %and3A_947 = arith.constant 32 : i32
    %and3A_948 = vector.broadcast %and3A_947 : i32 to vector<8x32x128xi32>
    %and3A_949 = arith.andi %add3A, %and3A_948 : vector<8x32x128xi32>
    %ne3A_950 = arith.constant 0 : i32
    %ne3A_951 = vector.broadcast %ne3A_950 : i32 to vector<8x32x128xi32>
    %ne3A_952 = arith.cmpi ne, %and3A_949, %ne3A_951 : vector<8x32x128xi32>
    %select_n3A_953 = arith.select %ne3A_952, %roll3A_944, %roll3A_946 : vector<8x32x128xi1>, vector<8x32x128xf32>
    %roll3A_954 = arith.constant 32 : i32
    %roll3A_955 = tpu.dynamic_rotate %select_n3A_942 by %roll3A_954 dim 2 : vector<8x32x128xi32>, i32 -> vector<8x32x128xi32>
    %roll3A_956 = arith.constant 96 : i32
    %roll3A_957 = tpu.dynamic_rotate %select_n3A_942 by %roll3A_956 dim 2 : vector<8x32x128xi32>, i32 -> vector<8x32x128xi32>
    %and3A_958 = arith.constant 32 : i32
    %and3A_959 = vector.broadcast %and3A_958 : i32 to vector<8x32x128xi32>
    %and3A_960 = arith.andi %add3A, %and3A_959 : vector<8x32x128xi32>
    %ne3A_961 = arith.constant 0 : i32
    %ne3A_962 = vector.broadcast %ne3A_961 : i32 to vector<8x32x128xi32>
    %ne3A_963 = arith.cmpi ne, %and3A_960, %ne3A_962 : vector<8x32x128xi32>
    %select_n3A_964 = arith.select %ne3A_963, %roll3A_955, %roll3A_957 : vector<8x32x128xi1>, vector<8x32x128xi32>
    %gt3A_965 = arith.cmpf ogt, %select_n3A_941, %select_n3A_953 : vector<8x32x128xf32>
    %eq3A_966 = arith.cmpf oeq, %select_n3A_941, %select_n3A_953 : vector<8x32x128xf32>
    %lt3A_967 = arith.cmpi slt, %select_n3A_942, %select_n3A_964 : vector<8x32x128xi32>
    %and3A_968 = arith.andi %eq3A_966, %lt3A_967 : vector<8x32x128xi1>
    %or3A_969 = arith.ori %gt3A_965, %and3A_968 : vector<8x32x128xi1>
    %and3A_970 = arith.constant 32 : i32
    %and3A_971 = vector.broadcast %and3A_970 : i32 to vector<8x32x128xi32>
    %and3A_972 = arith.andi %add3A, %and3A_971 : vector<8x32x128xi32>
    %ne3A_973 = arith.constant 0 : i32
    %ne3A_974 = vector.broadcast %ne3A_973 : i32 to vector<8x32x128xi32>
    %ne3A_975 = arith.cmpi ne, %and3A_972, %ne3A_974 : vector<8x32x128xi32>
    %and3A_976 = arith.constant 128 : i32
    %and3A_977 = vector.broadcast %and3A_976 : i32 to vector<8x32x128xi32>
    %and3A_978 = arith.andi %add3A, %and3A_977 : vector<8x32x128xi32>
    %ne3A_979 = arith.constant 0 : i32
    %ne3A_980 = vector.broadcast %ne3A_979 : i32 to vector<8x32x128xi32>
    %ne3A_981 = arith.cmpi ne, %and3A_978, %ne3A_980 : vector<8x32x128xi32>
    %xor3A_982 = arith.xori %or3A_969, %ne3A_975 : vector<8x32x128xi1>
    %xor3A_983 = arith.xori %xor3A_982, %ne3A_981 : vector<8x32x128xi1>
    %select_n3A_984 = arith.select %xor3A_983, %select_n3A_941, %select_n3A_953 : vector<8x32x128xi1>, vector<8x32x128xf32>
    %select_n3A_985 = arith.select %xor3A_983, %select_n3A_942, %select_n3A_964 : vector<8x32x128xi1>, vector<8x32x128xi32>
    %roll3A_986 = arith.constant 16 : i32
    %roll3A_987 = tpu.dynamic_rotate %select_n3A_984 by %roll3A_986 dim 2 : vector<8x32x128xf32>, i32 -> vector<8x32x128xf32>
    %roll3A_988 = arith.constant 112 : i32
    %roll3A_989 = tpu.dynamic_rotate %select_n3A_984 by %roll3A_988 dim 2 : vector<8x32x128xf32>, i32 -> vector<8x32x128xf32>
    %and3A_990 = arith.constant 16 : i32
    %and3A_991 = vector.broadcast %and3A_990 : i32 to vector<8x32x128xi32>
    %and3A_992 = arith.andi %add3A, %and3A_991 : vector<8x32x128xi32>
    %ne3A_993 = arith.constant 0 : i32
    %ne3A_994 = vector.broadcast %ne3A_993 : i32 to vector<8x32x128xi32>
    %ne3A_995 = arith.cmpi ne, %and3A_992, %ne3A_994 : vector<8x32x128xi32>
    %select_n3A_996 = arith.select %ne3A_995, %roll3A_987, %roll3A_989 : vector<8x32x128xi1>, vector<8x32x128xf32>
    %roll3A_997 = arith.constant 16 : i32
    %roll3A_998 = tpu.dynamic_rotate %select_n3A_985 by %roll3A_997 dim 2 : vector<8x32x128xi32>, i32 -> vector<8x32x128xi32>
    %roll3A_999 = arith.constant 112 : i32
    %roll3A_1000 = tpu.dynamic_rotate %select_n3A_985 by %roll3A_999 dim 2 : vector<8x32x128xi32>, i32 -> vector<8x32x128xi32>
    %and3A_1001 = arith.constant 16 : i32
    %and3A_1002 = vector.broadcast %and3A_1001 : i32 to vector<8x32x128xi32>
    %and3A_1003 = arith.andi %add3A, %and3A_1002 : vector<8x32x128xi32>
    %ne3A_1004 = arith.constant 0 : i32
    %ne3A_1005 = vector.broadcast %ne3A_1004 : i32 to vector<8x32x128xi32>
    %ne3A_1006 = arith.cmpi ne, %and3A_1003, %ne3A_1005 : vector<8x32x128xi32>
    %select_n3A_1007 = arith.select %ne3A_1006, %roll3A_998, %roll3A_1000 : vector<8x32x128xi1>, vector<8x32x128xi32>
    %gt3A_1008 = arith.cmpf ogt, %select_n3A_984, %select_n3A_996 : vector<8x32x128xf32>
    %eq3A_1009 = arith.cmpf oeq, %select_n3A_984, %select_n3A_996 : vector<8x32x128xf32>
    %lt3A_1010 = arith.cmpi slt, %select_n3A_985, %select_n3A_1007 : vector<8x32x128xi32>
    %and3A_1011 = arith.andi %eq3A_1009, %lt3A_1010 : vector<8x32x128xi1>
    %or3A_1012 = arith.ori %gt3A_1008, %and3A_1011 : vector<8x32x128xi1>
    %and3A_1013 = arith.constant 16 : i32
    %and3A_1014 = vector.broadcast %and3A_1013 : i32 to vector<8x32x128xi32>
    %and3A_1015 = arith.andi %add3A, %and3A_1014 : vector<8x32x128xi32>
    %ne3A_1016 = arith.constant 0 : i32
    %ne3A_1017 = vector.broadcast %ne3A_1016 : i32 to vector<8x32x128xi32>
    %ne3A_1018 = arith.cmpi ne, %and3A_1015, %ne3A_1017 : vector<8x32x128xi32>
    %and3A_1019 = arith.constant 128 : i32
    %and3A_1020 = vector.broadcast %and3A_1019 : i32 to vector<8x32x128xi32>
    %and3A_1021 = arith.andi %add3A, %and3A_1020 : vector<8x32x128xi32>
    %ne3A_1022 = arith.constant 0 : i32
    %ne3A_1023 = vector.broadcast %ne3A_1022 : i32 to vector<8x32x128xi32>
    %ne3A_1024 = arith.cmpi ne, %and3A_1021, %ne3A_1023 : vector<8x32x128xi32>
    %xor3A_1025 = arith.xori %or3A_1012, %ne3A_1018 : vector<8x32x128xi1>
    %xor3A_1026 = arith.xori %xor3A_1025, %ne3A_1024 : vector<8x32x128xi1>
    %select_n3A_1027 = arith.select %xor3A_1026, %select_n3A_984, %select_n3A_996 : vector<8x32x128xi1>, vector<8x32x128xf32>
    %select_n3A_1028 = arith.select %xor3A_1026, %select_n3A_985, %select_n3A_1007 : vector<8x32x128xi1>, vector<8x32x128xi32>
    %roll3A_1029 = arith.constant 8 : i32
    %roll3A_1030 = tpu.dynamic_rotate %select_n3A_1027 by %roll3A_1029 dim 2 : vector<8x32x128xf32>, i32 -> vector<8x32x128xf32>
    %roll3A_1031 = arith.constant 120 : i32
    %roll3A_1032 = tpu.dynamic_rotate %select_n3A_1027 by %roll3A_1031 dim 2 : vector<8x32x128xf32>, i32 -> vector<8x32x128xf32>
    %and3A_1033 = arith.constant 8 : i32
    %and3A_1034 = vector.broadcast %and3A_1033 : i32 to vector<8x32x128xi32>
    %and3A_1035 = arith.andi %add3A, %and3A_1034 : vector<8x32x128xi32>
    %ne3A_1036 = arith.constant 0 : i32
    %ne3A_1037 = vector.broadcast %ne3A_1036 : i32 to vector<8x32x128xi32>
    %ne3A_1038 = arith.cmpi ne, %and3A_1035, %ne3A_1037 : vector<8x32x128xi32>
    %select_n3A_1039 = arith.select %ne3A_1038, %roll3A_1030, %roll3A_1032 : vector<8x32x128xi1>, vector<8x32x128xf32>
    %roll3A_1040 = arith.constant 8 : i32
    %roll3A_1041 = tpu.dynamic_rotate %select_n3A_1028 by %roll3A_1040 dim 2 : vector<8x32x128xi32>, i32 -> vector<8x32x128xi32>
    %roll3A_1042 = arith.constant 120 : i32
    %roll3A_1043 = tpu.dynamic_rotate %select_n3A_1028 by %roll3A_1042 dim 2 : vector<8x32x128xi32>, i32 -> vector<8x32x128xi32>
    %and3A_1044 = arith.constant 8 : i32
    %and3A_1045 = vector.broadcast %and3A_1044 : i32 to vector<8x32x128xi32>
    %and3A_1046 = arith.andi %add3A, %and3A_1045 : vector<8x32x128xi32>
    %ne3A_1047 = arith.constant 0 : i32
    %ne3A_1048 = vector.broadcast %ne3A_1047 : i32 to vector<8x32x128xi32>
    %ne3A_1049 = arith.cmpi ne, %and3A_1046, %ne3A_1048 : vector<8x32x128xi32>
    %select_n3A_1050 = arith.select %ne3A_1049, %roll3A_1041, %roll3A_1043 : vector<8x32x128xi1>, vector<8x32x128xi32>
    %gt3A_1051 = arith.cmpf ogt, %select_n3A_1027, %select_n3A_1039 : vector<8x32x128xf32>
    %eq3A_1052 = arith.cmpf oeq, %select_n3A_1027, %select_n3A_1039 : vector<8x32x128xf32>
    %lt3A_1053 = arith.cmpi slt, %select_n3A_1028, %select_n3A_1050 : vector<8x32x128xi32>
    %and3A_1054 = arith.andi %eq3A_1052, %lt3A_1053 : vector<8x32x128xi1>
    %or3A_1055 = arith.ori %gt3A_1051, %and3A_1054 : vector<8x32x128xi1>
    %and3A_1056 = arith.constant 8 : i32
    %and3A_1057 = vector.broadcast %and3A_1056 : i32 to vector<8x32x128xi32>
    %and3A_1058 = arith.andi %add3A, %and3A_1057 : vector<8x32x128xi32>
    %ne3A_1059 = arith.constant 0 : i32
    %ne3A_1060 = vector.broadcast %ne3A_1059 : i32 to vector<8x32x128xi32>
    %ne3A_1061 = arith.cmpi ne, %and3A_1058, %ne3A_1060 : vector<8x32x128xi32>
    %and3A_1062 = arith.constant 128 : i32
    %and3A_1063 = vector.broadcast %and3A_1062 : i32 to vector<8x32x128xi32>
    %and3A_1064 = arith.andi %add3A, %and3A_1063 : vector<8x32x128xi32>
    %ne3A_1065 = arith.constant 0 : i32
    %ne3A_1066 = vector.broadcast %ne3A_1065 : i32 to vector<8x32x128xi32>
    %ne3A_1067 = arith.cmpi ne, %and3A_1064, %ne3A_1066 : vector<8x32x128xi32>
    %xor3A_1068 = arith.xori %or3A_1055, %ne3A_1061 : vector<8x32x128xi1>
    %xor3A_1069 = arith.xori %xor3A_1068, %ne3A_1067 : vector<8x32x128xi1>
    %select_n3A_1070 = arith.select %xor3A_1069, %select_n3A_1027, %select_n3A_1039 : vector<8x32x128xi1>, vector<8x32x128xf32>
    %select_n3A_1071 = arith.select %xor3A_1069, %select_n3A_1028, %select_n3A_1050 : vector<8x32x128xi1>, vector<8x32x128xi32>
    %roll3A_1072 = arith.constant 4 : i32
    %roll3A_1073 = tpu.dynamic_rotate %select_n3A_1070 by %roll3A_1072 dim 2 : vector<8x32x128xf32>, i32 -> vector<8x32x128xf32>
    %roll3A_1074 = arith.constant 124 : i32
    %roll3A_1075 = tpu.dynamic_rotate %select_n3A_1070 by %roll3A_1074 dim 2 : vector<8x32x128xf32>, i32 -> vector<8x32x128xf32>
    %and3A_1076 = arith.constant 4 : i32
    %and3A_1077 = vector.broadcast %and3A_1076 : i32 to vector<8x32x128xi32>
    %and3A_1078 = arith.andi %add3A, %and3A_1077 : vector<8x32x128xi32>
    %ne3A_1079 = arith.constant 0 : i32
    %ne3A_1080 = vector.broadcast %ne3A_1079 : i32 to vector<8x32x128xi32>
    %ne3A_1081 = arith.cmpi ne, %and3A_1078, %ne3A_1080 : vector<8x32x128xi32>
    %select_n3A_1082 = arith.select %ne3A_1081, %roll3A_1073, %roll3A_1075 : vector<8x32x128xi1>, vector<8x32x128xf32>
    %roll3A_1083 = arith.constant 4 : i32
    %roll3A_1084 = tpu.dynamic_rotate %select_n3A_1071 by %roll3A_1083 dim 2 : vector<8x32x128xi32>, i32 -> vector<8x32x128xi32>
    %roll3A_1085 = arith.constant 124 : i32
    %roll3A_1086 = tpu.dynamic_rotate %select_n3A_1071 by %roll3A_1085 dim 2 : vector<8x32x128xi32>, i32 -> vector<8x32x128xi32>
    %and3A_1087 = arith.constant 4 : i32
    %and3A_1088 = vector.broadcast %and3A_1087 : i32 to vector<8x32x128xi32>
    %and3A_1089 = arith.andi %add3A, %and3A_1088 : vector<8x32x128xi32>
    %ne3A_1090 = arith.constant 0 : i32
    %ne3A_1091 = vector.broadcast %ne3A_1090 : i32 to vector<8x32x128xi32>
    %ne3A_1092 = arith.cmpi ne, %and3A_1089, %ne3A_1091 : vector<8x32x128xi32>
    %select_n3A_1093 = arith.select %ne3A_1092, %roll3A_1084, %roll3A_1086 : vector<8x32x128xi1>, vector<8x32x128xi32>
    %gt3A_1094 = arith.cmpf ogt, %select_n3A_1070, %select_n3A_1082 : vector<8x32x128xf32>
    %eq3A_1095 = arith.cmpf oeq, %select_n3A_1070, %select_n3A_1082 : vector<8x32x128xf32>
    %lt3A_1096 = arith.cmpi slt, %select_n3A_1071, %select_n3A_1093 : vector<8x32x128xi32>
    %and3A_1097 = arith.andi %eq3A_1095, %lt3A_1096 : vector<8x32x128xi1>
    %or3A_1098 = arith.ori %gt3A_1094, %and3A_1097 : vector<8x32x128xi1>
    %and3A_1099 = arith.constant 4 : i32
    %and3A_1100 = vector.broadcast %and3A_1099 : i32 to vector<8x32x128xi32>
    %and3A_1101 = arith.andi %add3A, %and3A_1100 : vector<8x32x128xi32>
    %ne3A_1102 = arith.constant 0 : i32
    %ne3A_1103 = vector.broadcast %ne3A_1102 : i32 to vector<8x32x128xi32>
    %ne3A_1104 = arith.cmpi ne, %and3A_1101, %ne3A_1103 : vector<8x32x128xi32>
    %and3A_1105 = arith.constant 128 : i32
    %and3A_1106 = vector.broadcast %and3A_1105 : i32 to vector<8x32x128xi32>
    %and3A_1107 = arith.andi %add3A, %and3A_1106 : vector<8x32x128xi32>
    %ne3A_1108 = arith.constant 0 : i32
    %ne3A_1109 = vector.broadcast %ne3A_1108 : i32 to vector<8x32x128xi32>
    %ne3A_1110 = arith.cmpi ne, %and3A_1107, %ne3A_1109 : vector<8x32x128xi32>
    %xor3A_1111 = arith.xori %or3A_1098, %ne3A_1104 : vector<8x32x128xi1>
    %xor3A_1112 = arith.xori %xor3A_1111, %ne3A_1110 : vector<8x32x128xi1>
    %select_n3A_1113 = arith.select %xor3A_1112, %select_n3A_1070, %select_n3A_1082 : vector<8x32x128xi1>, vector<8x32x128xf32>
    %select_n3A_1114 = arith.select %xor3A_1112, %select_n3A_1071, %select_n3A_1093 : vector<8x32x128xi1>, vector<8x32x128xi32>
    %roll3A_1115 = arith.constant 2 : i32
    %roll3A_1116 = tpu.dynamic_rotate %select_n3A_1113 by %roll3A_1115 dim 2 : vector<8x32x128xf32>, i32 -> vector<8x32x128xf32>
    %roll3A_1117 = arith.constant 126 : i32
    %roll3A_1118 = tpu.dynamic_rotate %select_n3A_1113 by %roll3A_1117 dim 2 : vector<8x32x128xf32>, i32 -> vector<8x32x128xf32>
    %and3A_1119 = arith.constant 2 : i32
    %and3A_1120 = vector.broadcast %and3A_1119 : i32 to vector<8x32x128xi32>
    %and3A_1121 = arith.andi %add3A, %and3A_1120 : vector<8x32x128xi32>
    %ne3A_1122 = arith.constant 0 : i32
    %ne3A_1123 = vector.broadcast %ne3A_1122 : i32 to vector<8x32x128xi32>
    %ne3A_1124 = arith.cmpi ne, %and3A_1121, %ne3A_1123 : vector<8x32x128xi32>
    %select_n3A_1125 = arith.select %ne3A_1124, %roll3A_1116, %roll3A_1118 : vector<8x32x128xi1>, vector<8x32x128xf32>
    %roll3A_1126 = arith.constant 2 : i32
    %roll3A_1127 = tpu.dynamic_rotate %select_n3A_1114 by %roll3A_1126 dim 2 : vector<8x32x128xi32>, i32 -> vector<8x32x128xi32>
    %roll3A_1128 = arith.constant 126 : i32
    %roll3A_1129 = tpu.dynamic_rotate %select_n3A_1114 by %roll3A_1128 dim 2 : vector<8x32x128xi32>, i32 -> vector<8x32x128xi32>
    %and3A_1130 = arith.constant 2 : i32
    %and3A_1131 = vector.broadcast %and3A_1130 : i32 to vector<8x32x128xi32>
    %and3A_1132 = arith.andi %add3A, %and3A_1131 : vector<8x32x128xi32>
    %ne3A_1133 = arith.constant 0 : i32
    %ne3A_1134 = vector.broadcast %ne3A_1133 : i32 to vector<8x32x128xi32>
    %ne3A_1135 = arith.cmpi ne, %and3A_1132, %ne3A_1134 : vector<8x32x128xi32>
    %select_n3A_1136 = arith.select %ne3A_1135, %roll3A_1127, %roll3A_1129 : vector<8x32x128xi1>, vector<8x32x128xi32>
    %gt3A_1137 = arith.cmpf ogt, %select_n3A_1113, %select_n3A_1125 : vector<8x32x128xf32>
    %eq3A_1138 = arith.cmpf oeq, %select_n3A_1113, %select_n3A_1125 : vector<8x32x128xf32>
    %lt3A_1139 = arith.cmpi slt, %select_n3A_1114, %select_n3A_1136 : vector<8x32x128xi32>
    %and3A_1140 = arith.andi %eq3A_1138, %lt3A_1139 : vector<8x32x128xi1>
    %or3A_1141 = arith.ori %gt3A_1137, %and3A_1140 : vector<8x32x128xi1>
    %and3A_1142 = arith.constant 2 : i32
    %and3A_1143 = vector.broadcast %and3A_1142 : i32 to vector<8x32x128xi32>
    %and3A_1144 = arith.andi %add3A, %and3A_1143 : vector<8x32x128xi32>
    %ne3A_1145 = arith.constant 0 : i32
    %ne3A_1146 = vector.broadcast %ne3A_1145 : i32 to vector<8x32x128xi32>
    %ne3A_1147 = arith.cmpi ne, %and3A_1144, %ne3A_1146 : vector<8x32x128xi32>
    %and3A_1148 = arith.constant 128 : i32
    %and3A_1149 = vector.broadcast %and3A_1148 : i32 to vector<8x32x128xi32>
    %and3A_1150 = arith.andi %add3A, %and3A_1149 : vector<8x32x128xi32>
    %ne3A_1151 = arith.constant 0 : i32
    %ne3A_1152 = vector.broadcast %ne3A_1151 : i32 to vector<8x32x128xi32>
    %ne3A_1153 = arith.cmpi ne, %and3A_1150, %ne3A_1152 : vector<8x32x128xi32>
    %xor3A_1154 = arith.xori %or3A_1141, %ne3A_1147 : vector<8x32x128xi1>
    %xor3A_1155 = arith.xori %xor3A_1154, %ne3A_1153 : vector<8x32x128xi1>
    %select_n3A_1156 = arith.select %xor3A_1155, %select_n3A_1113, %select_n3A_1125 : vector<8x32x128xi1>, vector<8x32x128xf32>
    %select_n3A_1157 = arith.select %xor3A_1155, %select_n3A_1114, %select_n3A_1136 : vector<8x32x128xi1>, vector<8x32x128xi32>
    %roll3A_1158 = arith.constant 1 : i32
    %roll3A_1159 = tpu.dynamic_rotate %select_n3A_1156 by %roll3A_1158 dim 2 : vector<8x32x128xf32>, i32 -> vector<8x32x128xf32>
    %roll3A_1160 = arith.constant 127 : i32
    %roll3A_1161 = tpu.dynamic_rotate %select_n3A_1156 by %roll3A_1160 dim 2 : vector<8x32x128xf32>, i32 -> vector<8x32x128xf32>
    %and3A_1162 = arith.constant 1 : i32
    %and3A_1163 = vector.broadcast %and3A_1162 : i32 to vector<8x32x128xi32>
    %and3A_1164 = arith.andi %add3A, %and3A_1163 : vector<8x32x128xi32>
    %ne3A_1165 = arith.constant 0 : i32
    %ne3A_1166 = vector.broadcast %ne3A_1165 : i32 to vector<8x32x128xi32>
    %ne3A_1167 = arith.cmpi ne, %and3A_1164, %ne3A_1166 : vector<8x32x128xi32>
    %select_n3A_1168 = arith.select %ne3A_1167, %roll3A_1159, %roll3A_1161 : vector<8x32x128xi1>, vector<8x32x128xf32>
    %roll3A_1169 = arith.constant 1 : i32
    %roll3A_1170 = tpu.dynamic_rotate %select_n3A_1157 by %roll3A_1169 dim 2 : vector<8x32x128xi32>, i32 -> vector<8x32x128xi32>
    %roll3A_1171 = arith.constant 127 : i32
    %roll3A_1172 = tpu.dynamic_rotate %select_n3A_1157 by %roll3A_1171 dim 2 : vector<8x32x128xi32>, i32 -> vector<8x32x128xi32>
    %and3A_1173 = arith.constant 1 : i32
    %and3A_1174 = vector.broadcast %and3A_1173 : i32 to vector<8x32x128xi32>
    %and3A_1175 = arith.andi %add3A, %and3A_1174 : vector<8x32x128xi32>
    %ne3A_1176 = arith.constant 0 : i32
    %ne3A_1177 = vector.broadcast %ne3A_1176 : i32 to vector<8x32x128xi32>
    %ne3A_1178 = arith.cmpi ne, %and3A_1175, %ne3A_1177 : vector<8x32x128xi32>
    %select_n3A_1179 = arith.select %ne3A_1178, %roll3A_1170, %roll3A_1172 : vector<8x32x128xi1>, vector<8x32x128xi32>
    %gt3A_1180 = arith.cmpf ogt, %select_n3A_1156, %select_n3A_1168 : vector<8x32x128xf32>
    %eq3A_1181 = arith.cmpf oeq, %select_n3A_1156, %select_n3A_1168 : vector<8x32x128xf32>
    %lt3A_1182 = arith.cmpi slt, %select_n3A_1157, %select_n3A_1179 : vector<8x32x128xi32>
    %and3A_1183 = arith.andi %eq3A_1181, %lt3A_1182 : vector<8x32x128xi1>
    %or3A_1184 = arith.ori %gt3A_1180, %and3A_1183 : vector<8x32x128xi1>
    %and3A_1185 = arith.constant 1 : i32
    %and3A_1186 = vector.broadcast %and3A_1185 : i32 to vector<8x32x128xi32>
    %and3A_1187 = arith.andi %add3A, %and3A_1186 : vector<8x32x128xi32>
    %ne3A_1188 = arith.constant 0 : i32
    %ne3A_1189 = vector.broadcast %ne3A_1188 : i32 to vector<8x32x128xi32>
    %ne3A_1190 = arith.cmpi ne, %and3A_1187, %ne3A_1189 : vector<8x32x128xi32>
    %and3A_1191 = arith.constant 128 : i32
    %and3A_1192 = vector.broadcast %and3A_1191 : i32 to vector<8x32x128xi32>
    %and3A_1193 = arith.andi %add3A, %and3A_1192 : vector<8x32x128xi32>
    %ne3A_1194 = arith.constant 0 : i32
    %ne3A_1195 = vector.broadcast %ne3A_1194 : i32 to vector<8x32x128xi32>
    %ne3A_1196 = arith.cmpi ne, %and3A_1193, %ne3A_1195 : vector<8x32x128xi32>
    %xor3A_1197 = arith.xori %or3A_1184, %ne3A_1190 : vector<8x32x128xi1>
    %xor3A_1198 = arith.xori %xor3A_1197, %ne3A_1196 : vector<8x32x128xi1>
    %select_n3A_1199 = arith.select %xor3A_1198, %select_n3A_1156, %select_n3A_1168 : vector<8x32x128xi1>, vector<8x32x128xf32>
    %select_n3A_1200 = arith.select %xor3A_1198, %select_n3A_1157, %select_n3A_1179 : vector<8x32x128xi1>, vector<8x32x128xi32>
    %roll3A_1201 = arith.constant 1 : i32
    %roll3A_1202 = tpu.dynamic_rotate %select_n3A_1199 by %roll3A_1201 dim 1 : vector<8x32x128xf32>, i32 -> vector<8x32x128xf32>
    %roll3A_1203 = arith.constant 31 : i32
    %roll3A_1204 = tpu.dynamic_rotate %select_n3A_1199 by %roll3A_1203 dim 1 : vector<8x32x128xf32>, i32 -> vector<8x32x128xf32>
    %and3A_1205 = arith.constant 128 : i32
    %and3A_1206 = vector.broadcast %and3A_1205 : i32 to vector<8x32x128xi32>
    %and3A_1207 = arith.andi %add3A, %and3A_1206 : vector<8x32x128xi32>
    %ne3A_1208 = arith.constant 0 : i32
    %ne3A_1209 = vector.broadcast %ne3A_1208 : i32 to vector<8x32x128xi32>
    %ne3A_1210 = arith.cmpi ne, %and3A_1207, %ne3A_1209 : vector<8x32x128xi32>
    %select_n3A_1211 = arith.select %ne3A_1210, %roll3A_1202, %roll3A_1204 : vector<8x32x128xi1>, vector<8x32x128xf32>
    %roll3A_1212 = arith.constant 1 : i32
    %roll3A_1213 = tpu.dynamic_rotate %select_n3A_1200 by %roll3A_1212 dim 1 : vector<8x32x128xi32>, i32 -> vector<8x32x128xi32>
    %roll3A_1214 = arith.constant 31 : i32
    %roll3A_1215 = tpu.dynamic_rotate %select_n3A_1200 by %roll3A_1214 dim 1 : vector<8x32x128xi32>, i32 -> vector<8x32x128xi32>
    %and3A_1216 = arith.constant 128 : i32
    %and3A_1217 = vector.broadcast %and3A_1216 : i32 to vector<8x32x128xi32>
    %and3A_1218 = arith.andi %add3A, %and3A_1217 : vector<8x32x128xi32>
    %ne3A_1219 = arith.constant 0 : i32
    %ne3A_1220 = vector.broadcast %ne3A_1219 : i32 to vector<8x32x128xi32>
    %ne3A_1221 = arith.cmpi ne, %and3A_1218, %ne3A_1220 : vector<8x32x128xi32>
    %select_n3A_1222 = arith.select %ne3A_1221, %roll3A_1213, %roll3A_1215 : vector<8x32x128xi1>, vector<8x32x128xi32>
    %gt3A_1223 = arith.cmpf ogt, %select_n3A_1199, %select_n3A_1211 : vector<8x32x128xf32>
    %eq3A_1224 = arith.cmpf oeq, %select_n3A_1199, %select_n3A_1211 : vector<8x32x128xf32>
    %lt3A_1225 = arith.cmpi slt, %select_n3A_1200, %select_n3A_1222 : vector<8x32x128xi32>
    %and3A_1226 = arith.andi %eq3A_1224, %lt3A_1225 : vector<8x32x128xi1>
    %or3A_1227 = arith.ori %gt3A_1223, %and3A_1226 : vector<8x32x128xi1>
    %and3A_1228 = arith.constant 128 : i32
    %and3A_1229 = vector.broadcast %and3A_1228 : i32 to vector<8x32x128xi32>
    %and3A_1230 = arith.andi %add3A, %and3A_1229 : vector<8x32x128xi32>
    %ne3A_1231 = arith.constant 0 : i32
    %ne3A_1232 = vector.broadcast %ne3A_1231 : i32 to vector<8x32x128xi32>
    %ne3A_1233 = arith.cmpi ne, %and3A_1230, %ne3A_1232 : vector<8x32x128xi32>
    %and3A_1234 = arith.constant 256 : i32
    %and3A_1235 = vector.broadcast %and3A_1234 : i32 to vector<8x32x128xi32>
    %and3A_1236 = arith.andi %add3A, %and3A_1235 : vector<8x32x128xi32>
    %ne3A_1237 = arith.constant 0 : i32
    %ne3A_1238 = vector.broadcast %ne3A_1237 : i32 to vector<8x32x128xi32>
    %ne3A_1239 = arith.cmpi ne, %and3A_1236, %ne3A_1238 : vector<8x32x128xi32>
    %xor3A_1240 = arith.xori %or3A_1227, %ne3A_1233 : vector<8x32x128xi1>
    %xor3A_1241 = arith.xori %xor3A_1240, %ne3A_1239 : vector<8x32x128xi1>
    %select_n3A_1242 = arith.select %xor3A_1241, %select_n3A_1199, %select_n3A_1211 : vector<8x32x128xi1>, vector<8x32x128xf32>
    %select_n3A_1243 = arith.select %xor3A_1241, %select_n3A_1200, %select_n3A_1222 : vector<8x32x128xi1>, vector<8x32x128xi32>
    %roll3A_1244 = arith.constant 64 : i32
    %roll3A_1245 = tpu.dynamic_rotate %select_n3A_1242 by %roll3A_1244 dim 2 : vector<8x32x128xf32>, i32 -> vector<8x32x128xf32>
    %roll3A_1246 = arith.constant 64 : i32
    %roll3A_1247 = tpu.dynamic_rotate %select_n3A_1242 by %roll3A_1246 dim 2 : vector<8x32x128xf32>, i32 -> vector<8x32x128xf32>
    %and3A_1248 = arith.constant 64 : i32
    %and3A_1249 = vector.broadcast %and3A_1248 : i32 to vector<8x32x128xi32>
    %and3A_1250 = arith.andi %add3A, %and3A_1249 : vector<8x32x128xi32>
    %ne3A_1251 = arith.constant 0 : i32
    %ne3A_1252 = vector.broadcast %ne3A_1251 : i32 to vector<8x32x128xi32>
    %ne3A_1253 = arith.cmpi ne, %and3A_1250, %ne3A_1252 : vector<8x32x128xi32>
    %select_n3A_1254 = arith.select %ne3A_1253, %roll3A_1245, %roll3A_1247 : vector<8x32x128xi1>, vector<8x32x128xf32>
    %roll3A_1255 = arith.constant 64 : i32
    %roll3A_1256 = tpu.dynamic_rotate %select_n3A_1243 by %roll3A_1255 dim 2 : vector<8x32x128xi32>, i32 -> vector<8x32x128xi32>
    %roll3A_1257 = arith.constant 64 : i32
    %roll3A_1258 = tpu.dynamic_rotate %select_n3A_1243 by %roll3A_1257 dim 2 : vector<8x32x128xi32>, i32 -> vector<8x32x128xi32>
    %and3A_1259 = arith.constant 64 : i32
    %and3A_1260 = vector.broadcast %and3A_1259 : i32 to vector<8x32x128xi32>
    %and3A_1261 = arith.andi %add3A, %and3A_1260 : vector<8x32x128xi32>
    %ne3A_1262 = arith.constant 0 : i32
    %ne3A_1263 = vector.broadcast %ne3A_1262 : i32 to vector<8x32x128xi32>
    %ne3A_1264 = arith.cmpi ne, %and3A_1261, %ne3A_1263 : vector<8x32x128xi32>
    %select_n3A_1265 = arith.select %ne3A_1264, %roll3A_1256, %roll3A_1258 : vector<8x32x128xi1>, vector<8x32x128xi32>
    %gt3A_1266 = arith.cmpf ogt, %select_n3A_1242, %select_n3A_1254 : vector<8x32x128xf32>
    %eq3A_1267 = arith.cmpf oeq, %select_n3A_1242, %select_n3A_1254 : vector<8x32x128xf32>
    %lt3A_1268 = arith.cmpi slt, %select_n3A_1243, %select_n3A_1265 : vector<8x32x128xi32>
    %and3A_1269 = arith.andi %eq3A_1267, %lt3A_1268 : vector<8x32x128xi1>
    %or3A_1270 = arith.ori %gt3A_1266, %and3A_1269 : vector<8x32x128xi1>
    %and3A_1271 = arith.constant 64 : i32
    %and3A_1272 = vector.broadcast %and3A_1271 : i32 to vector<8x32x128xi32>
    %and3A_1273 = arith.andi %add3A, %and3A_1272 : vector<8x32x128xi32>
    %ne3A_1274 = arith.constant 0 : i32
    %ne3A_1275 = vector.broadcast %ne3A_1274 : i32 to vector<8x32x128xi32>
    %ne3A_1276 = arith.cmpi ne, %and3A_1273, %ne3A_1275 : vector<8x32x128xi32>
    %and3A_1277 = arith.constant 256 : i32
    %and3A_1278 = vector.broadcast %and3A_1277 : i32 to vector<8x32x128xi32>
    %and3A_1279 = arith.andi %add3A, %and3A_1278 : vector<8x32x128xi32>
    %ne3A_1280 = arith.constant 0 : i32
    %ne3A_1281 = vector.broadcast %ne3A_1280 : i32 to vector<8x32x128xi32>
    %ne3A_1282 = arith.cmpi ne, %and3A_1279, %ne3A_1281 : vector<8x32x128xi32>
    %xor3A_1283 = arith.xori %or3A_1270, %ne3A_1276 : vector<8x32x128xi1>
    %xor3A_1284 = arith.xori %xor3A_1283, %ne3A_1282 : vector<8x32x128xi1>
    %select_n3A_1285 = arith.select %xor3A_1284, %select_n3A_1242, %select_n3A_1254 : vector<8x32x128xi1>, vector<8x32x128xf32>
    %select_n3A_1286 = arith.select %xor3A_1284, %select_n3A_1243, %select_n3A_1265 : vector<8x32x128xi1>, vector<8x32x128xi32>
    %roll3A_1287 = arith.constant 32 : i32
    %roll3A_1288 = tpu.dynamic_rotate %select_n3A_1285 by %roll3A_1287 dim 2 : vector<8x32x128xf32>, i32 -> vector<8x32x128xf32>
    %roll3A_1289 = arith.constant 96 : i32
    %roll3A_1290 = tpu.dynamic_rotate %select_n3A_1285 by %roll3A_1289 dim 2 : vector<8x32x128xf32>, i32 -> vector<8x32x128xf32>
    %and3A_1291 = arith.constant 32 : i32
    %and3A_1292 = vector.broadcast %and3A_1291 : i32 to vector<8x32x128xi32>
    %and3A_1293 = arith.andi %add3A, %and3A_1292 : vector<8x32x128xi32>
    %ne3A_1294 = arith.constant 0 : i32
    %ne3A_1295 = vector.broadcast %ne3A_1294 : i32 to vector<8x32x128xi32>
    %ne3A_1296 = arith.cmpi ne, %and3A_1293, %ne3A_1295 : vector<8x32x128xi32>
    %select_n3A_1297 = arith.select %ne3A_1296, %roll3A_1288, %roll3A_1290 : vector<8x32x128xi1>, vector<8x32x128xf32>
    %roll3A_1298 = arith.constant 32 : i32
    %roll3A_1299 = tpu.dynamic_rotate %select_n3A_1286 by %roll3A_1298 dim 2 : vector<8x32x128xi32>, i32 -> vector<8x32x128xi32>
    %roll3A_1300 = arith.constant 96 : i32
    %roll3A_1301 = tpu.dynamic_rotate %select_n3A_1286 by %roll3A_1300 dim 2 : vector<8x32x128xi32>, i32 -> vector<8x32x128xi32>
    %and3A_1302 = arith.constant 32 : i32
    %and3A_1303 = vector.broadcast %and3A_1302 : i32 to vector<8x32x128xi32>
    %and3A_1304 = arith.andi %add3A, %and3A_1303 : vector<8x32x128xi32>
    %ne3A_1305 = arith.constant 0 : i32
    %ne3A_1306 = vector.broadcast %ne3A_1305 : i32 to vector<8x32x128xi32>
    %ne3A_1307 = arith.cmpi ne, %and3A_1304, %ne3A_1306 : vector<8x32x128xi32>
    %select_n3A_1308 = arith.select %ne3A_1307, %roll3A_1299, %roll3A_1301 : vector<8x32x128xi1>, vector<8x32x128xi32>
    %gt3A_1309 = arith.cmpf ogt, %select_n3A_1285, %select_n3A_1297 : vector<8x32x128xf32>
    %eq3A_1310 = arith.cmpf oeq, %select_n3A_1285, %select_n3A_1297 : vector<8x32x128xf32>
    %lt3A_1311 = arith.cmpi slt, %select_n3A_1286, %select_n3A_1308 : vector<8x32x128xi32>
    %and3A_1312 = arith.andi %eq3A_1310, %lt3A_1311 : vector<8x32x128xi1>
    %or3A_1313 = arith.ori %gt3A_1309, %and3A_1312 : vector<8x32x128xi1>
    %and3A_1314 = arith.constant 32 : i32
    %and3A_1315 = vector.broadcast %and3A_1314 : i32 to vector<8x32x128xi32>
    %and3A_1316 = arith.andi %add3A, %and3A_1315 : vector<8x32x128xi32>
    %ne3A_1317 = arith.constant 0 : i32
    %ne3A_1318 = vector.broadcast %ne3A_1317 : i32 to vector<8x32x128xi32>
    %ne3A_1319 = arith.cmpi ne, %and3A_1316, %ne3A_1318 : vector<8x32x128xi32>
    %and3A_1320 = arith.constant 256 : i32
    %and3A_1321 = vector.broadcast %and3A_1320 : i32 to vector<8x32x128xi32>
    %and3A_1322 = arith.andi %add3A, %and3A_1321 : vector<8x32x128xi32>
    %ne3A_1323 = arith.constant 0 : i32
    %ne3A_1324 = vector.broadcast %ne3A_1323 : i32 to vector<8x32x128xi32>
    %ne3A_1325 = arith.cmpi ne, %and3A_1322, %ne3A_1324 : vector<8x32x128xi32>
    %xor3A_1326 = arith.xori %or3A_1313, %ne3A_1319 : vector<8x32x128xi1>
    %xor3A_1327 = arith.xori %xor3A_1326, %ne3A_1325 : vector<8x32x128xi1>
    %select_n3A_1328 = arith.select %xor3A_1327, %select_n3A_1285, %select_n3A_1297 : vector<8x32x128xi1>, vector<8x32x128xf32>
    %select_n3A_1329 = arith.select %xor3A_1327, %select_n3A_1286, %select_n3A_1308 : vector<8x32x128xi1>, vector<8x32x128xi32>
    %roll3A_1330 = arith.constant 16 : i32
    %roll3A_1331 = tpu.dynamic_rotate %select_n3A_1328 by %roll3A_1330 dim 2 : vector<8x32x128xf32>, i32 -> vector<8x32x128xf32>
    %roll3A_1332 = arith.constant 112 : i32
    %roll3A_1333 = tpu.dynamic_rotate %select_n3A_1328 by %roll3A_1332 dim 2 : vector<8x32x128xf32>, i32 -> vector<8x32x128xf32>
    %and3A_1334 = arith.constant 16 : i32
    %and3A_1335 = vector.broadcast %and3A_1334 : i32 to vector<8x32x128xi32>
    %and3A_1336 = arith.andi %add3A, %and3A_1335 : vector<8x32x128xi32>
    %ne3A_1337 = arith.constant 0 : i32
    %ne3A_1338 = vector.broadcast %ne3A_1337 : i32 to vector<8x32x128xi32>
    %ne3A_1339 = arith.cmpi ne, %and3A_1336, %ne3A_1338 : vector<8x32x128xi32>
    %select_n3A_1340 = arith.select %ne3A_1339, %roll3A_1331, %roll3A_1333 : vector<8x32x128xi1>, vector<8x32x128xf32>
    %roll3A_1341 = arith.constant 16 : i32
    %roll3A_1342 = tpu.dynamic_rotate %select_n3A_1329 by %roll3A_1341 dim 2 : vector<8x32x128xi32>, i32 -> vector<8x32x128xi32>
    %roll3A_1343 = arith.constant 112 : i32
    %roll3A_1344 = tpu.dynamic_rotate %select_n3A_1329 by %roll3A_1343 dim 2 : vector<8x32x128xi32>, i32 -> vector<8x32x128xi32>
    %and3A_1345 = arith.constant 16 : i32
    %and3A_1346 = vector.broadcast %and3A_1345 : i32 to vector<8x32x128xi32>
    %and3A_1347 = arith.andi %add3A, %and3A_1346 : vector<8x32x128xi32>
    %ne3A_1348 = arith.constant 0 : i32
    %ne3A_1349 = vector.broadcast %ne3A_1348 : i32 to vector<8x32x128xi32>
    %ne3A_1350 = arith.cmpi ne, %and3A_1347, %ne3A_1349 : vector<8x32x128xi32>
    %select_n3A_1351 = arith.select %ne3A_1350, %roll3A_1342, %roll3A_1344 : vector<8x32x128xi1>, vector<8x32x128xi32>
    %gt3A_1352 = arith.cmpf ogt, %select_n3A_1328, %select_n3A_1340 : vector<8x32x128xf32>
    %eq3A_1353 = arith.cmpf oeq, %select_n3A_1328, %select_n3A_1340 : vector<8x32x128xf32>
    %lt3A_1354 = arith.cmpi slt, %select_n3A_1329, %select_n3A_1351 : vector<8x32x128xi32>
    %and3A_1355 = arith.andi %eq3A_1353, %lt3A_1354 : vector<8x32x128xi1>
    %or3A_1356 = arith.ori %gt3A_1352, %and3A_1355 : vector<8x32x128xi1>
    %and3A_1357 = arith.constant 16 : i32
    %and3A_1358 = vector.broadcast %and3A_1357 : i32 to vector<8x32x128xi32>
    %and3A_1359 = arith.andi %add3A, %and3A_1358 : vector<8x32x128xi32>
    %ne3A_1360 = arith.constant 0 : i32
    %ne3A_1361 = vector.broadcast %ne3A_1360 : i32 to vector<8x32x128xi32>
    %ne3A_1362 = arith.cmpi ne, %and3A_1359, %ne3A_1361 : vector<8x32x128xi32>
    %and3A_1363 = arith.constant 256 : i32
    %and3A_1364 = vector.broadcast %and3A_1363 : i32 to vector<8x32x128xi32>
    %and3A_1365 = arith.andi %add3A, %and3A_1364 : vector<8x32x128xi32>
    %ne3A_1366 = arith.constant 0 : i32
    %ne3A_1367 = vector.broadcast %ne3A_1366 : i32 to vector<8x32x128xi32>
    %ne3A_1368 = arith.cmpi ne, %and3A_1365, %ne3A_1367 : vector<8x32x128xi32>
    %xor3A_1369 = arith.xori %or3A_1356, %ne3A_1362 : vector<8x32x128xi1>
    %xor3A_1370 = arith.xori %xor3A_1369, %ne3A_1368 : vector<8x32x128xi1>
    %select_n3A_1371 = arith.select %xor3A_1370, %select_n3A_1328, %select_n3A_1340 : vector<8x32x128xi1>, vector<8x32x128xf32>
    %select_n3A_1372 = arith.select %xor3A_1370, %select_n3A_1329, %select_n3A_1351 : vector<8x32x128xi1>, vector<8x32x128xi32>
    %roll3A_1373 = arith.constant 8 : i32
    %roll3A_1374 = tpu.dynamic_rotate %select_n3A_1371 by %roll3A_1373 dim 2 : vector<8x32x128xf32>, i32 -> vector<8x32x128xf32>
    %roll3A_1375 = arith.constant 120 : i32
    %roll3A_1376 = tpu.dynamic_rotate %select_n3A_1371 by %roll3A_1375 dim 2 : vector<8x32x128xf32>, i32 -> vector<8x32x128xf32>
    %and3A_1377 = arith.constant 8 : i32
    %and3A_1378 = vector.broadcast %and3A_1377 : i32 to vector<8x32x128xi32>
    %and3A_1379 = arith.andi %add3A, %and3A_1378 : vector<8x32x128xi32>
    %ne3A_1380 = arith.constant 0 : i32
    %ne3A_1381 = vector.broadcast %ne3A_1380 : i32 to vector<8x32x128xi32>
    %ne3A_1382 = arith.cmpi ne, %and3A_1379, %ne3A_1381 : vector<8x32x128xi32>
    %select_n3A_1383 = arith.select %ne3A_1382, %roll3A_1374, %roll3A_1376 : vector<8x32x128xi1>, vector<8x32x128xf32>
    %roll3A_1384 = arith.constant 8 : i32
    %roll3A_1385 = tpu.dynamic_rotate %select_n3A_1372 by %roll3A_1384 dim 2 : vector<8x32x128xi32>, i32 -> vector<8x32x128xi32>
    %roll3A_1386 = arith.constant 120 : i32
    %roll3A_1387 = tpu.dynamic_rotate %select_n3A_1372 by %roll3A_1386 dim 2 : vector<8x32x128xi32>, i32 -> vector<8x32x128xi32>
    %and3A_1388 = arith.constant 8 : i32
    %and3A_1389 = vector.broadcast %and3A_1388 : i32 to vector<8x32x128xi32>
    %and3A_1390 = arith.andi %add3A, %and3A_1389 : vector<8x32x128xi32>
    %ne3A_1391 = arith.constant 0 : i32
    %ne3A_1392 = vector.broadcast %ne3A_1391 : i32 to vector<8x32x128xi32>
    %ne3A_1393 = arith.cmpi ne, %and3A_1390, %ne3A_1392 : vector<8x32x128xi32>
    %select_n3A_1394 = arith.select %ne3A_1393, %roll3A_1385, %roll3A_1387 : vector<8x32x128xi1>, vector<8x32x128xi32>
    %gt3A_1395 = arith.cmpf ogt, %select_n3A_1371, %select_n3A_1383 : vector<8x32x128xf32>
    %eq3A_1396 = arith.cmpf oeq, %select_n3A_1371, %select_n3A_1383 : vector<8x32x128xf32>
    %lt3A_1397 = arith.cmpi slt, %select_n3A_1372, %select_n3A_1394 : vector<8x32x128xi32>
    %and3A_1398 = arith.andi %eq3A_1396, %lt3A_1397 : vector<8x32x128xi1>
    %or3A_1399 = arith.ori %gt3A_1395, %and3A_1398 : vector<8x32x128xi1>
    %and3A_1400 = arith.constant 8 : i32
    %and3A_1401 = vector.broadcast %and3A_1400 : i32 to vector<8x32x128xi32>
    %and3A_1402 = arith.andi %add3A, %and3A_1401 : vector<8x32x128xi32>
    %ne3A_1403 = arith.constant 0 : i32
    %ne3A_1404 = vector.broadcast %ne3A_1403 : i32 to vector<8x32x128xi32>
    %ne3A_1405 = arith.cmpi ne, %and3A_1402, %ne3A_1404 : vector<8x32x128xi32>
    %and3A_1406 = arith.constant 256 : i32
    %and3A_1407 = vector.broadcast %and3A_1406 : i32 to vector<8x32x128xi32>
    %and3A_1408 = arith.andi %add3A, %and3A_1407 : vector<8x32x128xi32>
    %ne3A_1409 = arith.constant 0 : i32
    %ne3A_1410 = vector.broadcast %ne3A_1409 : i32 to vector<8x32x128xi32>
    %ne3A_1411 = arith.cmpi ne, %and3A_1408, %ne3A_1410 : vector<8x32x128xi32>
    %xor3A_1412 = arith.xori %or3A_1399, %ne3A_1405 : vector<8x32x128xi1>
    %xor3A_1413 = arith.xori %xor3A_1412, %ne3A_1411 : vector<8x32x128xi1>
    %select_n3A_1414 = arith.select %xor3A_1413, %select_n3A_1371, %select_n3A_1383 : vector<8x32x128xi1>, vector<8x32x128xf32>
    %select_n3A_1415 = arith.select %xor3A_1413, %select_n3A_1372, %select_n3A_1394 : vector<8x32x128xi1>, vector<8x32x128xi32>
    %roll3A_1416 = arith.constant 4 : i32
    %roll3A_1417 = tpu.dynamic_rotate %select_n3A_1414 by %roll3A_1416 dim 2 : vector<8x32x128xf32>, i32 -> vector<8x32x128xf32>
    %roll3A_1418 = arith.constant 124 : i32
    %roll3A_1419 = tpu.dynamic_rotate %select_n3A_1414 by %roll3A_1418 dim 2 : vector<8x32x128xf32>, i32 -> vector<8x32x128xf32>
    %and3A_1420 = arith.constant 4 : i32
    %and3A_1421 = vector.broadcast %and3A_1420 : i32 to vector<8x32x128xi32>
    %and3A_1422 = arith.andi %add3A, %and3A_1421 : vector<8x32x128xi32>
    %ne3A_1423 = arith.constant 0 : i32
    %ne3A_1424 = vector.broadcast %ne3A_1423 : i32 to vector<8x32x128xi32>
    %ne3A_1425 = arith.cmpi ne, %and3A_1422, %ne3A_1424 : vector<8x32x128xi32>
    %select_n3A_1426 = arith.select %ne3A_1425, %roll3A_1417, %roll3A_1419 : vector<8x32x128xi1>, vector<8x32x128xf32>
    %roll3A_1427 = arith.constant 4 : i32
    %roll3A_1428 = tpu.dynamic_rotate %select_n3A_1415 by %roll3A_1427 dim 2 : vector<8x32x128xi32>, i32 -> vector<8x32x128xi32>
    %roll3A_1429 = arith.constant 124 : i32
    %roll3A_1430 = tpu.dynamic_rotate %select_n3A_1415 by %roll3A_1429 dim 2 : vector<8x32x128xi32>, i32 -> vector<8x32x128xi32>
    %and3A_1431 = arith.constant 4 : i32
    %and3A_1432 = vector.broadcast %and3A_1431 : i32 to vector<8x32x128xi32>
    %and3A_1433 = arith.andi %add3A, %and3A_1432 : vector<8x32x128xi32>
    %ne3A_1434 = arith.constant 0 : i32
    %ne3A_1435 = vector.broadcast %ne3A_1434 : i32 to vector<8x32x128xi32>
    %ne3A_1436 = arith.cmpi ne, %and3A_1433, %ne3A_1435 : vector<8x32x128xi32>
    %select_n3A_1437 = arith.select %ne3A_1436, %roll3A_1428, %roll3A_1430 : vector<8x32x128xi1>, vector<8x32x128xi32>
    %gt3A_1438 = arith.cmpf ogt, %select_n3A_1414, %select_n3A_1426 : vector<8x32x128xf32>
    %eq3A_1439 = arith.cmpf oeq, %select_n3A_1414, %select_n3A_1426 : vector<8x32x128xf32>
    %lt3A_1440 = arith.cmpi slt, %select_n3A_1415, %select_n3A_1437 : vector<8x32x128xi32>
    %and3A_1441 = arith.andi %eq3A_1439, %lt3A_1440 : vector<8x32x128xi1>
    %or3A_1442 = arith.ori %gt3A_1438, %and3A_1441 : vector<8x32x128xi1>
    %and3A_1443 = arith.constant 4 : i32
    %and3A_1444 = vector.broadcast %and3A_1443 : i32 to vector<8x32x128xi32>
    %and3A_1445 = arith.andi %add3A, %and3A_1444 : vector<8x32x128xi32>
    %ne3A_1446 = arith.constant 0 : i32
    %ne3A_1447 = vector.broadcast %ne3A_1446 : i32 to vector<8x32x128xi32>
    %ne3A_1448 = arith.cmpi ne, %and3A_1445, %ne3A_1447 : vector<8x32x128xi32>
    %and3A_1449 = arith.constant 256 : i32
    %and3A_1450 = vector.broadcast %and3A_1449 : i32 to vector<8x32x128xi32>
    %and3A_1451 = arith.andi %add3A, %and3A_1450 : vector<8x32x128xi32>
    %ne3A_1452 = arith.constant 0 : i32
    %ne3A_1453 = vector.broadcast %ne3A_1452 : i32 to vector<8x32x128xi32>
    %ne3A_1454 = arith.cmpi ne, %and3A_1451, %ne3A_1453 : vector<8x32x128xi32>
    %xor3A_1455 = arith.xori %or3A_1442, %ne3A_1448 : vector<8x32x128xi1>
    %xor3A_1456 = arith.xori %xor3A_1455, %ne3A_1454 : vector<8x32x128xi1>
    %select_n3A_1457 = arith.select %xor3A_1456, %select_n3A_1414, %select_n3A_1426 : vector<8x32x128xi1>, vector<8x32x128xf32>
    %select_n3A_1458 = arith.select %xor3A_1456, %select_n3A_1415, %select_n3A_1437 : vector<8x32x128xi1>, vector<8x32x128xi32>
    %roll3A_1459 = arith.constant 2 : i32
    %roll3A_1460 = tpu.dynamic_rotate %select_n3A_1457 by %roll3A_1459 dim 2 : vector<8x32x128xf32>, i32 -> vector<8x32x128xf32>
    %roll3A_1461 = arith.constant 126 : i32
    %roll3A_1462 = tpu.dynamic_rotate %select_n3A_1457 by %roll3A_1461 dim 2 : vector<8x32x128xf32>, i32 -> vector<8x32x128xf32>
    %and3A_1463 = arith.constant 2 : i32
    %and3A_1464 = vector.broadcast %and3A_1463 : i32 to vector<8x32x128xi32>
    %and3A_1465 = arith.andi %add3A, %and3A_1464 : vector<8x32x128xi32>
    %ne3A_1466 = arith.constant 0 : i32
    %ne3A_1467 = vector.broadcast %ne3A_1466 : i32 to vector<8x32x128xi32>
    %ne3A_1468 = arith.cmpi ne, %and3A_1465, %ne3A_1467 : vector<8x32x128xi32>
    %select_n3A_1469 = arith.select %ne3A_1468, %roll3A_1460, %roll3A_1462 : vector<8x32x128xi1>, vector<8x32x128xf32>
    %roll3A_1470 = arith.constant 2 : i32
    %roll3A_1471 = tpu.dynamic_rotate %select_n3A_1458 by %roll3A_1470 dim 2 : vector<8x32x128xi32>, i32 -> vector<8x32x128xi32>
    %roll3A_1472 = arith.constant 126 : i32
    %roll3A_1473 = tpu.dynamic_rotate %select_n3A_1458 by %roll3A_1472 dim 2 : vector<8x32x128xi32>, i32 -> vector<8x32x128xi32>
    %and3A_1474 = arith.constant 2 : i32
    %and3A_1475 = vector.broadcast %and3A_1474 : i32 to vector<8x32x128xi32>
    %and3A_1476 = arith.andi %add3A, %and3A_1475 : vector<8x32x128xi32>
    %ne3A_1477 = arith.constant 0 : i32
    %ne3A_1478 = vector.broadcast %ne3A_1477 : i32 to vector<8x32x128xi32>
    %ne3A_1479 = arith.cmpi ne, %and3A_1476, %ne3A_1478 : vector<8x32x128xi32>
    %select_n3A_1480 = arith.select %ne3A_1479, %roll3A_1471, %roll3A_1473 : vector<8x32x128xi1>, vector<8x32x128xi32>
    %gt3A_1481 = arith.cmpf ogt, %select_n3A_1457, %select_n3A_1469 : vector<8x32x128xf32>
    %eq3A_1482 = arith.cmpf oeq, %select_n3A_1457, %select_n3A_1469 : vector<8x32x128xf32>
    %lt3A_1483 = arith.cmpi slt, %select_n3A_1458, %select_n3A_1480 : vector<8x32x128xi32>
    %and3A_1484 = arith.andi %eq3A_1482, %lt3A_1483 : vector<8x32x128xi1>
    %or3A_1485 = arith.ori %gt3A_1481, %and3A_1484 : vector<8x32x128xi1>
    %and3A_1486 = arith.constant 2 : i32
    %and3A_1487 = vector.broadcast %and3A_1486 : i32 to vector<8x32x128xi32>
    %and3A_1488 = arith.andi %add3A, %and3A_1487 : vector<8x32x128xi32>
    %ne3A_1489 = arith.constant 0 : i32
    %ne3A_1490 = vector.broadcast %ne3A_1489 : i32 to vector<8x32x128xi32>
    %ne3A_1491 = arith.cmpi ne, %and3A_1488, %ne3A_1490 : vector<8x32x128xi32>
    %and3A_1492 = arith.constant 256 : i32
    %and3A_1493 = vector.broadcast %and3A_1492 : i32 to vector<8x32x128xi32>
    %and3A_1494 = arith.andi %add3A, %and3A_1493 : vector<8x32x128xi32>
    %ne3A_1495 = arith.constant 0 : i32
    %ne3A_1496 = vector.broadcast %ne3A_1495 : i32 to vector<8x32x128xi32>
    %ne3A_1497 = arith.cmpi ne, %and3A_1494, %ne3A_1496 : vector<8x32x128xi32>
    %xor3A_1498 = arith.xori %or3A_1485, %ne3A_1491 : vector<8x32x128xi1>
    %xor3A_1499 = arith.xori %xor3A_1498, %ne3A_1497 : vector<8x32x128xi1>
    %select_n3A_1500 = arith.select %xor3A_1499, %select_n3A_1457, %select_n3A_1469 : vector<8x32x128xi1>, vector<8x32x128xf32>
    %select_n3A_1501 = arith.select %xor3A_1499, %select_n3A_1458, %select_n3A_1480 : vector<8x32x128xi1>, vector<8x32x128xi32>
    %roll3A_1502 = arith.constant 1 : i32
    %roll3A_1503 = tpu.dynamic_rotate %select_n3A_1500 by %roll3A_1502 dim 2 : vector<8x32x128xf32>, i32 -> vector<8x32x128xf32>
    %roll3A_1504 = arith.constant 127 : i32
    %roll3A_1505 = tpu.dynamic_rotate %select_n3A_1500 by %roll3A_1504 dim 2 : vector<8x32x128xf32>, i32 -> vector<8x32x128xf32>
    %and3A_1506 = arith.constant 1 : i32
    %and3A_1507 = vector.broadcast %and3A_1506 : i32 to vector<8x32x128xi32>
    %and3A_1508 = arith.andi %add3A, %and3A_1507 : vector<8x32x128xi32>
    %ne3A_1509 = arith.constant 0 : i32
    %ne3A_1510 = vector.broadcast %ne3A_1509 : i32 to vector<8x32x128xi32>
    %ne3A_1511 = arith.cmpi ne, %and3A_1508, %ne3A_1510 : vector<8x32x128xi32>
    %select_n3A_1512 = arith.select %ne3A_1511, %roll3A_1503, %roll3A_1505 : vector<8x32x128xi1>, vector<8x32x128xf32>
    %roll3A_1513 = arith.constant 1 : i32
    %roll3A_1514 = tpu.dynamic_rotate %select_n3A_1501 by %roll3A_1513 dim 2 : vector<8x32x128xi32>, i32 -> vector<8x32x128xi32>
    %roll3A_1515 = arith.constant 127 : i32
    %roll3A_1516 = tpu.dynamic_rotate %select_n3A_1501 by %roll3A_1515 dim 2 : vector<8x32x128xi32>, i32 -> vector<8x32x128xi32>
    %and3A_1517 = arith.constant 1 : i32
    %and3A_1518 = vector.broadcast %and3A_1517 : i32 to vector<8x32x128xi32>
    %and3A_1519 = arith.andi %add3A, %and3A_1518 : vector<8x32x128xi32>
    %ne3A_1520 = arith.constant 0 : i32
    %ne3A_1521 = vector.broadcast %ne3A_1520 : i32 to vector<8x32x128xi32>
    %ne3A_1522 = arith.cmpi ne, %and3A_1519, %ne3A_1521 : vector<8x32x128xi32>
    %select_n3A_1523 = arith.select %ne3A_1522, %roll3A_1514, %roll3A_1516 : vector<8x32x128xi1>, vector<8x32x128xi32>
    %gt3A_1524 = arith.cmpf ogt, %select_n3A_1500, %select_n3A_1512 : vector<8x32x128xf32>
    %eq3A_1525 = arith.cmpf oeq, %select_n3A_1500, %select_n3A_1512 : vector<8x32x128xf32>
    %lt3A_1526 = arith.cmpi slt, %select_n3A_1501, %select_n3A_1523 : vector<8x32x128xi32>
    %and3A_1527 = arith.andi %eq3A_1525, %lt3A_1526 : vector<8x32x128xi1>
    %or3A_1528 = arith.ori %gt3A_1524, %and3A_1527 : vector<8x32x128xi1>
    %and3A_1529 = arith.constant 1 : i32
    %and3A_1530 = vector.broadcast %and3A_1529 : i32 to vector<8x32x128xi32>
    %and3A_1531 = arith.andi %add3A, %and3A_1530 : vector<8x32x128xi32>
    %ne3A_1532 = arith.constant 0 : i32
    %ne3A_1533 = vector.broadcast %ne3A_1532 : i32 to vector<8x32x128xi32>
    %ne3A_1534 = arith.cmpi ne, %and3A_1531, %ne3A_1533 : vector<8x32x128xi32>
    %and3A_1535 = arith.constant 256 : i32
    %and3A_1536 = vector.broadcast %and3A_1535 : i32 to vector<8x32x128xi32>
    %and3A_1537 = arith.andi %add3A, %and3A_1536 : vector<8x32x128xi32>
    %ne3A_1538 = arith.constant 0 : i32
    %ne3A_1539 = vector.broadcast %ne3A_1538 : i32 to vector<8x32x128xi32>
    %ne3A_1540 = arith.cmpi ne, %and3A_1537, %ne3A_1539 : vector<8x32x128xi32>
    %xor3A_1541 = arith.xori %or3A_1528, %ne3A_1534 : vector<8x32x128xi1>
    %xor3A_1542 = arith.xori %xor3A_1541, %ne3A_1540 : vector<8x32x128xi1>
    %select_n3A_1543 = arith.select %xor3A_1542, %select_n3A_1500, %select_n3A_1512 : vector<8x32x128xi1>, vector<8x32x128xf32>
    %select_n3A_1544 = arith.select %xor3A_1542, %select_n3A_1501, %select_n3A_1523 : vector<8x32x128xi1>, vector<8x32x128xi32>
    %roll3A_1545 = arith.constant 2 : i32
    %roll3A_1546 = tpu.dynamic_rotate %select_n3A_1543 by %roll3A_1545 dim 1 : vector<8x32x128xf32>, i32 -> vector<8x32x128xf32>
    %roll3A_1547 = arith.constant 30 : i32
    %roll3A_1548 = tpu.dynamic_rotate %select_n3A_1543 by %roll3A_1547 dim 1 : vector<8x32x128xf32>, i32 -> vector<8x32x128xf32>
    %and3A_1549 = arith.constant 256 : i32
    %and3A_1550 = vector.broadcast %and3A_1549 : i32 to vector<8x32x128xi32>
    %and3A_1551 = arith.andi %add3A, %and3A_1550 : vector<8x32x128xi32>
    %ne3A_1552 = arith.constant 0 : i32
    %ne3A_1553 = vector.broadcast %ne3A_1552 : i32 to vector<8x32x128xi32>
    %ne3A_1554 = arith.cmpi ne, %and3A_1551, %ne3A_1553 : vector<8x32x128xi32>
    %select_n3A_1555 = arith.select %ne3A_1554, %roll3A_1546, %roll3A_1548 : vector<8x32x128xi1>, vector<8x32x128xf32>
    %roll3A_1556 = arith.constant 2 : i32
    %roll3A_1557 = tpu.dynamic_rotate %select_n3A_1544 by %roll3A_1556 dim 1 : vector<8x32x128xi32>, i32 -> vector<8x32x128xi32>
    %roll3A_1558 = arith.constant 30 : i32
    %roll3A_1559 = tpu.dynamic_rotate %select_n3A_1544 by %roll3A_1558 dim 1 : vector<8x32x128xi32>, i32 -> vector<8x32x128xi32>
    %and3A_1560 = arith.constant 256 : i32
    %and3A_1561 = vector.broadcast %and3A_1560 : i32 to vector<8x32x128xi32>
    %and3A_1562 = arith.andi %add3A, %and3A_1561 : vector<8x32x128xi32>
    %ne3A_1563 = arith.constant 0 : i32
    %ne3A_1564 = vector.broadcast %ne3A_1563 : i32 to vector<8x32x128xi32>
    %ne3A_1565 = arith.cmpi ne, %and3A_1562, %ne3A_1564 : vector<8x32x128xi32>
    %select_n3A_1566 = arith.select %ne3A_1565, %roll3A_1557, %roll3A_1559 : vector<8x32x128xi1>, vector<8x32x128xi32>
    %gt3A_1567 = arith.cmpf ogt, %select_n3A_1543, %select_n3A_1555 : vector<8x32x128xf32>
    %eq3A_1568 = arith.cmpf oeq, %select_n3A_1543, %select_n3A_1555 : vector<8x32x128xf32>
    %lt3A_1569 = arith.cmpi slt, %select_n3A_1544, %select_n3A_1566 : vector<8x32x128xi32>
    %and3A_1570 = arith.andi %eq3A_1568, %lt3A_1569 : vector<8x32x128xi1>
    %or3A_1571 = arith.ori %gt3A_1567, %and3A_1570 : vector<8x32x128xi1>
    %and3A_1572 = arith.constant 256 : i32
    %and3A_1573 = vector.broadcast %and3A_1572 : i32 to vector<8x32x128xi32>
    %and3A_1574 = arith.andi %add3A, %and3A_1573 : vector<8x32x128xi32>
    %ne3A_1575 = arith.constant 0 : i32
    %ne3A_1576 = vector.broadcast %ne3A_1575 : i32 to vector<8x32x128xi32>
    %ne3A_1577 = arith.cmpi ne, %and3A_1574, %ne3A_1576 : vector<8x32x128xi32>
    %and3A_1578 = arith.constant 512 : i32
    %and3A_1579 = vector.broadcast %and3A_1578 : i32 to vector<8x32x128xi32>
    %and3A_1580 = arith.andi %add3A, %and3A_1579 : vector<8x32x128xi32>
    %ne3A_1581 = arith.constant 0 : i32
    %ne3A_1582 = vector.broadcast %ne3A_1581 : i32 to vector<8x32x128xi32>
    %ne3A_1583 = arith.cmpi ne, %and3A_1580, %ne3A_1582 : vector<8x32x128xi32>
    %xor3A_1584 = arith.xori %or3A_1571, %ne3A_1577 : vector<8x32x128xi1>
    %xor3A_1585 = arith.xori %xor3A_1584, %ne3A_1583 : vector<8x32x128xi1>
    %select_n3A_1586 = arith.select %xor3A_1585, %select_n3A_1543, %select_n3A_1555 : vector<8x32x128xi1>, vector<8x32x128xf32>
    %select_n3A_1587 = arith.select %xor3A_1585, %select_n3A_1544, %select_n3A_1566 : vector<8x32x128xi1>, vector<8x32x128xi32>
    %roll3A_1588 = arith.constant 1 : i32
    %roll3A_1589 = tpu.dynamic_rotate %select_n3A_1586 by %roll3A_1588 dim 1 : vector<8x32x128xf32>, i32 -> vector<8x32x128xf32>
    %roll3A_1590 = arith.constant 31 : i32
    %roll3A_1591 = tpu.dynamic_rotate %select_n3A_1586 by %roll3A_1590 dim 1 : vector<8x32x128xf32>, i32 -> vector<8x32x128xf32>
    %and3A_1592 = arith.constant 128 : i32
    %and3A_1593 = vector.broadcast %and3A_1592 : i32 to vector<8x32x128xi32>
    %and3A_1594 = arith.andi %add3A, %and3A_1593 : vector<8x32x128xi32>
    %ne3A_1595 = arith.constant 0 : i32
    %ne3A_1596 = vector.broadcast %ne3A_1595 : i32 to vector<8x32x128xi32>
    %ne3A_1597 = arith.cmpi ne, %and3A_1594, %ne3A_1596 : vector<8x32x128xi32>
    %select_n3A_1598 = arith.select %ne3A_1597, %roll3A_1589, %roll3A_1591 : vector<8x32x128xi1>, vector<8x32x128xf32>
    %roll3A_1599 = arith.constant 1 : i32
    %roll3A_1600 = tpu.dynamic_rotate %select_n3A_1587 by %roll3A_1599 dim 1 : vector<8x32x128xi32>, i32 -> vector<8x32x128xi32>
    %roll3A_1601 = arith.constant 31 : i32
    %roll3A_1602 = tpu.dynamic_rotate %select_n3A_1587 by %roll3A_1601 dim 1 : vector<8x32x128xi32>, i32 -> vector<8x32x128xi32>
    %and3A_1603 = arith.constant 128 : i32
    %and3A_1604 = vector.broadcast %and3A_1603 : i32 to vector<8x32x128xi32>
    %and3A_1605 = arith.andi %add3A, %and3A_1604 : vector<8x32x128xi32>
    %ne3A_1606 = arith.constant 0 : i32
    %ne3A_1607 = vector.broadcast %ne3A_1606 : i32 to vector<8x32x128xi32>
    %ne3A_1608 = arith.cmpi ne, %and3A_1605, %ne3A_1607 : vector<8x32x128xi32>
    %select_n3A_1609 = arith.select %ne3A_1608, %roll3A_1600, %roll3A_1602 : vector<8x32x128xi1>, vector<8x32x128xi32>
    %gt3A_1610 = arith.cmpf ogt, %select_n3A_1586, %select_n3A_1598 : vector<8x32x128xf32>
    %eq3A_1611 = arith.cmpf oeq, %select_n3A_1586, %select_n3A_1598 : vector<8x32x128xf32>
    %lt3A_1612 = arith.cmpi slt, %select_n3A_1587, %select_n3A_1609 : vector<8x32x128xi32>
    %and3A_1613 = arith.andi %eq3A_1611, %lt3A_1612 : vector<8x32x128xi1>
    %or3A_1614 = arith.ori %gt3A_1610, %and3A_1613 : vector<8x32x128xi1>
    %and3A_1615 = arith.constant 128 : i32
    %and3A_1616 = vector.broadcast %and3A_1615 : i32 to vector<8x32x128xi32>
    %and3A_1617 = arith.andi %add3A, %and3A_1616 : vector<8x32x128xi32>
    %ne3A_1618 = arith.constant 0 : i32
    %ne3A_1619 = vector.broadcast %ne3A_1618 : i32 to vector<8x32x128xi32>
    %ne3A_1620 = arith.cmpi ne, %and3A_1617, %ne3A_1619 : vector<8x32x128xi32>
    %and3A_1621 = arith.constant 512 : i32
    %and3A_1622 = vector.broadcast %and3A_1621 : i32 to vector<8x32x128xi32>
    %and3A_1623 = arith.andi %add3A, %and3A_1622 : vector<8x32x128xi32>
    %ne3A_1624 = arith.constant 0 : i32
    %ne3A_1625 = vector.broadcast %ne3A_1624 : i32 to vector<8x32x128xi32>
    %ne3A_1626 = arith.cmpi ne, %and3A_1623, %ne3A_1625 : vector<8x32x128xi32>
    %xor3A_1627 = arith.xori %or3A_1614, %ne3A_1620 : vector<8x32x128xi1>
    %xor3A_1628 = arith.xori %xor3A_1627, %ne3A_1626 : vector<8x32x128xi1>
    %select_n3A_1629 = arith.select %xor3A_1628, %select_n3A_1586, %select_n3A_1598 : vector<8x32x128xi1>, vector<8x32x128xf32>
    %select_n3A_1630 = arith.select %xor3A_1628, %select_n3A_1587, %select_n3A_1609 : vector<8x32x128xi1>, vector<8x32x128xi32>
    %roll3A_1631 = arith.constant 64 : i32
    %roll3A_1632 = tpu.dynamic_rotate %select_n3A_1629 by %roll3A_1631 dim 2 : vector<8x32x128xf32>, i32 -> vector<8x32x128xf32>
    %roll3A_1633 = arith.constant 64 : i32
    %roll3A_1634 = tpu.dynamic_rotate %select_n3A_1629 by %roll3A_1633 dim 2 : vector<8x32x128xf32>, i32 -> vector<8x32x128xf32>
    %and3A_1635 = arith.constant 64 : i32
    %and3A_1636 = vector.broadcast %and3A_1635 : i32 to vector<8x32x128xi32>
    %and3A_1637 = arith.andi %add3A, %and3A_1636 : vector<8x32x128xi32>
    %ne3A_1638 = arith.constant 0 : i32
    %ne3A_1639 = vector.broadcast %ne3A_1638 : i32 to vector<8x32x128xi32>
    %ne3A_1640 = arith.cmpi ne, %and3A_1637, %ne3A_1639 : vector<8x32x128xi32>
    %select_n3A_1641 = arith.select %ne3A_1640, %roll3A_1632, %roll3A_1634 : vector<8x32x128xi1>, vector<8x32x128xf32>
    %roll3A_1642 = arith.constant 64 : i32
    %roll3A_1643 = tpu.dynamic_rotate %select_n3A_1630 by %roll3A_1642 dim 2 : vector<8x32x128xi32>, i32 -> vector<8x32x128xi32>
    %roll3A_1644 = arith.constant 64 : i32
    %roll3A_1645 = tpu.dynamic_rotate %select_n3A_1630 by %roll3A_1644 dim 2 : vector<8x32x128xi32>, i32 -> vector<8x32x128xi32>
    %and3A_1646 = arith.constant 64 : i32
    %and3A_1647 = vector.broadcast %and3A_1646 : i32 to vector<8x32x128xi32>
    %and3A_1648 = arith.andi %add3A, %and3A_1647 : vector<8x32x128xi32>
    %ne3A_1649 = arith.constant 0 : i32
    %ne3A_1650 = vector.broadcast %ne3A_1649 : i32 to vector<8x32x128xi32>
    %ne3A_1651 = arith.cmpi ne, %and3A_1648, %ne3A_1650 : vector<8x32x128xi32>
    %select_n3A_1652 = arith.select %ne3A_1651, %roll3A_1643, %roll3A_1645 : vector<8x32x128xi1>, vector<8x32x128xi32>
    %gt3A_1653 = arith.cmpf ogt, %select_n3A_1629, %select_n3A_1641 : vector<8x32x128xf32>
    %eq3A_1654 = arith.cmpf oeq, %select_n3A_1629, %select_n3A_1641 : vector<8x32x128xf32>
    %lt3A_1655 = arith.cmpi slt, %select_n3A_1630, %select_n3A_1652 : vector<8x32x128xi32>
    %and3A_1656 = arith.andi %eq3A_1654, %lt3A_1655 : vector<8x32x128xi1>
    %or3A_1657 = arith.ori %gt3A_1653, %and3A_1656 : vector<8x32x128xi1>
    %and3A_1658 = arith.constant 64 : i32
    %and3A_1659 = vector.broadcast %and3A_1658 : i32 to vector<8x32x128xi32>
    %and3A_1660 = arith.andi %add3A, %and3A_1659 : vector<8x32x128xi32>
    %ne3A_1661 = arith.constant 0 : i32
    %ne3A_1662 = vector.broadcast %ne3A_1661 : i32 to vector<8x32x128xi32>
    %ne3A_1663 = arith.cmpi ne, %and3A_1660, %ne3A_1662 : vector<8x32x128xi32>
    %and3A_1664 = arith.constant 512 : i32
    %and3A_1665 = vector.broadcast %and3A_1664 : i32 to vector<8x32x128xi32>
    %and3A_1666 = arith.andi %add3A, %and3A_1665 : vector<8x32x128xi32>
    %ne3A_1667 = arith.constant 0 : i32
    %ne3A_1668 = vector.broadcast %ne3A_1667 : i32 to vector<8x32x128xi32>
    %ne3A_1669 = arith.cmpi ne, %and3A_1666, %ne3A_1668 : vector<8x32x128xi32>
    %xor3A_1670 = arith.xori %or3A_1657, %ne3A_1663 : vector<8x32x128xi1>
    %xor3A_1671 = arith.xori %xor3A_1670, %ne3A_1669 : vector<8x32x128xi1>
    %select_n3A_1672 = arith.select %xor3A_1671, %select_n3A_1629, %select_n3A_1641 : vector<8x32x128xi1>, vector<8x32x128xf32>
    %select_n3A_1673 = arith.select %xor3A_1671, %select_n3A_1630, %select_n3A_1652 : vector<8x32x128xi1>, vector<8x32x128xi32>
    %roll3A_1674 = arith.constant 32 : i32
    %roll3A_1675 = tpu.dynamic_rotate %select_n3A_1672 by %roll3A_1674 dim 2 : vector<8x32x128xf32>, i32 -> vector<8x32x128xf32>
    %roll3A_1676 = arith.constant 96 : i32
    %roll3A_1677 = tpu.dynamic_rotate %select_n3A_1672 by %roll3A_1676 dim 2 : vector<8x32x128xf32>, i32 -> vector<8x32x128xf32>
    %and3A_1678 = arith.constant 32 : i32
    %and3A_1679 = vector.broadcast %and3A_1678 : i32 to vector<8x32x128xi32>
    %and3A_1680 = arith.andi %add3A, %and3A_1679 : vector<8x32x128xi32>
    %ne3A_1681 = arith.constant 0 : i32
    %ne3A_1682 = vector.broadcast %ne3A_1681 : i32 to vector<8x32x128xi32>
    %ne3A_1683 = arith.cmpi ne, %and3A_1680, %ne3A_1682 : vector<8x32x128xi32>
    %select_n3A_1684 = arith.select %ne3A_1683, %roll3A_1675, %roll3A_1677 : vector<8x32x128xi1>, vector<8x32x128xf32>
    %roll3A_1685 = arith.constant 32 : i32
    %roll3A_1686 = tpu.dynamic_rotate %select_n3A_1673 by %roll3A_1685 dim 2 : vector<8x32x128xi32>, i32 -> vector<8x32x128xi32>
    %roll3A_1687 = arith.constant 96 : i32
    %roll3A_1688 = tpu.dynamic_rotate %select_n3A_1673 by %roll3A_1687 dim 2 : vector<8x32x128xi32>, i32 -> vector<8x32x128xi32>
    %and3A_1689 = arith.constant 32 : i32
    %and3A_1690 = vector.broadcast %and3A_1689 : i32 to vector<8x32x128xi32>
    %and3A_1691 = arith.andi %add3A, %and3A_1690 : vector<8x32x128xi32>
    %ne3A_1692 = arith.constant 0 : i32
    %ne3A_1693 = vector.broadcast %ne3A_1692 : i32 to vector<8x32x128xi32>
    %ne3A_1694 = arith.cmpi ne, %and3A_1691, %ne3A_1693 : vector<8x32x128xi32>
    %select_n3A_1695 = arith.select %ne3A_1694, %roll3A_1686, %roll3A_1688 : vector<8x32x128xi1>, vector<8x32x128xi32>
    %gt3A_1696 = arith.cmpf ogt, %select_n3A_1672, %select_n3A_1684 : vector<8x32x128xf32>
    %eq3A_1697 = arith.cmpf oeq, %select_n3A_1672, %select_n3A_1684 : vector<8x32x128xf32>
    %lt3A_1698 = arith.cmpi slt, %select_n3A_1673, %select_n3A_1695 : vector<8x32x128xi32>
    %and3A_1699 = arith.andi %eq3A_1697, %lt3A_1698 : vector<8x32x128xi1>
    %or3A_1700 = arith.ori %gt3A_1696, %and3A_1699 : vector<8x32x128xi1>
    %and3A_1701 = arith.constant 32 : i32
    %and3A_1702 = vector.broadcast %and3A_1701 : i32 to vector<8x32x128xi32>
    %and3A_1703 = arith.andi %add3A, %and3A_1702 : vector<8x32x128xi32>
    %ne3A_1704 = arith.constant 0 : i32
    %ne3A_1705 = vector.broadcast %ne3A_1704 : i32 to vector<8x32x128xi32>
    %ne3A_1706 = arith.cmpi ne, %and3A_1703, %ne3A_1705 : vector<8x32x128xi32>
    %and3A_1707 = arith.constant 512 : i32
    %and3A_1708 = vector.broadcast %and3A_1707 : i32 to vector<8x32x128xi32>
    %and3A_1709 = arith.andi %add3A, %and3A_1708 : vector<8x32x128xi32>
    %ne3A_1710 = arith.constant 0 : i32
    %ne3A_1711 = vector.broadcast %ne3A_1710 : i32 to vector<8x32x128xi32>
    %ne3A_1712 = arith.cmpi ne, %and3A_1709, %ne3A_1711 : vector<8x32x128xi32>
    %xor3A_1713 = arith.xori %or3A_1700, %ne3A_1706 : vector<8x32x128xi1>
    %xor3A_1714 = arith.xori %xor3A_1713, %ne3A_1712 : vector<8x32x128xi1>
    %select_n3A_1715 = arith.select %xor3A_1714, %select_n3A_1672, %select_n3A_1684 : vector<8x32x128xi1>, vector<8x32x128xf32>
    %select_n3A_1716 = arith.select %xor3A_1714, %select_n3A_1673, %select_n3A_1695 : vector<8x32x128xi1>, vector<8x32x128xi32>
    %roll3A_1717 = arith.constant 16 : i32
    %roll3A_1718 = tpu.dynamic_rotate %select_n3A_1715 by %roll3A_1717 dim 2 : vector<8x32x128xf32>, i32 -> vector<8x32x128xf32>
    %roll3A_1719 = arith.constant 112 : i32
    %roll3A_1720 = tpu.dynamic_rotate %select_n3A_1715 by %roll3A_1719 dim 2 : vector<8x32x128xf32>, i32 -> vector<8x32x128xf32>
    %and3A_1721 = arith.constant 16 : i32
    %and3A_1722 = vector.broadcast %and3A_1721 : i32 to vector<8x32x128xi32>
    %and3A_1723 = arith.andi %add3A, %and3A_1722 : vector<8x32x128xi32>
    %ne3A_1724 = arith.constant 0 : i32
    %ne3A_1725 = vector.broadcast %ne3A_1724 : i32 to vector<8x32x128xi32>
    %ne3A_1726 = arith.cmpi ne, %and3A_1723, %ne3A_1725 : vector<8x32x128xi32>
    %select_n3A_1727 = arith.select %ne3A_1726, %roll3A_1718, %roll3A_1720 : vector<8x32x128xi1>, vector<8x32x128xf32>
    %roll3A_1728 = arith.constant 16 : i32
    %roll3A_1729 = tpu.dynamic_rotate %select_n3A_1716 by %roll3A_1728 dim 2 : vector<8x32x128xi32>, i32 -> vector<8x32x128xi32>
    %roll3A_1730 = arith.constant 112 : i32
    %roll3A_1731 = tpu.dynamic_rotate %select_n3A_1716 by %roll3A_1730 dim 2 : vector<8x32x128xi32>, i32 -> vector<8x32x128xi32>
    %and3A_1732 = arith.constant 16 : i32
    %and3A_1733 = vector.broadcast %and3A_1732 : i32 to vector<8x32x128xi32>
    %and3A_1734 = arith.andi %add3A, %and3A_1733 : vector<8x32x128xi32>
    %ne3A_1735 = arith.constant 0 : i32
    %ne3A_1736 = vector.broadcast %ne3A_1735 : i32 to vector<8x32x128xi32>
    %ne3A_1737 = arith.cmpi ne, %and3A_1734, %ne3A_1736 : vector<8x32x128xi32>
    %select_n3A_1738 = arith.select %ne3A_1737, %roll3A_1729, %roll3A_1731 : vector<8x32x128xi1>, vector<8x32x128xi32>
    %gt3A_1739 = arith.cmpf ogt, %select_n3A_1715, %select_n3A_1727 : vector<8x32x128xf32>
    %eq3A_1740 = arith.cmpf oeq, %select_n3A_1715, %select_n3A_1727 : vector<8x32x128xf32>
    %lt3A_1741 = arith.cmpi slt, %select_n3A_1716, %select_n3A_1738 : vector<8x32x128xi32>
    %and3A_1742 = arith.andi %eq3A_1740, %lt3A_1741 : vector<8x32x128xi1>
    %or3A_1743 = arith.ori %gt3A_1739, %and3A_1742 : vector<8x32x128xi1>
    %and3A_1744 = arith.constant 16 : i32
    %and3A_1745 = vector.broadcast %and3A_1744 : i32 to vector<8x32x128xi32>
    %and3A_1746 = arith.andi %add3A, %and3A_1745 : vector<8x32x128xi32>
    %ne3A_1747 = arith.constant 0 : i32
    %ne3A_1748 = vector.broadcast %ne3A_1747 : i32 to vector<8x32x128xi32>
    %ne3A_1749 = arith.cmpi ne, %and3A_1746, %ne3A_1748 : vector<8x32x128xi32>
    %and3A_1750 = arith.constant 512 : i32
    %and3A_1751 = vector.broadcast %and3A_1750 : i32 to vector<8x32x128xi32>
    %and3A_1752 = arith.andi %add3A, %and3A_1751 : vector<8x32x128xi32>
    %ne3A_1753 = arith.constant 0 : i32
    %ne3A_1754 = vector.broadcast %ne3A_1753 : i32 to vector<8x32x128xi32>
    %ne3A_1755 = arith.cmpi ne, %and3A_1752, %ne3A_1754 : vector<8x32x128xi32>
    %xor3A_1756 = arith.xori %or3A_1743, %ne3A_1749 : vector<8x32x128xi1>
    %xor3A_1757 = arith.xori %xor3A_1756, %ne3A_1755 : vector<8x32x128xi1>
    %select_n3A_1758 = arith.select %xor3A_1757, %select_n3A_1715, %select_n3A_1727 : vector<8x32x128xi1>, vector<8x32x128xf32>
    %select_n3A_1759 = arith.select %xor3A_1757, %select_n3A_1716, %select_n3A_1738 : vector<8x32x128xi1>, vector<8x32x128xi32>
    %roll3A_1760 = arith.constant 8 : i32
    %roll3A_1761 = tpu.dynamic_rotate %select_n3A_1758 by %roll3A_1760 dim 2 : vector<8x32x128xf32>, i32 -> vector<8x32x128xf32>
    %roll3A_1762 = arith.constant 120 : i32
    %roll3A_1763 = tpu.dynamic_rotate %select_n3A_1758 by %roll3A_1762 dim 2 : vector<8x32x128xf32>, i32 -> vector<8x32x128xf32>
    %and3A_1764 = arith.constant 8 : i32
    %and3A_1765 = vector.broadcast %and3A_1764 : i32 to vector<8x32x128xi32>
    %and3A_1766 = arith.andi %add3A, %and3A_1765 : vector<8x32x128xi32>
    %ne3A_1767 = arith.constant 0 : i32
    %ne3A_1768 = vector.broadcast %ne3A_1767 : i32 to vector<8x32x128xi32>
    %ne3A_1769 = arith.cmpi ne, %and3A_1766, %ne3A_1768 : vector<8x32x128xi32>
    %select_n3A_1770 = arith.select %ne3A_1769, %roll3A_1761, %roll3A_1763 : vector<8x32x128xi1>, vector<8x32x128xf32>
    %roll3A_1771 = arith.constant 8 : i32
    %roll3A_1772 = tpu.dynamic_rotate %select_n3A_1759 by %roll3A_1771 dim 2 : vector<8x32x128xi32>, i32 -> vector<8x32x128xi32>
    %roll3A_1773 = arith.constant 120 : i32
    %roll3A_1774 = tpu.dynamic_rotate %select_n3A_1759 by %roll3A_1773 dim 2 : vector<8x32x128xi32>, i32 -> vector<8x32x128xi32>
    %and3A_1775 = arith.constant 8 : i32
    %and3A_1776 = vector.broadcast %and3A_1775 : i32 to vector<8x32x128xi32>
    %and3A_1777 = arith.andi %add3A, %and3A_1776 : vector<8x32x128xi32>
    %ne3A_1778 = arith.constant 0 : i32
    %ne3A_1779 = vector.broadcast %ne3A_1778 : i32 to vector<8x32x128xi32>
    %ne3A_1780 = arith.cmpi ne, %and3A_1777, %ne3A_1779 : vector<8x32x128xi32>
    %select_n3A_1781 = arith.select %ne3A_1780, %roll3A_1772, %roll3A_1774 : vector<8x32x128xi1>, vector<8x32x128xi32>
    %gt3A_1782 = arith.cmpf ogt, %select_n3A_1758, %select_n3A_1770 : vector<8x32x128xf32>
    %eq3A_1783 = arith.cmpf oeq, %select_n3A_1758, %select_n3A_1770 : vector<8x32x128xf32>
    %lt3A_1784 = arith.cmpi slt, %select_n3A_1759, %select_n3A_1781 : vector<8x32x128xi32>
    %and3A_1785 = arith.andi %eq3A_1783, %lt3A_1784 : vector<8x32x128xi1>
    %or3A_1786 = arith.ori %gt3A_1782, %and3A_1785 : vector<8x32x128xi1>
    %and3A_1787 = arith.constant 8 : i32
    %and3A_1788 = vector.broadcast %and3A_1787 : i32 to vector<8x32x128xi32>
    %and3A_1789 = arith.andi %add3A, %and3A_1788 : vector<8x32x128xi32>
    %ne3A_1790 = arith.constant 0 : i32
    %ne3A_1791 = vector.broadcast %ne3A_1790 : i32 to vector<8x32x128xi32>
    %ne3A_1792 = arith.cmpi ne, %and3A_1789, %ne3A_1791 : vector<8x32x128xi32>
    %and3A_1793 = arith.constant 512 : i32
    %and3A_1794 = vector.broadcast %and3A_1793 : i32 to vector<8x32x128xi32>
    %and3A_1795 = arith.andi %add3A, %and3A_1794 : vector<8x32x128xi32>
    %ne3A_1796 = arith.constant 0 : i32
    %ne3A_1797 = vector.broadcast %ne3A_1796 : i32 to vector<8x32x128xi32>
    %ne3A_1798 = arith.cmpi ne, %and3A_1795, %ne3A_1797 : vector<8x32x128xi32>
    %xor3A_1799 = arith.xori %or3A_1786, %ne3A_1792 : vector<8x32x128xi1>
    %xor3A_1800 = arith.xori %xor3A_1799, %ne3A_1798 : vector<8x32x128xi1>
    %select_n3A_1801 = arith.select %xor3A_1800, %select_n3A_1758, %select_n3A_1770 : vector<8x32x128xi1>, vector<8x32x128xf32>
    %select_n3A_1802 = arith.select %xor3A_1800, %select_n3A_1759, %select_n3A_1781 : vector<8x32x128xi1>, vector<8x32x128xi32>
    %roll3A_1803 = arith.constant 4 : i32
    %roll3A_1804 = tpu.dynamic_rotate %select_n3A_1801 by %roll3A_1803 dim 2 : vector<8x32x128xf32>, i32 -> vector<8x32x128xf32>
    %roll3A_1805 = arith.constant 124 : i32
    %roll3A_1806 = tpu.dynamic_rotate %select_n3A_1801 by %roll3A_1805 dim 2 : vector<8x32x128xf32>, i32 -> vector<8x32x128xf32>
    %and3A_1807 = arith.constant 4 : i32
    %and3A_1808 = vector.broadcast %and3A_1807 : i32 to vector<8x32x128xi32>
    %and3A_1809 = arith.andi %add3A, %and3A_1808 : vector<8x32x128xi32>
    %ne3A_1810 = arith.constant 0 : i32
    %ne3A_1811 = vector.broadcast %ne3A_1810 : i32 to vector<8x32x128xi32>
    %ne3A_1812 = arith.cmpi ne, %and3A_1809, %ne3A_1811 : vector<8x32x128xi32>
    %select_n3A_1813 = arith.select %ne3A_1812, %roll3A_1804, %roll3A_1806 : vector<8x32x128xi1>, vector<8x32x128xf32>
    %roll3A_1814 = arith.constant 4 : i32
    %roll3A_1815 = tpu.dynamic_rotate %select_n3A_1802 by %roll3A_1814 dim 2 : vector<8x32x128xi32>, i32 -> vector<8x32x128xi32>
    %roll3A_1816 = arith.constant 124 : i32
    %roll3A_1817 = tpu.dynamic_rotate %select_n3A_1802 by %roll3A_1816 dim 2 : vector<8x32x128xi32>, i32 -> vector<8x32x128xi32>
    %and3A_1818 = arith.constant 4 : i32
    %and3A_1819 = vector.broadcast %and3A_1818 : i32 to vector<8x32x128xi32>
    %and3A_1820 = arith.andi %add3A, %and3A_1819 : vector<8x32x128xi32>
    %ne3A_1821 = arith.constant 0 : i32
    %ne3A_1822 = vector.broadcast %ne3A_1821 : i32 to vector<8x32x128xi32>
    %ne3A_1823 = arith.cmpi ne, %and3A_1820, %ne3A_1822 : vector<8x32x128xi32>
    %select_n3A_1824 = arith.select %ne3A_1823, %roll3A_1815, %roll3A_1817 : vector<8x32x128xi1>, vector<8x32x128xi32>
    %gt3A_1825 = arith.cmpf ogt, %select_n3A_1801, %select_n3A_1813 : vector<8x32x128xf32>
    %eq3A_1826 = arith.cmpf oeq, %select_n3A_1801, %select_n3A_1813 : vector<8x32x128xf32>
    %lt3A_1827 = arith.cmpi slt, %select_n3A_1802, %select_n3A_1824 : vector<8x32x128xi32>
    %and3A_1828 = arith.andi %eq3A_1826, %lt3A_1827 : vector<8x32x128xi1>
    %or3A_1829 = arith.ori %gt3A_1825, %and3A_1828 : vector<8x32x128xi1>
    %and3A_1830 = arith.constant 4 : i32
    %and3A_1831 = vector.broadcast %and3A_1830 : i32 to vector<8x32x128xi32>
    %and3A_1832 = arith.andi %add3A, %and3A_1831 : vector<8x32x128xi32>
    %ne3A_1833 = arith.constant 0 : i32
    %ne3A_1834 = vector.broadcast %ne3A_1833 : i32 to vector<8x32x128xi32>
    %ne3A_1835 = arith.cmpi ne, %and3A_1832, %ne3A_1834 : vector<8x32x128xi32>
    %and3A_1836 = arith.constant 512 : i32
    %and3A_1837 = vector.broadcast %and3A_1836 : i32 to vector<8x32x128xi32>
    %and3A_1838 = arith.andi %add3A, %and3A_1837 : vector<8x32x128xi32>
    %ne3A_1839 = arith.constant 0 : i32
    %ne3A_1840 = vector.broadcast %ne3A_1839 : i32 to vector<8x32x128xi32>
    %ne3A_1841 = arith.cmpi ne, %and3A_1838, %ne3A_1840 : vector<8x32x128xi32>
    %xor3A_1842 = arith.xori %or3A_1829, %ne3A_1835 : vector<8x32x128xi1>
    %xor3A_1843 = arith.xori %xor3A_1842, %ne3A_1841 : vector<8x32x128xi1>
    %select_n3A_1844 = arith.select %xor3A_1843, %select_n3A_1801, %select_n3A_1813 : vector<8x32x128xi1>, vector<8x32x128xf32>
    %select_n3A_1845 = arith.select %xor3A_1843, %select_n3A_1802, %select_n3A_1824 : vector<8x32x128xi1>, vector<8x32x128xi32>
    %roll3A_1846 = arith.constant 2 : i32
    %roll3A_1847 = tpu.dynamic_rotate %select_n3A_1844 by %roll3A_1846 dim 2 : vector<8x32x128xf32>, i32 -> vector<8x32x128xf32>
    %roll3A_1848 = arith.constant 126 : i32
    %roll3A_1849 = tpu.dynamic_rotate %select_n3A_1844 by %roll3A_1848 dim 2 : vector<8x32x128xf32>, i32 -> vector<8x32x128xf32>
    %and3A_1850 = arith.constant 2 : i32
    %and3A_1851 = vector.broadcast %and3A_1850 : i32 to vector<8x32x128xi32>
    %and3A_1852 = arith.andi %add3A, %and3A_1851 : vector<8x32x128xi32>
    %ne3A_1853 = arith.constant 0 : i32
    %ne3A_1854 = vector.broadcast %ne3A_1853 : i32 to vector<8x32x128xi32>
    %ne3A_1855 = arith.cmpi ne, %and3A_1852, %ne3A_1854 : vector<8x32x128xi32>
    %select_n3A_1856 = arith.select %ne3A_1855, %roll3A_1847, %roll3A_1849 : vector<8x32x128xi1>, vector<8x32x128xf32>
    %roll3A_1857 = arith.constant 2 : i32
    %roll3A_1858 = tpu.dynamic_rotate %select_n3A_1845 by %roll3A_1857 dim 2 : vector<8x32x128xi32>, i32 -> vector<8x32x128xi32>
    %roll3A_1859 = arith.constant 126 : i32
    %roll3A_1860 = tpu.dynamic_rotate %select_n3A_1845 by %roll3A_1859 dim 2 : vector<8x32x128xi32>, i32 -> vector<8x32x128xi32>
    %and3A_1861 = arith.constant 2 : i32
    %and3A_1862 = vector.broadcast %and3A_1861 : i32 to vector<8x32x128xi32>
    %and3A_1863 = arith.andi %add3A, %and3A_1862 : vector<8x32x128xi32>
    %ne3A_1864 = arith.constant 0 : i32
    %ne3A_1865 = vector.broadcast %ne3A_1864 : i32 to vector<8x32x128xi32>
    %ne3A_1866 = arith.cmpi ne, %and3A_1863, %ne3A_1865 : vector<8x32x128xi32>
    %select_n3A_1867 = arith.select %ne3A_1866, %roll3A_1858, %roll3A_1860 : vector<8x32x128xi1>, vector<8x32x128xi32>
    %gt3A_1868 = arith.cmpf ogt, %select_n3A_1844, %select_n3A_1856 : vector<8x32x128xf32>
    %eq3A_1869 = arith.cmpf oeq, %select_n3A_1844, %select_n3A_1856 : vector<8x32x128xf32>
    %lt3A_1870 = arith.cmpi slt, %select_n3A_1845, %select_n3A_1867 : vector<8x32x128xi32>
    %and3A_1871 = arith.andi %eq3A_1869, %lt3A_1870 : vector<8x32x128xi1>
    %or3A_1872 = arith.ori %gt3A_1868, %and3A_1871 : vector<8x32x128xi1>
    %and3A_1873 = arith.constant 2 : i32
    %and3A_1874 = vector.broadcast %and3A_1873 : i32 to vector<8x32x128xi32>
    %and3A_1875 = arith.andi %add3A, %and3A_1874 : vector<8x32x128xi32>
    %ne3A_1876 = arith.constant 0 : i32
    %ne3A_1877 = vector.broadcast %ne3A_1876 : i32 to vector<8x32x128xi32>
    %ne3A_1878 = arith.cmpi ne, %and3A_1875, %ne3A_1877 : vector<8x32x128xi32>
    %and3A_1879 = arith.constant 512 : i32
    %and3A_1880 = vector.broadcast %and3A_1879 : i32 to vector<8x32x128xi32>
    %and3A_1881 = arith.andi %add3A, %and3A_1880 : vector<8x32x128xi32>
    %ne3A_1882 = arith.constant 0 : i32
    %ne3A_1883 = vector.broadcast %ne3A_1882 : i32 to vector<8x32x128xi32>
    %ne3A_1884 = arith.cmpi ne, %and3A_1881, %ne3A_1883 : vector<8x32x128xi32>
    %xor3A_1885 = arith.xori %or3A_1872, %ne3A_1878 : vector<8x32x128xi1>
    %xor3A_1886 = arith.xori %xor3A_1885, %ne3A_1884 : vector<8x32x128xi1>
    %select_n3A_1887 = arith.select %xor3A_1886, %select_n3A_1844, %select_n3A_1856 : vector<8x32x128xi1>, vector<8x32x128xf32>
    %select_n3A_1888 = arith.select %xor3A_1886, %select_n3A_1845, %select_n3A_1867 : vector<8x32x128xi1>, vector<8x32x128xi32>
    %roll3A_1889 = arith.constant 1 : i32
    %roll3A_1890 = tpu.dynamic_rotate %select_n3A_1887 by %roll3A_1889 dim 2 : vector<8x32x128xf32>, i32 -> vector<8x32x128xf32>
    %roll3A_1891 = arith.constant 127 : i32
    %roll3A_1892 = tpu.dynamic_rotate %select_n3A_1887 by %roll3A_1891 dim 2 : vector<8x32x128xf32>, i32 -> vector<8x32x128xf32>
    %and3A_1893 = arith.constant 1 : i32
    %and3A_1894 = vector.broadcast %and3A_1893 : i32 to vector<8x32x128xi32>
    %and3A_1895 = arith.andi %add3A, %and3A_1894 : vector<8x32x128xi32>
    %ne3A_1896 = arith.constant 0 : i32
    %ne3A_1897 = vector.broadcast %ne3A_1896 : i32 to vector<8x32x128xi32>
    %ne3A_1898 = arith.cmpi ne, %and3A_1895, %ne3A_1897 : vector<8x32x128xi32>
    %select_n3A_1899 = arith.select %ne3A_1898, %roll3A_1890, %roll3A_1892 : vector<8x32x128xi1>, vector<8x32x128xf32>
    %roll3A_1900 = arith.constant 1 : i32
    %roll3A_1901 = tpu.dynamic_rotate %select_n3A_1888 by %roll3A_1900 dim 2 : vector<8x32x128xi32>, i32 -> vector<8x32x128xi32>
    %roll3A_1902 = arith.constant 127 : i32
    %roll3A_1903 = tpu.dynamic_rotate %select_n3A_1888 by %roll3A_1902 dim 2 : vector<8x32x128xi32>, i32 -> vector<8x32x128xi32>
    %and3A_1904 = arith.constant 1 : i32
    %and3A_1905 = vector.broadcast %and3A_1904 : i32 to vector<8x32x128xi32>
    %and3A_1906 = arith.andi %add3A, %and3A_1905 : vector<8x32x128xi32>
    %ne3A_1907 = arith.constant 0 : i32
    %ne3A_1908 = vector.broadcast %ne3A_1907 : i32 to vector<8x32x128xi32>
    %ne3A_1909 = arith.cmpi ne, %and3A_1906, %ne3A_1908 : vector<8x32x128xi32>
    %select_n3A_1910 = arith.select %ne3A_1909, %roll3A_1901, %roll3A_1903 : vector<8x32x128xi1>, vector<8x32x128xi32>
    %gt3A_1911 = arith.cmpf ogt, %select_n3A_1887, %select_n3A_1899 : vector<8x32x128xf32>
    %eq3A_1912 = arith.cmpf oeq, %select_n3A_1887, %select_n3A_1899 : vector<8x32x128xf32>
    %lt3A_1913 = arith.cmpi slt, %select_n3A_1888, %select_n3A_1910 : vector<8x32x128xi32>
    %and3A_1914 = arith.andi %eq3A_1912, %lt3A_1913 : vector<8x32x128xi1>
    %or3A_1915 = arith.ori %gt3A_1911, %and3A_1914 : vector<8x32x128xi1>
    %and3A_1916 = arith.constant 1 : i32
    %and3A_1917 = vector.broadcast %and3A_1916 : i32 to vector<8x32x128xi32>
    %and3A_1918 = arith.andi %add3A, %and3A_1917 : vector<8x32x128xi32>
    %ne3A_1919 = arith.constant 0 : i32
    %ne3A_1920 = vector.broadcast %ne3A_1919 : i32 to vector<8x32x128xi32>
    %ne3A_1921 = arith.cmpi ne, %and3A_1918, %ne3A_1920 : vector<8x32x128xi32>
    %and3A_1922 = arith.constant 512 : i32
    %and3A_1923 = vector.broadcast %and3A_1922 : i32 to vector<8x32x128xi32>
    %and3A_1924 = arith.andi %add3A, %and3A_1923 : vector<8x32x128xi32>
    %ne3A_1925 = arith.constant 0 : i32
    %ne3A_1926 = vector.broadcast %ne3A_1925 : i32 to vector<8x32x128xi32>
    %ne3A_1927 = arith.cmpi ne, %and3A_1924, %ne3A_1926 : vector<8x32x128xi32>
    %xor3A_1928 = arith.xori %or3A_1915, %ne3A_1921 : vector<8x32x128xi1>
    %xor3A_1929 = arith.xori %xor3A_1928, %ne3A_1927 : vector<8x32x128xi1>
    %select_n3A_1930 = arith.select %xor3A_1929, %select_n3A_1887, %select_n3A_1899 : vector<8x32x128xi1>, vector<8x32x128xf32>
    %select_n3A_1931 = arith.select %xor3A_1929, %select_n3A_1888, %select_n3A_1910 : vector<8x32x128xi1>, vector<8x32x128xi32>
    %roll3A_1932 = arith.constant 4 : i32
    %roll3A_1933 = tpu.dynamic_rotate %select_n3A_1930 by %roll3A_1932 dim 1 : vector<8x32x128xf32>, i32 -> vector<8x32x128xf32>
    %roll3A_1934 = arith.constant 28 : i32
    %roll3A_1935 = tpu.dynamic_rotate %select_n3A_1930 by %roll3A_1934 dim 1 : vector<8x32x128xf32>, i32 -> vector<8x32x128xf32>
    %and3A_1936 = arith.constant 512 : i32
    %and3A_1937 = vector.broadcast %and3A_1936 : i32 to vector<8x32x128xi32>
    %and3A_1938 = arith.andi %add3A, %and3A_1937 : vector<8x32x128xi32>
    %ne3A_1939 = arith.constant 0 : i32
    %ne3A_1940 = vector.broadcast %ne3A_1939 : i32 to vector<8x32x128xi32>
    %ne3A_1941 = arith.cmpi ne, %and3A_1938, %ne3A_1940 : vector<8x32x128xi32>
    %select_n3A_1942 = arith.select %ne3A_1941, %roll3A_1933, %roll3A_1935 : vector<8x32x128xi1>, vector<8x32x128xf32>
    %roll3A_1943 = arith.constant 4 : i32
    %roll3A_1944 = tpu.dynamic_rotate %select_n3A_1931 by %roll3A_1943 dim 1 : vector<8x32x128xi32>, i32 -> vector<8x32x128xi32>
    %roll3A_1945 = arith.constant 28 : i32
    %roll3A_1946 = tpu.dynamic_rotate %select_n3A_1931 by %roll3A_1945 dim 1 : vector<8x32x128xi32>, i32 -> vector<8x32x128xi32>
    %and3A_1947 = arith.constant 512 : i32
    %and3A_1948 = vector.broadcast %and3A_1947 : i32 to vector<8x32x128xi32>
    %and3A_1949 = arith.andi %add3A, %and3A_1948 : vector<8x32x128xi32>
    %ne3A_1950 = arith.constant 0 : i32
    %ne3A_1951 = vector.broadcast %ne3A_1950 : i32 to vector<8x32x128xi32>
    %ne3A_1952 = arith.cmpi ne, %and3A_1949, %ne3A_1951 : vector<8x32x128xi32>
    %select_n3A_1953 = arith.select %ne3A_1952, %roll3A_1944, %roll3A_1946 : vector<8x32x128xi1>, vector<8x32x128xi32>
    %gt3A_1954 = arith.cmpf ogt, %select_n3A_1930, %select_n3A_1942 : vector<8x32x128xf32>
    %eq3A_1955 = arith.cmpf oeq, %select_n3A_1930, %select_n3A_1942 : vector<8x32x128xf32>
    %lt3A_1956 = arith.cmpi slt, %select_n3A_1931, %select_n3A_1953 : vector<8x32x128xi32>
    %and3A_1957 = arith.andi %eq3A_1955, %lt3A_1956 : vector<8x32x128xi1>
    %or3A_1958 = arith.ori %gt3A_1954, %and3A_1957 : vector<8x32x128xi1>
    %and3A_1959 = arith.constant 512 : i32
    %and3A_1960 = vector.broadcast %and3A_1959 : i32 to vector<8x32x128xi32>
    %and3A_1961 = arith.andi %add3A, %and3A_1960 : vector<8x32x128xi32>
    %ne3A_1962 = arith.constant 0 : i32
    %ne3A_1963 = vector.broadcast %ne3A_1962 : i32 to vector<8x32x128xi32>
    %ne3A_1964 = arith.cmpi ne, %and3A_1961, %ne3A_1963 : vector<8x32x128xi32>
    %and3A_1965 = arith.constant 1024 : i32
    %and3A_1966 = vector.broadcast %and3A_1965 : i32 to vector<8x32x128xi32>
    %and3A_1967 = arith.andi %add3A, %and3A_1966 : vector<8x32x128xi32>
    %ne3A_1968 = arith.constant 0 : i32
    %ne3A_1969 = vector.broadcast %ne3A_1968 : i32 to vector<8x32x128xi32>
    %ne3A_1970 = arith.cmpi ne, %and3A_1967, %ne3A_1969 : vector<8x32x128xi32>
    %xor3A_1971 = arith.xori %or3A_1958, %ne3A_1964 : vector<8x32x128xi1>
    %xor3A_1972 = arith.xori %xor3A_1971, %ne3A_1970 : vector<8x32x128xi1>
    %select_n3A_1973 = arith.select %xor3A_1972, %select_n3A_1930, %select_n3A_1942 : vector<8x32x128xi1>, vector<8x32x128xf32>
    %select_n3A_1974 = arith.select %xor3A_1972, %select_n3A_1931, %select_n3A_1953 : vector<8x32x128xi1>, vector<8x32x128xi32>
    %roll3A_1975 = arith.constant 2 : i32
    %roll3A_1976 = tpu.dynamic_rotate %select_n3A_1973 by %roll3A_1975 dim 1 : vector<8x32x128xf32>, i32 -> vector<8x32x128xf32>
    %roll3A_1977 = arith.constant 30 : i32
    %roll3A_1978 = tpu.dynamic_rotate %select_n3A_1973 by %roll3A_1977 dim 1 : vector<8x32x128xf32>, i32 -> vector<8x32x128xf32>
    %and3A_1979 = arith.constant 256 : i32
    %and3A_1980 = vector.broadcast %and3A_1979 : i32 to vector<8x32x128xi32>
    %and3A_1981 = arith.andi %add3A, %and3A_1980 : vector<8x32x128xi32>
    %ne3A_1982 = arith.constant 0 : i32
    %ne3A_1983 = vector.broadcast %ne3A_1982 : i32 to vector<8x32x128xi32>
    %ne3A_1984 = arith.cmpi ne, %and3A_1981, %ne3A_1983 : vector<8x32x128xi32>
    %select_n3A_1985 = arith.select %ne3A_1984, %roll3A_1976, %roll3A_1978 : vector<8x32x128xi1>, vector<8x32x128xf32>
    %roll3A_1986 = arith.constant 2 : i32
    %roll3A_1987 = tpu.dynamic_rotate %select_n3A_1974 by %roll3A_1986 dim 1 : vector<8x32x128xi32>, i32 -> vector<8x32x128xi32>
    %roll3A_1988 = arith.constant 30 : i32
    %roll3A_1989 = tpu.dynamic_rotate %select_n3A_1974 by %roll3A_1988 dim 1 : vector<8x32x128xi32>, i32 -> vector<8x32x128xi32>
    %and3A_1990 = arith.constant 256 : i32
    %and3A_1991 = vector.broadcast %and3A_1990 : i32 to vector<8x32x128xi32>
    %and3A_1992 = arith.andi %add3A, %and3A_1991 : vector<8x32x128xi32>
    %ne3A_1993 = arith.constant 0 : i32
    %ne3A_1994 = vector.broadcast %ne3A_1993 : i32 to vector<8x32x128xi32>
    %ne3A_1995 = arith.cmpi ne, %and3A_1992, %ne3A_1994 : vector<8x32x128xi32>
    %select_n3A_1996 = arith.select %ne3A_1995, %roll3A_1987, %roll3A_1989 : vector<8x32x128xi1>, vector<8x32x128xi32>
    %gt3A_1997 = arith.cmpf ogt, %select_n3A_1973, %select_n3A_1985 : vector<8x32x128xf32>
    %eq3A_1998 = arith.cmpf oeq, %select_n3A_1973, %select_n3A_1985 : vector<8x32x128xf32>
    %lt3A_1999 = arith.cmpi slt, %select_n3A_1974, %select_n3A_1996 : vector<8x32x128xi32>
    %and3A_2000 = arith.andi %eq3A_1998, %lt3A_1999 : vector<8x32x128xi1>
    %or3A_2001 = arith.ori %gt3A_1997, %and3A_2000 : vector<8x32x128xi1>
    %and3A_2002 = arith.constant 256 : i32
    %and3A_2003 = vector.broadcast %and3A_2002 : i32 to vector<8x32x128xi32>
    %and3A_2004 = arith.andi %add3A, %and3A_2003 : vector<8x32x128xi32>
    %ne3A_2005 = arith.constant 0 : i32
    %ne3A_2006 = vector.broadcast %ne3A_2005 : i32 to vector<8x32x128xi32>
    %ne3A_2007 = arith.cmpi ne, %and3A_2004, %ne3A_2006 : vector<8x32x128xi32>
    %and3A_2008 = arith.constant 1024 : i32
    %and3A_2009 = vector.broadcast %and3A_2008 : i32 to vector<8x32x128xi32>
    %and3A_2010 = arith.andi %add3A, %and3A_2009 : vector<8x32x128xi32>
    %ne3A_2011 = arith.constant 0 : i32
    %ne3A_2012 = vector.broadcast %ne3A_2011 : i32 to vector<8x32x128xi32>
    %ne3A_2013 = arith.cmpi ne, %and3A_2010, %ne3A_2012 : vector<8x32x128xi32>
    %xor3A_2014 = arith.xori %or3A_2001, %ne3A_2007 : vector<8x32x128xi1>
    %xor3A_2015 = arith.xori %xor3A_2014, %ne3A_2013 : vector<8x32x128xi1>
    %select_n3A_2016 = arith.select %xor3A_2015, %select_n3A_1973, %select_n3A_1985 : vector<8x32x128xi1>, vector<8x32x128xf32>
    %select_n3A_2017 = arith.select %xor3A_2015, %select_n3A_1974, %select_n3A_1996 : vector<8x32x128xi1>, vector<8x32x128xi32>
    %roll3A_2018 = arith.constant 1 : i32
    %roll3A_2019 = tpu.dynamic_rotate %select_n3A_2016 by %roll3A_2018 dim 1 : vector<8x32x128xf32>, i32 -> vector<8x32x128xf32>
    %roll3A_2020 = arith.constant 31 : i32
    %roll3A_2021 = tpu.dynamic_rotate %select_n3A_2016 by %roll3A_2020 dim 1 : vector<8x32x128xf32>, i32 -> vector<8x32x128xf32>
    %and3A_2022 = arith.constant 128 : i32
    %and3A_2023 = vector.broadcast %and3A_2022 : i32 to vector<8x32x128xi32>
    %and3A_2024 = arith.andi %add3A, %and3A_2023 : vector<8x32x128xi32>
    %ne3A_2025 = arith.constant 0 : i32
    %ne3A_2026 = vector.broadcast %ne3A_2025 : i32 to vector<8x32x128xi32>
    %ne3A_2027 = arith.cmpi ne, %and3A_2024, %ne3A_2026 : vector<8x32x128xi32>
    %select_n3A_2028 = arith.select %ne3A_2027, %roll3A_2019, %roll3A_2021 : vector<8x32x128xi1>, vector<8x32x128xf32>
    %roll3A_2029 = arith.constant 1 : i32
    %roll3A_2030 = tpu.dynamic_rotate %select_n3A_2017 by %roll3A_2029 dim 1 : vector<8x32x128xi32>, i32 -> vector<8x32x128xi32>
    %roll3A_2031 = arith.constant 31 : i32
    %roll3A_2032 = tpu.dynamic_rotate %select_n3A_2017 by %roll3A_2031 dim 1 : vector<8x32x128xi32>, i32 -> vector<8x32x128xi32>
    %and3A_2033 = arith.constant 128 : i32
    %and3A_2034 = vector.broadcast %and3A_2033 : i32 to vector<8x32x128xi32>
    %and3A_2035 = arith.andi %add3A, %and3A_2034 : vector<8x32x128xi32>
    %ne3A_2036 = arith.constant 0 : i32
    %ne3A_2037 = vector.broadcast %ne3A_2036 : i32 to vector<8x32x128xi32>
    %ne3A_2038 = arith.cmpi ne, %and3A_2035, %ne3A_2037 : vector<8x32x128xi32>
    %select_n3A_2039 = arith.select %ne3A_2038, %roll3A_2030, %roll3A_2032 : vector<8x32x128xi1>, vector<8x32x128xi32>
    %gt3A_2040 = arith.cmpf ogt, %select_n3A_2016, %select_n3A_2028 : vector<8x32x128xf32>
    %eq3A_2041 = arith.cmpf oeq, %select_n3A_2016, %select_n3A_2028 : vector<8x32x128xf32>
    %lt3A_2042 = arith.cmpi slt, %select_n3A_2017, %select_n3A_2039 : vector<8x32x128xi32>
    %and3A_2043 = arith.andi %eq3A_2041, %lt3A_2042 : vector<8x32x128xi1>
    %or3A_2044 = arith.ori %gt3A_2040, %and3A_2043 : vector<8x32x128xi1>
    %and3A_2045 = arith.constant 128 : i32
    %and3A_2046 = vector.broadcast %and3A_2045 : i32 to vector<8x32x128xi32>
    %and3A_2047 = arith.andi %add3A, %and3A_2046 : vector<8x32x128xi32>
    %ne3A_2048 = arith.constant 0 : i32
    %ne3A_2049 = vector.broadcast %ne3A_2048 : i32 to vector<8x32x128xi32>
    %ne3A_2050 = arith.cmpi ne, %and3A_2047, %ne3A_2049 : vector<8x32x128xi32>
    %and3A_2051 = arith.constant 1024 : i32
    %and3A_2052 = vector.broadcast %and3A_2051 : i32 to vector<8x32x128xi32>
    %and3A_2053 = arith.andi %add3A, %and3A_2052 : vector<8x32x128xi32>
    %ne3A_2054 = arith.constant 0 : i32
    %ne3A_2055 = vector.broadcast %ne3A_2054 : i32 to vector<8x32x128xi32>
    %ne3A_2056 = arith.cmpi ne, %and3A_2053, %ne3A_2055 : vector<8x32x128xi32>
    %xor3A_2057 = arith.xori %or3A_2044, %ne3A_2050 : vector<8x32x128xi1>
    %xor3A_2058 = arith.xori %xor3A_2057, %ne3A_2056 : vector<8x32x128xi1>
    %select_n3A_2059 = arith.select %xor3A_2058, %select_n3A_2016, %select_n3A_2028 : vector<8x32x128xi1>, vector<8x32x128xf32>
    %select_n3A_2060 = arith.select %xor3A_2058, %select_n3A_2017, %select_n3A_2039 : vector<8x32x128xi1>, vector<8x32x128xi32>
    %roll3A_2061 = arith.constant 64 : i32
    %roll3A_2062 = tpu.dynamic_rotate %select_n3A_2059 by %roll3A_2061 dim 2 : vector<8x32x128xf32>, i32 -> vector<8x32x128xf32>
    %roll3A_2063 = arith.constant 64 : i32
    %roll3A_2064 = tpu.dynamic_rotate %select_n3A_2059 by %roll3A_2063 dim 2 : vector<8x32x128xf32>, i32 -> vector<8x32x128xf32>
    %and3A_2065 = arith.constant 64 : i32
    %and3A_2066 = vector.broadcast %and3A_2065 : i32 to vector<8x32x128xi32>
    %and3A_2067 = arith.andi %add3A, %and3A_2066 : vector<8x32x128xi32>
    %ne3A_2068 = arith.constant 0 : i32
    %ne3A_2069 = vector.broadcast %ne3A_2068 : i32 to vector<8x32x128xi32>
    %ne3A_2070 = arith.cmpi ne, %and3A_2067, %ne3A_2069 : vector<8x32x128xi32>
    %select_n3A_2071 = arith.select %ne3A_2070, %roll3A_2062, %roll3A_2064 : vector<8x32x128xi1>, vector<8x32x128xf32>
    %roll3A_2072 = arith.constant 64 : i32
    %roll3A_2073 = tpu.dynamic_rotate %select_n3A_2060 by %roll3A_2072 dim 2 : vector<8x32x128xi32>, i32 -> vector<8x32x128xi32>
    %roll3A_2074 = arith.constant 64 : i32
    %roll3A_2075 = tpu.dynamic_rotate %select_n3A_2060 by %roll3A_2074 dim 2 : vector<8x32x128xi32>, i32 -> vector<8x32x128xi32>
    %and3A_2076 = arith.constant 64 : i32
    %and3A_2077 = vector.broadcast %and3A_2076 : i32 to vector<8x32x128xi32>
    %and3A_2078 = arith.andi %add3A, %and3A_2077 : vector<8x32x128xi32>
    %ne3A_2079 = arith.constant 0 : i32
    %ne3A_2080 = vector.broadcast %ne3A_2079 : i32 to vector<8x32x128xi32>
    %ne3A_2081 = arith.cmpi ne, %and3A_2078, %ne3A_2080 : vector<8x32x128xi32>
    %select_n3A_2082 = arith.select %ne3A_2081, %roll3A_2073, %roll3A_2075 : vector<8x32x128xi1>, vector<8x32x128xi32>
    %gt3A_2083 = arith.cmpf ogt, %select_n3A_2059, %select_n3A_2071 : vector<8x32x128xf32>
    %eq3A_2084 = arith.cmpf oeq, %select_n3A_2059, %select_n3A_2071 : vector<8x32x128xf32>
    %lt3A_2085 = arith.cmpi slt, %select_n3A_2060, %select_n3A_2082 : vector<8x32x128xi32>
    %and3A_2086 = arith.andi %eq3A_2084, %lt3A_2085 : vector<8x32x128xi1>
    %or3A_2087 = arith.ori %gt3A_2083, %and3A_2086 : vector<8x32x128xi1>
    %and3A_2088 = arith.constant 64 : i32
    %and3A_2089 = vector.broadcast %and3A_2088 : i32 to vector<8x32x128xi32>
    %and3A_2090 = arith.andi %add3A, %and3A_2089 : vector<8x32x128xi32>
    %ne3A_2091 = arith.constant 0 : i32
    %ne3A_2092 = vector.broadcast %ne3A_2091 : i32 to vector<8x32x128xi32>
    %ne3A_2093 = arith.cmpi ne, %and3A_2090, %ne3A_2092 : vector<8x32x128xi32>
    %and3A_2094 = arith.constant 1024 : i32
    %and3A_2095 = vector.broadcast %and3A_2094 : i32 to vector<8x32x128xi32>
    %and3A_2096 = arith.andi %add3A, %and3A_2095 : vector<8x32x128xi32>
    %ne3A_2097 = arith.constant 0 : i32
    %ne3A_2098 = vector.broadcast %ne3A_2097 : i32 to vector<8x32x128xi32>
    %ne3A_2099 = arith.cmpi ne, %and3A_2096, %ne3A_2098 : vector<8x32x128xi32>
    %xor3A_2100 = arith.xori %or3A_2087, %ne3A_2093 : vector<8x32x128xi1>
    %xor3A_2101 = arith.xori %xor3A_2100, %ne3A_2099 : vector<8x32x128xi1>
    %select_n3A_2102 = arith.select %xor3A_2101, %select_n3A_2059, %select_n3A_2071 : vector<8x32x128xi1>, vector<8x32x128xf32>
    %select_n3A_2103 = arith.select %xor3A_2101, %select_n3A_2060, %select_n3A_2082 : vector<8x32x128xi1>, vector<8x32x128xi32>
    %roll3A_2104 = arith.constant 32 : i32
    %roll3A_2105 = tpu.dynamic_rotate %select_n3A_2102 by %roll3A_2104 dim 2 : vector<8x32x128xf32>, i32 -> vector<8x32x128xf32>
    %roll3A_2106 = arith.constant 96 : i32
    %roll3A_2107 = tpu.dynamic_rotate %select_n3A_2102 by %roll3A_2106 dim 2 : vector<8x32x128xf32>, i32 -> vector<8x32x128xf32>
    %and3A_2108 = arith.constant 32 : i32
    %and3A_2109 = vector.broadcast %and3A_2108 : i32 to vector<8x32x128xi32>
    %and3A_2110 = arith.andi %add3A, %and3A_2109 : vector<8x32x128xi32>
    %ne3A_2111 = arith.constant 0 : i32
    %ne3A_2112 = vector.broadcast %ne3A_2111 : i32 to vector<8x32x128xi32>
    %ne3A_2113 = arith.cmpi ne, %and3A_2110, %ne3A_2112 : vector<8x32x128xi32>
    %select_n3A_2114 = arith.select %ne3A_2113, %roll3A_2105, %roll3A_2107 : vector<8x32x128xi1>, vector<8x32x128xf32>
    %roll3A_2115 = arith.constant 32 : i32
    %roll3A_2116 = tpu.dynamic_rotate %select_n3A_2103 by %roll3A_2115 dim 2 : vector<8x32x128xi32>, i32 -> vector<8x32x128xi32>
    %roll3A_2117 = arith.constant 96 : i32
    %roll3A_2118 = tpu.dynamic_rotate %select_n3A_2103 by %roll3A_2117 dim 2 : vector<8x32x128xi32>, i32 -> vector<8x32x128xi32>
    %and3A_2119 = arith.constant 32 : i32
    %and3A_2120 = vector.broadcast %and3A_2119 : i32 to vector<8x32x128xi32>
    %and3A_2121 = arith.andi %add3A, %and3A_2120 : vector<8x32x128xi32>
    %ne3A_2122 = arith.constant 0 : i32
    %ne3A_2123 = vector.broadcast %ne3A_2122 : i32 to vector<8x32x128xi32>
    %ne3A_2124 = arith.cmpi ne, %and3A_2121, %ne3A_2123 : vector<8x32x128xi32>
    %select_n3A_2125 = arith.select %ne3A_2124, %roll3A_2116, %roll3A_2118 : vector<8x32x128xi1>, vector<8x32x128xi32>
    %gt3A_2126 = arith.cmpf ogt, %select_n3A_2102, %select_n3A_2114 : vector<8x32x128xf32>
    %eq3A_2127 = arith.cmpf oeq, %select_n3A_2102, %select_n3A_2114 : vector<8x32x128xf32>
    %lt3A_2128 = arith.cmpi slt, %select_n3A_2103, %select_n3A_2125 : vector<8x32x128xi32>
    %and3A_2129 = arith.andi %eq3A_2127, %lt3A_2128 : vector<8x32x128xi1>
    %or3A_2130 = arith.ori %gt3A_2126, %and3A_2129 : vector<8x32x128xi1>
    %and3A_2131 = arith.constant 32 : i32
    %and3A_2132 = vector.broadcast %and3A_2131 : i32 to vector<8x32x128xi32>
    %and3A_2133 = arith.andi %add3A, %and3A_2132 : vector<8x32x128xi32>
    %ne3A_2134 = arith.constant 0 : i32
    %ne3A_2135 = vector.broadcast %ne3A_2134 : i32 to vector<8x32x128xi32>
    %ne3A_2136 = arith.cmpi ne, %and3A_2133, %ne3A_2135 : vector<8x32x128xi32>
    %and3A_2137 = arith.constant 1024 : i32
    %and3A_2138 = vector.broadcast %and3A_2137 : i32 to vector<8x32x128xi32>
    %and3A_2139 = arith.andi %add3A, %and3A_2138 : vector<8x32x128xi32>
    %ne3A_2140 = arith.constant 0 : i32
    %ne3A_2141 = vector.broadcast %ne3A_2140 : i32 to vector<8x32x128xi32>
    %ne3A_2142 = arith.cmpi ne, %and3A_2139, %ne3A_2141 : vector<8x32x128xi32>
    %xor3A_2143 = arith.xori %or3A_2130, %ne3A_2136 : vector<8x32x128xi1>
    %xor3A_2144 = arith.xori %xor3A_2143, %ne3A_2142 : vector<8x32x128xi1>
    %select_n3A_2145 = arith.select %xor3A_2144, %select_n3A_2102, %select_n3A_2114 : vector<8x32x128xi1>, vector<8x32x128xf32>
    %select_n3A_2146 = arith.select %xor3A_2144, %select_n3A_2103, %select_n3A_2125 : vector<8x32x128xi1>, vector<8x32x128xi32>
    %roll3A_2147 = arith.constant 16 : i32
    %roll3A_2148 = tpu.dynamic_rotate %select_n3A_2145 by %roll3A_2147 dim 2 : vector<8x32x128xf32>, i32 -> vector<8x32x128xf32>
    %roll3A_2149 = arith.constant 112 : i32
    %roll3A_2150 = tpu.dynamic_rotate %select_n3A_2145 by %roll3A_2149 dim 2 : vector<8x32x128xf32>, i32 -> vector<8x32x128xf32>
    %and3A_2151 = arith.constant 16 : i32
    %and3A_2152 = vector.broadcast %and3A_2151 : i32 to vector<8x32x128xi32>
    %and3A_2153 = arith.andi %add3A, %and3A_2152 : vector<8x32x128xi32>
    %ne3A_2154 = arith.constant 0 : i32
    %ne3A_2155 = vector.broadcast %ne3A_2154 : i32 to vector<8x32x128xi32>
    %ne3A_2156 = arith.cmpi ne, %and3A_2153, %ne3A_2155 : vector<8x32x128xi32>
    %select_n3A_2157 = arith.select %ne3A_2156, %roll3A_2148, %roll3A_2150 : vector<8x32x128xi1>, vector<8x32x128xf32>
    %roll3A_2158 = arith.constant 16 : i32
    %roll3A_2159 = tpu.dynamic_rotate %select_n3A_2146 by %roll3A_2158 dim 2 : vector<8x32x128xi32>, i32 -> vector<8x32x128xi32>
    %roll3A_2160 = arith.constant 112 : i32
    %roll3A_2161 = tpu.dynamic_rotate %select_n3A_2146 by %roll3A_2160 dim 2 : vector<8x32x128xi32>, i32 -> vector<8x32x128xi32>
    %and3A_2162 = arith.constant 16 : i32
    %and3A_2163 = vector.broadcast %and3A_2162 : i32 to vector<8x32x128xi32>
    %and3A_2164 = arith.andi %add3A, %and3A_2163 : vector<8x32x128xi32>
    %ne3A_2165 = arith.constant 0 : i32
    %ne3A_2166 = vector.broadcast %ne3A_2165 : i32 to vector<8x32x128xi32>
    %ne3A_2167 = arith.cmpi ne, %and3A_2164, %ne3A_2166 : vector<8x32x128xi32>
    %select_n3A_2168 = arith.select %ne3A_2167, %roll3A_2159, %roll3A_2161 : vector<8x32x128xi1>, vector<8x32x128xi32>
    %gt3A_2169 = arith.cmpf ogt, %select_n3A_2145, %select_n3A_2157 : vector<8x32x128xf32>
    %eq3A_2170 = arith.cmpf oeq, %select_n3A_2145, %select_n3A_2157 : vector<8x32x128xf32>
    %lt3A_2171 = arith.cmpi slt, %select_n3A_2146, %select_n3A_2168 : vector<8x32x128xi32>
    %and3A_2172 = arith.andi %eq3A_2170, %lt3A_2171 : vector<8x32x128xi1>
    %or3A_2173 = arith.ori %gt3A_2169, %and3A_2172 : vector<8x32x128xi1>
    %and3A_2174 = arith.constant 16 : i32
    %and3A_2175 = vector.broadcast %and3A_2174 : i32 to vector<8x32x128xi32>
    %and3A_2176 = arith.andi %add3A, %and3A_2175 : vector<8x32x128xi32>
    %ne3A_2177 = arith.constant 0 : i32
    %ne3A_2178 = vector.broadcast %ne3A_2177 : i32 to vector<8x32x128xi32>
    %ne3A_2179 = arith.cmpi ne, %and3A_2176, %ne3A_2178 : vector<8x32x128xi32>
    %and3A_2180 = arith.constant 1024 : i32
    %and3A_2181 = vector.broadcast %and3A_2180 : i32 to vector<8x32x128xi32>
    %and3A_2182 = arith.andi %add3A, %and3A_2181 : vector<8x32x128xi32>
    %ne3A_2183 = arith.constant 0 : i32
    %ne3A_2184 = vector.broadcast %ne3A_2183 : i32 to vector<8x32x128xi32>
    %ne3A_2185 = arith.cmpi ne, %and3A_2182, %ne3A_2184 : vector<8x32x128xi32>
    %xor3A_2186 = arith.xori %or3A_2173, %ne3A_2179 : vector<8x32x128xi1>
    %xor3A_2187 = arith.xori %xor3A_2186, %ne3A_2185 : vector<8x32x128xi1>
    %select_n3A_2188 = arith.select %xor3A_2187, %select_n3A_2145, %select_n3A_2157 : vector<8x32x128xi1>, vector<8x32x128xf32>
    %select_n3A_2189 = arith.select %xor3A_2187, %select_n3A_2146, %select_n3A_2168 : vector<8x32x128xi1>, vector<8x32x128xi32>
    %roll3A_2190 = arith.constant 8 : i32
    %roll3A_2191 = tpu.dynamic_rotate %select_n3A_2188 by %roll3A_2190 dim 2 : vector<8x32x128xf32>, i32 -> vector<8x32x128xf32>
    %roll3A_2192 = arith.constant 120 : i32
    %roll3A_2193 = tpu.dynamic_rotate %select_n3A_2188 by %roll3A_2192 dim 2 : vector<8x32x128xf32>, i32 -> vector<8x32x128xf32>
    %and3A_2194 = arith.constant 8 : i32
    %and3A_2195 = vector.broadcast %and3A_2194 : i32 to vector<8x32x128xi32>
    %and3A_2196 = arith.andi %add3A, %and3A_2195 : vector<8x32x128xi32>
    %ne3A_2197 = arith.constant 0 : i32
    %ne3A_2198 = vector.broadcast %ne3A_2197 : i32 to vector<8x32x128xi32>
    %ne3A_2199 = arith.cmpi ne, %and3A_2196, %ne3A_2198 : vector<8x32x128xi32>
    %select_n3A_2200 = arith.select %ne3A_2199, %roll3A_2191, %roll3A_2193 : vector<8x32x128xi1>, vector<8x32x128xf32>
    %roll3A_2201 = arith.constant 8 : i32
    %roll3A_2202 = tpu.dynamic_rotate %select_n3A_2189 by %roll3A_2201 dim 2 : vector<8x32x128xi32>, i32 -> vector<8x32x128xi32>
    %roll3A_2203 = arith.constant 120 : i32
    %roll3A_2204 = tpu.dynamic_rotate %select_n3A_2189 by %roll3A_2203 dim 2 : vector<8x32x128xi32>, i32 -> vector<8x32x128xi32>
    %and3A_2205 = arith.constant 8 : i32
    %and3A_2206 = vector.broadcast %and3A_2205 : i32 to vector<8x32x128xi32>
    %and3A_2207 = arith.andi %add3A, %and3A_2206 : vector<8x32x128xi32>
    %ne3A_2208 = arith.constant 0 : i32
    %ne3A_2209 = vector.broadcast %ne3A_2208 : i32 to vector<8x32x128xi32>
    %ne3A_2210 = arith.cmpi ne, %and3A_2207, %ne3A_2209 : vector<8x32x128xi32>
    %select_n3A_2211 = arith.select %ne3A_2210, %roll3A_2202, %roll3A_2204 : vector<8x32x128xi1>, vector<8x32x128xi32>
    %gt3A_2212 = arith.cmpf ogt, %select_n3A_2188, %select_n3A_2200 : vector<8x32x128xf32>
    %eq3A_2213 = arith.cmpf oeq, %select_n3A_2188, %select_n3A_2200 : vector<8x32x128xf32>
    %lt3A_2214 = arith.cmpi slt, %select_n3A_2189, %select_n3A_2211 : vector<8x32x128xi32>
    %and3A_2215 = arith.andi %eq3A_2213, %lt3A_2214 : vector<8x32x128xi1>
    %or3A_2216 = arith.ori %gt3A_2212, %and3A_2215 : vector<8x32x128xi1>
    %and3A_2217 = arith.constant 8 : i32
    %and3A_2218 = vector.broadcast %and3A_2217 : i32 to vector<8x32x128xi32>
    %and3A_2219 = arith.andi %add3A, %and3A_2218 : vector<8x32x128xi32>
    %ne3A_2220 = arith.constant 0 : i32
    %ne3A_2221 = vector.broadcast %ne3A_2220 : i32 to vector<8x32x128xi32>
    %ne3A_2222 = arith.cmpi ne, %and3A_2219, %ne3A_2221 : vector<8x32x128xi32>
    %and3A_2223 = arith.constant 1024 : i32
    %and3A_2224 = vector.broadcast %and3A_2223 : i32 to vector<8x32x128xi32>
    %and3A_2225 = arith.andi %add3A, %and3A_2224 : vector<8x32x128xi32>
    %ne3A_2226 = arith.constant 0 : i32
    %ne3A_2227 = vector.broadcast %ne3A_2226 : i32 to vector<8x32x128xi32>
    %ne3A_2228 = arith.cmpi ne, %and3A_2225, %ne3A_2227 : vector<8x32x128xi32>
    %xor3A_2229 = arith.xori %or3A_2216, %ne3A_2222 : vector<8x32x128xi1>
    %xor3A_2230 = arith.xori %xor3A_2229, %ne3A_2228 : vector<8x32x128xi1>
    %select_n3A_2231 = arith.select %xor3A_2230, %select_n3A_2188, %select_n3A_2200 : vector<8x32x128xi1>, vector<8x32x128xf32>
    %select_n3A_2232 = arith.select %xor3A_2230, %select_n3A_2189, %select_n3A_2211 : vector<8x32x128xi1>, vector<8x32x128xi32>
    %roll3A_2233 = arith.constant 4 : i32
    %roll3A_2234 = tpu.dynamic_rotate %select_n3A_2231 by %roll3A_2233 dim 2 : vector<8x32x128xf32>, i32 -> vector<8x32x128xf32>
    %roll3A_2235 = arith.constant 124 : i32
    %roll3A_2236 = tpu.dynamic_rotate %select_n3A_2231 by %roll3A_2235 dim 2 : vector<8x32x128xf32>, i32 -> vector<8x32x128xf32>
    %and3A_2237 = arith.constant 4 : i32
    %and3A_2238 = vector.broadcast %and3A_2237 : i32 to vector<8x32x128xi32>
    %and3A_2239 = arith.andi %add3A, %and3A_2238 : vector<8x32x128xi32>
    %ne3A_2240 = arith.constant 0 : i32
    %ne3A_2241 = vector.broadcast %ne3A_2240 : i32 to vector<8x32x128xi32>
    %ne3A_2242 = arith.cmpi ne, %and3A_2239, %ne3A_2241 : vector<8x32x128xi32>
    %select_n3A_2243 = arith.select %ne3A_2242, %roll3A_2234, %roll3A_2236 : vector<8x32x128xi1>, vector<8x32x128xf32>
    %roll3A_2244 = arith.constant 4 : i32
    %roll3A_2245 = tpu.dynamic_rotate %select_n3A_2232 by %roll3A_2244 dim 2 : vector<8x32x128xi32>, i32 -> vector<8x32x128xi32>
    %roll3A_2246 = arith.constant 124 : i32
    %roll3A_2247 = tpu.dynamic_rotate %select_n3A_2232 by %roll3A_2246 dim 2 : vector<8x32x128xi32>, i32 -> vector<8x32x128xi32>
    %and3A_2248 = arith.constant 4 : i32
    %and3A_2249 = vector.broadcast %and3A_2248 : i32 to vector<8x32x128xi32>
    %and3A_2250 = arith.andi %add3A, %and3A_2249 : vector<8x32x128xi32>
    %ne3A_2251 = arith.constant 0 : i32
    %ne3A_2252 = vector.broadcast %ne3A_2251 : i32 to vector<8x32x128xi32>
    %ne3A_2253 = arith.cmpi ne, %and3A_2250, %ne3A_2252 : vector<8x32x128xi32>
    %select_n3A_2254 = arith.select %ne3A_2253, %roll3A_2245, %roll3A_2247 : vector<8x32x128xi1>, vector<8x32x128xi32>
    %gt3A_2255 = arith.cmpf ogt, %select_n3A_2231, %select_n3A_2243 : vector<8x32x128xf32>
    %eq3A_2256 = arith.cmpf oeq, %select_n3A_2231, %select_n3A_2243 : vector<8x32x128xf32>
    %lt3A_2257 = arith.cmpi slt, %select_n3A_2232, %select_n3A_2254 : vector<8x32x128xi32>
    %and3A_2258 = arith.andi %eq3A_2256, %lt3A_2257 : vector<8x32x128xi1>
    %or3A_2259 = arith.ori %gt3A_2255, %and3A_2258 : vector<8x32x128xi1>
    %and3A_2260 = arith.constant 4 : i32
    %and3A_2261 = vector.broadcast %and3A_2260 : i32 to vector<8x32x128xi32>
    %and3A_2262 = arith.andi %add3A, %and3A_2261 : vector<8x32x128xi32>
    %ne3A_2263 = arith.constant 0 : i32
    %ne3A_2264 = vector.broadcast %ne3A_2263 : i32 to vector<8x32x128xi32>
    %ne3A_2265 = arith.cmpi ne, %and3A_2262, %ne3A_2264 : vector<8x32x128xi32>
    %and3A_2266 = arith.constant 1024 : i32
    %and3A_2267 = vector.broadcast %and3A_2266 : i32 to vector<8x32x128xi32>
    %and3A_2268 = arith.andi %add3A, %and3A_2267 : vector<8x32x128xi32>
    %ne3A_2269 = arith.constant 0 : i32
    %ne3A_2270 = vector.broadcast %ne3A_2269 : i32 to vector<8x32x128xi32>
    %ne3A_2271 = arith.cmpi ne, %and3A_2268, %ne3A_2270 : vector<8x32x128xi32>
    %xor3A_2272 = arith.xori %or3A_2259, %ne3A_2265 : vector<8x32x128xi1>
    %xor3A_2273 = arith.xori %xor3A_2272, %ne3A_2271 : vector<8x32x128xi1>
    %select_n3A_2274 = arith.select %xor3A_2273, %select_n3A_2231, %select_n3A_2243 : vector<8x32x128xi1>, vector<8x32x128xf32>
    %select_n3A_2275 = arith.select %xor3A_2273, %select_n3A_2232, %select_n3A_2254 : vector<8x32x128xi1>, vector<8x32x128xi32>
    %roll3A_2276 = arith.constant 2 : i32
    %roll3A_2277 = tpu.dynamic_rotate %select_n3A_2274 by %roll3A_2276 dim 2 : vector<8x32x128xf32>, i32 -> vector<8x32x128xf32>
    %roll3A_2278 = arith.constant 126 : i32
    %roll3A_2279 = tpu.dynamic_rotate %select_n3A_2274 by %roll3A_2278 dim 2 : vector<8x32x128xf32>, i32 -> vector<8x32x128xf32>
    %and3A_2280 = arith.constant 2 : i32
    %and3A_2281 = vector.broadcast %and3A_2280 : i32 to vector<8x32x128xi32>
    %and3A_2282 = arith.andi %add3A, %and3A_2281 : vector<8x32x128xi32>
    %ne3A_2283 = arith.constant 0 : i32
    %ne3A_2284 = vector.broadcast %ne3A_2283 : i32 to vector<8x32x128xi32>
    %ne3A_2285 = arith.cmpi ne, %and3A_2282, %ne3A_2284 : vector<8x32x128xi32>
    %select_n3A_2286 = arith.select %ne3A_2285, %roll3A_2277, %roll3A_2279 : vector<8x32x128xi1>, vector<8x32x128xf32>
    %roll3A_2287 = arith.constant 2 : i32
    %roll3A_2288 = tpu.dynamic_rotate %select_n3A_2275 by %roll3A_2287 dim 2 : vector<8x32x128xi32>, i32 -> vector<8x32x128xi32>
    %roll3A_2289 = arith.constant 126 : i32
    %roll3A_2290 = tpu.dynamic_rotate %select_n3A_2275 by %roll3A_2289 dim 2 : vector<8x32x128xi32>, i32 -> vector<8x32x128xi32>
    %and3A_2291 = arith.constant 2 : i32
    %and3A_2292 = vector.broadcast %and3A_2291 : i32 to vector<8x32x128xi32>
    %and3A_2293 = arith.andi %add3A, %and3A_2292 : vector<8x32x128xi32>
    %ne3A_2294 = arith.constant 0 : i32
    %ne3A_2295 = vector.broadcast %ne3A_2294 : i32 to vector<8x32x128xi32>
    %ne3A_2296 = arith.cmpi ne, %and3A_2293, %ne3A_2295 : vector<8x32x128xi32>
    %select_n3A_2297 = arith.select %ne3A_2296, %roll3A_2288, %roll3A_2290 : vector<8x32x128xi1>, vector<8x32x128xi32>
    %gt3A_2298 = arith.cmpf ogt, %select_n3A_2274, %select_n3A_2286 : vector<8x32x128xf32>
    %eq3A_2299 = arith.cmpf oeq, %select_n3A_2274, %select_n3A_2286 : vector<8x32x128xf32>
    %lt3A_2300 = arith.cmpi slt, %select_n3A_2275, %select_n3A_2297 : vector<8x32x128xi32>
    %and3A_2301 = arith.andi %eq3A_2299, %lt3A_2300 : vector<8x32x128xi1>
    %or3A_2302 = arith.ori %gt3A_2298, %and3A_2301 : vector<8x32x128xi1>
    %and3A_2303 = arith.constant 2 : i32
    %and3A_2304 = vector.broadcast %and3A_2303 : i32 to vector<8x32x128xi32>
    %and3A_2305 = arith.andi %add3A, %and3A_2304 : vector<8x32x128xi32>
    %ne3A_2306 = arith.constant 0 : i32
    %ne3A_2307 = vector.broadcast %ne3A_2306 : i32 to vector<8x32x128xi32>
    %ne3A_2308 = arith.cmpi ne, %and3A_2305, %ne3A_2307 : vector<8x32x128xi32>
    %and3A_2309 = arith.constant 1024 : i32
    %and3A_2310 = vector.broadcast %and3A_2309 : i32 to vector<8x32x128xi32>
    %and3A_2311 = arith.andi %add3A, %and3A_2310 : vector<8x32x128xi32>
    %ne3A_2312 = arith.constant 0 : i32
    %ne3A_2313 = vector.broadcast %ne3A_2312 : i32 to vector<8x32x128xi32>
    %ne3A_2314 = arith.cmpi ne, %and3A_2311, %ne3A_2313 : vector<8x32x128xi32>
    %xor3A_2315 = arith.xori %or3A_2302, %ne3A_2308 : vector<8x32x128xi1>
    %xor3A_2316 = arith.xori %xor3A_2315, %ne3A_2314 : vector<8x32x128xi1>
    %select_n3A_2317 = arith.select %xor3A_2316, %select_n3A_2274, %select_n3A_2286 : vector<8x32x128xi1>, vector<8x32x128xf32>
    %select_n3A_2318 = arith.select %xor3A_2316, %select_n3A_2275, %select_n3A_2297 : vector<8x32x128xi1>, vector<8x32x128xi32>
    %roll3A_2319 = arith.constant 1 : i32
    %roll3A_2320 = tpu.dynamic_rotate %select_n3A_2317 by %roll3A_2319 dim 2 : vector<8x32x128xf32>, i32 -> vector<8x32x128xf32>
    %roll3A_2321 = arith.constant 127 : i32
    %roll3A_2322 = tpu.dynamic_rotate %select_n3A_2317 by %roll3A_2321 dim 2 : vector<8x32x128xf32>, i32 -> vector<8x32x128xf32>
    %and3A_2323 = arith.constant 1 : i32
    %and3A_2324 = vector.broadcast %and3A_2323 : i32 to vector<8x32x128xi32>
    %and3A_2325 = arith.andi %add3A, %and3A_2324 : vector<8x32x128xi32>
    %ne3A_2326 = arith.constant 0 : i32
    %ne3A_2327 = vector.broadcast %ne3A_2326 : i32 to vector<8x32x128xi32>
    %ne3A_2328 = arith.cmpi ne, %and3A_2325, %ne3A_2327 : vector<8x32x128xi32>
    %select_n3A_2329 = arith.select %ne3A_2328, %roll3A_2320, %roll3A_2322 : vector<8x32x128xi1>, vector<8x32x128xf32>
    %roll3A_2330 = arith.constant 1 : i32
    %roll3A_2331 = tpu.dynamic_rotate %select_n3A_2318 by %roll3A_2330 dim 2 : vector<8x32x128xi32>, i32 -> vector<8x32x128xi32>
    %roll3A_2332 = arith.constant 127 : i32
    %roll3A_2333 = tpu.dynamic_rotate %select_n3A_2318 by %roll3A_2332 dim 2 : vector<8x32x128xi32>, i32 -> vector<8x32x128xi32>
    %and3A_2334 = arith.constant 1 : i32
    %and3A_2335 = vector.broadcast %and3A_2334 : i32 to vector<8x32x128xi32>
    %and3A_2336 = arith.andi %add3A, %and3A_2335 : vector<8x32x128xi32>
    %ne3A_2337 = arith.constant 0 : i32
    %ne3A_2338 = vector.broadcast %ne3A_2337 : i32 to vector<8x32x128xi32>
    %ne3A_2339 = arith.cmpi ne, %and3A_2336, %ne3A_2338 : vector<8x32x128xi32>
    %select_n3A_2340 = arith.select %ne3A_2339, %roll3A_2331, %roll3A_2333 : vector<8x32x128xi1>, vector<8x32x128xi32>
    %gt3A_2341 = arith.cmpf ogt, %select_n3A_2317, %select_n3A_2329 : vector<8x32x128xf32>
    %eq3A_2342 = arith.cmpf oeq, %select_n3A_2317, %select_n3A_2329 : vector<8x32x128xf32>
    %lt3A_2343 = arith.cmpi slt, %select_n3A_2318, %select_n3A_2340 : vector<8x32x128xi32>
    %and3A_2344 = arith.andi %eq3A_2342, %lt3A_2343 : vector<8x32x128xi1>
    %or3A_2345 = arith.ori %gt3A_2341, %and3A_2344 : vector<8x32x128xi1>
    %and3A_2346 = arith.constant 1 : i32
    %and3A_2347 = vector.broadcast %and3A_2346 : i32 to vector<8x32x128xi32>
    %and3A_2348 = arith.andi %add3A, %and3A_2347 : vector<8x32x128xi32>
    %ne3A_2349 = arith.constant 0 : i32
    %ne3A_2350 = vector.broadcast %ne3A_2349 : i32 to vector<8x32x128xi32>
    %ne3A_2351 = arith.cmpi ne, %and3A_2348, %ne3A_2350 : vector<8x32x128xi32>
    %and3A_2352 = arith.constant 1024 : i32
    %and3A_2353 = vector.broadcast %and3A_2352 : i32 to vector<8x32x128xi32>
    %and3A_2354 = arith.andi %add3A, %and3A_2353 : vector<8x32x128xi32>
    %ne3A_2355 = arith.constant 0 : i32
    %ne3A_2356 = vector.broadcast %ne3A_2355 : i32 to vector<8x32x128xi32>
    %ne3A_2357 = arith.cmpi ne, %and3A_2354, %ne3A_2356 : vector<8x32x128xi32>
    %xor3A_2358 = arith.xori %or3A_2345, %ne3A_2351 : vector<8x32x128xi1>
    %xor3A_2359 = arith.xori %xor3A_2358, %ne3A_2357 : vector<8x32x128xi1>
    %select_n3A_2360 = arith.select %xor3A_2359, %select_n3A_2317, %select_n3A_2329 : vector<8x32x128xi1>, vector<8x32x128xf32>
    %select_n3A_2361 = arith.select %xor3A_2359, %select_n3A_2318, %select_n3A_2340 : vector<8x32x128xi1>, vector<8x32x128xi32>
    %roll3A_2362 = arith.constant 8 : i32
    %roll3A_2363 = tpu.dynamic_rotate %select_n3A_2360 by %roll3A_2362 dim 1 : vector<8x32x128xf32>, i32 -> vector<8x32x128xf32>
    %roll3A_2364 = arith.constant 24 : i32
    %roll3A_2365 = tpu.dynamic_rotate %select_n3A_2360 by %roll3A_2364 dim 1 : vector<8x32x128xf32>, i32 -> vector<8x32x128xf32>
    %and3A_2366 = arith.constant 1024 : i32
    %and3A_2367 = vector.broadcast %and3A_2366 : i32 to vector<8x32x128xi32>
    %and3A_2368 = arith.andi %add3A, %and3A_2367 : vector<8x32x128xi32>
    %ne3A_2369 = arith.constant 0 : i32
    %ne3A_2370 = vector.broadcast %ne3A_2369 : i32 to vector<8x32x128xi32>
    %ne3A_2371 = arith.cmpi ne, %and3A_2368, %ne3A_2370 : vector<8x32x128xi32>
    %select_n3A_2372 = arith.select %ne3A_2371, %roll3A_2363, %roll3A_2365 : vector<8x32x128xi1>, vector<8x32x128xf32>
    %roll3A_2373 = arith.constant 8 : i32
    %roll3A_2374 = tpu.dynamic_rotate %select_n3A_2361 by %roll3A_2373 dim 1 : vector<8x32x128xi32>, i32 -> vector<8x32x128xi32>
    %roll3A_2375 = arith.constant 24 : i32
    %roll3A_2376 = tpu.dynamic_rotate %select_n3A_2361 by %roll3A_2375 dim 1 : vector<8x32x128xi32>, i32 -> vector<8x32x128xi32>
    %and3A_2377 = arith.constant 1024 : i32
    %and3A_2378 = vector.broadcast %and3A_2377 : i32 to vector<8x32x128xi32>
    %and3A_2379 = arith.andi %add3A, %and3A_2378 : vector<8x32x128xi32>
    %ne3A_2380 = arith.constant 0 : i32
    %ne3A_2381 = vector.broadcast %ne3A_2380 : i32 to vector<8x32x128xi32>
    %ne3A_2382 = arith.cmpi ne, %and3A_2379, %ne3A_2381 : vector<8x32x128xi32>
    %select_n3A_2383 = arith.select %ne3A_2382, %roll3A_2374, %roll3A_2376 : vector<8x32x128xi1>, vector<8x32x128xi32>
    %gt3A_2384 = arith.cmpf ogt, %select_n3A_2360, %select_n3A_2372 : vector<8x32x128xf32>
    %eq3A_2385 = arith.cmpf oeq, %select_n3A_2360, %select_n3A_2372 : vector<8x32x128xf32>
    %lt3A_2386 = arith.cmpi slt, %select_n3A_2361, %select_n3A_2383 : vector<8x32x128xi32>
    %and3A_2387 = arith.andi %eq3A_2385, %lt3A_2386 : vector<8x32x128xi1>
    %or3A_2388 = arith.ori %gt3A_2384, %and3A_2387 : vector<8x32x128xi1>
    %and3A_2389 = arith.constant 1024 : i32
    %and3A_2390 = vector.broadcast %and3A_2389 : i32 to vector<8x32x128xi32>
    %and3A_2391 = arith.andi %add3A, %and3A_2390 : vector<8x32x128xi32>
    %ne3A_2392 = arith.constant 0 : i32
    %ne3A_2393 = vector.broadcast %ne3A_2392 : i32 to vector<8x32x128xi32>
    %ne3A_2394 = arith.cmpi ne, %and3A_2391, %ne3A_2393 : vector<8x32x128xi32>
    %and3A_2395 = arith.constant 2048 : i32
    %and3A_2396 = vector.broadcast %and3A_2395 : i32 to vector<8x32x128xi32>
    %and3A_2397 = arith.andi %add3A, %and3A_2396 : vector<8x32x128xi32>
    %ne3A_2398 = arith.constant 0 : i32
    %ne3A_2399 = vector.broadcast %ne3A_2398 : i32 to vector<8x32x128xi32>
    %ne3A_2400 = arith.cmpi ne, %and3A_2397, %ne3A_2399 : vector<8x32x128xi32>
    %xor3A_2401 = arith.xori %or3A_2388, %ne3A_2394 : vector<8x32x128xi1>
    %xor3A_2402 = arith.xori %xor3A_2401, %ne3A_2400 : vector<8x32x128xi1>
    %select_n3A_2403 = arith.select %xor3A_2402, %select_n3A_2360, %select_n3A_2372 : vector<8x32x128xi1>, vector<8x32x128xf32>
    %select_n3A_2404 = arith.select %xor3A_2402, %select_n3A_2361, %select_n3A_2383 : vector<8x32x128xi1>, vector<8x32x128xi32>
    %roll3A_2405 = arith.constant 4 : i32
    %roll3A_2406 = tpu.dynamic_rotate %select_n3A_2403 by %roll3A_2405 dim 1 : vector<8x32x128xf32>, i32 -> vector<8x32x128xf32>
    %roll3A_2407 = arith.constant 28 : i32
    %roll3A_2408 = tpu.dynamic_rotate %select_n3A_2403 by %roll3A_2407 dim 1 : vector<8x32x128xf32>, i32 -> vector<8x32x128xf32>
    %and3A_2409 = arith.constant 512 : i32
    %and3A_2410 = vector.broadcast %and3A_2409 : i32 to vector<8x32x128xi32>
    %and3A_2411 = arith.andi %add3A, %and3A_2410 : vector<8x32x128xi32>
    %ne3A_2412 = arith.constant 0 : i32
    %ne3A_2413 = vector.broadcast %ne3A_2412 : i32 to vector<8x32x128xi32>
    %ne3A_2414 = arith.cmpi ne, %and3A_2411, %ne3A_2413 : vector<8x32x128xi32>
    %select_n3A_2415 = arith.select %ne3A_2414, %roll3A_2406, %roll3A_2408 : vector<8x32x128xi1>, vector<8x32x128xf32>
    %roll3A_2416 = arith.constant 4 : i32
    %roll3A_2417 = tpu.dynamic_rotate %select_n3A_2404 by %roll3A_2416 dim 1 : vector<8x32x128xi32>, i32 -> vector<8x32x128xi32>
    %roll3A_2418 = arith.constant 28 : i32
    %roll3A_2419 = tpu.dynamic_rotate %select_n3A_2404 by %roll3A_2418 dim 1 : vector<8x32x128xi32>, i32 -> vector<8x32x128xi32>
    %and3A_2420 = arith.constant 512 : i32
    %and3A_2421 = vector.broadcast %and3A_2420 : i32 to vector<8x32x128xi32>
    %and3A_2422 = arith.andi %add3A, %and3A_2421 : vector<8x32x128xi32>
    %ne3A_2423 = arith.constant 0 : i32
    %ne3A_2424 = vector.broadcast %ne3A_2423 : i32 to vector<8x32x128xi32>
    %ne3A_2425 = arith.cmpi ne, %and3A_2422, %ne3A_2424 : vector<8x32x128xi32>
    %select_n3A_2426 = arith.select %ne3A_2425, %roll3A_2417, %roll3A_2419 : vector<8x32x128xi1>, vector<8x32x128xi32>
    %gt3A_2427 = arith.cmpf ogt, %select_n3A_2403, %select_n3A_2415 : vector<8x32x128xf32>
    %eq3A_2428 = arith.cmpf oeq, %select_n3A_2403, %select_n3A_2415 : vector<8x32x128xf32>
    %lt3A_2429 = arith.cmpi slt, %select_n3A_2404, %select_n3A_2426 : vector<8x32x128xi32>
    %and3A_2430 = arith.andi %eq3A_2428, %lt3A_2429 : vector<8x32x128xi1>
    %or3A_2431 = arith.ori %gt3A_2427, %and3A_2430 : vector<8x32x128xi1>
    %and3A_2432 = arith.constant 512 : i32
    %and3A_2433 = vector.broadcast %and3A_2432 : i32 to vector<8x32x128xi32>
    %and3A_2434 = arith.andi %add3A, %and3A_2433 : vector<8x32x128xi32>
    %ne3A_2435 = arith.constant 0 : i32
    %ne3A_2436 = vector.broadcast %ne3A_2435 : i32 to vector<8x32x128xi32>
    %ne3A_2437 = arith.cmpi ne, %and3A_2434, %ne3A_2436 : vector<8x32x128xi32>
    %and3A_2438 = arith.constant 2048 : i32
    %and3A_2439 = vector.broadcast %and3A_2438 : i32 to vector<8x32x128xi32>
    %and3A_2440 = arith.andi %add3A, %and3A_2439 : vector<8x32x128xi32>
    %ne3A_2441 = arith.constant 0 : i32
    %ne3A_2442 = vector.broadcast %ne3A_2441 : i32 to vector<8x32x128xi32>
    %ne3A_2443 = arith.cmpi ne, %and3A_2440, %ne3A_2442 : vector<8x32x128xi32>
    %xor3A_2444 = arith.xori %or3A_2431, %ne3A_2437 : vector<8x32x128xi1>
    %xor3A_2445 = arith.xori %xor3A_2444, %ne3A_2443 : vector<8x32x128xi1>
    %select_n3A_2446 = arith.select %xor3A_2445, %select_n3A_2403, %select_n3A_2415 : vector<8x32x128xi1>, vector<8x32x128xf32>
    %select_n3A_2447 = arith.select %xor3A_2445, %select_n3A_2404, %select_n3A_2426 : vector<8x32x128xi1>, vector<8x32x128xi32>
    %roll3A_2448 = arith.constant 2 : i32
    %roll3A_2449 = tpu.dynamic_rotate %select_n3A_2446 by %roll3A_2448 dim 1 : vector<8x32x128xf32>, i32 -> vector<8x32x128xf32>
    %roll3A_2450 = arith.constant 30 : i32
    %roll3A_2451 = tpu.dynamic_rotate %select_n3A_2446 by %roll3A_2450 dim 1 : vector<8x32x128xf32>, i32 -> vector<8x32x128xf32>
    %and3A_2452 = arith.constant 256 : i32
    %and3A_2453 = vector.broadcast %and3A_2452 : i32 to vector<8x32x128xi32>
    %and3A_2454 = arith.andi %add3A, %and3A_2453 : vector<8x32x128xi32>
    %ne3A_2455 = arith.constant 0 : i32
    %ne3A_2456 = vector.broadcast %ne3A_2455 : i32 to vector<8x32x128xi32>
    %ne3A_2457 = arith.cmpi ne, %and3A_2454, %ne3A_2456 : vector<8x32x128xi32>
    %select_n3A_2458 = arith.select %ne3A_2457, %roll3A_2449, %roll3A_2451 : vector<8x32x128xi1>, vector<8x32x128xf32>
    %roll3A_2459 = arith.constant 2 : i32
    %roll3A_2460 = tpu.dynamic_rotate %select_n3A_2447 by %roll3A_2459 dim 1 : vector<8x32x128xi32>, i32 -> vector<8x32x128xi32>
    %roll3A_2461 = arith.constant 30 : i32
    %roll3A_2462 = tpu.dynamic_rotate %select_n3A_2447 by %roll3A_2461 dim 1 : vector<8x32x128xi32>, i32 -> vector<8x32x128xi32>
    %and3A_2463 = arith.constant 256 : i32
    %and3A_2464 = vector.broadcast %and3A_2463 : i32 to vector<8x32x128xi32>
    %and3A_2465 = arith.andi %add3A, %and3A_2464 : vector<8x32x128xi32>
    %ne3A_2466 = arith.constant 0 : i32
    %ne3A_2467 = vector.broadcast %ne3A_2466 : i32 to vector<8x32x128xi32>
    %ne3A_2468 = arith.cmpi ne, %and3A_2465, %ne3A_2467 : vector<8x32x128xi32>
    %select_n3A_2469 = arith.select %ne3A_2468, %roll3A_2460, %roll3A_2462 : vector<8x32x128xi1>, vector<8x32x128xi32>
    %gt3A_2470 = arith.cmpf ogt, %select_n3A_2446, %select_n3A_2458 : vector<8x32x128xf32>
    %eq3A_2471 = arith.cmpf oeq, %select_n3A_2446, %select_n3A_2458 : vector<8x32x128xf32>
    %lt3A_2472 = arith.cmpi slt, %select_n3A_2447, %select_n3A_2469 : vector<8x32x128xi32>
    %and3A_2473 = arith.andi %eq3A_2471, %lt3A_2472 : vector<8x32x128xi1>
    %or3A_2474 = arith.ori %gt3A_2470, %and3A_2473 : vector<8x32x128xi1>
    %and3A_2475 = arith.constant 256 : i32
    %and3A_2476 = vector.broadcast %and3A_2475 : i32 to vector<8x32x128xi32>
    %and3A_2477 = arith.andi %add3A, %and3A_2476 : vector<8x32x128xi32>
    %ne3A_2478 = arith.constant 0 : i32
    %ne3A_2479 = vector.broadcast %ne3A_2478 : i32 to vector<8x32x128xi32>
    %ne3A_2480 = arith.cmpi ne, %and3A_2477, %ne3A_2479 : vector<8x32x128xi32>
    %and3A_2481 = arith.constant 2048 : i32
    %and3A_2482 = vector.broadcast %and3A_2481 : i32 to vector<8x32x128xi32>
    %and3A_2483 = arith.andi %add3A, %and3A_2482 : vector<8x32x128xi32>
    %ne3A_2484 = arith.constant 0 : i32
    %ne3A_2485 = vector.broadcast %ne3A_2484 : i32 to vector<8x32x128xi32>
    %ne3A_2486 = arith.cmpi ne, %and3A_2483, %ne3A_2485 : vector<8x32x128xi32>
    %xor3A_2487 = arith.xori %or3A_2474, %ne3A_2480 : vector<8x32x128xi1>
    %xor3A_2488 = arith.xori %xor3A_2487, %ne3A_2486 : vector<8x32x128xi1>
    %select_n3A_2489 = arith.select %xor3A_2488, %select_n3A_2446, %select_n3A_2458 : vector<8x32x128xi1>, vector<8x32x128xf32>
    %select_n3A_2490 = arith.select %xor3A_2488, %select_n3A_2447, %select_n3A_2469 : vector<8x32x128xi1>, vector<8x32x128xi32>
    %roll3A_2491 = arith.constant 1 : i32
    %roll3A_2492 = tpu.dynamic_rotate %select_n3A_2489 by %roll3A_2491 dim 1 : vector<8x32x128xf32>, i32 -> vector<8x32x128xf32>
    %roll3A_2493 = arith.constant 31 : i32
    %roll3A_2494 = tpu.dynamic_rotate %select_n3A_2489 by %roll3A_2493 dim 1 : vector<8x32x128xf32>, i32 -> vector<8x32x128xf32>
    %and3A_2495 = arith.constant 128 : i32
    %and3A_2496 = vector.broadcast %and3A_2495 : i32 to vector<8x32x128xi32>
    %and3A_2497 = arith.andi %add3A, %and3A_2496 : vector<8x32x128xi32>
    %ne3A_2498 = arith.constant 0 : i32
    %ne3A_2499 = vector.broadcast %ne3A_2498 : i32 to vector<8x32x128xi32>
    %ne3A_2500 = arith.cmpi ne, %and3A_2497, %ne3A_2499 : vector<8x32x128xi32>
    %select_n3A_2501 = arith.select %ne3A_2500, %roll3A_2492, %roll3A_2494 : vector<8x32x128xi1>, vector<8x32x128xf32>
    %roll3A_2502 = arith.constant 1 : i32
    %roll3A_2503 = tpu.dynamic_rotate %select_n3A_2490 by %roll3A_2502 dim 1 : vector<8x32x128xi32>, i32 -> vector<8x32x128xi32>
    %roll3A_2504 = arith.constant 31 : i32
    %roll3A_2505 = tpu.dynamic_rotate %select_n3A_2490 by %roll3A_2504 dim 1 : vector<8x32x128xi32>, i32 -> vector<8x32x128xi32>
    %and3A_2506 = arith.constant 128 : i32
    %and3A_2507 = vector.broadcast %and3A_2506 : i32 to vector<8x32x128xi32>
    %and3A_2508 = arith.andi %add3A, %and3A_2507 : vector<8x32x128xi32>
    %ne3A_2509 = arith.constant 0 : i32
    %ne3A_2510 = vector.broadcast %ne3A_2509 : i32 to vector<8x32x128xi32>
    %ne3A_2511 = arith.cmpi ne, %and3A_2508, %ne3A_2510 : vector<8x32x128xi32>
    %select_n3A_2512 = arith.select %ne3A_2511, %roll3A_2503, %roll3A_2505 : vector<8x32x128xi1>, vector<8x32x128xi32>
    %gt3A_2513 = arith.cmpf ogt, %select_n3A_2489, %select_n3A_2501 : vector<8x32x128xf32>
    %eq3A_2514 = arith.cmpf oeq, %select_n3A_2489, %select_n3A_2501 : vector<8x32x128xf32>
    %lt3A_2515 = arith.cmpi slt, %select_n3A_2490, %select_n3A_2512 : vector<8x32x128xi32>
    %and3A_2516 = arith.andi %eq3A_2514, %lt3A_2515 : vector<8x32x128xi1>
    %or3A_2517 = arith.ori %gt3A_2513, %and3A_2516 : vector<8x32x128xi1>
    %and3A_2518 = arith.constant 128 : i32
    %and3A_2519 = vector.broadcast %and3A_2518 : i32 to vector<8x32x128xi32>
    %and3A_2520 = arith.andi %add3A, %and3A_2519 : vector<8x32x128xi32>
    %ne3A_2521 = arith.constant 0 : i32
    %ne3A_2522 = vector.broadcast %ne3A_2521 : i32 to vector<8x32x128xi32>
    %ne3A_2523 = arith.cmpi ne, %and3A_2520, %ne3A_2522 : vector<8x32x128xi32>
    %and3A_2524 = arith.constant 2048 : i32
    %and3A_2525 = vector.broadcast %and3A_2524 : i32 to vector<8x32x128xi32>
    %and3A_2526 = arith.andi %add3A, %and3A_2525 : vector<8x32x128xi32>
    %ne3A_2527 = arith.constant 0 : i32
    %ne3A_2528 = vector.broadcast %ne3A_2527 : i32 to vector<8x32x128xi32>
    %ne3A_2529 = arith.cmpi ne, %and3A_2526, %ne3A_2528 : vector<8x32x128xi32>
    %xor3A_2530 = arith.xori %or3A_2517, %ne3A_2523 : vector<8x32x128xi1>
    %xor3A_2531 = arith.xori %xor3A_2530, %ne3A_2529 : vector<8x32x128xi1>
    %select_n3A_2532 = arith.select %xor3A_2531, %select_n3A_2489, %select_n3A_2501 : vector<8x32x128xi1>, vector<8x32x128xf32>
    %select_n3A_2533 = arith.select %xor3A_2531, %select_n3A_2490, %select_n3A_2512 : vector<8x32x128xi1>, vector<8x32x128xi32>
    %roll3A_2534 = arith.constant 64 : i32
    %roll3A_2535 = tpu.dynamic_rotate %select_n3A_2532 by %roll3A_2534 dim 2 : vector<8x32x128xf32>, i32 -> vector<8x32x128xf32>
    %roll3A_2536 = arith.constant 64 : i32
    %roll3A_2537 = tpu.dynamic_rotate %select_n3A_2532 by %roll3A_2536 dim 2 : vector<8x32x128xf32>, i32 -> vector<8x32x128xf32>
    %and3A_2538 = arith.constant 64 : i32
    %and3A_2539 = vector.broadcast %and3A_2538 : i32 to vector<8x32x128xi32>
    %and3A_2540 = arith.andi %add3A, %and3A_2539 : vector<8x32x128xi32>
    %ne3A_2541 = arith.constant 0 : i32
    %ne3A_2542 = vector.broadcast %ne3A_2541 : i32 to vector<8x32x128xi32>
    %ne3A_2543 = arith.cmpi ne, %and3A_2540, %ne3A_2542 : vector<8x32x128xi32>
    %select_n3A_2544 = arith.select %ne3A_2543, %roll3A_2535, %roll3A_2537 : vector<8x32x128xi1>, vector<8x32x128xf32>
    %roll3A_2545 = arith.constant 64 : i32
    %roll3A_2546 = tpu.dynamic_rotate %select_n3A_2533 by %roll3A_2545 dim 2 : vector<8x32x128xi32>, i32 -> vector<8x32x128xi32>
    %roll3A_2547 = arith.constant 64 : i32
    %roll3A_2548 = tpu.dynamic_rotate %select_n3A_2533 by %roll3A_2547 dim 2 : vector<8x32x128xi32>, i32 -> vector<8x32x128xi32>
    %and3A_2549 = arith.constant 64 : i32
    %and3A_2550 = vector.broadcast %and3A_2549 : i32 to vector<8x32x128xi32>
    %and3A_2551 = arith.andi %add3A, %and3A_2550 : vector<8x32x128xi32>
    %ne3A_2552 = arith.constant 0 : i32
    %ne3A_2553 = vector.broadcast %ne3A_2552 : i32 to vector<8x32x128xi32>
    %ne3A_2554 = arith.cmpi ne, %and3A_2551, %ne3A_2553 : vector<8x32x128xi32>
    %select_n3A_2555 = arith.select %ne3A_2554, %roll3A_2546, %roll3A_2548 : vector<8x32x128xi1>, vector<8x32x128xi32>
    %gt3A_2556 = arith.cmpf ogt, %select_n3A_2532, %select_n3A_2544 : vector<8x32x128xf32>
    %eq3A_2557 = arith.cmpf oeq, %select_n3A_2532, %select_n3A_2544 : vector<8x32x128xf32>
    %lt3A_2558 = arith.cmpi slt, %select_n3A_2533, %select_n3A_2555 : vector<8x32x128xi32>
    %and3A_2559 = arith.andi %eq3A_2557, %lt3A_2558 : vector<8x32x128xi1>
    %or3A_2560 = arith.ori %gt3A_2556, %and3A_2559 : vector<8x32x128xi1>
    %and3A_2561 = arith.constant 64 : i32
    %and3A_2562 = vector.broadcast %and3A_2561 : i32 to vector<8x32x128xi32>
    %and3A_2563 = arith.andi %add3A, %and3A_2562 : vector<8x32x128xi32>
    %ne3A_2564 = arith.constant 0 : i32
    %ne3A_2565 = vector.broadcast %ne3A_2564 : i32 to vector<8x32x128xi32>
    %ne3A_2566 = arith.cmpi ne, %and3A_2563, %ne3A_2565 : vector<8x32x128xi32>
    %and3A_2567 = arith.constant 2048 : i32
    %and3A_2568 = vector.broadcast %and3A_2567 : i32 to vector<8x32x128xi32>
    %and3A_2569 = arith.andi %add3A, %and3A_2568 : vector<8x32x128xi32>
    %ne3A_2570 = arith.constant 0 : i32
    %ne3A_2571 = vector.broadcast %ne3A_2570 : i32 to vector<8x32x128xi32>
    %ne3A_2572 = arith.cmpi ne, %and3A_2569, %ne3A_2571 : vector<8x32x128xi32>
    %xor3A_2573 = arith.xori %or3A_2560, %ne3A_2566 : vector<8x32x128xi1>
    %xor3A_2574 = arith.xori %xor3A_2573, %ne3A_2572 : vector<8x32x128xi1>
    %select_n3A_2575 = arith.select %xor3A_2574, %select_n3A_2532, %select_n3A_2544 : vector<8x32x128xi1>, vector<8x32x128xf32>
    %select_n3A_2576 = arith.select %xor3A_2574, %select_n3A_2533, %select_n3A_2555 : vector<8x32x128xi1>, vector<8x32x128xi32>
    %roll3A_2577 = arith.constant 32 : i32
    %roll3A_2578 = tpu.dynamic_rotate %select_n3A_2575 by %roll3A_2577 dim 2 : vector<8x32x128xf32>, i32 -> vector<8x32x128xf32>
    %roll3A_2579 = arith.constant 96 : i32
    %roll3A_2580 = tpu.dynamic_rotate %select_n3A_2575 by %roll3A_2579 dim 2 : vector<8x32x128xf32>, i32 -> vector<8x32x128xf32>
    %and3A_2581 = arith.constant 32 : i32
    %and3A_2582 = vector.broadcast %and3A_2581 : i32 to vector<8x32x128xi32>
    %and3A_2583 = arith.andi %add3A, %and3A_2582 : vector<8x32x128xi32>
    %ne3A_2584 = arith.constant 0 : i32
    %ne3A_2585 = vector.broadcast %ne3A_2584 : i32 to vector<8x32x128xi32>
    %ne3A_2586 = arith.cmpi ne, %and3A_2583, %ne3A_2585 : vector<8x32x128xi32>
    %select_n3A_2587 = arith.select %ne3A_2586, %roll3A_2578, %roll3A_2580 : vector<8x32x128xi1>, vector<8x32x128xf32>
    %roll3A_2588 = arith.constant 32 : i32
    %roll3A_2589 = tpu.dynamic_rotate %select_n3A_2576 by %roll3A_2588 dim 2 : vector<8x32x128xi32>, i32 -> vector<8x32x128xi32>
    %roll3A_2590 = arith.constant 96 : i32
    %roll3A_2591 = tpu.dynamic_rotate %select_n3A_2576 by %roll3A_2590 dim 2 : vector<8x32x128xi32>, i32 -> vector<8x32x128xi32>
    %and3A_2592 = arith.constant 32 : i32
    %and3A_2593 = vector.broadcast %and3A_2592 : i32 to vector<8x32x128xi32>
    %and3A_2594 = arith.andi %add3A, %and3A_2593 : vector<8x32x128xi32>
    %ne3A_2595 = arith.constant 0 : i32
    %ne3A_2596 = vector.broadcast %ne3A_2595 : i32 to vector<8x32x128xi32>
    %ne3A_2597 = arith.cmpi ne, %and3A_2594, %ne3A_2596 : vector<8x32x128xi32>
    %select_n3A_2598 = arith.select %ne3A_2597, %roll3A_2589, %roll3A_2591 : vector<8x32x128xi1>, vector<8x32x128xi32>
    %gt3A_2599 = arith.cmpf ogt, %select_n3A_2575, %select_n3A_2587 : vector<8x32x128xf32>
    %eq3A_2600 = arith.cmpf oeq, %select_n3A_2575, %select_n3A_2587 : vector<8x32x128xf32>
    %lt3A_2601 = arith.cmpi slt, %select_n3A_2576, %select_n3A_2598 : vector<8x32x128xi32>
    %and3A_2602 = arith.andi %eq3A_2600, %lt3A_2601 : vector<8x32x128xi1>
    %or3A_2603 = arith.ori %gt3A_2599, %and3A_2602 : vector<8x32x128xi1>
    %and3A_2604 = arith.constant 32 : i32
    %and3A_2605 = vector.broadcast %and3A_2604 : i32 to vector<8x32x128xi32>
    %and3A_2606 = arith.andi %add3A, %and3A_2605 : vector<8x32x128xi32>
    %ne3A_2607 = arith.constant 0 : i32
    %ne3A_2608 = vector.broadcast %ne3A_2607 : i32 to vector<8x32x128xi32>
    %ne3A_2609 = arith.cmpi ne, %and3A_2606, %ne3A_2608 : vector<8x32x128xi32>
    %and3A_2610 = arith.constant 2048 : i32
    %and3A_2611 = vector.broadcast %and3A_2610 : i32 to vector<8x32x128xi32>
    %and3A_2612 = arith.andi %add3A, %and3A_2611 : vector<8x32x128xi32>
    %ne3A_2613 = arith.constant 0 : i32
    %ne3A_2614 = vector.broadcast %ne3A_2613 : i32 to vector<8x32x128xi32>
    %ne3A_2615 = arith.cmpi ne, %and3A_2612, %ne3A_2614 : vector<8x32x128xi32>
    %xor3A_2616 = arith.xori %or3A_2603, %ne3A_2609 : vector<8x32x128xi1>
    %xor3A_2617 = arith.xori %xor3A_2616, %ne3A_2615 : vector<8x32x128xi1>
    %select_n3A_2618 = arith.select %xor3A_2617, %select_n3A_2575, %select_n3A_2587 : vector<8x32x128xi1>, vector<8x32x128xf32>
    %select_n3A_2619 = arith.select %xor3A_2617, %select_n3A_2576, %select_n3A_2598 : vector<8x32x128xi1>, vector<8x32x128xi32>
    %roll3A_2620 = arith.constant 16 : i32
    %roll3A_2621 = tpu.dynamic_rotate %select_n3A_2618 by %roll3A_2620 dim 2 : vector<8x32x128xf32>, i32 -> vector<8x32x128xf32>
    %roll3A_2622 = arith.constant 112 : i32
    %roll3A_2623 = tpu.dynamic_rotate %select_n3A_2618 by %roll3A_2622 dim 2 : vector<8x32x128xf32>, i32 -> vector<8x32x128xf32>
    %and3A_2624 = arith.constant 16 : i32
    %and3A_2625 = vector.broadcast %and3A_2624 : i32 to vector<8x32x128xi32>
    %and3A_2626 = arith.andi %add3A, %and3A_2625 : vector<8x32x128xi32>
    %ne3A_2627 = arith.constant 0 : i32
    %ne3A_2628 = vector.broadcast %ne3A_2627 : i32 to vector<8x32x128xi32>
    %ne3A_2629 = arith.cmpi ne, %and3A_2626, %ne3A_2628 : vector<8x32x128xi32>
    %select_n3A_2630 = arith.select %ne3A_2629, %roll3A_2621, %roll3A_2623 : vector<8x32x128xi1>, vector<8x32x128xf32>
    %roll3A_2631 = arith.constant 16 : i32
    %roll3A_2632 = tpu.dynamic_rotate %select_n3A_2619 by %roll3A_2631 dim 2 : vector<8x32x128xi32>, i32 -> vector<8x32x128xi32>
    %roll3A_2633 = arith.constant 112 : i32
    %roll3A_2634 = tpu.dynamic_rotate %select_n3A_2619 by %roll3A_2633 dim 2 : vector<8x32x128xi32>, i32 -> vector<8x32x128xi32>
    %and3A_2635 = arith.constant 16 : i32
    %and3A_2636 = vector.broadcast %and3A_2635 : i32 to vector<8x32x128xi32>
    %and3A_2637 = arith.andi %add3A, %and3A_2636 : vector<8x32x128xi32>
    %ne3A_2638 = arith.constant 0 : i32
    %ne3A_2639 = vector.broadcast %ne3A_2638 : i32 to vector<8x32x128xi32>
    %ne3A_2640 = arith.cmpi ne, %and3A_2637, %ne3A_2639 : vector<8x32x128xi32>
    %select_n3A_2641 = arith.select %ne3A_2640, %roll3A_2632, %roll3A_2634 : vector<8x32x128xi1>, vector<8x32x128xi32>
    %gt3A_2642 = arith.cmpf ogt, %select_n3A_2618, %select_n3A_2630 : vector<8x32x128xf32>
    %eq3A_2643 = arith.cmpf oeq, %select_n3A_2618, %select_n3A_2630 : vector<8x32x128xf32>
    %lt3A_2644 = arith.cmpi slt, %select_n3A_2619, %select_n3A_2641 : vector<8x32x128xi32>
    %and3A_2645 = arith.andi %eq3A_2643, %lt3A_2644 : vector<8x32x128xi1>
    %or3A_2646 = arith.ori %gt3A_2642, %and3A_2645 : vector<8x32x128xi1>
    %and3A_2647 = arith.constant 16 : i32
    %and3A_2648 = vector.broadcast %and3A_2647 : i32 to vector<8x32x128xi32>
    %and3A_2649 = arith.andi %add3A, %and3A_2648 : vector<8x32x128xi32>
    %ne3A_2650 = arith.constant 0 : i32
    %ne3A_2651 = vector.broadcast %ne3A_2650 : i32 to vector<8x32x128xi32>
    %ne3A_2652 = arith.cmpi ne, %and3A_2649, %ne3A_2651 : vector<8x32x128xi32>
    %and3A_2653 = arith.constant 2048 : i32
    %and3A_2654 = vector.broadcast %and3A_2653 : i32 to vector<8x32x128xi32>
    %and3A_2655 = arith.andi %add3A, %and3A_2654 : vector<8x32x128xi32>
    %ne3A_2656 = arith.constant 0 : i32
    %ne3A_2657 = vector.broadcast %ne3A_2656 : i32 to vector<8x32x128xi32>
    %ne3A_2658 = arith.cmpi ne, %and3A_2655, %ne3A_2657 : vector<8x32x128xi32>
    %xor3A_2659 = arith.xori %or3A_2646, %ne3A_2652 : vector<8x32x128xi1>
    %xor3A_2660 = arith.xori %xor3A_2659, %ne3A_2658 : vector<8x32x128xi1>
    %select_n3A_2661 = arith.select %xor3A_2660, %select_n3A_2618, %select_n3A_2630 : vector<8x32x128xi1>, vector<8x32x128xf32>
    %select_n3A_2662 = arith.select %xor3A_2660, %select_n3A_2619, %select_n3A_2641 : vector<8x32x128xi1>, vector<8x32x128xi32>
    %roll3A_2663 = arith.constant 8 : i32
    %roll3A_2664 = tpu.dynamic_rotate %select_n3A_2661 by %roll3A_2663 dim 2 : vector<8x32x128xf32>, i32 -> vector<8x32x128xf32>
    %roll3A_2665 = arith.constant 120 : i32
    %roll3A_2666 = tpu.dynamic_rotate %select_n3A_2661 by %roll3A_2665 dim 2 : vector<8x32x128xf32>, i32 -> vector<8x32x128xf32>
    %and3A_2667 = arith.constant 8 : i32
    %and3A_2668 = vector.broadcast %and3A_2667 : i32 to vector<8x32x128xi32>
    %and3A_2669 = arith.andi %add3A, %and3A_2668 : vector<8x32x128xi32>
    %ne3A_2670 = arith.constant 0 : i32
    %ne3A_2671 = vector.broadcast %ne3A_2670 : i32 to vector<8x32x128xi32>
    %ne3A_2672 = arith.cmpi ne, %and3A_2669, %ne3A_2671 : vector<8x32x128xi32>
    %select_n3A_2673 = arith.select %ne3A_2672, %roll3A_2664, %roll3A_2666 : vector<8x32x128xi1>, vector<8x32x128xf32>
    %roll3A_2674 = arith.constant 8 : i32
    %roll3A_2675 = tpu.dynamic_rotate %select_n3A_2662 by %roll3A_2674 dim 2 : vector<8x32x128xi32>, i32 -> vector<8x32x128xi32>
    %roll3A_2676 = arith.constant 120 : i32
    %roll3A_2677 = tpu.dynamic_rotate %select_n3A_2662 by %roll3A_2676 dim 2 : vector<8x32x128xi32>, i32 -> vector<8x32x128xi32>
    %and3A_2678 = arith.constant 8 : i32
    %and3A_2679 = vector.broadcast %and3A_2678 : i32 to vector<8x32x128xi32>
    %and3A_2680 = arith.andi %add3A, %and3A_2679 : vector<8x32x128xi32>
    %ne3A_2681 = arith.constant 0 : i32
    %ne3A_2682 = vector.broadcast %ne3A_2681 : i32 to vector<8x32x128xi32>
    %ne3A_2683 = arith.cmpi ne, %and3A_2680, %ne3A_2682 : vector<8x32x128xi32>
    %select_n3A_2684 = arith.select %ne3A_2683, %roll3A_2675, %roll3A_2677 : vector<8x32x128xi1>, vector<8x32x128xi32>
    %gt3A_2685 = arith.cmpf ogt, %select_n3A_2661, %select_n3A_2673 : vector<8x32x128xf32>
    %eq3A_2686 = arith.cmpf oeq, %select_n3A_2661, %select_n3A_2673 : vector<8x32x128xf32>
    %lt3A_2687 = arith.cmpi slt, %select_n3A_2662, %select_n3A_2684 : vector<8x32x128xi32>
    %and3A_2688 = arith.andi %eq3A_2686, %lt3A_2687 : vector<8x32x128xi1>
    %or3A_2689 = arith.ori %gt3A_2685, %and3A_2688 : vector<8x32x128xi1>
    %and3A_2690 = arith.constant 8 : i32
    %and3A_2691 = vector.broadcast %and3A_2690 : i32 to vector<8x32x128xi32>
    %and3A_2692 = arith.andi %add3A, %and3A_2691 : vector<8x32x128xi32>
    %ne3A_2693 = arith.constant 0 : i32
    %ne3A_2694 = vector.broadcast %ne3A_2693 : i32 to vector<8x32x128xi32>
    %ne3A_2695 = arith.cmpi ne, %and3A_2692, %ne3A_2694 : vector<8x32x128xi32>
    %and3A_2696 = arith.constant 2048 : i32
    %and3A_2697 = vector.broadcast %and3A_2696 : i32 to vector<8x32x128xi32>
    %and3A_2698 = arith.andi %add3A, %and3A_2697 : vector<8x32x128xi32>
    %ne3A_2699 = arith.constant 0 : i32
    %ne3A_2700 = vector.broadcast %ne3A_2699 : i32 to vector<8x32x128xi32>
    %ne3A_2701 = arith.cmpi ne, %and3A_2698, %ne3A_2700 : vector<8x32x128xi32>
    %xor3A_2702 = arith.xori %or3A_2689, %ne3A_2695 : vector<8x32x128xi1>
    %xor3A_2703 = arith.xori %xor3A_2702, %ne3A_2701 : vector<8x32x128xi1>
    %select_n3A_2704 = arith.select %xor3A_2703, %select_n3A_2661, %select_n3A_2673 : vector<8x32x128xi1>, vector<8x32x128xf32>
    %select_n3A_2705 = arith.select %xor3A_2703, %select_n3A_2662, %select_n3A_2684 : vector<8x32x128xi1>, vector<8x32x128xi32>
    %roll3A_2706 = arith.constant 4 : i32
    %roll3A_2707 = tpu.dynamic_rotate %select_n3A_2704 by %roll3A_2706 dim 2 : vector<8x32x128xf32>, i32 -> vector<8x32x128xf32>
    %roll3A_2708 = arith.constant 124 : i32
    %roll3A_2709 = tpu.dynamic_rotate %select_n3A_2704 by %roll3A_2708 dim 2 : vector<8x32x128xf32>, i32 -> vector<8x32x128xf32>
    %and3A_2710 = arith.constant 4 : i32
    %and3A_2711 = vector.broadcast %and3A_2710 : i32 to vector<8x32x128xi32>
    %and3A_2712 = arith.andi %add3A, %and3A_2711 : vector<8x32x128xi32>
    %ne3A_2713 = arith.constant 0 : i32
    %ne3A_2714 = vector.broadcast %ne3A_2713 : i32 to vector<8x32x128xi32>
    %ne3A_2715 = arith.cmpi ne, %and3A_2712, %ne3A_2714 : vector<8x32x128xi32>
    %select_n3A_2716 = arith.select %ne3A_2715, %roll3A_2707, %roll3A_2709 : vector<8x32x128xi1>, vector<8x32x128xf32>
    %roll3A_2717 = arith.constant 4 : i32
    %roll3A_2718 = tpu.dynamic_rotate %select_n3A_2705 by %roll3A_2717 dim 2 : vector<8x32x128xi32>, i32 -> vector<8x32x128xi32>
    %roll3A_2719 = arith.constant 124 : i32
    %roll3A_2720 = tpu.dynamic_rotate %select_n3A_2705 by %roll3A_2719 dim 2 : vector<8x32x128xi32>, i32 -> vector<8x32x128xi32>
    %and3A_2721 = arith.constant 4 : i32
    %and3A_2722 = vector.broadcast %and3A_2721 : i32 to vector<8x32x128xi32>
    %and3A_2723 = arith.andi %add3A, %and3A_2722 : vector<8x32x128xi32>
    %ne3A_2724 = arith.constant 0 : i32
    %ne3A_2725 = vector.broadcast %ne3A_2724 : i32 to vector<8x32x128xi32>
    %ne3A_2726 = arith.cmpi ne, %and3A_2723, %ne3A_2725 : vector<8x32x128xi32>
    %select_n3A_2727 = arith.select %ne3A_2726, %roll3A_2718, %roll3A_2720 : vector<8x32x128xi1>, vector<8x32x128xi32>
    %gt3A_2728 = arith.cmpf ogt, %select_n3A_2704, %select_n3A_2716 : vector<8x32x128xf32>
    %eq3A_2729 = arith.cmpf oeq, %select_n3A_2704, %select_n3A_2716 : vector<8x32x128xf32>
    %lt3A_2730 = arith.cmpi slt, %select_n3A_2705, %select_n3A_2727 : vector<8x32x128xi32>
    %and3A_2731 = arith.andi %eq3A_2729, %lt3A_2730 : vector<8x32x128xi1>
    %or3A_2732 = arith.ori %gt3A_2728, %and3A_2731 : vector<8x32x128xi1>
    %and3A_2733 = arith.constant 4 : i32
    %and3A_2734 = vector.broadcast %and3A_2733 : i32 to vector<8x32x128xi32>
    %and3A_2735 = arith.andi %add3A, %and3A_2734 : vector<8x32x128xi32>
    %ne3A_2736 = arith.constant 0 : i32
    %ne3A_2737 = vector.broadcast %ne3A_2736 : i32 to vector<8x32x128xi32>
    %ne3A_2738 = arith.cmpi ne, %and3A_2735, %ne3A_2737 : vector<8x32x128xi32>
    %and3A_2739 = arith.constant 2048 : i32
    %and3A_2740 = vector.broadcast %and3A_2739 : i32 to vector<8x32x128xi32>
    %and3A_2741 = arith.andi %add3A, %and3A_2740 : vector<8x32x128xi32>
    %ne3A_2742 = arith.constant 0 : i32
    %ne3A_2743 = vector.broadcast %ne3A_2742 : i32 to vector<8x32x128xi32>
    %ne3A_2744 = arith.cmpi ne, %and3A_2741, %ne3A_2743 : vector<8x32x128xi32>
    %xor3A_2745 = arith.xori %or3A_2732, %ne3A_2738 : vector<8x32x128xi1>
    %xor3A_2746 = arith.xori %xor3A_2745, %ne3A_2744 : vector<8x32x128xi1>
    %select_n3A_2747 = arith.select %xor3A_2746, %select_n3A_2704, %select_n3A_2716 : vector<8x32x128xi1>, vector<8x32x128xf32>
    %select_n3A_2748 = arith.select %xor3A_2746, %select_n3A_2705, %select_n3A_2727 : vector<8x32x128xi1>, vector<8x32x128xi32>
    %roll3A_2749 = arith.constant 2 : i32
    %roll3A_2750 = tpu.dynamic_rotate %select_n3A_2747 by %roll3A_2749 dim 2 : vector<8x32x128xf32>, i32 -> vector<8x32x128xf32>
    %roll3A_2751 = arith.constant 126 : i32
    %roll3A_2752 = tpu.dynamic_rotate %select_n3A_2747 by %roll3A_2751 dim 2 : vector<8x32x128xf32>, i32 -> vector<8x32x128xf32>
    %and3A_2753 = arith.constant 2 : i32
    %and3A_2754 = vector.broadcast %and3A_2753 : i32 to vector<8x32x128xi32>
    %and3A_2755 = arith.andi %add3A, %and3A_2754 : vector<8x32x128xi32>
    %ne3A_2756 = arith.constant 0 : i32
    %ne3A_2757 = vector.broadcast %ne3A_2756 : i32 to vector<8x32x128xi32>
    %ne3A_2758 = arith.cmpi ne, %and3A_2755, %ne3A_2757 : vector<8x32x128xi32>
    %select_n3A_2759 = arith.select %ne3A_2758, %roll3A_2750, %roll3A_2752 : vector<8x32x128xi1>, vector<8x32x128xf32>
    %roll3A_2760 = arith.constant 2 : i32
    %roll3A_2761 = tpu.dynamic_rotate %select_n3A_2748 by %roll3A_2760 dim 2 : vector<8x32x128xi32>, i32 -> vector<8x32x128xi32>
    %roll3A_2762 = arith.constant 126 : i32
    %roll3A_2763 = tpu.dynamic_rotate %select_n3A_2748 by %roll3A_2762 dim 2 : vector<8x32x128xi32>, i32 -> vector<8x32x128xi32>
    %and3A_2764 = arith.constant 2 : i32
    %and3A_2765 = vector.broadcast %and3A_2764 : i32 to vector<8x32x128xi32>
    %and3A_2766 = arith.andi %add3A, %and3A_2765 : vector<8x32x128xi32>
    %ne3A_2767 = arith.constant 0 : i32
    %ne3A_2768 = vector.broadcast %ne3A_2767 : i32 to vector<8x32x128xi32>
    %ne3A_2769 = arith.cmpi ne, %and3A_2766, %ne3A_2768 : vector<8x32x128xi32>
    %select_n3A_2770 = arith.select %ne3A_2769, %roll3A_2761, %roll3A_2763 : vector<8x32x128xi1>, vector<8x32x128xi32>
    %gt3A_2771 = arith.cmpf ogt, %select_n3A_2747, %select_n3A_2759 : vector<8x32x128xf32>
    %eq3A_2772 = arith.cmpf oeq, %select_n3A_2747, %select_n3A_2759 : vector<8x32x128xf32>
    %lt3A_2773 = arith.cmpi slt, %select_n3A_2748, %select_n3A_2770 : vector<8x32x128xi32>
    %and3A_2774 = arith.andi %eq3A_2772, %lt3A_2773 : vector<8x32x128xi1>
    %or3A_2775 = arith.ori %gt3A_2771, %and3A_2774 : vector<8x32x128xi1>
    %and3A_2776 = arith.constant 2 : i32
    %and3A_2777 = vector.broadcast %and3A_2776 : i32 to vector<8x32x128xi32>
    %and3A_2778 = arith.andi %add3A, %and3A_2777 : vector<8x32x128xi32>
    %ne3A_2779 = arith.constant 0 : i32
    %ne3A_2780 = vector.broadcast %ne3A_2779 : i32 to vector<8x32x128xi32>
    %ne3A_2781 = arith.cmpi ne, %and3A_2778, %ne3A_2780 : vector<8x32x128xi32>
    %and3A_2782 = arith.constant 2048 : i32
    %and3A_2783 = vector.broadcast %and3A_2782 : i32 to vector<8x32x128xi32>
    %and3A_2784 = arith.andi %add3A, %and3A_2783 : vector<8x32x128xi32>
    %ne3A_2785 = arith.constant 0 : i32
    %ne3A_2786 = vector.broadcast %ne3A_2785 : i32 to vector<8x32x128xi32>
    %ne3A_2787 = arith.cmpi ne, %and3A_2784, %ne3A_2786 : vector<8x32x128xi32>
    %xor3A_2788 = arith.xori %or3A_2775, %ne3A_2781 : vector<8x32x128xi1>
    %xor3A_2789 = arith.xori %xor3A_2788, %ne3A_2787 : vector<8x32x128xi1>
    %select_n3A_2790 = arith.select %xor3A_2789, %select_n3A_2747, %select_n3A_2759 : vector<8x32x128xi1>, vector<8x32x128xf32>
    %select_n3A_2791 = arith.select %xor3A_2789, %select_n3A_2748, %select_n3A_2770 : vector<8x32x128xi1>, vector<8x32x128xi32>
    %roll3A_2792 = arith.constant 1 : i32
    %roll3A_2793 = tpu.dynamic_rotate %select_n3A_2790 by %roll3A_2792 dim 2 : vector<8x32x128xf32>, i32 -> vector<8x32x128xf32>
    %roll3A_2794 = arith.constant 127 : i32
    %roll3A_2795 = tpu.dynamic_rotate %select_n3A_2790 by %roll3A_2794 dim 2 : vector<8x32x128xf32>, i32 -> vector<8x32x128xf32>
    %and3A_2796 = arith.constant 1 : i32
    %and3A_2797 = vector.broadcast %and3A_2796 : i32 to vector<8x32x128xi32>
    %and3A_2798 = arith.andi %add3A, %and3A_2797 : vector<8x32x128xi32>
    %ne3A_2799 = arith.constant 0 : i32
    %ne3A_2800 = vector.broadcast %ne3A_2799 : i32 to vector<8x32x128xi32>
    %ne3A_2801 = arith.cmpi ne, %and3A_2798, %ne3A_2800 : vector<8x32x128xi32>
    %select_n3A_2802 = arith.select %ne3A_2801, %roll3A_2793, %roll3A_2795 : vector<8x32x128xi1>, vector<8x32x128xf32>
    %roll3A_2803 = arith.constant 1 : i32
    %roll3A_2804 = tpu.dynamic_rotate %select_n3A_2791 by %roll3A_2803 dim 2 : vector<8x32x128xi32>, i32 -> vector<8x32x128xi32>
    %roll3A_2805 = arith.constant 127 : i32
    %roll3A_2806 = tpu.dynamic_rotate %select_n3A_2791 by %roll3A_2805 dim 2 : vector<8x32x128xi32>, i32 -> vector<8x32x128xi32>
    %and3A_2807 = arith.constant 1 : i32
    %and3A_2808 = vector.broadcast %and3A_2807 : i32 to vector<8x32x128xi32>
    %and3A_2809 = arith.andi %add3A, %and3A_2808 : vector<8x32x128xi32>
    %ne3A_2810 = arith.constant 0 : i32
    %ne3A_2811 = vector.broadcast %ne3A_2810 : i32 to vector<8x32x128xi32>
    %ne3A_2812 = arith.cmpi ne, %and3A_2809, %ne3A_2811 : vector<8x32x128xi32>
    %select_n3A_2813 = arith.select %ne3A_2812, %roll3A_2804, %roll3A_2806 : vector<8x32x128xi1>, vector<8x32x128xi32>
    %gt3A_2814 = arith.cmpf ogt, %select_n3A_2790, %select_n3A_2802 : vector<8x32x128xf32>
    %eq3A_2815 = arith.cmpf oeq, %select_n3A_2790, %select_n3A_2802 : vector<8x32x128xf32>
    %lt3A_2816 = arith.cmpi slt, %select_n3A_2791, %select_n3A_2813 : vector<8x32x128xi32>
    %and3A_2817 = arith.andi %eq3A_2815, %lt3A_2816 : vector<8x32x128xi1>
    %or3A_2818 = arith.ori %gt3A_2814, %and3A_2817 : vector<8x32x128xi1>
    %and3A_2819 = arith.constant 1 : i32
    %and3A_2820 = vector.broadcast %and3A_2819 : i32 to vector<8x32x128xi32>
    %and3A_2821 = arith.andi %add3A, %and3A_2820 : vector<8x32x128xi32>
    %ne3A_2822 = arith.constant 0 : i32
    %ne3A_2823 = vector.broadcast %ne3A_2822 : i32 to vector<8x32x128xi32>
    %ne3A_2824 = arith.cmpi ne, %and3A_2821, %ne3A_2823 : vector<8x32x128xi32>
    %and3A_2825 = arith.constant 2048 : i32
    %and3A_2826 = vector.broadcast %and3A_2825 : i32 to vector<8x32x128xi32>
    %and3A_2827 = arith.andi %add3A, %and3A_2826 : vector<8x32x128xi32>
    %ne3A_2828 = arith.constant 0 : i32
    %ne3A_2829 = vector.broadcast %ne3A_2828 : i32 to vector<8x32x128xi32>
    %ne3A_2830 = arith.cmpi ne, %and3A_2827, %ne3A_2829 : vector<8x32x128xi32>
    %xor3A_2831 = arith.xori %or3A_2818, %ne3A_2824 : vector<8x32x128xi1>
    %xor3A_2832 = arith.xori %xor3A_2831, %ne3A_2830 : vector<8x32x128xi1>
    %select_n3A_2833 = arith.select %xor3A_2832, %select_n3A_2790, %select_n3A_2802 : vector<8x32x128xi1>, vector<8x32x128xf32>
    %select_n3A_2834 = arith.select %xor3A_2832, %select_n3A_2791, %select_n3A_2813 : vector<8x32x128xi1>, vector<8x32x128xi32>
    %roll3A_2835 = arith.constant 16 : i32
    %roll3A_2836 = tpu.dynamic_rotate %select_n3A_2833 by %roll3A_2835 dim 1 : vector<8x32x128xf32>, i32 -> vector<8x32x128xf32>
    %roll3A_2837 = arith.constant 16 : i32
    %roll3A_2838 = tpu.dynamic_rotate %select_n3A_2833 by %roll3A_2837 dim 1 : vector<8x32x128xf32>, i32 -> vector<8x32x128xf32>
    %and3A_2839 = arith.constant 2048 : i32
    %and3A_2840 = vector.broadcast %and3A_2839 : i32 to vector<8x32x128xi32>
    %and3A_2841 = arith.andi %add3A, %and3A_2840 : vector<8x32x128xi32>
    %ne3A_2842 = arith.constant 0 : i32
    %ne3A_2843 = vector.broadcast %ne3A_2842 : i32 to vector<8x32x128xi32>
    %ne3A_2844 = arith.cmpi ne, %and3A_2841, %ne3A_2843 : vector<8x32x128xi32>
    %select_n3A_2845 = arith.select %ne3A_2844, %roll3A_2836, %roll3A_2838 : vector<8x32x128xi1>, vector<8x32x128xf32>
    %roll3A_2846 = arith.constant 16 : i32
    %roll3A_2847 = tpu.dynamic_rotate %select_n3A_2834 by %roll3A_2846 dim 1 : vector<8x32x128xi32>, i32 -> vector<8x32x128xi32>
    %roll3A_2848 = arith.constant 16 : i32
    %roll3A_2849 = tpu.dynamic_rotate %select_n3A_2834 by %roll3A_2848 dim 1 : vector<8x32x128xi32>, i32 -> vector<8x32x128xi32>
    %and3A_2850 = arith.constant 2048 : i32
    %and3A_2851 = vector.broadcast %and3A_2850 : i32 to vector<8x32x128xi32>
    %and3A_2852 = arith.andi %add3A, %and3A_2851 : vector<8x32x128xi32>
    %ne3A_2853 = arith.constant 0 : i32
    %ne3A_2854 = vector.broadcast %ne3A_2853 : i32 to vector<8x32x128xi32>
    %ne3A_2855 = arith.cmpi ne, %and3A_2852, %ne3A_2854 : vector<8x32x128xi32>
    %select_n3A_2856 = arith.select %ne3A_2855, %roll3A_2847, %roll3A_2849 : vector<8x32x128xi1>, vector<8x32x128xi32>
    %gt3A_2857 = arith.cmpf ogt, %select_n3A_2833, %select_n3A_2845 : vector<8x32x128xf32>
    %eq3A_2858 = arith.cmpf oeq, %select_n3A_2833, %select_n3A_2845 : vector<8x32x128xf32>
    %lt3A_2859 = arith.cmpi slt, %select_n3A_2834, %select_n3A_2856 : vector<8x32x128xi32>
    %and3A_2860 = arith.andi %eq3A_2858, %lt3A_2859 : vector<8x32x128xi1>
    %or3A_2861 = arith.ori %gt3A_2857, %and3A_2860 : vector<8x32x128xi1>
    %and3A_2862 = arith.constant 2048 : i32
    %and3A_2863 = vector.broadcast %and3A_2862 : i32 to vector<8x32x128xi32>
    %and3A_2864 = arith.andi %add3A, %and3A_2863 : vector<8x32x128xi32>
    %ne3A_2865 = arith.constant 0 : i32
    %ne3A_2866 = vector.broadcast %ne3A_2865 : i32 to vector<8x32x128xi32>
    %ne3A_2867 = arith.cmpi ne, %and3A_2864, %ne3A_2866 : vector<8x32x128xi32>
    %and3A_2868 = arith.constant 4096 : i32
    %and3A_2869 = vector.broadcast %and3A_2868 : i32 to vector<8x32x128xi32>
    %and3A_2870 = arith.andi %add3A, %and3A_2869 : vector<8x32x128xi32>
    %ne3A_2871 = arith.constant 0 : i32
    %ne3A_2872 = vector.broadcast %ne3A_2871 : i32 to vector<8x32x128xi32>
    %ne3A_2873 = arith.cmpi ne, %and3A_2870, %ne3A_2872 : vector<8x32x128xi32>
    %xor3A_2874 = arith.xori %or3A_2861, %ne3A_2867 : vector<8x32x128xi1>
    %xor3A_2875 = arith.xori %xor3A_2874, %ne3A_2873 : vector<8x32x128xi1>
    %select_n3A_2876 = arith.select %xor3A_2875, %select_n3A_2833, %select_n3A_2845 : vector<8x32x128xi1>, vector<8x32x128xf32>
    %select_n3A_2877 = arith.select %xor3A_2875, %select_n3A_2834, %select_n3A_2856 : vector<8x32x128xi1>, vector<8x32x128xi32>
    %roll3A_2878 = arith.constant 8 : i32
    %roll3A_2879 = tpu.dynamic_rotate %select_n3A_2876 by %roll3A_2878 dim 1 : vector<8x32x128xf32>, i32 -> vector<8x32x128xf32>
    %roll3A_2880 = arith.constant 24 : i32
    %roll3A_2881 = tpu.dynamic_rotate %select_n3A_2876 by %roll3A_2880 dim 1 : vector<8x32x128xf32>, i32 -> vector<8x32x128xf32>
    %and3A_2882 = arith.constant 1024 : i32
    %and3A_2883 = vector.broadcast %and3A_2882 : i32 to vector<8x32x128xi32>
    %and3A_2884 = arith.andi %add3A, %and3A_2883 : vector<8x32x128xi32>
    %ne3A_2885 = arith.constant 0 : i32
    %ne3A_2886 = vector.broadcast %ne3A_2885 : i32 to vector<8x32x128xi32>
    %ne3A_2887 = arith.cmpi ne, %and3A_2884, %ne3A_2886 : vector<8x32x128xi32>
    %select_n3A_2888 = arith.select %ne3A_2887, %roll3A_2879, %roll3A_2881 : vector<8x32x128xi1>, vector<8x32x128xf32>
    %roll3A_2889 = arith.constant 8 : i32
    %roll3A_2890 = tpu.dynamic_rotate %select_n3A_2877 by %roll3A_2889 dim 1 : vector<8x32x128xi32>, i32 -> vector<8x32x128xi32>
    %roll3A_2891 = arith.constant 24 : i32
    %roll3A_2892 = tpu.dynamic_rotate %select_n3A_2877 by %roll3A_2891 dim 1 : vector<8x32x128xi32>, i32 -> vector<8x32x128xi32>
    %and3A_2893 = arith.constant 1024 : i32
    %and3A_2894 = vector.broadcast %and3A_2893 : i32 to vector<8x32x128xi32>
    %and3A_2895 = arith.andi %add3A, %and3A_2894 : vector<8x32x128xi32>
    %ne3A_2896 = arith.constant 0 : i32
    %ne3A_2897 = vector.broadcast %ne3A_2896 : i32 to vector<8x32x128xi32>
    %ne3A_2898 = arith.cmpi ne, %and3A_2895, %ne3A_2897 : vector<8x32x128xi32>
    %select_n3A_2899 = arith.select %ne3A_2898, %roll3A_2890, %roll3A_2892 : vector<8x32x128xi1>, vector<8x32x128xi32>
    %gt3A_2900 = arith.cmpf ogt, %select_n3A_2876, %select_n3A_2888 : vector<8x32x128xf32>
    %eq3A_2901 = arith.cmpf oeq, %select_n3A_2876, %select_n3A_2888 : vector<8x32x128xf32>
    %lt3A_2902 = arith.cmpi slt, %select_n3A_2877, %select_n3A_2899 : vector<8x32x128xi32>
    %and3A_2903 = arith.andi %eq3A_2901, %lt3A_2902 : vector<8x32x128xi1>
    %or3A_2904 = arith.ori %gt3A_2900, %and3A_2903 : vector<8x32x128xi1>
    %and3A_2905 = arith.constant 1024 : i32
    %and3A_2906 = vector.broadcast %and3A_2905 : i32 to vector<8x32x128xi32>
    %and3A_2907 = arith.andi %add3A, %and3A_2906 : vector<8x32x128xi32>
    %ne3A_2908 = arith.constant 0 : i32
    %ne3A_2909 = vector.broadcast %ne3A_2908 : i32 to vector<8x32x128xi32>
    %ne3A_2910 = arith.cmpi ne, %and3A_2907, %ne3A_2909 : vector<8x32x128xi32>
    %and3A_2911 = arith.constant 4096 : i32
    %and3A_2912 = vector.broadcast %and3A_2911 : i32 to vector<8x32x128xi32>
    %and3A_2913 = arith.andi %add3A, %and3A_2912 : vector<8x32x128xi32>
    %ne3A_2914 = arith.constant 0 : i32
    %ne3A_2915 = vector.broadcast %ne3A_2914 : i32 to vector<8x32x128xi32>
    %ne3A_2916 = arith.cmpi ne, %and3A_2913, %ne3A_2915 : vector<8x32x128xi32>
    %xor3A_2917 = arith.xori %or3A_2904, %ne3A_2910 : vector<8x32x128xi1>
    %xor3A_2918 = arith.xori %xor3A_2917, %ne3A_2916 : vector<8x32x128xi1>
    %select_n3A_2919 = arith.select %xor3A_2918, %select_n3A_2876, %select_n3A_2888 : vector<8x32x128xi1>, vector<8x32x128xf32>
    %select_n3A_2920 = arith.select %xor3A_2918, %select_n3A_2877, %select_n3A_2899 : vector<8x32x128xi1>, vector<8x32x128xi32>
    %roll3A_2921 = arith.constant 4 : i32
    %roll3A_2922 = tpu.dynamic_rotate %select_n3A_2919 by %roll3A_2921 dim 1 : vector<8x32x128xf32>, i32 -> vector<8x32x128xf32>
    %roll3A_2923 = arith.constant 28 : i32
    %roll3A_2924 = tpu.dynamic_rotate %select_n3A_2919 by %roll3A_2923 dim 1 : vector<8x32x128xf32>, i32 -> vector<8x32x128xf32>
    %and3A_2925 = arith.constant 512 : i32
    %and3A_2926 = vector.broadcast %and3A_2925 : i32 to vector<8x32x128xi32>
    %and3A_2927 = arith.andi %add3A, %and3A_2926 : vector<8x32x128xi32>
    %ne3A_2928 = arith.constant 0 : i32
    %ne3A_2929 = vector.broadcast %ne3A_2928 : i32 to vector<8x32x128xi32>
    %ne3A_2930 = arith.cmpi ne, %and3A_2927, %ne3A_2929 : vector<8x32x128xi32>
    %select_n3A_2931 = arith.select %ne3A_2930, %roll3A_2922, %roll3A_2924 : vector<8x32x128xi1>, vector<8x32x128xf32>
    %roll3A_2932 = arith.constant 4 : i32
    %roll3A_2933 = tpu.dynamic_rotate %select_n3A_2920 by %roll3A_2932 dim 1 : vector<8x32x128xi32>, i32 -> vector<8x32x128xi32>
    %roll3A_2934 = arith.constant 28 : i32
    %roll3A_2935 = tpu.dynamic_rotate %select_n3A_2920 by %roll3A_2934 dim 1 : vector<8x32x128xi32>, i32 -> vector<8x32x128xi32>
    %and3A_2936 = arith.constant 512 : i32
    %and3A_2937 = vector.broadcast %and3A_2936 : i32 to vector<8x32x128xi32>
    %and3A_2938 = arith.andi %add3A, %and3A_2937 : vector<8x32x128xi32>
    %ne3A_2939 = arith.constant 0 : i32
    %ne3A_2940 = vector.broadcast %ne3A_2939 : i32 to vector<8x32x128xi32>
    %ne3A_2941 = arith.cmpi ne, %and3A_2938, %ne3A_2940 : vector<8x32x128xi32>
    %select_n3A_2942 = arith.select %ne3A_2941, %roll3A_2933, %roll3A_2935 : vector<8x32x128xi1>, vector<8x32x128xi32>
    %gt3A_2943 = arith.cmpf ogt, %select_n3A_2919, %select_n3A_2931 : vector<8x32x128xf32>
    %eq3A_2944 = arith.cmpf oeq, %select_n3A_2919, %select_n3A_2931 : vector<8x32x128xf32>
    %lt3A_2945 = arith.cmpi slt, %select_n3A_2920, %select_n3A_2942 : vector<8x32x128xi32>
    %and3A_2946 = arith.andi %eq3A_2944, %lt3A_2945 : vector<8x32x128xi1>
    %or3A_2947 = arith.ori %gt3A_2943, %and3A_2946 : vector<8x32x128xi1>
    %and3A_2948 = arith.constant 512 : i32
    %and3A_2949 = vector.broadcast %and3A_2948 : i32 to vector<8x32x128xi32>
    %and3A_2950 = arith.andi %add3A, %and3A_2949 : vector<8x32x128xi32>
    %ne3A_2951 = arith.constant 0 : i32
    %ne3A_2952 = vector.broadcast %ne3A_2951 : i32 to vector<8x32x128xi32>
    %ne3A_2953 = arith.cmpi ne, %and3A_2950, %ne3A_2952 : vector<8x32x128xi32>
    %and3A_2954 = arith.constant 4096 : i32
    %and3A_2955 = vector.broadcast %and3A_2954 : i32 to vector<8x32x128xi32>
    %and3A_2956 = arith.andi %add3A, %and3A_2955 : vector<8x32x128xi32>
    %ne3A_2957 = arith.constant 0 : i32
    %ne3A_2958 = vector.broadcast %ne3A_2957 : i32 to vector<8x32x128xi32>
    %ne3A_2959 = arith.cmpi ne, %and3A_2956, %ne3A_2958 : vector<8x32x128xi32>
    %xor3A_2960 = arith.xori %or3A_2947, %ne3A_2953 : vector<8x32x128xi1>
    %xor3A_2961 = arith.xori %xor3A_2960, %ne3A_2959 : vector<8x32x128xi1>
    %select_n3A_2962 = arith.select %xor3A_2961, %select_n3A_2919, %select_n3A_2931 : vector<8x32x128xi1>, vector<8x32x128xf32>
    %select_n3A_2963 = arith.select %xor3A_2961, %select_n3A_2920, %select_n3A_2942 : vector<8x32x128xi1>, vector<8x32x128xi32>
    %roll3A_2964 = arith.constant 2 : i32
    %roll3A_2965 = tpu.dynamic_rotate %select_n3A_2962 by %roll3A_2964 dim 1 : vector<8x32x128xf32>, i32 -> vector<8x32x128xf32>
    %roll3A_2966 = arith.constant 30 : i32
    %roll3A_2967 = tpu.dynamic_rotate %select_n3A_2962 by %roll3A_2966 dim 1 : vector<8x32x128xf32>, i32 -> vector<8x32x128xf32>
    %and3A_2968 = arith.constant 256 : i32
    %and3A_2969 = vector.broadcast %and3A_2968 : i32 to vector<8x32x128xi32>
    %and3A_2970 = arith.andi %add3A, %and3A_2969 : vector<8x32x128xi32>
    %ne3A_2971 = arith.constant 0 : i32
    %ne3A_2972 = vector.broadcast %ne3A_2971 : i32 to vector<8x32x128xi32>
    %ne3A_2973 = arith.cmpi ne, %and3A_2970, %ne3A_2972 : vector<8x32x128xi32>
    %select_n3A_2974 = arith.select %ne3A_2973, %roll3A_2965, %roll3A_2967 : vector<8x32x128xi1>, vector<8x32x128xf32>
    %roll3A_2975 = arith.constant 2 : i32
    %roll3A_2976 = tpu.dynamic_rotate %select_n3A_2963 by %roll3A_2975 dim 1 : vector<8x32x128xi32>, i32 -> vector<8x32x128xi32>
    %roll3A_2977 = arith.constant 30 : i32
    %roll3A_2978 = tpu.dynamic_rotate %select_n3A_2963 by %roll3A_2977 dim 1 : vector<8x32x128xi32>, i32 -> vector<8x32x128xi32>
    %and3A_2979 = arith.constant 256 : i32
    %and3A_2980 = vector.broadcast %and3A_2979 : i32 to vector<8x32x128xi32>
    %and3A_2981 = arith.andi %add3A, %and3A_2980 : vector<8x32x128xi32>
    %ne3A_2982 = arith.constant 0 : i32
    %ne3A_2983 = vector.broadcast %ne3A_2982 : i32 to vector<8x32x128xi32>
    %ne3A_2984 = arith.cmpi ne, %and3A_2981, %ne3A_2983 : vector<8x32x128xi32>
    %select_n3A_2985 = arith.select %ne3A_2984, %roll3A_2976, %roll3A_2978 : vector<8x32x128xi1>, vector<8x32x128xi32>
    %gt3A_2986 = arith.cmpf ogt, %select_n3A_2962, %select_n3A_2974 : vector<8x32x128xf32>
    %eq3A_2987 = arith.cmpf oeq, %select_n3A_2962, %select_n3A_2974 : vector<8x32x128xf32>
    %lt3A_2988 = arith.cmpi slt, %select_n3A_2963, %select_n3A_2985 : vector<8x32x128xi32>
    %and3A_2989 = arith.andi %eq3A_2987, %lt3A_2988 : vector<8x32x128xi1>
    %or3A_2990 = arith.ori %gt3A_2986, %and3A_2989 : vector<8x32x128xi1>
    %and3A_2991 = arith.constant 256 : i32
    %and3A_2992 = vector.broadcast %and3A_2991 : i32 to vector<8x32x128xi32>
    %and3A_2993 = arith.andi %add3A, %and3A_2992 : vector<8x32x128xi32>
    %ne3A_2994 = arith.constant 0 : i32
    %ne3A_2995 = vector.broadcast %ne3A_2994 : i32 to vector<8x32x128xi32>
    %ne3A_2996 = arith.cmpi ne, %and3A_2993, %ne3A_2995 : vector<8x32x128xi32>
    %and3A_2997 = arith.constant 4096 : i32
    %and3A_2998 = vector.broadcast %and3A_2997 : i32 to vector<8x32x128xi32>
    %and3A_2999 = arith.andi %add3A, %and3A_2998 : vector<8x32x128xi32>
    %ne3A_3000 = arith.constant 0 : i32
    %ne3A_3001 = vector.broadcast %ne3A_3000 : i32 to vector<8x32x128xi32>
    %ne3A_3002 = arith.cmpi ne, %and3A_2999, %ne3A_3001 : vector<8x32x128xi32>
    %xor3A_3003 = arith.xori %or3A_2990, %ne3A_2996 : vector<8x32x128xi1>
    %xor3A_3004 = arith.xori %xor3A_3003, %ne3A_3002 : vector<8x32x128xi1>
    %select_n3A_3005 = arith.select %xor3A_3004, %select_n3A_2962, %select_n3A_2974 : vector<8x32x128xi1>, vector<8x32x128xf32>
    %select_n3A_3006 = arith.select %xor3A_3004, %select_n3A_2963, %select_n3A_2985 : vector<8x32x128xi1>, vector<8x32x128xi32>
    %roll3A_3007 = arith.constant 1 : i32
    %roll3A_3008 = tpu.dynamic_rotate %select_n3A_3005 by %roll3A_3007 dim 1 : vector<8x32x128xf32>, i32 -> vector<8x32x128xf32>
    %roll3A_3009 = arith.constant 31 : i32
    %roll3A_3010 = tpu.dynamic_rotate %select_n3A_3005 by %roll3A_3009 dim 1 : vector<8x32x128xf32>, i32 -> vector<8x32x128xf32>
    %and3A_3011 = arith.constant 128 : i32
    %and3A_3012 = vector.broadcast %and3A_3011 : i32 to vector<8x32x128xi32>
    %and3A_3013 = arith.andi %add3A, %and3A_3012 : vector<8x32x128xi32>
    %ne3A_3014 = arith.constant 0 : i32
    %ne3A_3015 = vector.broadcast %ne3A_3014 : i32 to vector<8x32x128xi32>
    %ne3A_3016 = arith.cmpi ne, %and3A_3013, %ne3A_3015 : vector<8x32x128xi32>
    %select_n3A_3017 = arith.select %ne3A_3016, %roll3A_3008, %roll3A_3010 : vector<8x32x128xi1>, vector<8x32x128xf32>
    %roll3A_3018 = arith.constant 1 : i32
    %roll3A_3019 = tpu.dynamic_rotate %select_n3A_3006 by %roll3A_3018 dim 1 : vector<8x32x128xi32>, i32 -> vector<8x32x128xi32>
    %roll3A_3020 = arith.constant 31 : i32
    %roll3A_3021 = tpu.dynamic_rotate %select_n3A_3006 by %roll3A_3020 dim 1 : vector<8x32x128xi32>, i32 -> vector<8x32x128xi32>
    %and3A_3022 = arith.constant 128 : i32
    %and3A_3023 = vector.broadcast %and3A_3022 : i32 to vector<8x32x128xi32>
    %and3A_3024 = arith.andi %add3A, %and3A_3023 : vector<8x32x128xi32>
    %ne3A_3025 = arith.constant 0 : i32
    %ne3A_3026 = vector.broadcast %ne3A_3025 : i32 to vector<8x32x128xi32>
    %ne3A_3027 = arith.cmpi ne, %and3A_3024, %ne3A_3026 : vector<8x32x128xi32>
    %select_n3A_3028 = arith.select %ne3A_3027, %roll3A_3019, %roll3A_3021 : vector<8x32x128xi1>, vector<8x32x128xi32>
    %gt3A_3029 = arith.cmpf ogt, %select_n3A_3005, %select_n3A_3017 : vector<8x32x128xf32>
    %eq3A_3030 = arith.cmpf oeq, %select_n3A_3005, %select_n3A_3017 : vector<8x32x128xf32>
    %lt3A_3031 = arith.cmpi slt, %select_n3A_3006, %select_n3A_3028 : vector<8x32x128xi32>
    %and3A_3032 = arith.andi %eq3A_3030, %lt3A_3031 : vector<8x32x128xi1>
    %or3A_3033 = arith.ori %gt3A_3029, %and3A_3032 : vector<8x32x128xi1>
    %and3A_3034 = arith.constant 128 : i32
    %and3A_3035 = vector.broadcast %and3A_3034 : i32 to vector<8x32x128xi32>
    %and3A_3036 = arith.andi %add3A, %and3A_3035 : vector<8x32x128xi32>
    %ne3A_3037 = arith.constant 0 : i32
    %ne3A_3038 = vector.broadcast %ne3A_3037 : i32 to vector<8x32x128xi32>
    %ne3A_3039 = arith.cmpi ne, %and3A_3036, %ne3A_3038 : vector<8x32x128xi32>
    %and3A_3040 = arith.constant 4096 : i32
    %and3A_3041 = vector.broadcast %and3A_3040 : i32 to vector<8x32x128xi32>
    %and3A_3042 = arith.andi %add3A, %and3A_3041 : vector<8x32x128xi32>
    %ne3A_3043 = arith.constant 0 : i32
    %ne3A_3044 = vector.broadcast %ne3A_3043 : i32 to vector<8x32x128xi32>
    %ne3A_3045 = arith.cmpi ne, %and3A_3042, %ne3A_3044 : vector<8x32x128xi32>
    %xor3A_3046 = arith.xori %or3A_3033, %ne3A_3039 : vector<8x32x128xi1>
    %xor3A_3047 = arith.xori %xor3A_3046, %ne3A_3045 : vector<8x32x128xi1>
    %select_n3A_3048 = arith.select %xor3A_3047, %select_n3A_3005, %select_n3A_3017 : vector<8x32x128xi1>, vector<8x32x128xf32>
    %select_n3A_3049 = arith.select %xor3A_3047, %select_n3A_3006, %select_n3A_3028 : vector<8x32x128xi1>, vector<8x32x128xi32>
    %roll3A_3050 = arith.constant 64 : i32
    %roll3A_3051 = tpu.dynamic_rotate %select_n3A_3048 by %roll3A_3050 dim 2 : vector<8x32x128xf32>, i32 -> vector<8x32x128xf32>
    %roll3A_3052 = arith.constant 64 : i32
    %roll3A_3053 = tpu.dynamic_rotate %select_n3A_3048 by %roll3A_3052 dim 2 : vector<8x32x128xf32>, i32 -> vector<8x32x128xf32>
    %and3A_3054 = arith.constant 64 : i32
    %and3A_3055 = vector.broadcast %and3A_3054 : i32 to vector<8x32x128xi32>
    %and3A_3056 = arith.andi %add3A, %and3A_3055 : vector<8x32x128xi32>
    %ne3A_3057 = arith.constant 0 : i32
    %ne3A_3058 = vector.broadcast %ne3A_3057 : i32 to vector<8x32x128xi32>
    %ne3A_3059 = arith.cmpi ne, %and3A_3056, %ne3A_3058 : vector<8x32x128xi32>
    %select_n3A_3060 = arith.select %ne3A_3059, %roll3A_3051, %roll3A_3053 : vector<8x32x128xi1>, vector<8x32x128xf32>
    %roll3A_3061 = arith.constant 64 : i32
    %roll3A_3062 = tpu.dynamic_rotate %select_n3A_3049 by %roll3A_3061 dim 2 : vector<8x32x128xi32>, i32 -> vector<8x32x128xi32>
    %roll3A_3063 = arith.constant 64 : i32
    %roll3A_3064 = tpu.dynamic_rotate %select_n3A_3049 by %roll3A_3063 dim 2 : vector<8x32x128xi32>, i32 -> vector<8x32x128xi32>
    %and3A_3065 = arith.constant 64 : i32
    %and3A_3066 = vector.broadcast %and3A_3065 : i32 to vector<8x32x128xi32>
    %and3A_3067 = arith.andi %add3A, %and3A_3066 : vector<8x32x128xi32>
    %ne3A_3068 = arith.constant 0 : i32
    %ne3A_3069 = vector.broadcast %ne3A_3068 : i32 to vector<8x32x128xi32>
    %ne3A_3070 = arith.cmpi ne, %and3A_3067, %ne3A_3069 : vector<8x32x128xi32>
    %select_n3A_3071 = arith.select %ne3A_3070, %roll3A_3062, %roll3A_3064 : vector<8x32x128xi1>, vector<8x32x128xi32>
    %gt3A_3072 = arith.cmpf ogt, %select_n3A_3048, %select_n3A_3060 : vector<8x32x128xf32>
    %eq3A_3073 = arith.cmpf oeq, %select_n3A_3048, %select_n3A_3060 : vector<8x32x128xf32>
    %lt3A_3074 = arith.cmpi slt, %select_n3A_3049, %select_n3A_3071 : vector<8x32x128xi32>
    %and3A_3075 = arith.andi %eq3A_3073, %lt3A_3074 : vector<8x32x128xi1>
    %or3A_3076 = arith.ori %gt3A_3072, %and3A_3075 : vector<8x32x128xi1>
    %and3A_3077 = arith.constant 64 : i32
    %and3A_3078 = vector.broadcast %and3A_3077 : i32 to vector<8x32x128xi32>
    %and3A_3079 = arith.andi %add3A, %and3A_3078 : vector<8x32x128xi32>
    %ne3A_3080 = arith.constant 0 : i32
    %ne3A_3081 = vector.broadcast %ne3A_3080 : i32 to vector<8x32x128xi32>
    %ne3A_3082 = arith.cmpi ne, %and3A_3079, %ne3A_3081 : vector<8x32x128xi32>
    %and3A_3083 = arith.constant 4096 : i32
    %and3A_3084 = vector.broadcast %and3A_3083 : i32 to vector<8x32x128xi32>
    %and3A_3085 = arith.andi %add3A, %and3A_3084 : vector<8x32x128xi32>
    %ne3A_3086 = arith.constant 0 : i32
    %ne3A_3087 = vector.broadcast %ne3A_3086 : i32 to vector<8x32x128xi32>
    %ne3A_3088 = arith.cmpi ne, %and3A_3085, %ne3A_3087 : vector<8x32x128xi32>
    %xor3A_3089 = arith.xori %or3A_3076, %ne3A_3082 : vector<8x32x128xi1>
    %xor3A_3090 = arith.xori %xor3A_3089, %ne3A_3088 : vector<8x32x128xi1>
    %select_n3A_3091 = arith.select %xor3A_3090, %select_n3A_3048, %select_n3A_3060 : vector<8x32x128xi1>, vector<8x32x128xf32>
    %select_n3A_3092 = arith.select %xor3A_3090, %select_n3A_3049, %select_n3A_3071 : vector<8x32x128xi1>, vector<8x32x128xi32>
    %roll3A_3093 = arith.constant 32 : i32
    %roll3A_3094 = tpu.dynamic_rotate %select_n3A_3091 by %roll3A_3093 dim 2 : vector<8x32x128xf32>, i32 -> vector<8x32x128xf32>
    %roll3A_3095 = arith.constant 96 : i32
    %roll3A_3096 = tpu.dynamic_rotate %select_n3A_3091 by %roll3A_3095 dim 2 : vector<8x32x128xf32>, i32 -> vector<8x32x128xf32>
    %and3A_3097 = arith.constant 32 : i32
    %and3A_3098 = vector.broadcast %and3A_3097 : i32 to vector<8x32x128xi32>
    %and3A_3099 = arith.andi %add3A, %and3A_3098 : vector<8x32x128xi32>
    %ne3A_3100 = arith.constant 0 : i32
    %ne3A_3101 = vector.broadcast %ne3A_3100 : i32 to vector<8x32x128xi32>
    %ne3A_3102 = arith.cmpi ne, %and3A_3099, %ne3A_3101 : vector<8x32x128xi32>
    %select_n3A_3103 = arith.select %ne3A_3102, %roll3A_3094, %roll3A_3096 : vector<8x32x128xi1>, vector<8x32x128xf32>
    %roll3A_3104 = arith.constant 32 : i32
    %roll3A_3105 = tpu.dynamic_rotate %select_n3A_3092 by %roll3A_3104 dim 2 : vector<8x32x128xi32>, i32 -> vector<8x32x128xi32>
    %roll3A_3106 = arith.constant 96 : i32
    %roll3A_3107 = tpu.dynamic_rotate %select_n3A_3092 by %roll3A_3106 dim 2 : vector<8x32x128xi32>, i32 -> vector<8x32x128xi32>
    %and3A_3108 = arith.constant 32 : i32
    %and3A_3109 = vector.broadcast %and3A_3108 : i32 to vector<8x32x128xi32>
    %and3A_3110 = arith.andi %add3A, %and3A_3109 : vector<8x32x128xi32>
    %ne3A_3111 = arith.constant 0 : i32
    %ne3A_3112 = vector.broadcast %ne3A_3111 : i32 to vector<8x32x128xi32>
    %ne3A_3113 = arith.cmpi ne, %and3A_3110, %ne3A_3112 : vector<8x32x128xi32>
    %select_n3A_3114 = arith.select %ne3A_3113, %roll3A_3105, %roll3A_3107 : vector<8x32x128xi1>, vector<8x32x128xi32>
    %gt3A_3115 = arith.cmpf ogt, %select_n3A_3091, %select_n3A_3103 : vector<8x32x128xf32>
    %eq3A_3116 = arith.cmpf oeq, %select_n3A_3091, %select_n3A_3103 : vector<8x32x128xf32>
    %lt3A_3117 = arith.cmpi slt, %select_n3A_3092, %select_n3A_3114 : vector<8x32x128xi32>
    %and3A_3118 = arith.andi %eq3A_3116, %lt3A_3117 : vector<8x32x128xi1>
    %or3A_3119 = arith.ori %gt3A_3115, %and3A_3118 : vector<8x32x128xi1>
    %and3A_3120 = arith.constant 32 : i32
    %and3A_3121 = vector.broadcast %and3A_3120 : i32 to vector<8x32x128xi32>
    %and3A_3122 = arith.andi %add3A, %and3A_3121 : vector<8x32x128xi32>
    %ne3A_3123 = arith.constant 0 : i32
    %ne3A_3124 = vector.broadcast %ne3A_3123 : i32 to vector<8x32x128xi32>
    %ne3A_3125 = arith.cmpi ne, %and3A_3122, %ne3A_3124 : vector<8x32x128xi32>
    %and3A_3126 = arith.constant 4096 : i32
    %and3A_3127 = vector.broadcast %and3A_3126 : i32 to vector<8x32x128xi32>
    %and3A_3128 = arith.andi %add3A, %and3A_3127 : vector<8x32x128xi32>
    %ne3A_3129 = arith.constant 0 : i32
    %ne3A_3130 = vector.broadcast %ne3A_3129 : i32 to vector<8x32x128xi32>
    %ne3A_3131 = arith.cmpi ne, %and3A_3128, %ne3A_3130 : vector<8x32x128xi32>
    %xor3A_3132 = arith.xori %or3A_3119, %ne3A_3125 : vector<8x32x128xi1>
    %xor3A_3133 = arith.xori %xor3A_3132, %ne3A_3131 : vector<8x32x128xi1>
    %select_n3A_3134 = arith.select %xor3A_3133, %select_n3A_3091, %select_n3A_3103 : vector<8x32x128xi1>, vector<8x32x128xf32>
    %select_n3A_3135 = arith.select %xor3A_3133, %select_n3A_3092, %select_n3A_3114 : vector<8x32x128xi1>, vector<8x32x128xi32>
    %roll3A_3136 = arith.constant 16 : i32
    %roll3A_3137 = tpu.dynamic_rotate %select_n3A_3134 by %roll3A_3136 dim 2 : vector<8x32x128xf32>, i32 -> vector<8x32x128xf32>
    %roll3A_3138 = arith.constant 112 : i32
    %roll3A_3139 = tpu.dynamic_rotate %select_n3A_3134 by %roll3A_3138 dim 2 : vector<8x32x128xf32>, i32 -> vector<8x32x128xf32>
    %and3A_3140 = arith.constant 16 : i32
    %and3A_3141 = vector.broadcast %and3A_3140 : i32 to vector<8x32x128xi32>
    %and3A_3142 = arith.andi %add3A, %and3A_3141 : vector<8x32x128xi32>
    %ne3A_3143 = arith.constant 0 : i32
    %ne3A_3144 = vector.broadcast %ne3A_3143 : i32 to vector<8x32x128xi32>
    %ne3A_3145 = arith.cmpi ne, %and3A_3142, %ne3A_3144 : vector<8x32x128xi32>
    %select_n3A_3146 = arith.select %ne3A_3145, %roll3A_3137, %roll3A_3139 : vector<8x32x128xi1>, vector<8x32x128xf32>
    %roll3A_3147 = arith.constant 16 : i32
    %roll3A_3148 = tpu.dynamic_rotate %select_n3A_3135 by %roll3A_3147 dim 2 : vector<8x32x128xi32>, i32 -> vector<8x32x128xi32>
    %roll3A_3149 = arith.constant 112 : i32
    %roll3A_3150 = tpu.dynamic_rotate %select_n3A_3135 by %roll3A_3149 dim 2 : vector<8x32x128xi32>, i32 -> vector<8x32x128xi32>
    %and3A_3151 = arith.constant 16 : i32
    %and3A_3152 = vector.broadcast %and3A_3151 : i32 to vector<8x32x128xi32>
    %and3A_3153 = arith.andi %add3A, %and3A_3152 : vector<8x32x128xi32>
    %ne3A_3154 = arith.constant 0 : i32
    %ne3A_3155 = vector.broadcast %ne3A_3154 : i32 to vector<8x32x128xi32>
    %ne3A_3156 = arith.cmpi ne, %and3A_3153, %ne3A_3155 : vector<8x32x128xi32>
    %select_n3A_3157 = arith.select %ne3A_3156, %roll3A_3148, %roll3A_3150 : vector<8x32x128xi1>, vector<8x32x128xi32>
    %gt3A_3158 = arith.cmpf ogt, %select_n3A_3134, %select_n3A_3146 : vector<8x32x128xf32>
    %eq3A_3159 = arith.cmpf oeq, %select_n3A_3134, %select_n3A_3146 : vector<8x32x128xf32>
    %lt3A_3160 = arith.cmpi slt, %select_n3A_3135, %select_n3A_3157 : vector<8x32x128xi32>
    %and3A_3161 = arith.andi %eq3A_3159, %lt3A_3160 : vector<8x32x128xi1>
    %or3A_3162 = arith.ori %gt3A_3158, %and3A_3161 : vector<8x32x128xi1>
    %and3A_3163 = arith.constant 16 : i32
    %and3A_3164 = vector.broadcast %and3A_3163 : i32 to vector<8x32x128xi32>
    %and3A_3165 = arith.andi %add3A, %and3A_3164 : vector<8x32x128xi32>
    %ne3A_3166 = arith.constant 0 : i32
    %ne3A_3167 = vector.broadcast %ne3A_3166 : i32 to vector<8x32x128xi32>
    %ne3A_3168 = arith.cmpi ne, %and3A_3165, %ne3A_3167 : vector<8x32x128xi32>
    %and3A_3169 = arith.constant 4096 : i32
    %and3A_3170 = vector.broadcast %and3A_3169 : i32 to vector<8x32x128xi32>
    %and3A_3171 = arith.andi %add3A, %and3A_3170 : vector<8x32x128xi32>
    %ne3A_3172 = arith.constant 0 : i32
    %ne3A_3173 = vector.broadcast %ne3A_3172 : i32 to vector<8x32x128xi32>
    %ne3A_3174 = arith.cmpi ne, %and3A_3171, %ne3A_3173 : vector<8x32x128xi32>
    %xor3A_3175 = arith.xori %or3A_3162, %ne3A_3168 : vector<8x32x128xi1>
    %xor3A_3176 = arith.xori %xor3A_3175, %ne3A_3174 : vector<8x32x128xi1>
    %select_n3A_3177 = arith.select %xor3A_3176, %select_n3A_3134, %select_n3A_3146 : vector<8x32x128xi1>, vector<8x32x128xf32>
    %select_n3A_3178 = arith.select %xor3A_3176, %select_n3A_3135, %select_n3A_3157 : vector<8x32x128xi1>, vector<8x32x128xi32>
    %roll3A_3179 = arith.constant 8 : i32
    %roll3A_3180 = tpu.dynamic_rotate %select_n3A_3177 by %roll3A_3179 dim 2 : vector<8x32x128xf32>, i32 -> vector<8x32x128xf32>
    %roll3A_3181 = arith.constant 120 : i32
    %roll3A_3182 = tpu.dynamic_rotate %select_n3A_3177 by %roll3A_3181 dim 2 : vector<8x32x128xf32>, i32 -> vector<8x32x128xf32>
    %and3A_3183 = arith.constant 8 : i32
    %and3A_3184 = vector.broadcast %and3A_3183 : i32 to vector<8x32x128xi32>
    %and3A_3185 = arith.andi %add3A, %and3A_3184 : vector<8x32x128xi32>
    %ne3A_3186 = arith.constant 0 : i32
    %ne3A_3187 = vector.broadcast %ne3A_3186 : i32 to vector<8x32x128xi32>
    %ne3A_3188 = arith.cmpi ne, %and3A_3185, %ne3A_3187 : vector<8x32x128xi32>
    %select_n3A_3189 = arith.select %ne3A_3188, %roll3A_3180, %roll3A_3182 : vector<8x32x128xi1>, vector<8x32x128xf32>
    %roll3A_3190 = arith.constant 8 : i32
    %roll3A_3191 = tpu.dynamic_rotate %select_n3A_3178 by %roll3A_3190 dim 2 : vector<8x32x128xi32>, i32 -> vector<8x32x128xi32>
    %roll3A_3192 = arith.constant 120 : i32
    %roll3A_3193 = tpu.dynamic_rotate %select_n3A_3178 by %roll3A_3192 dim 2 : vector<8x32x128xi32>, i32 -> vector<8x32x128xi32>
    %and3A_3194 = arith.constant 8 : i32
    %and3A_3195 = vector.broadcast %and3A_3194 : i32 to vector<8x32x128xi32>
    %and3A_3196 = arith.andi %add3A, %and3A_3195 : vector<8x32x128xi32>
    %ne3A_3197 = arith.constant 0 : i32
    %ne3A_3198 = vector.broadcast %ne3A_3197 : i32 to vector<8x32x128xi32>
    %ne3A_3199 = arith.cmpi ne, %and3A_3196, %ne3A_3198 : vector<8x32x128xi32>
    %select_n3A_3200 = arith.select %ne3A_3199, %roll3A_3191, %roll3A_3193 : vector<8x32x128xi1>, vector<8x32x128xi32>
    %gt3A_3201 = arith.cmpf ogt, %select_n3A_3177, %select_n3A_3189 : vector<8x32x128xf32>
    %eq3A_3202 = arith.cmpf oeq, %select_n3A_3177, %select_n3A_3189 : vector<8x32x128xf32>
    %lt3A_3203 = arith.cmpi slt, %select_n3A_3178, %select_n3A_3200 : vector<8x32x128xi32>
    %and3A_3204 = arith.andi %eq3A_3202, %lt3A_3203 : vector<8x32x128xi1>
    %or3A_3205 = arith.ori %gt3A_3201, %and3A_3204 : vector<8x32x128xi1>
    %and3A_3206 = arith.constant 8 : i32
    %and3A_3207 = vector.broadcast %and3A_3206 : i32 to vector<8x32x128xi32>
    %and3A_3208 = arith.andi %add3A, %and3A_3207 : vector<8x32x128xi32>
    %ne3A_3209 = arith.constant 0 : i32
    %ne3A_3210 = vector.broadcast %ne3A_3209 : i32 to vector<8x32x128xi32>
    %ne3A_3211 = arith.cmpi ne, %and3A_3208, %ne3A_3210 : vector<8x32x128xi32>
    %and3A_3212 = arith.constant 4096 : i32
    %and3A_3213 = vector.broadcast %and3A_3212 : i32 to vector<8x32x128xi32>
    %and3A_3214 = arith.andi %add3A, %and3A_3213 : vector<8x32x128xi32>
    %ne3A_3215 = arith.constant 0 : i32
    %ne3A_3216 = vector.broadcast %ne3A_3215 : i32 to vector<8x32x128xi32>
    %ne3A_3217 = arith.cmpi ne, %and3A_3214, %ne3A_3216 : vector<8x32x128xi32>
    %xor3A_3218 = arith.xori %or3A_3205, %ne3A_3211 : vector<8x32x128xi1>
    %xor3A_3219 = arith.xori %xor3A_3218, %ne3A_3217 : vector<8x32x128xi1>
    %select_n3A_3220 = arith.select %xor3A_3219, %select_n3A_3177, %select_n3A_3189 : vector<8x32x128xi1>, vector<8x32x128xf32>
    %select_n3A_3221 = arith.select %xor3A_3219, %select_n3A_3178, %select_n3A_3200 : vector<8x32x128xi1>, vector<8x32x128xi32>
    %roll3A_3222 = arith.constant 4 : i32
    %roll3A_3223 = tpu.dynamic_rotate %select_n3A_3220 by %roll3A_3222 dim 2 : vector<8x32x128xf32>, i32 -> vector<8x32x128xf32>
    %roll3A_3224 = arith.constant 124 : i32
    %roll3A_3225 = tpu.dynamic_rotate %select_n3A_3220 by %roll3A_3224 dim 2 : vector<8x32x128xf32>, i32 -> vector<8x32x128xf32>
    %and3A_3226 = arith.constant 4 : i32
    %and3A_3227 = vector.broadcast %and3A_3226 : i32 to vector<8x32x128xi32>
    %and3A_3228 = arith.andi %add3A, %and3A_3227 : vector<8x32x128xi32>
    %ne3A_3229 = arith.constant 0 : i32
    %ne3A_3230 = vector.broadcast %ne3A_3229 : i32 to vector<8x32x128xi32>
    %ne3A_3231 = arith.cmpi ne, %and3A_3228, %ne3A_3230 : vector<8x32x128xi32>
    %select_n3A_3232 = arith.select %ne3A_3231, %roll3A_3223, %roll3A_3225 : vector<8x32x128xi1>, vector<8x32x128xf32>
    %roll3A_3233 = arith.constant 4 : i32
    %roll3A_3234 = tpu.dynamic_rotate %select_n3A_3221 by %roll3A_3233 dim 2 : vector<8x32x128xi32>, i32 -> vector<8x32x128xi32>
    %roll3A_3235 = arith.constant 124 : i32
    %roll3A_3236 = tpu.dynamic_rotate %select_n3A_3221 by %roll3A_3235 dim 2 : vector<8x32x128xi32>, i32 -> vector<8x32x128xi32>
    %and3A_3237 = arith.constant 4 : i32
    %and3A_3238 = vector.broadcast %and3A_3237 : i32 to vector<8x32x128xi32>
    %and3A_3239 = arith.andi %add3A, %and3A_3238 : vector<8x32x128xi32>
    %ne3A_3240 = arith.constant 0 : i32
    %ne3A_3241 = vector.broadcast %ne3A_3240 : i32 to vector<8x32x128xi32>
    %ne3A_3242 = arith.cmpi ne, %and3A_3239, %ne3A_3241 : vector<8x32x128xi32>
    %select_n3A_3243 = arith.select %ne3A_3242, %roll3A_3234, %roll3A_3236 : vector<8x32x128xi1>, vector<8x32x128xi32>
    %gt3A_3244 = arith.cmpf ogt, %select_n3A_3220, %select_n3A_3232 : vector<8x32x128xf32>
    %eq3A_3245 = arith.cmpf oeq, %select_n3A_3220, %select_n3A_3232 : vector<8x32x128xf32>
    %lt3A_3246 = arith.cmpi slt, %select_n3A_3221, %select_n3A_3243 : vector<8x32x128xi32>
    %and3A_3247 = arith.andi %eq3A_3245, %lt3A_3246 : vector<8x32x128xi1>
    %or3A_3248 = arith.ori %gt3A_3244, %and3A_3247 : vector<8x32x128xi1>
    %and3A_3249 = arith.constant 4 : i32
    %and3A_3250 = vector.broadcast %and3A_3249 : i32 to vector<8x32x128xi32>
    %and3A_3251 = arith.andi %add3A, %and3A_3250 : vector<8x32x128xi32>
    %ne3A_3252 = arith.constant 0 : i32
    %ne3A_3253 = vector.broadcast %ne3A_3252 : i32 to vector<8x32x128xi32>
    %ne3A_3254 = arith.cmpi ne, %and3A_3251, %ne3A_3253 : vector<8x32x128xi32>
    %and3A_3255 = arith.constant 4096 : i32
    %and3A_3256 = vector.broadcast %and3A_3255 : i32 to vector<8x32x128xi32>
    %and3A_3257 = arith.andi %add3A, %and3A_3256 : vector<8x32x128xi32>
    %ne3A_3258 = arith.constant 0 : i32
    %ne3A_3259 = vector.broadcast %ne3A_3258 : i32 to vector<8x32x128xi32>
    %ne3A_3260 = arith.cmpi ne, %and3A_3257, %ne3A_3259 : vector<8x32x128xi32>
    %xor3A_3261 = arith.xori %or3A_3248, %ne3A_3254 : vector<8x32x128xi1>
    %xor3A_3262 = arith.xori %xor3A_3261, %ne3A_3260 : vector<8x32x128xi1>
    %select_n3A_3263 = arith.select %xor3A_3262, %select_n3A_3220, %select_n3A_3232 : vector<8x32x128xi1>, vector<8x32x128xf32>
    %select_n3A_3264 = arith.select %xor3A_3262, %select_n3A_3221, %select_n3A_3243 : vector<8x32x128xi1>, vector<8x32x128xi32>
    %roll3A_3265 = arith.constant 2 : i32
    %roll3A_3266 = tpu.dynamic_rotate %select_n3A_3263 by %roll3A_3265 dim 2 : vector<8x32x128xf32>, i32 -> vector<8x32x128xf32>
    %roll3A_3267 = arith.constant 126 : i32
    %roll3A_3268 = tpu.dynamic_rotate %select_n3A_3263 by %roll3A_3267 dim 2 : vector<8x32x128xf32>, i32 -> vector<8x32x128xf32>
    %and3A_3269 = arith.constant 2 : i32
    %and3A_3270 = vector.broadcast %and3A_3269 : i32 to vector<8x32x128xi32>
    %and3A_3271 = arith.andi %add3A, %and3A_3270 : vector<8x32x128xi32>
    %ne3A_3272 = arith.constant 0 : i32
    %ne3A_3273 = vector.broadcast %ne3A_3272 : i32 to vector<8x32x128xi32>
    %ne3A_3274 = arith.cmpi ne, %and3A_3271, %ne3A_3273 : vector<8x32x128xi32>
    %select_n3A_3275 = arith.select %ne3A_3274, %roll3A_3266, %roll3A_3268 : vector<8x32x128xi1>, vector<8x32x128xf32>
    %roll3A_3276 = arith.constant 2 : i32
    %roll3A_3277 = tpu.dynamic_rotate %select_n3A_3264 by %roll3A_3276 dim 2 : vector<8x32x128xi32>, i32 -> vector<8x32x128xi32>
    %roll3A_3278 = arith.constant 126 : i32
    %roll3A_3279 = tpu.dynamic_rotate %select_n3A_3264 by %roll3A_3278 dim 2 : vector<8x32x128xi32>, i32 -> vector<8x32x128xi32>
    %and3A_3280 = arith.constant 2 : i32
    %and3A_3281 = vector.broadcast %and3A_3280 : i32 to vector<8x32x128xi32>
    %and3A_3282 = arith.andi %add3A, %and3A_3281 : vector<8x32x128xi32>
    %ne3A_3283 = arith.constant 0 : i32
    %ne3A_3284 = vector.broadcast %ne3A_3283 : i32 to vector<8x32x128xi32>
    %ne3A_3285 = arith.cmpi ne, %and3A_3282, %ne3A_3284 : vector<8x32x128xi32>
    %select_n3A_3286 = arith.select %ne3A_3285, %roll3A_3277, %roll3A_3279 : vector<8x32x128xi1>, vector<8x32x128xi32>
    %gt3A_3287 = arith.cmpf ogt, %select_n3A_3263, %select_n3A_3275 : vector<8x32x128xf32>
    %eq3A_3288 = arith.cmpf oeq, %select_n3A_3263, %select_n3A_3275 : vector<8x32x128xf32>
    %lt3A_3289 = arith.cmpi slt, %select_n3A_3264, %select_n3A_3286 : vector<8x32x128xi32>
    %and3A_3290 = arith.andi %eq3A_3288, %lt3A_3289 : vector<8x32x128xi1>
    %or3A_3291 = arith.ori %gt3A_3287, %and3A_3290 : vector<8x32x128xi1>
    %and3A_3292 = arith.constant 2 : i32
    %and3A_3293 = vector.broadcast %and3A_3292 : i32 to vector<8x32x128xi32>
    %and3A_3294 = arith.andi %add3A, %and3A_3293 : vector<8x32x128xi32>
    %ne3A_3295 = arith.constant 0 : i32
    %ne3A_3296 = vector.broadcast %ne3A_3295 : i32 to vector<8x32x128xi32>
    %ne3A_3297 = arith.cmpi ne, %and3A_3294, %ne3A_3296 : vector<8x32x128xi32>
    %and3A_3298 = arith.constant 4096 : i32
    %and3A_3299 = vector.broadcast %and3A_3298 : i32 to vector<8x32x128xi32>
    %and3A_3300 = arith.andi %add3A, %and3A_3299 : vector<8x32x128xi32>
    %ne3A_3301 = arith.constant 0 : i32
    %ne3A_3302 = vector.broadcast %ne3A_3301 : i32 to vector<8x32x128xi32>
    %ne3A_3303 = arith.cmpi ne, %and3A_3300, %ne3A_3302 : vector<8x32x128xi32>
    %xor3A_3304 = arith.xori %or3A_3291, %ne3A_3297 : vector<8x32x128xi1>
    %xor3A_3305 = arith.xori %xor3A_3304, %ne3A_3303 : vector<8x32x128xi1>
    %select_n3A_3306 = arith.select %xor3A_3305, %select_n3A_3263, %select_n3A_3275 : vector<8x32x128xi1>, vector<8x32x128xf32>
    %select_n3A_3307 = arith.select %xor3A_3305, %select_n3A_3264, %select_n3A_3286 : vector<8x32x128xi1>, vector<8x32x128xi32>
    %roll3A_3308 = arith.constant 1 : i32
    %roll3A_3309 = tpu.dynamic_rotate %select_n3A_3306 by %roll3A_3308 dim 2 : vector<8x32x128xf32>, i32 -> vector<8x32x128xf32>
    %roll3A_3310 = arith.constant 127 : i32
    %roll3A_3311 = tpu.dynamic_rotate %select_n3A_3306 by %roll3A_3310 dim 2 : vector<8x32x128xf32>, i32 -> vector<8x32x128xf32>
    %and3A_3312 = arith.constant 1 : i32
    %and3A_3313 = vector.broadcast %and3A_3312 : i32 to vector<8x32x128xi32>
    %and3A_3314 = arith.andi %add3A, %and3A_3313 : vector<8x32x128xi32>
    %ne3A_3315 = arith.constant 0 : i32
    %ne3A_3316 = vector.broadcast %ne3A_3315 : i32 to vector<8x32x128xi32>
    %ne3A_3317 = arith.cmpi ne, %and3A_3314, %ne3A_3316 : vector<8x32x128xi32>
    %select_n3A_3318 = arith.select %ne3A_3317, %roll3A_3309, %roll3A_3311 : vector<8x32x128xi1>, vector<8x32x128xf32>
    %roll3A_3319 = arith.constant 1 : i32
    %roll3A_3320 = tpu.dynamic_rotate %select_n3A_3307 by %roll3A_3319 dim 2 : vector<8x32x128xi32>, i32 -> vector<8x32x128xi32>
    %roll3A_3321 = arith.constant 127 : i32
    %roll3A_3322 = tpu.dynamic_rotate %select_n3A_3307 by %roll3A_3321 dim 2 : vector<8x32x128xi32>, i32 -> vector<8x32x128xi32>
    %and3A_3323 = arith.constant 1 : i32
    %and3A_3324 = vector.broadcast %and3A_3323 : i32 to vector<8x32x128xi32>
    %and3A_3325 = arith.andi %add3A, %and3A_3324 : vector<8x32x128xi32>
    %ne3A_3326 = arith.constant 0 : i32
    %ne3A_3327 = vector.broadcast %ne3A_3326 : i32 to vector<8x32x128xi32>
    %ne3A_3328 = arith.cmpi ne, %and3A_3325, %ne3A_3327 : vector<8x32x128xi32>
    %select_n3A_3329 = arith.select %ne3A_3328, %roll3A_3320, %roll3A_3322 : vector<8x32x128xi1>, vector<8x32x128xi32>
    %gt3A_3330 = arith.cmpf ogt, %select_n3A_3306, %select_n3A_3318 : vector<8x32x128xf32>
    %eq3A_3331 = arith.cmpf oeq, %select_n3A_3306, %select_n3A_3318 : vector<8x32x128xf32>
    %lt3A_3332 = arith.cmpi slt, %select_n3A_3307, %select_n3A_3329 : vector<8x32x128xi32>
    %and3A_3333 = arith.andi %eq3A_3331, %lt3A_3332 : vector<8x32x128xi1>
    %or3A_3334 = arith.ori %gt3A_3330, %and3A_3333 : vector<8x32x128xi1>
    %and3A_3335 = arith.constant 1 : i32
    %and3A_3336 = vector.broadcast %and3A_3335 : i32 to vector<8x32x128xi32>
    %and3A_3337 = arith.andi %add3A, %and3A_3336 : vector<8x32x128xi32>
    %ne3A_3338 = arith.constant 0 : i32
    %ne3A_3339 = vector.broadcast %ne3A_3338 : i32 to vector<8x32x128xi32>
    %ne3A_3340 = arith.cmpi ne, %and3A_3337, %ne3A_3339 : vector<8x32x128xi32>
    %and3A_3341 = arith.constant 4096 : i32
    %and3A_3342 = vector.broadcast %and3A_3341 : i32 to vector<8x32x128xi32>
    %and3A_3343 = arith.andi %add3A, %and3A_3342 : vector<8x32x128xi32>
    %ne3A_3344 = arith.constant 0 : i32
    %ne3A_3345 = vector.broadcast %ne3A_3344 : i32 to vector<8x32x128xi32>
    %ne3A_3346 = arith.cmpi ne, %and3A_3343, %ne3A_3345 : vector<8x32x128xi32>
    %xor3A_3347 = arith.xori %or3A_3334, %ne3A_3340 : vector<8x32x128xi1>
    %xor3A_3348 = arith.xori %xor3A_3347, %ne3A_3346 : vector<8x32x128xi1>
    %select_n3A_3349 = arith.select %xor3A_3348, %select_n3A_3306, %select_n3A_3318 : vector<8x32x128xi1>, vector<8x32x128xf32>
    %select_n3A_3350 = arith.select %xor3A_3348, %select_n3A_3307, %select_n3A_3329 : vector<8x32x128xi1>, vector<8x32x128xi32>
    %slice3A = vector.extract_strided_slice %select_n3A_3350 {offsets = [0, 0, 0], sizes = [8, 16, 128], strides = [1, 1, 1]} : vector<8x32x128xi32> to vector<8x16x128xi32>
    %swap3A = arith.constant 0 : index
    %swap3A_3351 = arith.constant 0 : index
    %swap3A_3352 = arith.constant 0 : index
    %swap3A_3353 = vector.load %arg5[%swap3A, %swap3A_3351, %swap3A_3352] : memref<8x16x128xi32, #tpu.memory_space<vmem>>, vector<8x16x128xi32>
    tpu.vector_store %arg5[%swap3A, %swap3A_3351, %swap3A_3352], %slice3A {strides = array<i32>} : memref<8x16x128xi32, #tpu.memory_space<vmem>>, vector<8x16x128xi32>,
    %iota3A_3354 = tpu.iota {dimensions = array<i32: 0>} : vector<8x16x128xi32>
    %mul3A_3355 = arith.constant 4096 : i32
    %mul3A_3356 = vector.broadcast %mul3A_3355 : i32 to vector<8x16x128xi32>
    %mul3A_3357 = arith.muli %iota3A_3354, %mul3A_3356 : vector<8x16x128xi32>
    %add3A_3358 = arith.addi %slice3A, %mul3A_3357 : vector<8x16x128xi32>
    %swap3A_3359 = arith.constant 0 : index
    %swap3A_3360 = arith.constant 0 : index
    %swap3A_3361 = arith.constant 0 : index
    %swap3A_3362 = vector.load %arg6[%swap3A_3359, %swap3A_3360, %swap3A_3361] : memref<8x16x128xi32, #tpu.memory_space<vmem>>, vector<8x16x128xi32>
    tpu.vector_store %arg6[%swap3A_3359, %swap3A_3360, %swap3A_3361], %add3A_3358 {strides = array<i32>} : memref<8x16x128xi32, #tpu.memory_space<vmem>>, vector<8x16x128xi32>,
    %slice3A_3363 = vector.extract_strided_slice %select_n3A_3349 {offsets = [0, 15, 127], sizes = [8, 1, 1], strides = [1, 1, 1]} : vector<8x32x128xf32> to vector<8x1x1xf32>
    %gt3A_3364 = vector.broadcast %slice3A_3363 : vector<8x1x1xf32> to vector<8x32x128xf32>
    %gt3A_3365 = arith.cmpf ogt, %get3A_2, %gt3A_3364 : vector<8x32x128xf32>
    %eq3A_3366 = vector.broadcast %slice3A_3363 : vector<8x1x1xf32> to vector<8x32x128xf32>
    %eq3A_3367 = arith.cmpf oeq, %get3A_2, %eq3A_3366 : vector<8x32x128xf32>
    %convert_element_type3A = arith.extui %gt3A_3365 : vector<8x32x128xi1> to vector<8x32x128xi32>
    %convert_element_type3A_3368 = arith.sitofp %convert_element_type3A : vector<8x32x128xi32> to vector<8x32x128xf32>
    %reduce_sum3A = arith.constant dense<0.000000e+00> : vector<8xf32>
    %reduce_sum3A_3369 = vector.multi_reduction <add>, %convert_element_type3A_3368, %reduce_sum3A [1, 2] : vector<8x32x128xf32> to vector<8xf32>
    %broadcast_in_dim3A = vector.shape_cast %reduce_sum3A_3369 : vector<8xf32> to vector<8x1x1xf32>
    %convert_element_type3A_3370 = arith.extui %eq3A_3367 : vector<8x32x128xi1> to vector<8x32x128xi32>
    %convert_element_type3A_3371 = arith.sitofp %convert_element_type3A_3370 : vector<8x32x128xi32> to vector<8x32x128xf32>
    %roll3A_3372 = arith.constant 1 : i32
    %roll3A_3373 = tpu.dynamic_rotate %convert_element_type3A_3371 by %roll3A_3372 dim 2 : vector<8x32x128xf32>, i32 -> vector<8x32x128xf32>
    %ge3A = arith.constant 1 : i32
    %ge3A_3374 = vector.broadcast %ge3A : i32 to vector<8x32x128xi32>
    %ge3A_3375 = arith.cmpi sge, %iota3A_3, %ge3A_3374 : vector<8x32x128xi32>
    %jit3A = arith.constant 0.000000e+00 : f32
    %broadcast_in_dim3A_3376 = vector.broadcast %jit3A : f32 to vector<8x32x128xf32>
    %select_n3A_3377 = arith.select %ge3A_3375, %roll3A_3373, %broadcast_in_dim3A_3376 : vector<8x32x128xi1>, vector<8x32x128xf32>
    %add3A_3378 = arith.addf %convert_element_type3A_3371, %select_n3A_3377 : vector<8x32x128xf32>
    %roll3A_3379 = arith.constant 2 : i32
    %roll3A_3380 = tpu.dynamic_rotate %add3A_3378 by %roll3A_3379 dim 2 : vector<8x32x128xf32>, i32 -> vector<8x32x128xf32>
    %ge3A_3381 = arith.constant 2 : i32
    %ge3A_3382 = vector.broadcast %ge3A_3381 : i32 to vector<8x32x128xi32>
    %ge3A_3383 = arith.cmpi sge, %iota3A_3, %ge3A_3382 : vector<8x32x128xi32>
    %jit3A_3384 = arith.constant 0.000000e+00 : f32
    %broadcast_in_dim3A_3385 = vector.broadcast %jit3A_3384 : f32 to vector<8x32x128xf32>
    %select_n3A_3386 = arith.select %ge3A_3383, %roll3A_3380, %broadcast_in_dim3A_3385 : vector<8x32x128xi1>, vector<8x32x128xf32>
    %add3A_3387 = arith.addf %add3A_3378, %select_n3A_3386 : vector<8x32x128xf32>
    %roll3A_3388 = arith.constant 4 : i32
    %roll3A_3389 = tpu.dynamic_rotate %add3A_3387 by %roll3A_3388 dim 2 : vector<8x32x128xf32>, i32 -> vector<8x32x128xf32>
    %ge3A_3390 = arith.constant 4 : i32
    %ge3A_3391 = vector.broadcast %ge3A_3390 : i32 to vector<8x32x128xi32>
    %ge3A_3392 = arith.cmpi sge, %iota3A_3, %ge3A_3391 : vector<8x32x128xi32>
    %jit3A_3393 = arith.constant 0.000000e+00 : f32
    %broadcast_in_dim3A_3394 = vector.broadcast %jit3A_3393 : f32 to vector<8x32x128xf32>
    %select_n3A_3395 = arith.select %ge3A_3392, %roll3A_3389, %broadcast_in_dim3A_3394 : vector<8x32x128xi1>, vector<8x32x128xf32>
    %add3A_3396 = arith.addf %add3A_3387, %select_n3A_3395 : vector<8x32x128xf32>
    %roll3A_3397 = arith.constant 8 : i32
    %roll3A_3398 = tpu.dynamic_rotate %add3A_3396 by %roll3A_3397 dim 2 : vector<8x32x128xf32>, i32 -> vector<8x32x128xf32>
    %ge3A_3399 = arith.constant 8 : i32
    %ge3A_3400 = vector.broadcast %ge3A_3399 : i32 to vector<8x32x128xi32>
    %ge3A_3401 = arith.cmpi sge, %iota3A_3, %ge3A_3400 : vector<8x32x128xi32>
    %jit3A_3402 = arith.constant 0.000000e+00 : f32
    %broadcast_in_dim3A_3403 = vector.broadcast %jit3A_3402 : f32 to vector<8x32x128xf32>
    %select_n3A_3404 = arith.select %ge3A_3401, %roll3A_3398, %broadcast_in_dim3A_3403 : vector<8x32x128xi1>, vector<8x32x128xf32>
    %add3A_3405 = arith.addf %add3A_3396, %select_n3A_3404 : vector<8x32x128xf32>
    %roll3A_3406 = arith.constant 16 : i32
    %roll3A_3407 = tpu.dynamic_rotate %add3A_3405 by %roll3A_3406 dim 2 : vector<8x32x128xf32>, i32 -> vector<8x32x128xf32>
    %ge3A_3408 = arith.constant 16 : i32
    %ge3A_3409 = vector.broadcast %ge3A_3408 : i32 to vector<8x32x128xi32>
    %ge3A_3410 = arith.cmpi sge, %iota3A_3, %ge3A_3409 : vector<8x32x128xi32>
    %jit3A_3411 = arith.constant 0.000000e+00 : f32
    %broadcast_in_dim3A_3412 = vector.broadcast %jit3A_3411 : f32 to vector<8x32x128xf32>
    %select_n3A_3413 = arith.select %ge3A_3410, %roll3A_3407, %broadcast_in_dim3A_3412 : vector<8x32x128xi1>, vector<8x32x128xf32>
    %add3A_3414 = arith.addf %add3A_3405, %select_n3A_3413 : vector<8x32x128xf32>
    %roll3A_3415 = arith.constant 32 : i32
    %roll3A_3416 = tpu.dynamic_rotate %add3A_3414 by %roll3A_3415 dim 2 : vector<8x32x128xf32>, i32 -> vector<8x32x128xf32>
    %ge3A_3417 = arith.constant 32 : i32
    %ge3A_3418 = vector.broadcast %ge3A_3417 : i32 to vector<8x32x128xi32>
    %ge3A_3419 = arith.cmpi sge, %iota3A_3, %ge3A_3418 : vector<8x32x128xi32>
    %jit3A_3420 = arith.constant 0.000000e+00 : f32
    %broadcast_in_dim3A_3421 = vector.broadcast %jit3A_3420 : f32 to vector<8x32x128xf32>
    %select_n3A_3422 = arith.select %ge3A_3419, %roll3A_3416, %broadcast_in_dim3A_3421 : vector<8x32x128xi1>, vector<8x32x128xf32>
    %add3A_3423 = arith.addf %add3A_3414, %select_n3A_3422 : vector<8x32x128xf32>
    %roll3A_3424 = arith.constant 64 : i32
    %roll3A_3425 = tpu.dynamic_rotate %add3A_3423 by %roll3A_3424 dim 2 : vector<8x32x128xf32>, i32 -> vector<8x32x128xf32>
    %ge3A_3426 = arith.constant 64 : i32
    %ge3A_3427 = vector.broadcast %ge3A_3426 : i32 to vector<8x32x128xi32>
    %ge3A_3428 = arith.cmpi sge, %iota3A_3, %ge3A_3427 : vector<8x32x128xi32>
    %jit3A_3429 = arith.constant 0.000000e+00 : f32
    %broadcast_in_dim3A_3430 = vector.broadcast %jit3A_3429 : f32 to vector<8x32x128xf32>
    %select_n3A_3431 = arith.select %ge3A_3428, %roll3A_3425, %broadcast_in_dim3A_3430 : vector<8x32x128xi1>, vector<8x32x128xf32>
    %add3A_3432 = arith.addf %add3A_3423, %select_n3A_3431 : vector<8x32x128xf32>
    %slice3A_3433 = vector.extract_strided_slice %add3A_3432 {offsets = [0, 0, 127], sizes = [8, 32, 1], strides = [1, 1, 1]} : vector<8x32x128xf32> to vector<8x32x1xf32>
    %roll3A_3434 = arith.constant 1 : i32
    %roll3A_3435 = tpu.dynamic_rotate %slice3A_3433 by %roll3A_3434 dim 1 : vector<8x32x1xf32>, i32 -> vector<8x32x1xf32>
    %iota3A_3436 = tpu.iota {dimensions = array<i32: 1>} : vector<8x32x1xi32>
    %ge3A_3437 = arith.constant 1 : i32
    %ge3A_3438 = vector.broadcast %ge3A_3437 : i32 to vector<8x32x1xi32>
    %ge3A_3439 = arith.cmpi sge, %iota3A_3436, %ge3A_3438 : vector<8x32x1xi32>
    %jit3A_3440 = arith.constant 0.000000e+00 : f32
    %broadcast_in_dim3A_3441 = vector.broadcast %jit3A_3440 : f32 to vector<8x32x1xf32>
    %select_n3A_3442 = arith.select %ge3A_3439, %roll3A_3435, %broadcast_in_dim3A_3441 : vector<8x32x1xi1>, vector<8x32x1xf32>
    %add3A_3443 = arith.addf %slice3A_3433, %select_n3A_3442 : vector<8x32x1xf32>
    %roll3A_3444 = arith.constant 2 : i32
    %roll3A_3445 = tpu.dynamic_rotate %add3A_3443 by %roll3A_3444 dim 1 : vector<8x32x1xf32>, i32 -> vector<8x32x1xf32>
    %iota3A_3446 = tpu.iota {dimensions = array<i32: 1>} : vector<8x32x1xi32>
    %ge3A_3447 = arith.constant 2 : i32
    %ge3A_3448 = vector.broadcast %ge3A_3447 : i32 to vector<8x32x1xi32>
    %ge3A_3449 = arith.cmpi sge, %iota3A_3446, %ge3A_3448 : vector<8x32x1xi32>
    %jit3A_3450 = arith.constant 0.000000e+00 : f32
    %broadcast_in_dim3A_3451 = vector.broadcast %jit3A_3450 : f32 to vector<8x32x1xf32>
    %select_n3A_3452 = arith.select %ge3A_3449, %roll3A_3445, %broadcast_in_dim3A_3451 : vector<8x32x1xi1>, vector<8x32x1xf32>
    %add3A_3453 = arith.addf %add3A_3443, %select_n3A_3452 : vector<8x32x1xf32>
    %roll3A_3454 = arith.constant 4 : i32
    %roll3A_3455 = tpu.dynamic_rotate %add3A_3453 by %roll3A_3454 dim 1 : vector<8x32x1xf32>, i32 -> vector<8x32x1xf32>
    %iota3A_3456 = tpu.iota {dimensions = array<i32: 1>} : vector<8x32x1xi32>
    %ge3A_3457 = arith.constant 4 : i32
    %ge3A_3458 = vector.broadcast %ge3A_3457 : i32 to vector<8x32x1xi32>
    %ge3A_3459 = arith.cmpi sge, %iota3A_3456, %ge3A_3458 : vector<8x32x1xi32>
    %jit3A_3460 = arith.constant 0.000000e+00 : f32
    %broadcast_in_dim3A_3461 = vector.broadcast %jit3A_3460 : f32 to vector<8x32x1xf32>
    %select_n3A_3462 = arith.select %ge3A_3459, %roll3A_3455, %broadcast_in_dim3A_3461 : vector<8x32x1xi1>, vector<8x32x1xf32>
    %add3A_3463 = arith.addf %add3A_3453, %select_n3A_3462 : vector<8x32x1xf32>
    %roll3A_3464 = arith.constant 8 : i32
    %roll3A_3465 = tpu.dynamic_rotate %add3A_3463 by %roll3A_3464 dim 1 : vector<8x32x1xf32>, i32 -> vector<8x32x1xf32>
    %iota3A_3466 = tpu.iota {dimensions = array<i32: 1>} : vector<8x32x1xi32>
    %ge3A_3467 = arith.constant 8 : i32
    %ge3A_3468 = vector.broadcast %ge3A_3467 : i32 to vector<8x32x1xi32>
    %ge3A_3469 = arith.cmpi sge, %iota3A_3466, %ge3A_3468 : vector<8x32x1xi32>
    %jit3A_3470 = arith.constant 0.000000e+00 : f32
    %broadcast_in_dim3A_3471 = vector.broadcast %jit3A_3470 : f32 to vector<8x32x1xf32>
    %select_n3A_3472 = arith.select %ge3A_3469, %roll3A_3465, %broadcast_in_dim3A_3471 : vector<8x32x1xi1>, vector<8x32x1xf32>
    %add3A_3473 = arith.addf %add3A_3463, %select_n3A_3472 : vector<8x32x1xf32>
    %roll3A_3474 = arith.constant 16 : i32
    %roll3A_3475 = tpu.dynamic_rotate %add3A_3473 by %roll3A_3474 dim 1 : vector<8x32x1xf32>, i32 -> vector<8x32x1xf32>
    %iota3A_3476 = tpu.iota {dimensions = array<i32: 1>} : vector<8x32x1xi32>
    %ge3A_3477 = arith.constant 16 : i32
    %ge3A_3478 = vector.broadcast %ge3A_3477 : i32 to vector<8x32x1xi32>
    %ge3A_3479 = arith.cmpi sge, %iota3A_3476, %ge3A_3478 : vector<8x32x1xi32>
    %jit3A_3480 = arith.constant 0.000000e+00 : f32
    %broadcast_in_dim3A_3481 = vector.broadcast %jit3A_3480 : f32 to vector<8x32x1xf32>
    %select_n3A_3482 = arith.select %ge3A_3479, %roll3A_3475, %broadcast_in_dim3A_3481 : vector<8x32x1xi1>, vector<8x32x1xf32>
    %add3A_3483 = arith.addf %add3A_3473, %select_n3A_3482 : vector<8x32x1xf32>
    %sub3A = arith.subf %add3A_3483, %slice3A_3433 : vector<8x32x1xf32>
    %add3A_3484 = vector.broadcast %sub3A : vector<8x32x1xf32> to vector<8x32x128xf32>
    %add3A_3485 = arith.addf %add3A_3432, %add3A_3484 : vector<8x32x128xf32>
    %sub3A_3486 = arith.constant 2.048000e+03 : f32
    %sub3A_3487 = vector.broadcast %sub3A_3486 : f32 to vector<8x1x1xf32>
    %sub3A_3488 = arith.subf %sub3A_3487, %broadcast_in_dim3A : vector<8x1x1xf32>
    %le3A = vector.broadcast %sub3A_3488 : vector<8x1x1xf32> to vector<8x32x128xf32>
    %le3A_3489 = arith.cmpf ole, %add3A_3485, %le3A : vector<8x32x128xf32>
    %and3A_3490 = arith.andi %eq3A_3367, %le3A_3489 : vector<8x32x128xi1>
    %or3A_3491 = arith.ori %gt3A_3365, %and3A_3490 : vector<8x32x128xi1>
    %convert_element_type3A_3492 = arith.extui %or3A_3491 : vector<8x32x128xi1> to vector<8x32x128xi32>
    %convert_element_type3A_3493 = arith.sitofp %convert_element_type3A_3492 : vector<8x32x128xi32> to vector<8x32x128xf32>
    %swap3A_3494 = arith.constant 0 : index
    %swap3A_3495 = arith.constant 0 : index
    %swap3A_3496 = arith.constant 0 : index
    %swap3A_3497 = vector.load %arg7[%swap3A_3494, %swap3A_3495, %swap3A_3496] : memref<8x32x128xf32, #tpu.memory_space<vmem>>, vector<8x32x128xf32>
    tpu.vector_store %arg7[%swap3A_3494, %swap3A_3495, %swap3A_3496], %convert_element_type3A_3493 {strides = array<i32>} : memref<8x32x128xf32, #tpu.memory_space<vmem>>, vector<8x32x128xf32>,
    %get3A_3498 = arith.constant 0 : index
    %get3A_3499 = arith.constant 0 : index
    %get3A_3500 = vector.load %arg2[%get3A_3498, %get3A_3499] : memref<8x768xf32, #tpu.memory_space<vmem>>, vector<8x768xf32>
    %get3A_3501 = arith.constant 0 : index
    %get3A_3502 = arith.constant 0 : index
    %get3A_3503 = vector.load %arg3[%get3A_3501, %get3A_3502] : memref<256x768xf32, #tpu.memory_space<vmem>>, vector<256x768xf32>
    %dot_general3A = arith.constant dense<0.000000e+00> : vector<8x256xf32>
    %dot_general3A_3504 = tpu.matmul %get3A_3500, %get3A_3503, %dot_general3A {dimension_numbers = #tpu.dot_dimension_numbers<[1], [1], [0], [0], [0, 0, 1, 0], [], []>, transpose_lhs_hint = false} : vector<8x768xf32>, vector<256x768xf32>, vector<8x256xf32> -> vector<8x256xf32>
    %get3A_3505 = arith.constant 0 : index
    %get3A_3506 = arith.constant 0 : index
    %get3A_3507 = vector.load %arg4[%get3A_3505, %get3A_3506] : memref<1x256xf32, #tpu.memory_space<vmem>>, vector<1x256xf32>
    %add3A_3508 = vector.broadcast %get3A_3507 : vector<1x256xf32> to vector<8x256xf32>
    %add3A_3509 = arith.addf %dot_general3A_3504, %add3A_3508 : vector<8x256xf32>
    %max3A = arith.constant 0.000000e+00 : f32
    %max3A_3510 = vector.broadcast %max3A : f32 to vector<8x256xf32>
    %max3A_3511 = arith.maximumf %add3A_3509, %max3A_3510 : vector<8x256xf32>
    %mul3A_3512 = arith.constant 1.000000e-01 : f32
    %mul3A_3513 = vector.broadcast %mul3A_3512 : f32 to vector<8x256xf32>
    %mul3A_3514 = arith.mulf %max3A_3511, %mul3A_3513 : vector<8x256xf32>
    %reduce_sum3A_3515 = arith.constant dense<0.000000e+00> : vector<8xf32>
    %reduce_sum3A_3516 = vector.multi_reduction <add>, %mul3A_3514, %reduce_sum3A_3515 [1] : vector<8x256xf32> to vector<8xf32>
    %broadcast_in_dim3A_3517 = vector.shape_cast %reduce_sum3A_3516 : vector<8xf32> to vector<8x1xf32>
    %div3A = arith.constant 2.560000e+02 : f32
    %div3A_3518 = vector.broadcast %div3A : f32 to vector<8x1xf32>
    %div3A_3519 = arith.divf %broadcast_in_dim3A_3517, %div3A_3518 : vector<8x1xf32>
    %sub3A_3520 = vector.broadcast %div3A_3519 : vector<8x1xf32> to vector<8x256xf32>
    %sub3A_3521 = arith.subf %mul3A_3514, %sub3A_3520 : vector<8x256xf32>
    %sub3A_3522 = vector.broadcast %div3A_3519 : vector<8x1xf32> to vector<8x256xf32>
    %sub3A_3523 = arith.subf %mul3A_3514, %sub3A_3522 : vector<8x256xf32>
    %mul3A_3524 = arith.mulf %sub3A_3521, %sub3A_3523 : vector<8x256xf32>
    %reduce_sum3A_3525 = arith.constant dense<0.000000e+00> : vector<8xf32>
    %reduce_sum3A_3526 = vector.multi_reduction <add>, %mul3A_3524, %reduce_sum3A_3525 [1] : vector<8x256xf32> to vector<8xf32>
    %broadcast_in_dim3A_3527 = vector.shape_cast %reduce_sum3A_3526 : vector<8xf32> to vector<8x1xf32>
    %div3A_3528 = arith.constant 2.560000e+02 : f32
    %div3A_3529 = vector.broadcast %div3A_3528 : f32 to vector<8x1xf32>
    %div3A_3530 = arith.divf %broadcast_in_dim3A_3527, %div3A_3529 : vector<8x1xf32>
    %sub3A_3531 = vector.broadcast %div3A_3519 : vector<8x1xf32> to vector<8x256xf32>
    %sub3A_3532 = arith.subf %mul3A_3514, %sub3A_3531 : vector<8x256xf32>
    %add3A_3533 = arith.constant 9.99999974E-6 : f32
    %add3A_3534 = vector.broadcast %add3A_3533 : f32 to vector<8x1xf32>
    %add3A_3535 = arith.addf %div3A_3530, %add3A_3534 : vector<8x1xf32>
    %rsqrt3A = math.rsqrt %add3A_3535 : vector<8x1xf32>
    %mul3A_3536 = vector.broadcast %rsqrt3A : vector<8x1xf32> to vector<8x256xf32>
    %mul3A_3537 = arith.mulf %sub3A_3532, %mul3A_3536 : vector<8x256xf32>
    %get3A_3538 = arith.constant 0 : index
    %get3A_3539 = memref.load %arg0[%get3A_3538] : memref<1xf32, #tpu.memory_space<smem>>
    %neg3A = arith.constant 0.000000e+00 : f32
    %neg3A_3540 = arith.subf %neg3A, %get3A_3539 : f32
    %exp3A = math.exp %neg3A_3540 : f32
    %add3A_3541 = arith.constant 1.000000e+00 : f32
    %add3A_3542 = arith.addf %add3A_3541, %exp3A : f32
    %div3A_3543 = arith.constant 1.000000e+00 : f32
    %div3A_3544 = arith.divf %div3A_3543, %add3A_3542 : f32
    %mul3A_3545 = vector.broadcast %div3A_3544 : f32 to vector<8x256xf32>
    %mul3A_3546 = arith.mulf %mul3A_3537, %mul3A_3545 : vector<8x256xf32>
    %swap3A_3547 = arith.constant 0 : index
    %swap3A_3548 = arith.constant 0 : index
    %swap3A_3549 = vector.load %arg8[%swap3A_3547, %swap3A_3548] : memref<8x256xf32, #tpu.memory_space<vmem>>, vector<8x256xf32>
    tpu.vector_store %arg8[%swap3A_3547, %swap3A_3548], %mul3A_3546 {strides = array<i32>} : memref<8x256xf32, #tpu.memory_space<vmem>>, vector<8x256xf32>,
    return
  }
}

</mosaic_0001>

<sc_bundles>
// kernel: kernel.7.cloned.1.call-start
scs
__scs_entry_jumppad:
0x0: {  	(pc) =	sbr.rel $0x88, $3  }
0x1: {  	(tag) =	ssettag $0x0;
	lr =	simm.s32 $0x1  }
0x2: {  	[smem:$0x3F94] =	sst lr;
	_ =	strace $0xD0000000  }
0x3: {  	_ = 	snop  }
0x4: {  	_ = 	snop  }
0x5: {  	_ = 	snop  }
0x6: {  	_ = 	snop  }
0x7: {  	_ = 	snop  }
__scs_overlays_trampoline_lowered:
0x8: {  	[smem:$0x3FA3] =	sst s0  }
0x9: {  	[smem:$0x3FA4] =	sst s1  }
0xa: {  	[smem:$0x3FA5] =	sst s2  }
0xb: {  	[smem:$0x3FA6] =	sst s3  }
0xc: {  	[smem:$0x3FA7] =	sst s4  }
0xd: {  	[smem:$0x3FA8] =	sst s5  }
0xe: {  	[smem:$0x3FA9] =	sst s6  }
0xf: {  	[smem:$0x3FAA] =	sst s7  }
0x10: {  	[smem:$0x3FAB] =	sst s8  }
0x11: {  	[smem:$0x3FAC] =	sst s9;
	s0 =	simm.s32 @!p0 $0x0  }
0x12: {  	s1 =	sld [smem:$0x3F92];
	s0 =	simm.s32 @p0 $0x1  }
0x13: {  	[smem:$0x3FAD] =	sst s0;
	s0 =	simm.s32 @!p1 $0x0  }
0x14: {  	s2 =	sld [smem:$0x3F91];
	s0 =	simm.s32 @p1 $0x1  }
0x15: {  	[smem:$0x3FAE] =	sst s0;
	s0 =	simm.s32 @!p2 $0x0  }
0x16: {  	s3 =	sld [smem:$0x3FDB];
	s0 =	simm.s32 @p2 $0x1  }
0x17: {  	s4 =	simm.s32 $0x1BF5;
	[smem:$0x3FB0] =	sst s0  }
0x18: {  	s0 =	sld [smem:$0x3F93];
	_ =	swait.ge [sflag:s4], $0x0  }
0x19: {  	s7 =	sld [smem:$0x3F94]  }
0x1a: {  	s8 =	sadd.s32 $0xFFFFE003, lr  }
0x1b: {  	s9 =	sadd.s32 $0xFFFFFEF7, lr;
	s5 =	simm.s32 $0xFFFFFFFF;
	p2 =	slt.u32 s8, $0xFFFFF086  }
0x1c: {  	p1 =	slt.u32 s9, $0xF7A;
	s5 =	simm.s32 @!p2 $0x0  }
0x1d: {  	s5 =	simm.s32 @p1 $0x1;
	p0 =	seq.s32 s7, s2  }
0x1e: {  	s7 =	smul.u32 @!p0 $0xF7A, s2;
	p2 =	seq.s32 @!p0 s5, $0x0  }
0x1f: {  	s9 =	smul.u32 $0xF7A, s1;
	s8 =	simm.s32 @!p0 $0x1BF5;
	p2 =	por !p2, p0  }
0x20: {  	[sflag:s8] =	ssyncset.s32 @!p0 $0xFFFFF086;
	s6 =	sadd.s32 @!p0 s3, s7;
	s7 =	simm.s32 @!p0 $0x108  }
0x21: {  	s3 =	sadd.s32 s3, s9;
	s6 =	sadd.s32 @!p0 $0x88, s6;
	s7 =	simm.s32 @p2 $0x1082  }
0x22: {  	[simem:s7], [sflag:s8] =	dma.local @!p0 [hbm:s6], $0xF7A  }
0x23: {  	s9 =	sor.u32 $0xD0000000, s2;
	s6 =	simm.s32 $0x108;
	_ =	swait.ge @!p0 [sflag:s8], $0x0  }
0x24: {  	s3 =	sadd.s32 $0x88, s3;
	s6 =	simm.s32 @!p1 $0x1082;
	[sflag:s4] =	ssyncset.s32 $0xFFFFF086  }
0x25: {  	[simem:s6], [sflag:s4] =	dma.local [hbm:s3], $0xF7A  }
0x26: {  	[smem:$0x3F94] =	sst s1;
	(tag) =	ssettag s2;
	_ =	strace s9  }
0x27: {  	s1 =	sld [smem:$0x3FA4]  }
0x28: {  	s2 =	sld [smem:$0x3FA5]  }
0x29: {  	s4 =	sld [smem:$0x3FA7]  }
0x2a: {  	p0 =	seq.s32 s5, $0x0;
	s5 =	sld [smem:$0x3FA8]  }
0x2b: {  	s6 =	sld [smem:$0x3FA9]  }
0x2c: {  	s7 =	sld [smem:$0x3FAA]  }
0x2d: {  	s3 =	simm.s32 $0x108;
	s8 =	sld [smem:$0x3FAB]  }
0x2e: {  	s3 =	simm.s32 @!p0 $0x1082;
	s9 =	sld [smem:$0x3FAC]  }
0x2f: {  	lr =	sadd.s32 s0, s3;
	s0 =	sld [smem:$0x3FA3]  }
0x30: {  	s3 =	sld [smem:$0x3FA6]  }
0x31: {  	[smem:$0x3FAF] =	sst s10  }
0x32: {  	s10 =	sld [smem:$0x3FAD];
	_ =	sdelay $0x3  }
0x33: {  	p0 =	seq.s32 s10, $0x1;
	s10 =	sld [smem:$0x3FAF];
	_ =	sdelay $0x3  }
0x34: {  	[smem:$0x3FAF] =	sst s10  }
0x35: {  	s10 =	sld [smem:$0x3FAE];
	_ =	sdelay $0x3  }
0x36: {  	p1 =	seq.s32 s10, $0x1;
	s10 =	sld [smem:$0x3FAF];
	_ =	sdelay $0x3  }
0x37: {  	[smem:$0x3FAF] =	sst s10  }
0x38: {  	s10 =	sld [smem:$0x3FB0]  }
0x39: {  	_ = 	snop;
	(pc) =	sbr.ind lr, $3  }
0x3a: {  	_ = 	snop  }
0x3b: {  	_ = 	snop  }
0x3c: {  	p2 =	seq.s32 s10, $0x1;
	s10 =	sld [smem:$0x3FAF]  }
0x3d: {  	_ =	shalt  }
0x3e: {  	_ =	shalt  }
0x3f: {  	_ =	shalt  }
0x40: {  	_ =	shalt  }
0x41: {  	_ =	shalt  }
0x42: {  	_ =	shalt  }
0x43: {  	_ =	shalt  }
0x44: {  	_ =	shalt  }
0x45: {  	_ =	shalt  }
0x46: {  	_ =	shalt  }
0x47: {  	_ =	shalt  }
0x48: {  	_ =	shalt  }
0x49: {  	_ =	shalt  }
0x4a: {  	_ =	shalt  }
0x4b: {  	_ =	shalt  }
0x4c: {  	_ =	shalt  }
0x4d: {  	_ =	shalt  }
0x4e: {  	_ =	shalt  }
0x4f: {  	_ =	shalt  }
0x50: {  	_ =	shalt  }
0x51: {  	_ =	shalt  }
0x52: {  	_ =	shalt  }
0x53: {  	_ =	shalt  }
0x54: {  	_ =	shalt  }
0x55: {  	_ =	shalt  }
0x56: {  	_ =	shalt  }
0x57: {  	_ =	shalt  }
0x58: {  	_ =	shalt  }
0x59: {  	_ =	shalt  }
0x5a: {  	_ =	shalt  }
0x5b: {  	_ =	shalt  }
0x5c: {  	_ =	shalt  }
0x5d: {  	_ =	shalt  }
0x5e: {  	_ =	shalt  }
0x5f: {  	_ =	shalt  }
0x60: {  	_ =	shalt  }
0x61: {  	_ =	shalt  }
0x62: {  	_ =	shalt  }
0x63: {  	_ =	shalt  }
0x64: {  	_ =	shalt  }
0x65: {  	_ =	shalt  }
0x66: {  	_ =	shalt  }
0x67: {  	_ =	shalt  }
0x68: {  	_ =	shalt  }
0x69: {  	_ =	shalt  }
0x6a: {  	_ =	shalt  }
0x6b: {  	_ =	shalt  }
0x6c: {  	_ =	shalt  }
0x6d: {  	_ =	shalt  }
0x6e: {  	_ =	shalt  }
0x6f: {  	_ =	shalt  }
0x70: {  	_ =	shalt  }
0x71: {  	_ =	shalt  }
0x72: {  	_ =	shalt  }
0x73: {  	_ =	shalt  }
0x74: {  	_ =	shalt  }
0x75: {  	_ =	shalt  }
0x76: {  	_ =	shalt  }
0x77: {  	_ =	shalt  }
0x78: {  	_ =	shalt  }
0x79: {  	_ =	shalt  }
0x7a: {  	_ =	shalt  }
0x7b: {  	_ =	shalt  }
0x7c: {  	_ =	shalt  }
0x7d: {  	_ =	shalt  }
0x7e: {  	_ =	shalt  }
0x7f: {  	_ =	shalt  }
0x80: {  	_ =	shalt  }
0x81: {  	_ =	shalt  }
0x82: {  	_ =	shalt  }
0x83: {  	_ =	shalt  }
0x84: {  	_ =	shalt  }
0x85: {  	_ =	shalt  }
0x86: {  	_ =	shalt  }
0x87: {  	_ =	shalt  }
.Lfunc_end0:
.L_simem_size_0:
called_computation_lowered:
.L_overlay_start_0:
0x88: {  	s2 =	sld [smem:$0x3FD9]  }
0x89: {  	s3 =	sld [smem:$0x3FFE];
	_ =	sdelay $0x1  }
0x8a: {  	s1 =	srdreg.scid  }
0x8b: {  	s0 =	sand.u32 $0x1, s1  }
0x8c: {  	s14 =	sshll.u32 s0, $0xA;
	s2 =	sadd.s32 s3, s2  }
0x8d: {  	s2 =	sadd.s32 s2, s14  }
0x8e: {  	[smem:$0x3FBB] =	sst s2  }
0x8f: {  	_ = 	snop  }
0x90: {  	s2 =	sld [smem:$0x3FD0];
	_ =	sdelay $0x2  }
0x91: {  	s15 =	simm.s32 $0xA;
	s4 =	simm.s32 $0x10  }
0x92: {  	[smem:s4], [sflag:s15] =	dma.local [hbm:s2], $0x1  }
0x93: {  	_ =	swait.eq [sflag:s15], $0x1  }
0x94: {  	[sflag:s15] =	ssyncset.done $0x0  }
0x95: {  	[sflag:s15] =	ssyncadd.s32 $0xFFFFFFFF  }
0x96: {  	s16 =	sld [smem:$0x13];
	(tm) =	ssettm $0x1  }
0x97: {  	s17 =	sld [smem:$0x3FFB];
	_ =	sdelay $0x3  }
0x98: {  	_ =	strace s17  }
0x99: {  	s3 =	sld [smem:$0x3FFC];
	_ =	sdelay $0x3  }
0x9a: {  	_ =	strace s3  }
0x9b: {  	s3 =	sld [smem:$0x3FFD];
	_ =	sdelay $0x3  }
0x9c: {  	_ =	strace s3  }
0x9d: {  	_ =	strace $0x8FFFFFFF  }
0x9e: {  	s18 =	sld [smem:$0x3FDB];
	_ =	sdelay $0x1  }
0x9f: {  	s19 =	simm.s32 $_scs_section_size  }
0xa0: {  	s5 =	simm.s32 $_size__tile_overlayer_lowered;
	s6 =	simm.s32 $_tile_overlayer_lowered  }
0xa1: {  	s22 =	simm.s32 $0x1BFF;
	s21 =	sshll.u32 s6, $0x1;
	s3 =	sadd.s32 s19, s18  }
0xa2: {  	s7 =	simm.s32 $0x0;
	s20 =	sshll.u32 s5, $0x1;
	s5 =	sadd.s32 s21, s3  }
0xa3: {  	[timem:s7], [sflag:s22] =	dma.local [hbm:s5], s20  }
0xa4: {  	_ =	swait.ge [sflag:s22], s20  }
0xa5: {  	s4 =	ssub.s32 $0x0, s20;
	[sflag:s22] =	ssyncset.done $0x0  }
0xa6: {  	[sflag:s22] =	ssyncadd.s32 s4;
	_ =	sdelay $0x1  }
0xa7: {  	s23 =	simm.s32 $0x1B8B  }
0xa8: {  	_ =	swait.ge [sflag:s23], $0x1  }
0xa9: {  	[sflag:s23] =	ssyncset.done $0x0  }
0xaa: {  	s25 =	simm.s32 $0x1B8E;
	s24 =	sld [smem:$0x3FFE];
	[sflag:s23] =	ssyncadd.s32 $0xFFFFFFFF  }
0xab: {  	s26 =	simm.s32 $execute0_lowered;
	[smem:$0x3FD2] =	sst s25  }
0xac: {  	s5 =	sshll.u32 s26, $0x1;
	_ =	strace $0x80000046;
	[dreg:$0x1] =	wrdreg $0xFFFFFFFF  }
0xad: {  	s28 =	simm.s32 $_size_execute0_lowered;
	s3 =	sadd.s32 s3, s5;
	[dreg:$0x0] =	wrdreg $0x0  }
0xae: {  	s5 =	sshll.u32 s28, $0x1;
	[dreg:$0x2] =	wrdreg s3  }
0xaf: {  	[dreg:$0x3] =	wrdreg s5  }
0xb0: {  	[dreg:$0x4] =	wrdreg $0xC0  }
0xb1: {  	_ =	task [dreg:s7], $0x5FFFF  }
0xb2: {  	[dreg:$0x1] =	wrdreg $0xFFFFFFFF  }
0xb3: {  	[dreg:$0x0] =	wrdreg $0x60  }
0xb4: {  	[dreg:$0x2] =	wrdreg s24  }
0xb5: {  	[dreg:$0x3] =	wrdreg s16  }
0xb6: {  	[dreg:$0x4] =	wrdreg $0x9  }
0xb7: {  	_ =	task.clear_ibuf [dreg:s7], $0x5FFFF;
	_ =	strace $0x90000046  }
0xb8: {  	s29 =	simm.s32 $0x9;
	_ =	strace $0x80000048  }
0xb9: {  	_ =	swait.ge [sflag:s29], $0x1  }
0xba: {  	[sflag:s29] =	ssyncadd.s32 $0xFFFFFFFF  }
0xbb: {  	_ =	strace $0x90000048  }
0xbc: {  	_ =	sfence  }
0xbd: {  	s30 =	sld [smem:$0x0];
	_ =	sdelay $0x2  }
0xbe: {  	s31 =	sshll.u32 s1, $0xD;
	s1 =	sshrl.u32 s1, $0x2  }
0xbf: {  	s3 =	sand.u32 $0x4000, s31;
	s1 =	sadd.s32 s1, s30  }
0xc0: {  	s0 =	sor.u32 s3, s0;
	s1 =	sshll.u32 s1, $0x11  }
0xc1: {  	s0 =	sor.u32 s1, s0  }
0xc2: {  	s0 =	sadd.s32 $0x8F2B, s0  }
0xc3: {  	[sflag:s0] =	ssyncadd.remote.s32 $0x1  }
0xc4: {  	_ =	sfence.sel $0xFFFF  }
0xc5: {  	[dreg:$0x0] =	wrdreg $0xFFFFFFFF;
	(pc) =	sbr.abs _section_cstart, $3  }
0xc6: {  	[dreg:$0x1] =	wrdreg $0xFFFFFFFF  }
0xc7: {  	_ =	task.clear_ibuf [dreg:s7], $0x2FFFF;
	_ =	strace $0x9FFFFFFF  }
0xc8: {  	(tm) =	ssettm $0x7FFFFFFF  }
0xc9: {  	_ =	shalt  }
tec
execute0_lowered:
.L_overlay_start_1:
0x0: {  	(tag) =	ssettag $0x1  }
0x1: {  	s0 =	srdreg.scid;
	s1 =	rddreg [dreg:$0x0]  }
0x2: {  	s2 =	stileid.u32;
	s4 =	rddreg [dreg:$0x1];
	s0 =	sand.u32 $0x1, s0  }
0x3: {  	s21 =	simm.s32 $0x200;
	s2 =	sshll.u32 s2, $0xA;
	s3 =	sshll.u32 s0, $0x9  }
0x4: {  	s14 =	simm.s32 $0x1;
	s15 =	simm.s32 $0x3;
	s3 =	sor.u32 s3, s2  }
0x5: {  	s2 =	simm.s32 $0x0;
	s5 =	sshrl.u32 s3, $0x3;
	s3 =	sshll.u32 s3, $0x6  }
0x6: {  	[smem:$0x7FF] =	sst s2;
	s5 =	sadd.s32 s5, s1;
	s6 =	sadd.s32 s4, s3  }
0x7: {  	_ =	strace $0x80000047;
	s5 =	sadd.s32 $0xC00, s5;
	[dreg:$0xb] =	wrdreg s6  }
0x8: {  	s16 =	simm.s32 $0x2;
	s3 =	sadd.s32 $0x1000, s6;
	[dreg:$0x3] =	wrdreg s5  }
0x9: {  	s17 =	simm.s32 $0x4;
	s24 =	sadd.s32 $0x2000, s6;
	[dreg:$0x4] =	wrdreg s3  }
0xa: {  	s0 =	ssub.s32 $0x2, s0;
	s25 =	sadd.s32 $0x3000, s6;
	[dreg:$0x5] =	wrdreg s24  }
0xb: {  	s28 =	sshrl.u32 s0, $0x1;
	s26 =	sadd.s32 $0x4000, s6;
	[dreg:$0x6] =	wrdreg s25  }
0xc: {  	s0 =	ssub.s32 s0, s28;
	s29 =	sadd.s32 $0x5000, s6;
	[dreg:$0x7] =	wrdreg s26  }
0xd: {  	v2 =	vlaneseq.u32;
	s4 =	sadd.s32 $0x201400, s1;
	s30 =	sadd.s32 $0x6000, s6;
	[dreg:$0x8] =	wrdreg s29  }
0xe: {  	vm0 =	vmmov $0xffff;
	v1 =	vshrl.u32 v2, $0x3;
	s31 =	sadd.s32 $0x7000, s6;
	s6 =	smax.u32 s0, $0x1;
	[dreg:$0x9] =	wrdreg s30  }
0xf: {  	v0 =	vand.u32 $0x7, v2;
	v2 =	vor.u32 $0x8, v2;
	v1 =	vmul.u32 $0x8, v1;
	s5 =	sadd.s32 $0x201500, s1;
	[dreg:$0xa] =	wrdreg s31;
	s24 =	simm.s32 $0x8200  }
.LBB2_1:
0x10: {  	s18 =	rddreg [dreg:$0x3];
	s13 =	simm.s32 $0x5  }
0x11: {  	[tilespmem:s2], [sflag:$0x5] =	stream.linear.gather [hbm4b:s18+s2], $0x200, $0x38;
	[tilespmem:$0x10200] =	vst v63  }
0x12: {  	_ =	swait.ge [sflag:s13], $0x200  }
0x13: {  	[sflag:s13] =	ssyncset.done $0x0  }
0x14: {  	[sflag:s13] =	ssyncadd.s32 $0xFFFFFE00  }
0x15: {  	v3 =	vld [tilespmem:$0x0];
	_ =	sdelay $0x4  }
0x16: {  	v4 =	vshll.u32 v3, $0x2  }
0x17: {  	v3 =	vand.u32 $0x7, v3;
	v4 =	vand.u32 $0xFFFFFFE0, v4  }
0x18: {  	v3 =	vor.u32 v3, v4  }
0x19: {  	v4 =	vperm.xlane v3, v0;
	_ =	sdelay $0x1  }
0x1a: {  	v4 =	vadd.s32 v1, v4;
	_ =	sdelay $0x1  }
0x1b: {  	v3 =	vperm.xlane v3, v2;
	_ =	sdelay $0x1  }
0x1c: {  	v3 =	vadd.s32 v1, v3  }
0x1d: {  	[tilespmem:s21], [sflag:$0x1] =	stream.indirect_vreg.gather [hbm4b:s4+s2], $0x80, v4, vm0, $0xb8;
	[tilespmem:$0x10200] =	vst v63  }
0x1e: {  	s0 =	simm.s32 $0xA00  }
0x1f: {  	[tilespmem:s0], [sflag:$0x1] =	stream.indirect_vreg.gather [hbm4b:s5+s2], $0x80, v4, vm0, $0xb8;
	[tilespmem:$0x10200] =	vst v63  }
0x20: {  	s18 =	simm.s32 $0x1200  }
0x21: {  	[tilespmem:s18], [sflag:$0x1] =	stream.indirect_vreg.gather [hbm4b:s4+s2], $0x80, v3, vm0, $0xb8;
	[tilespmem:$0x10200] =	vst v63  }
0x22: {  	s19 =	simm.s32 $0x1A00  }
0x23: {  	[tilespmem:s19], [sflag:$0x1] =	stream.indirect_vreg.gather [hbm4b:s5+s2], $0x80, v3, vm0, $0xb8;
	[tilespmem:$0x10200] =	vst v63  }
0x24: {  	v3 =	vld [tilespmem:$0x10];
	_ =	sdelay $0x4  }
0x25: {  	v33 =	vshll.u32 v3, $0x2  }
0x26: {  	v3 =	vand.u32 $0x7, v3;
	v4 =	vand.u32 $0xFFFFFFE0, v33  }
0x27: {  	v3 =	vor.u32 v3, v4  }
0x28: {  	v4 =	vperm.xlane v3, v0;
	_ =	sdelay $0x1  }
0x29: {  	v4 =	vadd.s32 v1, v4;
	_ =	sdelay $0x1  }
0x2a: {  	v3 =	vperm.xlane v3, v2;
	_ =	sdelay $0x1  }
0x2b: {  	s20 =	simm.s32 $0x2200;
	v3 =	vadd.s32 v1, v3  }
0x2c: {  	[tilespmem:s20], [sflag:$0x1] =	stream.indirect_vreg.gather [hbm4b:s4+s2], $0x80, v4, vm0, $0xb8;
	[tilespmem:$0x10200] =	vst v63  }
0x2d: {  	s22 =	simm.s32 $0x2A00  }
0x2e: {  	[tilespmem:s22], [sflag:$0x1] =	stream.indirect_vreg.gather [hbm4b:s5+s2], $0x80, v4, vm0, $0xb8;
	[tilespmem:$0x10200] =	vst v63  }
0x2f: {  	s23 =	simm.s32 $0x3200  }
0x30: {  	[tilespmem:s23], [sflag:$0x1] =	stream.indirect_vreg.gather [hbm4b:s4+s2], $0x80, v3, vm0, $0xb8;
	[tilespmem:$0x10200] =	vst v63  }
0x31: {  	s25 =	simm.s32 $0x3A00  }
0x32: {  	[tilespmem:s25], [sflag:$0x1] =	stream.indirect_vreg.gather [hbm4b:s5+s2], $0x80, v3, vm0, $0xb8;
	[tilespmem:$0x10200] =	vst v63  }
0x33: {  	v3 =	vld [tilespmem:$0x20];
	_ =	sdelay $0x4  }
0x34: {  	v34 =	vshll.u32 v3, $0x2  }
0x35: {  	v3 =	vand.u32 $0x7, v3;
	v4 =	vand.u32 $0xFFFFFFE0, v34  }
0x36: {  	v3 =	vor.u32 v3, v4  }
0x37: {  	v4 =	vperm.xlane v3, v0;
	_ =	sdelay $0x1  }
0x38: {  	v4 =	vadd.s32 v1, v4;
	_ =	sdelay $0x1  }
0x39: {  	v3 =	vperm.xlane v3, v2;
	_ =	sdelay $0x1  }
0x3a: {  	s26 =	simm.s32 $0x4200;
	v3 =	vadd.s32 v1, v3  }
0x3b: {  	[tilespmem:s26], [sflag:$0x1] =	stream.indirect_vreg.gather [hbm4b:s4+s2], $0x80, v4, vm0, $0xb8;
	[tilespmem:$0x10200] =	vst v63  }
0x3c: {  	s28 =	simm.s32 $0x4A00  }
0x3d: {  	[tilespmem:s28], [sflag:$0x1] =	stream.indirect_vreg.gather [hbm4b:s5+s2], $0x80, v4, vm0, $0xb8;
	[tilespmem:$0x10200] =	vst v63  }
0x3e: {  	s29 =	simm.s32 $0x5200  }
0x3f: {  	[tilespmem:s29], [sflag:$0x1] =	stream.indirect_vreg.gather [hbm4b:s4+s2], $0x80, v3, vm0, $0xb8;
	[tilespmem:$0x10200] =	vst v63  }
0x40: {  	s30 =	simm.s32 $0x5A00  }
0x41: {  	[tilespmem:s30], [sflag:$0x1] =	stream.indirect_vreg.gather [hbm4b:s5+s2], $0x80, v3, vm0, $0xb8;
	[tilespmem:$0x10200] =	vst v63  }
0x42: {  	v3 =	vld [tilespmem:$0x30];
	_ =	sdelay $0x4  }
0x43: {  	v35 =	vshll.u32 v3, $0x2  }
0x44: {  	v3 =	vand.u32 $0x7, v3;
	v4 =	vand.u32 $0xFFFFFFE0, v35  }
0x45: {  	v3 =	vor.u32 v3, v4  }
0x46: {  	v4 =	vperm.xlane v3, v0;
	_ =	sdelay $0x1  }
0x47: {  	v4 =	vadd.s32 v1, v4;
	_ =	sdelay $0x1  }
0x48: {  	v3 =	vperm.xlane v3, v2;
	_ =	sdelay $0x1  }
0x49: {  	s31 =	simm.s32 $0x6200;
	v3 =	vadd.s32 v1, v3  }
0x4a: {  	[tilespmem:s31], [sflag:$0x1] =	stream.indirect_vreg.gather [hbm4b:s4+s2], $0x80, v4, vm0, $0xb8;
	[tilespmem:$0x10200] =	vst v63  }
0x4b: {  	s3 =	simm.s32 $0x6A00  }
0x4c: {  	[tilespmem:s3], [sflag:$0x1] =	stream.indirect_vreg.gather [hbm4b:s5+s2], $0x80, v4, vm0, $0xb8;
	[tilespmem:$0x10200] =	vst v63  }
0x4d: {  	s8 =	simm.s32 $0x7200  }
0x4e: {  	[tilespmem:s8], [sflag:$0x1] =	stream.indirect_vreg.gather [hbm4b:s4+s2], $0x80, v3, vm0, $0xb8;
	[tilespmem:$0x10200] =	vst v63  }
0x4f: {  	s9 =	simm.s32 $0x7A00  }
0x50: {  	[tilespmem:s9], [sflag:$0x1] =	stream.indirect_vreg.gather [hbm4b:s5+s2], $0x80, v3, vm0, $0xb8;
	[tilespmem:$0x10200] =	vst v63  }
0x51: {  	v3 =	vld [tilespmem:$0x40];
	_ =	sdelay $0x4  }
0x52: {  	v36 =	vshll.u32 v3, $0x2  }
0x53: {  	v3 =	vand.u32 $0x7, v3;
	v4 =	vand.u32 $0xFFFFFFE0, v36  }
0x54: {  	v3 =	vor.u32 v3, v4  }
0x55: {  	v4 =	vperm.xlane v3, v0;
	_ =	sdelay $0x1  }
0x56: {  	v4 =	vadd.s32 v1, v4;
	_ =	sdelay $0x1  }
0x57: {  	v3 =	vperm.xlane v3, v2;
	_ =	sdelay $0x1  }
0x58: {  	v3 =	vadd.s32 v1, v3  }
0x59: {  	[tilespmem:s24], [sflag:$0x2] =	stream.indirect_vreg.gather [hbm4b:s4+s2], $0x80, v4, vm0, $0xb8;
	[tilespmem:$0x10200] =	vst v63  }
0x5a: {  	s18 =	simm.s32 $0x8A00  }
0x5b: {  	[tilespmem:s18], [sflag:$0x2] =	stream.indirect_vreg.gather [hbm4b:s5+s2], $0x80, v4, vm0, $0xb8;
	[tilespmem:$0x10200] =	vst v63  }
0x5c: {  	s19 =	simm.s32 $0x9200  }
0x5d: {  	[tilespmem:s19], [sflag:$0x2] =	stream.indirect_vreg.gather [hbm4b:s4+s2], $0x80, v3, vm0, $0xb8;
	[tilespmem:$0x10200] =	vst v63  }
0x5e: {  	s20 =	simm.s32 $0x9A00  }
0x5f: {  	[tilespmem:s20], [sflag:$0x2] =	stream.indirect_vreg.gather [hbm4b:s5+s2], $0x80, v3, vm0, $0xb8;
	[tilespmem:$0x10200] =	vst v63  }
0x60: {  	v3 =	vld [tilespmem:$0x50];
	_ =	sdelay $0x4  }
0x61: {  	v37 =	vshll.u32 v3, $0x2  }
0x62: {  	v3 =	vand.u32 $0x7, v3;
	v4 =	vand.u32 $0xFFFFFFE0, v37  }
0x63: {  	v3 =	vor.u32 v3, v4  }
0x64: {  	v4 =	vperm.xlane v3, v0;
	_ =	sdelay $0x1  }
0x65: {  	v4 =	vadd.s32 v1, v4;
	_ =	sdelay $0x1  }
0x66: {  	v3 =	vperm.xlane v3, v2;
	_ =	sdelay $0x1  }
0x67: {  	s22 =	simm.s32 $0xA200;
	v3 =	vadd.s32 v1, v3  }
0x68: {  	[tilespmem:s22], [sflag:$0x2] =	stream.indirect_vreg.gather [hbm4b:s4+s2], $0x80, v4, vm0, $0xb8;
	[tilespmem:$0x10200] =	vst v63  }
0x69: {  	s23 =	simm.s32 $0xAA00  }
0x6a: {  	[tilespmem:s23], [sflag:$0x2] =	stream.indirect_vreg.gather [hbm4b:s5+s2], $0x80, v4, vm0, $0xb8;
	[tilespmem:$0x10200] =	vst v63  }
0x6b: {  	s25 =	simm.s32 $0xB200  }
0x6c: {  	[tilespmem:s25], [sflag:$0x2] =	stream.indirect_vreg.gather [hbm4b:s4+s2], $0x80, v3, vm0, $0xb8;
	[tilespmem:$0x10200] =	vst v63  }
0x6d: {  	s26 =	simm.s32 $0xBA00  }
0x6e: {  	[tilespmem:s26], [sflag:$0x2] =	stream.indirect_vreg.gather [hbm4b:s5+s2], $0x80, v3, vm0, $0xb8;
	[tilespmem:$0x10200] =	vst v63  }
0x6f: {  	v3 =	vld [tilespmem:$0x60];
	_ =	sdelay $0x4  }
0x70: {  	v38 =	vshll.u32 v3, $0x2  }
0x71: {  	v3 =	vand.u32 $0x7, v3;
	v4 =	vand.u32 $0xFFFFFFE0, v38  }
0x72: {  	v3 =	vor.u32 v3, v4  }
0x73: {  	v4 =	vperm.xlane v3, v0;
	_ =	sdelay $0x1  }
0x74: {  	v4 =	vadd.s32 v1, v4;
	_ =	sdelay $0x1  }
0x75: {  	v3 =	vperm.xlane v3, v2;
	_ =	sdelay $0x1  }
0x76: {  	s29 =	simm.s32 $0xC200;
	v3 =	vadd.s32 v1, v3  }
0x77: {  	[tilespmem:s29], [sflag:$0x2] =	stream.indirect_vreg.gather [hbm4b:s4+s2], $0x80, v4, vm0, $0xb8;
	[tilespmem:$0x10200] =	vst v63  }
0x78: {  	s30 =	simm.s32 $0xCA00  }
0x79: {  	[tilespmem:s30], [sflag:$0x2] =	stream.indirect_vreg.gather [hbm4b:s5+s2], $0x80, v4, vm0, $0xb8;
	[tilespmem:$0x10200] =	vst v63  }
0x7a: {  	s0 =	simm.s32 $0xD200  }
0x7b: {  	[tilespmem:s0], [sflag:$0x2] =	stream.indirect_vreg.gather [hbm4b:s4+s2], $0x80, v3, vm0, $0xb8;
	[tilespmem:$0x10200] =	vst v63  }
0x7c: {  	s8 =	simm.s32 $0xDA00  }
0x7d: {  	[tilespmem:s8], [sflag:$0x2] =	stream.indirect_vreg.gather [hbm4b:s5+s2], $0x80, v3, vm0, $0xb8;
	[tilespmem:$0x10200] =	vst v63  }
0x7e: {  	v3 =	vld [tilespmem:$0x70];
	_ =	sdelay $0x4  }
0x7f: {  	v39 =	vshll.u32 v3, $0x2  }
0x80: {  	v3 =	vand.u32 $0x7, v3;
	v4 =	vand.u32 $0xFFFFFFE0, v39  }
0x81: {  	v3 =	vor.u32 v3, v4  }
0x82: {  	v4 =	vperm.xlane v3, v0;
	_ =	sdelay $0x1  }
0x83: {  	v4 =	vadd.s32 v1, v4;
	_ =	sdelay $0x1  }
0x84: {  	v3 =	vperm.xlane v3, v2;
	_ =	sdelay $0x1  }
0x85: {  	s9 =	simm.s32 $0xE200;
	v3 =	vadd.s32 v1, v3  }
0x86: {  	[tilespmem:s9], [sflag:$0x2] =	stream.indirect_vreg.gather [hbm4b:s4+s2], $0x80, v4, vm0, $0xb8;
	[tilespmem:$0x10200] =	vst v63  }
0x87: {  	s19 =	simm.s32 $0xEA00  }
0x88: {  	[tilespmem:s19], [sflag:$0x2] =	stream.indirect_vreg.gather [hbm4b:s5+s2], $0x80, v4, vm0, $0xb8;
	[tilespmem:$0x10200] =	vst v63  }
0x89: {  	s22 =	simm.s32 $0xF200  }
0x8a: {  	[tilespmem:s22], [sflag:$0x2] =	stream.indirect_vreg.gather [hbm4b:s4+s2], $0x80, v3, vm0, $0xb8;
	[tilespmem:$0x10200] =	vst v63  }
0x8b: {  	s25 =	simm.s32 $0xFA00  }
0x8c: {  	[tilespmem:s25], [sflag:$0x2] =	stream.indirect_vreg.gather [hbm4b:s5+s2], $0x80, v3, vm0, $0xb8;
	[tilespmem:$0x10200] =	vst v63  }
0x8d: {  	_ =	swait.ge [sflag:s14], $0x8000  }
0x8e: {  	[sflag:s14] =	ssyncset.done $0x0  }
0x8f: {  	s0 =	rddreg [dreg:$0xb];
	[sflag:s14] =	ssyncadd.s32 $0xFFFF8000  }
0x90: {  	[hbm4b:s0+s2] =	stream.linear.scatter [tilespmem:s21], [sflag:$0x3], $0x8000, $0x38;
	[tilespmem:$0x10200] =	vst v63  }
0x91: {  	_ =	swait.ge [sflag:s15], $0x8000  }
0x92: {  	[sflag:s15] =	ssyncset.done $0x0  }
0x93: {  	[sflag:s15] =	ssyncadd.s32 $0xFFFF8000  }
0x94: {  	v3 =	vld [tilespmem:$0x80];
	_ =	sdelay $0x4  }
0x95: {  	v40 =	vshll.u32 v3, $0x2  }
0x96: {  	v3 =	vand.u32 $0x7, v3;
	v4 =	vand.u32 $0xFFFFFFE0, v40  }
0x97: {  	v3 =	vor.u32 v3, v4  }
0x98: {  	v4 =	vperm.xlane v3, v0;
	_ =	sdelay $0x1  }
0x99: {  	v4 =	vadd.s32 v1, v4;
	_ =	sdelay $0x1  }
0x9a: {  	v3 =	vperm.xlane v3, v2;
	_ =	sdelay $0x1  }
0x9b: {  	v3 =	vadd.s32 v1, v3  }
0x9c: {  	[tilespmem:s21], [sflag:$0x1] =	stream.indirect_vreg.gather [hbm4b:s4+s2], $0x80, v4, vm0, $0xb8;
	[tilespmem:$0x10200] =	vst v63  }
0x9d: {  	s1 =	simm.s32 $0xA00  }
0x9e: {  	[tilespmem:s1], [sflag:$0x1] =	stream.indirect_vreg.gather [hbm4b:s5+s2], $0x80, v4, vm0, $0xb8;
	[tilespmem:$0x10200] =	vst v63  }
0x9f: {  	s8 =	simm.s32 $0x1200  }
0xa0: {  	[tilespmem:s8], [sflag:$0x1] =	stream.indirect_vreg.gather [hbm4b:s4+s2], $0x80, v3, vm0, $0xb8;
	[tilespmem:$0x10200] =	vst v63  }
0xa1: {  	s7 =	simm.s32 $0x1A00  }
0xa2: {  	[tilespmem:s7], [sflag:$0x1] =	stream.indirect_vreg.gather [hbm4b:s5+s2], $0x80, v3, vm0, $0xb8;
	[tilespmem:$0x10200] =	vst v63  }
0xa3: {  	v3 =	vld [tilespmem:$0x90];
	_ =	sdelay $0x4  }
0xa4: {  	v41 =	vshll.u32 v3, $0x2  }
0xa5: {  	v3 =	vand.u32 $0x7, v3;
	v4 =	vand.u32 $0xFFFFFFE0, v41  }
0xa6: {  	v3 =	vor.u32 v3, v4  }
0xa7: {  	v4 =	vperm.xlane v3, v0;
	_ =	sdelay $0x1  }
0xa8: {  	v4 =	vadd.s32 v1, v4;
	_ =	sdelay $0x1  }
0xa9: {  	v3 =	vperm.xlane v3, v2;
	_ =	sdelay $0x1  }
0xaa: {  	s7 =	simm.s32 $0x2200;
	v3 =	vadd.s32 v1, v3  }
0xab: {  	[tilespmem:s7], [sflag:$0x1] =	stream.indirect_vreg.gather [hbm4b:s4+s2], $0x80, v4, vm0, $0xb8;
	[tilespmem:$0x10200] =	vst v63  }
0xac: {  	s9 =	simm.s32 $0x2A00  }
0xad: {  	[tilespmem:s9], [sflag:$0x1] =	stream.indirect_vreg.gather [hbm4b:s5+s2], $0x80, v4, vm0, $0xb8;
	[tilespmem:$0x10200] =	vst v63  }
0xae: {  	s10 =	simm.s32 $0x3200  }
0xaf: {  	[tilespmem:s10], [sflag:$0x1] =	stream.indirect_vreg.gather [hbm4b:s4+s2], $0x80, v3, vm0, $0xb8;
	[tilespmem:$0x10200] =	vst v63  }
0xb0: {  	s13 =	simm.s32 $0x3A00  }
0xb1: {  	[tilespmem:s13], [sflag:$0x1] =	stream.indirect_vreg.gather [hbm4b:s5+s2], $0x80, v3, vm0, $0xb8;
	[tilespmem:$0x10200] =	vst v63  }
0xb2: {  	v3 =	vld [tilespmem:$0xA0];
	_ =	sdelay $0x4  }
0xb3: {  	v42 =	vshll.u32 v3, $0x2  }
0xb4: {  	v3 =	vand.u32 $0x7, v3;
	v4 =	vand.u32 $0xFFFFFFE0, v42  }
0xb5: {  	v3 =	vor.u32 v3, v4  }
0xb6: {  	v4 =	vperm.xlane v3, v0;
	_ =	sdelay $0x1  }
0xb7: {  	v4 =	vadd.s32 v1, v4;
	_ =	sdelay $0x1  }
0xb8: {  	v3 =	vperm.xlane v3, v2;
	_ =	sdelay $0x1  }
0xb9: {  	s11 =	simm.s32 $0x4200;
	v3 =	vadd.s32 v1, v3  }
0xba: {  	[tilespmem:s11], [sflag:$0x1] =	stream.indirect_vreg.gather [hbm4b:s4+s2], $0x80, v4, vm0, $0xb8;
	[tilespmem:$0x10200] =	vst v63  }
0xbb: {  	s12 =	simm.s32 $0x4A00  }
0xbc: {  	[tilespmem:s12], [sflag:$0x1] =	stream.indirect_vreg.gather [hbm4b:s5+s2], $0x80, v4, vm0, $0xb8;
	[tilespmem:$0x10200] =	vst v63  }
0xbd: {  	s25 =	simm.s32 $0x5200  }
0xbe: {  	[tilespmem:s25], [sflag:$0x1] =	stream.indirect_vreg.gather [hbm4b:s4+s2], $0x80, v3, vm0, $0xb8;
	[tilespmem:$0x10200] =	vst v63  }
0xbf: {  	s19 =	simm.s32 $0x5A00  }
0xc0: {  	[tilespmem:s19], [sflag:$0x1] =	stream.indirect_vreg.gather [hbm4b:s5+s2], $0x80, v3, vm0, $0xb8;
	[tilespmem:$0x10200] =	vst v63  }
0xc1: {  	v3 =	vld [tilespmem:$0xB0];
	_ =	sdelay $0x4  }
0xc2: {  	v43 =	vshll.u32 v3, $0x2  }
0xc3: {  	v3 =	vand.u32 $0x7, v3;
	v4 =	vand.u32 $0xFFFFFFE0, v43  }
0xc4: {  	v3 =	vor.u32 v3, v4  }
0xc5: {  	v4 =	vperm.xlane v3, v0;
	_ =	sdelay $0x1  }
0xc6: {  	v4 =	vadd.s32 v1, v4;
	_ =	sdelay $0x1  }
0xc7: {  	v3 =	vperm.xlane v3, v2;
	_ =	sdelay $0x1  }
0xc8: {  	s10 =	simm.s32 $0x6200;
	v3 =	vadd.s32 v1, v3  }
0xc9: {  	[tilespmem:s10], [sflag:$0x1] =	stream.indirect_vreg.gather [hbm4b:s4+s2], $0x80, v4, vm0, $0xb8;
	[tilespmem:$0x10200] =	vst v63  }
0xca: {  	s11 =	simm.s32 $0x6A00  }
0xcb: {  	[tilespmem:s11], [sflag:$0x1] =	stream.indirect_vreg.gather [hbm4b:s5+s2], $0x80, v4, vm0, $0xb8;
	[tilespmem:$0x10200] =	vst v63  }
0xcc: {  	s12 =	simm.s32 $0x7200  }
0xcd: {  	[tilespmem:s12], [sflag:$0x1] =	stream.indirect_vreg.gather [hbm4b:s4+s2], $0x80, v3, vm0, $0xb8;
	[tilespmem:$0x10200] =	vst v63  }
0xce: {  	s13 =	simm.s32 $0x7A00  }
0xcf: {  	[tilespmem:s13], [sflag:$0x1] =	stream.indirect_vreg.gather [hbm4b:s5+s2], $0x80, v3, vm0, $0xb8;
	[tilespmem:$0x10200] =	vst v63  }
0xd0: {  	_ =	swait.ge [sflag:s16], $0x8000  }
0xd1: {  	[sflag:s16] =	ssyncset.done $0x0  }
0xd2: {  	s1 =	rddreg [dreg:$0x4];
	[sflag:s16] =	ssyncadd.s32 $0xFFFF8000  }
0xd3: {  	[hbm4b:s1+s2] =	stream.linear.scatter [tilespmem:s24], [sflag:$0x4], $0x8000, $0x38;
	[tilespmem:$0x10200] =	vst v63  }
0xd4: {  	_ =	swait.ge [sflag:s17], $0x8000  }
0xd5: {  	[sflag:s17] =	ssyncset.done $0x0  }
0xd6: {  	[sflag:s17] =	ssyncadd.s32 $0xFFFF8000  }
0xd7: {  	v3 =	vld [tilespmem:$0xC0];
	_ =	sdelay $0x4  }
0xd8: {  	v44 =	vshll.u32 v3, $0x2  }
0xd9: {  	v3 =	vand.u32 $0x7, v3;
	v4 =	vand.u32 $0xFFFFFFE0, v44  }
0xda: {  	v3 =	vor.u32 v3, v4  }
0xdb: {  	v4 =	vperm.xlane v3, v0;
	_ =	sdelay $0x1  }
0xdc: {  	v4 =	vadd.s32 v1, v4;
	_ =	sdelay $0x1  }
0xdd: {  	v3 =	vperm.xlane v3, v2;
	_ =	sdelay $0x1  }
0xde: {  	v3 =	vadd.s32 v1, v3  }
0xdf: {  	[tilespmem:s24], [sflag:$0x2] =	stream.indirect_vreg.gather [hbm4b:s4+s2], $0x80, v4, vm0, $0xb8;
	[tilespmem:$0x10200] =	vst v63  }
0xe0: {  	s0 =	simm.s32 $0x8A00  }
0xe1: {  	[tilespmem:s0], [sflag:$0x2] =	stream.indirect_vreg.gather [hbm4b:s5+s2], $0x80, v4, vm0, $0xb8;
	[tilespmem:$0x10200] =	vst v63  }
0xe2: {  	s1 =	simm.s32 $0x9200  }
0xe3: {  	[tilespmem:s1], [sflag:$0x2] =	stream.indirect_vreg.gather [hbm4b:s4+s2], $0x80, v3, vm0, $0xb8;
	[tilespmem:$0x10200] =	vst v63  }
0xe4: {  	s3 =	simm.s32 $0x9A00  }
0xe5: {  	[tilespmem:s3], [sflag:$0x2] =	stream.indirect_vreg.gather [hbm4b:s5+s2], $0x80, v3, vm0, $0xb8;
	[tilespmem:$0x10200] =	vst v63  }
0xe6: {  	v3 =	vld [tilespmem:$0xD0];
	_ =	sdelay $0x4  }
0xe7: {  	v45 =	vshll.u32 v3, $0x2  }
0xe8: {  	v3 =	vand.u32 $0x7, v3;
	v4 =	vand.u32 $0xFFFFFFE0, v45  }
0xe9: {  	v3 =	vor.u32 v3, v4  }
0xea: {  	v4 =	vperm.xlane v3, v0;
	_ =	sdelay $0x1  }
0xeb: {  	v4 =	vadd.s32 v1, v4;
	_ =	sdelay $0x1  }
0xec: {  	v3 =	vperm.xlane v3, v2;
	_ =	sdelay $0x1  }
0xed: {  	s3 =	simm.s32 $0xA200;
	v3 =	vadd.s32 v1, v3  }
0xee: {  	[tilespmem:s3], [sflag:$0x2] =	stream.indirect_vreg.gather [hbm4b:s4+s2], $0x80, v4, vm0, $0xb8;
	[tilespmem:$0x10200] =	vst v63  }
0xef: {  	s31 =	simm.s32 $0xAA00  }
0xf0: {  	[tilespmem:s31], [sflag:$0x2] =	stream.indirect_vreg.gather [hbm4b:s5+s2], $0x80, v4, vm0, $0xb8;
	[tilespmem:$0x10200] =	vst v63  }
0xf1: {  	s28 =	simm.s32 $0xB200  }
0xf2: {  	[tilespmem:s28], [sflag:$0x2] =	stream.indirect_vreg.gather [hbm4b:s4+s2], $0x80, v3, vm0, $0xb8;
	[tilespmem:$0x10200] =	vst v63  }
0xf3: {  	s23 =	simm.s32 $0xBA00  }
0xf4: {  	[tilespmem:s23], [sflag:$0x2] =	stream.indirect_vreg.gather [hbm4b:s5+s2], $0x80, v3, vm0, $0xb8;
	[tilespmem:$0x10200] =	vst v63  }
0xf5: {  	v3 =	vld [tilespmem:$0xE0];
	_ =	sdelay $0x4  }
0xf6: {  	v46 =	vshll.u32 v3, $0x2  }
0xf7: {  	v3 =	vand.u32 $0x7, v3;
	v4 =	vand.u32 $0xFFFFFFE0, v46  }
0xf8: {  	v3 =	vor.u32 v3, v4  }
0xf9: {  	v4 =	vperm.xlane v3, v0;
	_ =	sdelay $0x1  }
0xfa: {  	v4 =	vadd.s32 v1, v4;
	_ =	sdelay $0x1  }
0xfb: {  	v3 =	vperm.xlane v3, v2;
	_ =	sdelay $0x1  }
0xfc: {  	s29 =	simm.s32 $0xC200;
	v3 =	vadd.s32 v1, v3  }
0xfd: {  	[tilespmem:s29], [sflag:$0x2] =	stream.indirect_vreg.gather [hbm4b:s4+s2], $0x80, v4, vm0, $0xb8;
	[tilespmem:$0x10200] =	vst v63  }
0xfe: {  	s30 =	simm.s32 $0xCA00  }
0xff: {  	[tilespmem:s30], [sflag:$0x2] =	stream.indirect_vreg.gather [hbm4b:s5+s2], $0x80, v4, vm0, $0xb8;
	[tilespmem:$0x10200] =	vst v63  }
0x100: {  	s30 =	simm.s32 $0xD200  }
0x101: {  	[tilespmem:s30], [sflag:$0x2] =	stream.indirect_vreg.gather [hbm4b:s4+s2], $0x80, v3, vm0, $0xb8;
	[tilespmem:$0x10200] =	vst v63  }
0x102: {  	s20 =	simm.s32 $0xDA00  }
0x103: {  	[tilespmem:s20], [sflag:$0x2] =	stream.indirect_vreg.gather [hbm4b:s5+s2], $0x80, v3, vm0, $0xb8;
	[tilespmem:$0x10200] =	vst v63  }
0x104: {  	v3 =	vld [tilespmem:$0xF0];
	_ =	sdelay $0x4  }
0x105: {  	v47 =	vshll.u32 v3, $0x2  }
0x106: {  	v3 =	vand.u32 $0x7, v3;
	v4 =	vand.u32 $0xFFFFFFE0, v47  }
0x107: {  	v3 =	vor.u32 v3, v4  }
0x108: {  	v4 =	vperm.xlane v3, v0;
	_ =	sdelay $0x1  }
0x109: {  	v4 =	vadd.s32 v1, v4;
	_ =	sdelay $0x1  }
0x10a: {  	v3 =	vperm.xlane v3, v2;
	_ =	sdelay $0x1  }
0x10b: {  	s20 =	simm.s32 $0xE200;
	v3 =	vadd.s32 v1, v3  }
0x10c: {  	[tilespmem:s20], [sflag:$0x2] =	stream.indirect_vreg.gather [hbm4b:s4+s2], $0x80, v4, vm0, $0xb8;
	[tilespmem:$0x10200] =	vst v63  }
0x10d: {  	s30 =	simm.s32 $0xEA00  }
0x10e: {  	[tilespmem:s30], [sflag:$0x2] =	stream.indirect_vreg.gather [hbm4b:s5+s2], $0x80, v4, vm0, $0xb8;
	[tilespmem:$0x10200] =	vst v63  }
0x10f: {  	s26 =	simm.s32 $0xF200  }
0x110: {  	[tilespmem:s26], [sflag:$0x2] =	stream.indirect_vreg.gather [hbm4b:s4+s2], $0x80, v3, vm0, $0xb8;
	[tilespmem:$0x10200] =	vst v63  }
0x111: {  	s22 =	simm.s32 $0xFA00  }
0x112: {  	[tilespmem:s22], [sflag:$0x2] =	stream.indirect_vreg.gather [hbm4b:s5+s2], $0x80, v3, vm0, $0xb8;
	[tilespmem:$0x10200] =	vst v63  }
0x113: {  	_ =	swait.ge [sflag:s14], $0x8000  }
0x114: {  	[sflag:s14] =	ssyncset.done $0x0  }
0x115: {  	s22 =	rddreg [dreg:$0x5];
	[sflag:s14] =	ssyncadd.s32 $0xFFFF8000  }
0x116: {  	[hbm4b:s22+s2] =	stream.linear.scatter [tilespmem:s21], [sflag:$0x3], $0x8000, $0x38;
	[tilespmem:$0x10200] =	vst v63  }
0x117: {  	_ =	swait.ge [sflag:s15], $0x8000  }
0x118: {  	[sflag:s15] =	ssyncset.done $0x0  }
0x119: {  	[sflag:s15] =	ssyncadd.s32 $0xFFFF8000  }
0x11a: {  	v3 =	vld [tilespmem:$0x100];
	_ =	sdelay $0x4  }
0x11b: {  	v48 =	vshll.u32 v3, $0x2  }
0x11c: {  	v3 =	vand.u32 $0x7, v3;
	v4 =	vand.u32 $0xFFFFFFE0, v48  }
0x11d: {  	v3 =	vor.u32 v3, v4  }
0x11e: {  	v4 =	vperm.xlane v3, v0;
	_ =	sdelay $0x1  }
0x11f: {  	v4 =	vadd.s32 v1, v4;
	_ =	sdelay $0x1  }
0x120: {  	v3 =	vperm.xlane v3, v2;
	_ =	sdelay $0x1  }
0x121: {  	v3 =	vadd.s32 v1, v3  }
0x122: {  	[tilespmem:s21], [sflag:$0x1] =	stream.indirect_vreg.gather [hbm4b:s4+s2], $0x80, v4, vm0, $0xb8;
	[tilespmem:$0x10200] =	vst v63  }
0x123: {  	s22 =	simm.s32 $0xA00  }
0x124: {  	[tilespmem:s22], [sflag:$0x1] =	stream.indirect_vreg.gather [hbm4b:s5+s2], $0x80, v4, vm0, $0xb8;
	[tilespmem:$0x10200] =	vst v63  }
0x125: {  	_ = 	snop  }
0x126: {  	[tilespmem:s8], [sflag:$0x1] =	stream.indirect_vreg.gather [hbm4b:s4+s2], $0x80, v3, vm0, $0xb8;
	[tilespmem:$0x10200] =	vst v63  }
0x127: {  	s22 =	simm.s32 $0x1A00  }
0x128: {  	[tilespmem:s22], [sflag:$0x1] =	stream.indirect_vreg.gather [hbm4b:s5+s2], $0x80, v3, vm0, $0xb8;
	[tilespmem:$0x10200] =	vst v63  }
0x129: {  	v3 =	vld [tilespmem:$0x110];
	_ =	sdelay $0x4  }
0x12a: {  	v49 =	vshll.u32 v3, $0x2  }
0x12b: {  	v3 =	vand.u32 $0x7, v3;
	v4 =	vand.u32 $0xFFFFFFE0, v49  }
0x12c: {  	v3 =	vor.u32 v3, v4  }
0x12d: {  	v4 =	vperm.xlane v3, v0;
	_ =	sdelay $0x1  }
0x12e: {  	v4 =	vadd.s32 v1, v4;
	_ =	sdelay $0x1  }
0x12f: {  	v3 =	vperm.xlane v3, v2;
	_ =	sdelay $0x1  }
0x130: {  	v3 =	vadd.s32 v1, v3  }
0x131: {  	[tilespmem:s7], [sflag:$0x1] =	stream.indirect_vreg.gather [hbm4b:s4+s2], $0x80, v4, vm0, $0xb8;
	[tilespmem:$0x10200] =	vst v63  }
0x132: {  	_ = 	snop  }
0x133: {  	[tilespmem:s9], [sflag:$0x1] =	stream.indirect_vreg.gather [hbm4b:s5+s2], $0x80, v4, vm0, $0xb8;
	[tilespmem:$0x10200] =	vst v63  }
0x134: {  	s22 =	simm.s32 $0x3200  }
0x135: {  	[tilespmem:s22], [sflag:$0x1] =	stream.indirect_vreg.gather [hbm4b:s4+s2], $0x80, v3, vm0, $0xb8;
	[tilespmem:$0x10200] =	vst v63  }
0x136: {  	s22 =	simm.s32 $0x3A00  }
0x137: {  	[tilespmem:s22], [sflag:$0x1] =	stream.indirect_vreg.gather [hbm4b:s5+s2], $0x80, v3, vm0, $0xb8;
	[tilespmem:$0x10200] =	vst v63  }
0x138: {  	v3 =	vld [tilespmem:$0x120];
	_ =	sdelay $0x4  }
0x139: {  	v50 =	vshll.u32 v3, $0x2  }
0x13a: {  	v3 =	vand.u32 $0x7, v3;
	v4 =	vand.u32 $0xFFFFFFE0, v50  }
0x13b: {  	v3 =	vor.u32 v3, v4  }
0x13c: {  	v4 =	vperm.xlane v3, v0;
	_ =	sdelay $0x1  }
0x13d: {  	v4 =	vadd.s32 v1, v4;
	_ =	sdelay $0x1  }
0x13e: {  	v3 =	vperm.xlane v3, v2;
	_ =	sdelay $0x1  }
0x13f: {  	s22 =	simm.s32 $0x4200;
	v3 =	vadd.s32 v1, v3  }
0x140: {  	[tilespmem:s22], [sflag:$0x1] =	stream.indirect_vreg.gather [hbm4b:s4+s2], $0x80, v4, vm0, $0xb8;
	[tilespmem:$0x10200] =	vst v63  }
0x141: {  	s22 =	simm.s32 $0x4A00  }
0x142: {  	[tilespmem:s22], [sflag:$0x1] =	stream.indirect_vreg.gather [hbm4b:s5+s2], $0x80, v4, vm0, $0xb8;
	[tilespmem:$0x10200] =	vst v63  }
0x143: {  	_ = 	snop  }
0x144: {  	[tilespmem:s25], [sflag:$0x1] =	stream.indirect_vreg.gather [hbm4b:s4+s2], $0x80, v3, vm0, $0xb8;
	[tilespmem:$0x10200] =	vst v63  }
0x145: {  	_ = 	snop  }
0x146: {  	[tilespmem:s19], [sflag:$0x1] =	stream.indirect_vreg.gather [hbm4b:s5+s2], $0x80, v3, vm0, $0xb8;
	[tilespmem:$0x10200] =	vst v63  }
0x147: {  	v3 =	vld [tilespmem:$0x130];
	_ =	sdelay $0x4  }
0x148: {  	v51 =	vshll.u32 v3, $0x2  }
0x149: {  	v3 =	vand.u32 $0x7, v3;
	v4 =	vand.u32 $0xFFFFFFE0, v51  }
0x14a: {  	v3 =	vor.u32 v3, v4  }
0x14b: {  	v4 =	vperm.xlane v3, v0;
	_ =	sdelay $0x1  }
0x14c: {  	v4 =	vadd.s32 v1, v4;
	_ =	sdelay $0x1  }
0x14d: {  	v3 =	vperm.xlane v3, v2;
	_ =	sdelay $0x1  }
0x14e: {  	v3 =	vadd.s32 v1, v3  }
0x14f: {  	[tilespmem:s10], [sflag:$0x1] =	stream.indirect_vreg.gather [hbm4b:s4+s2], $0x80, v4, vm0, $0xb8;
	[tilespmem:$0x10200] =	vst v63  }
0x150: {  	_ = 	snop  }
0x151: {  	[tilespmem:s11], [sflag:$0x1] =	stream.indirect_vreg.gather [hbm4b:s5+s2], $0x80, v4, vm0, $0xb8;
	[tilespmem:$0x10200] =	vst v63  }
0x152: {  	_ = 	snop  }
0x153: {  	[tilespmem:s12], [sflag:$0x1] =	stream.indirect_vreg.gather [hbm4b:s4+s2], $0x80, v3, vm0, $0xb8;
	[tilespmem:$0x10200] =	vst v63  }
0x154: {  	_ = 	snop  }
0x155: {  	[tilespmem:s13], [sflag:$0x1] =	stream.indirect_vreg.gather [hbm4b:s5+s2], $0x80, v3, vm0, $0xb8;
	[tilespmem:$0x10200] =	vst v63  }
0x156: {  	_ =	swait.ge [sflag:s16], $0x8000  }
0x157: {  	[sflag:s16] =	ssyncset.done $0x0  }
0x158: {  	s22 =	rddreg [dreg:$0x6];
	[sflag:s16] =	ssyncadd.s32 $0xFFFF8000  }
0x159: {  	[hbm4b:s22+s2] =	stream.linear.scatter [tilespmem:s24], [sflag:$0x4], $0x8000, $0x38;
	[tilespmem:$0x10200] =	vst v63  }
0x15a: {  	_ =	swait.ge [sflag:s17], $0x8000  }
0x15b: {  	[sflag:s17] =	ssyncset.done $0x0  }
0x15c: {  	[sflag:s17] =	ssyncadd.s32 $0xFFFF8000  }
0x15d: {  	v3 =	vld [tilespmem:$0x140];
	_ =	sdelay $0x4  }
0x15e: {  	v52 =	vshll.u32 v3, $0x2  }
0x15f: {  	v3 =	vand.u32 $0x7, v3;
	v4 =	vand.u32 $0xFFFFFFE0, v52  }
0x160: {  	v3 =	vor.u32 v3, v4  }
0x161: {  	v4 =	vperm.xlane v3, v0;
	_ =	sdelay $0x1  }
0x162: {  	v4 =	vadd.s32 v1, v4;
	_ =	sdelay $0x1  }
0x163: {  	v3 =	vperm.xlane v3, v2;
	_ =	sdelay $0x1  }
0x164: {  	v3 =	vadd.s32 v1, v3  }
0x165: {  	[tilespmem:s24], [sflag:$0x2] =	stream.indirect_vreg.gather [hbm4b:s4+s2], $0x80, v4, vm0, $0xb8;
	[tilespmem:$0x10200] =	vst v63  }
0x166: {  	_ = 	snop  }
0x167: {  	[tilespmem:s0], [sflag:$0x2] =	stream.indirect_vreg.gather [hbm4b:s5+s2], $0x80, v4, vm0, $0xb8;
	[tilespmem:$0x10200] =	vst v63  }
0x168: {  	_ = 	snop  }
0x169: {  	[tilespmem:s1], [sflag:$0x2] =	stream.indirect_vreg.gather [hbm4b:s4+s2], $0x80, v3, vm0, $0xb8;
	[tilespmem:$0x10200] =	vst v63  }
0x16a: {  	s22 =	simm.s32 $0x9A00  }
0x16b: {  	[tilespmem:s22], [sflag:$0x2] =	stream.indirect_vreg.gather [hbm4b:s5+s2], $0x80, v3, vm0, $0xb8;
	[tilespmem:$0x10200] =	vst v63  }
0x16c: {  	v3 =	vld [tilespmem:$0x150];
	_ =	sdelay $0x4  }
0x16d: {  	v53 =	vshll.u32 v3, $0x2  }
0x16e: {  	v3 =	vand.u32 $0x7, v3;
	v4 =	vand.u32 $0xFFFFFFE0, v53  }
0x16f: {  	v3 =	vor.u32 v3, v4  }
0x170: {  	v4 =	vperm.xlane v3, v0;
	_ =	sdelay $0x1  }
0x171: {  	v4 =	vadd.s32 v1, v4;
	_ =	sdelay $0x1  }
0x172: {  	v3 =	vperm.xlane v3, v2;
	_ =	sdelay $0x1  }
0x173: {  	v3 =	vadd.s32 v1, v3  }
0x174: {  	[tilespmem:s3], [sflag:$0x2] =	stream.indirect_vreg.gather [hbm4b:s4+s2], $0x80, v4, vm0, $0xb8;
	[tilespmem:$0x10200] =	vst v63  }
0x175: {  	s31 =	simm.s32 $0xAA00  }
0x176: {  	[tilespmem:s31], [sflag:$0x2] =	stream.indirect_vreg.gather [hbm4b:s5+s2], $0x80, v4, vm0, $0xb8;
	[tilespmem:$0x10200] =	vst v63  }
0x177: {  	s22 =	simm.s32 $0xB200  }
0x178: {  	[tilespmem:s22], [sflag:$0x2] =	stream.indirect_vreg.gather [hbm4b:s4+s2], $0x80, v3, vm0, $0xb8;
	[tilespmem:$0x10200] =	vst v63  }
0x179: {  	s22 =	simm.s32 $0xBA00  }
0x17a: {  	[tilespmem:s22], [sflag:$0x2] =	stream.indirect_vreg.gather [hbm4b:s5+s2], $0x80, v3, vm0, $0xb8;
	[tilespmem:$0x10200] =	vst v63  }
0x17b: {  	v3 =	vld [tilespmem:$0x160];
	_ =	sdelay $0x4  }
0x17c: {  	v54 =	vshll.u32 v3, $0x2  }
0x17d: {  	v3 =	vand.u32 $0x7, v3;
	v4 =	vand.u32 $0xFFFFFFE0, v54  }
0x17e: {  	v3 =	vor.u32 v3, v4  }
0x17f: {  	v4 =	vperm.xlane v3, v0;
	_ =	sdelay $0x1  }
0x180: {  	v4 =	vadd.s32 v1, v4;
	_ =	sdelay $0x1  }
0x181: {  	v3 =	vperm.xlane v3, v2;
	_ =	sdelay $0x1  }
0x182: {  	s23 =	simm.s32 $0xC200;
	v3 =	vadd.s32 v1, v3  }
0x183: {  	[tilespmem:s23], [sflag:$0x2] =	stream.indirect_vreg.gather [hbm4b:s4+s2], $0x80, v4, vm0, $0xb8;
	[tilespmem:$0x10200] =	vst v63  }
0x184: {  	s28 =	simm.s32 $0xCA00  }
0x185: {  	[tilespmem:s28], [sflag:$0x2] =	stream.indirect_vreg.gather [hbm4b:s5+s2], $0x80, v4, vm0, $0xb8;
	[tilespmem:$0x10200] =	vst v63  }
0x186: {  	s29 =	simm.s32 $0xD200  }
0x187: {  	[tilespmem:s29], [sflag:$0x2] =	stream.indirect_vreg.gather [hbm4b:s4+s2], $0x80, v3, vm0, $0xb8;
	[tilespmem:$0x10200] =	vst v63  }
0x188: {  	s29 =	simm.s32 $0xDA00  }
0x189: {  	[tilespmem:s29], [sflag:$0x2] =	stream.indirect_vreg.gather [hbm4b:s5+s2], $0x80, v3, vm0, $0xb8;
	[tilespmem:$0x10200] =	vst v63  }
0x18a: {  	v3 =	vld [tilespmem:$0x170];
	_ =	sdelay $0x4  }
0x18b: {  	v55 =	vshll.u32 v3, $0x2  }
0x18c: {  	v3 =	vand.u32 $0x7, v3;
	v4 =	vand.u32 $0xFFFFFFE0, v55  }
0x18d: {  	v3 =	vor.u32 v3, v4  }
0x18e: {  	v4 =	vperm.xlane v3, v0;
	_ =	sdelay $0x1  }
0x18f: {  	v4 =	vadd.s32 v1, v4;
	_ =	sdelay $0x1  }
0x190: {  	v3 =	vperm.xlane v3, v2;
	_ =	sdelay $0x1  }
0x191: {  	s20 =	simm.s32 $0xE200;
	v3 =	vadd.s32 v1, v3  }
0x192: {  	[tilespmem:s20], [sflag:$0x2] =	stream.indirect_vreg.gather [hbm4b:s4+s2], $0x80, v4, vm0, $0xb8;
	[tilespmem:$0x10200] =	vst v63  }
0x193: {  	s30 =	simm.s32 $0xEA00  }
0x194: {  	[tilespmem:s30], [sflag:$0x2] =	stream.indirect_vreg.gather [hbm4b:s5+s2], $0x80, v4, vm0, $0xb8;
	[tilespmem:$0x10200] =	vst v63  }
0x195: {  	s26 =	simm.s32 $0xF200  }
0x196: {  	[tilespmem:s26], [sflag:$0x2] =	stream.indirect_vreg.gather [hbm4b:s4+s2], $0x80, v3, vm0, $0xb8;
	[tilespmem:$0x10200] =	vst v63  }
0x197: {  	s26 =	simm.s32 $0xFA00  }
0x198: {  	[tilespmem:s26], [sflag:$0x2] =	stream.indirect_vreg.gather [hbm4b:s5+s2], $0x80, v3, vm0, $0xb8;
	[tilespmem:$0x10200] =	vst v63  }
0x199: {  	_ =	swait.ge [sflag:s14], $0x8000  }
0x19a: {  	[sflag:s14] =	ssyncset.done $0x0  }
0x19b: {  	s18 =	rddreg [dreg:$0x7];
	[sflag:s14] =	ssyncadd.s32 $0xFFFF8000  }
0x19c: {  	[hbm4b:s18+s2] =	stream.linear.scatter [tilespmem:s21], [sflag:$0x3], $0x8000, $0x38;
	[tilespmem:$0x10200] =	vst v63  }
0x19d: {  	_ =	swait.ge [sflag:s15], $0x8000  }
0x19e: {  	[sflag:s15] =	ssyncset.done $0x0  }
0x19f: {  	[sflag:s15] =	ssyncadd.s32 $0xFFFF8000  }
0x1a0: {  	v3 =	vld [tilespmem:$0x180];
	_ =	sdelay $0x4  }
0x1a1: {  	v56 =	vshll.u32 v3, $0x2  }
0x1a2: {  	v3 =	vand.u32 $0x7, v3;
	v4 =	vand.u32 $0xFFFFFFE0, v56  }
0x1a3: {  	v3 =	vor.u32 v3, v4  }
0x1a4: {  	v4 =	vperm.xlane v3, v0;
	_ =	sdelay $0x1  }
0x1a5: {  	v4 =	vadd.s32 v1, v4;
	_ =	sdelay $0x1  }
0x1a6: {  	v3 =	vperm.xlane v3, v2;
	_ =	sdelay $0x1  }
0x1a7: {  	v3 =	vadd.s32 v1, v3  }
0x1a8: {  	[tilespmem:s21], [sflag:$0x1] =	stream.indirect_vreg.gather [hbm4b:s4+s2], $0x80, v4, vm0, $0xb8;
	[tilespmem:$0x10200] =	vst v63  }
0x1a9: {  	s18 =	simm.s32 $0xA00  }
0x1aa: {  	[tilespmem:s18], [sflag:$0x1] =	stream.indirect_vreg.gather [hbm4b:s5+s2], $0x80, v4, vm0, $0xb8;
	[tilespmem:$0x10200] =	vst v63  }
0x1ab: {  	s8 =	simm.s32 $0x1200  }
0x1ac: {  	[tilespmem:s8], [sflag:$0x1] =	stream.indirect_vreg.gather [hbm4b:s4+s2], $0x80, v3, vm0, $0xb8;
	[tilespmem:$0x10200] =	vst v63  }
0x1ad: {  	s18 =	simm.s32 $0x1A00  }
0x1ae: {  	[tilespmem:s18], [sflag:$0x1] =	stream.indirect_vreg.gather [hbm4b:s5+s2], $0x80, v3, vm0, $0xb8;
	[tilespmem:$0x10200] =	vst v63  }
0x1af: {  	v3 =	vld [tilespmem:$0x190];
	_ =	sdelay $0x4  }
0x1b0: {  	v57 =	vshll.u32 v3, $0x2  }
0x1b1: {  	v3 =	vand.u32 $0x7, v3;
	v4 =	vand.u32 $0xFFFFFFE0, v57  }
0x1b2: {  	v3 =	vor.u32 v3, v4  }
0x1b3: {  	v4 =	vperm.xlane v3, v0;
	_ =	sdelay $0x1  }
0x1b4: {  	v4 =	vadd.s32 v1, v4;
	_ =	sdelay $0x1  }
0x1b5: {  	v3 =	vperm.xlane v3, v2;
	_ =	sdelay $0x1  }
0x1b6: {  	s7 =	simm.s32 $0x2200;
	v3 =	vadd.s32 v1, v3  }
0x1b7: {  	[tilespmem:s7], [sflag:$0x1] =	stream.indirect_vreg.gather [hbm4b:s4+s2], $0x80, v4, vm0, $0xb8;
	[tilespmem:$0x10200] =	vst v63  }
0x1b8: {  	s9 =	simm.s32 $0x2A00  }
0x1b9: {  	[tilespmem:s9], [sflag:$0x1] =	stream.indirect_vreg.gather [hbm4b:s5+s2], $0x80, v4, vm0, $0xb8;
	[tilespmem:$0x10200] =	vst v63  }
0x1ba: {  	s9 =	simm.s32 $0x3200  }
0x1bb: {  	[tilespmem:s9], [sflag:$0x1] =	stream.indirect_vreg.gather [hbm4b:s4+s2], $0x80, v3, vm0, $0xb8;
	[tilespmem:$0x10200] =	vst v63  }
0x1bc: {  	s18 =	simm.s32 $0x3A00  }
0x1bd: {  	[tilespmem:s18], [sflag:$0x1] =	stream.indirect_vreg.gather [hbm4b:s5+s2], $0x80, v3, vm0, $0xb8;
	[tilespmem:$0x10200] =	vst v63  }
0x1be: {  	v3 =	vld [tilespmem:$0x1A0];
	_ =	sdelay $0x4  }
0x1bf: {  	v58 =	vshll.u32 v3, $0x2  }
0x1c0: {  	v3 =	vand.u32 $0x7, v3;
	v4 =	vand.u32 $0xFFFFFFE0, v58  }
0x1c1: {  	v3 =	vor.u32 v3, v4  }
0x1c2: {  	v4 =	vperm.xlane v3, v0;
	_ =	sdelay $0x1  }
0x1c3: {  	v4 =	vadd.s32 v1, v4;
	_ =	sdelay $0x1  }
0x1c4: {  	v3 =	vperm.xlane v3, v2;
	_ =	sdelay $0x1  }
0x1c5: {  	s8 =	simm.s32 $0x4200;
	v3 =	vadd.s32 v1, v3  }
0x1c6: {  	[tilespmem:s8], [sflag:$0x1] =	stream.indirect_vreg.gather [hbm4b:s4+s2], $0x80, v4, vm0, $0xb8;
	[tilespmem:$0x10200] =	vst v63  }
0x1c7: {  	s9 =	simm.s32 $0x4A00  }
0x1c8: {  	[tilespmem:s9], [sflag:$0x1] =	stream.indirect_vreg.gather [hbm4b:s5+s2], $0x80, v4, vm0, $0xb8;
	[tilespmem:$0x10200] =	vst v63  }
0x1c9: {  	s25 =	simm.s32 $0x5200  }
0x1ca: {  	[tilespmem:s25], [sflag:$0x1] =	stream.indirect_vreg.gather [hbm4b:s4+s2], $0x80, v3, vm0, $0xb8;
	[tilespmem:$0x10200] =	vst v63  }
0x1cb: {  	s19 =	simm.s32 $0x5A00  }
0x1cc: {  	[tilespmem:s19], [sflag:$0x1] =	stream.indirect_vreg.gather [hbm4b:s5+s2], $0x80, v3, vm0, $0xb8;
	[tilespmem:$0x10200] =	vst v63  }
0x1cd: {  	v3 =	vld [tilespmem:$0x1B0];
	_ =	sdelay $0x4  }
0x1ce: {  	v59 =	vshll.u32 v3, $0x2  }
0x1cf: {  	v3 =	vand.u32 $0x7, v3;
	v4 =	vand.u32 $0xFFFFFFE0, v59  }
0x1d0: {  	v3 =	vor.u32 v3, v4  }
0x1d1: {  	v4 =	vperm.xlane v3, v0;
	_ =	sdelay $0x1  }
0x1d2: {  	v4 =	vadd.s32 v1, v4;
	_ =	sdelay $0x1  }
0x1d3: {  	v3 =	vperm.xlane v3, v2;
	_ =	sdelay $0x1  }
0x1d4: {  	s10 =	simm.s32 $0x6200;
	v3 =	vadd.s32 v1, v3  }
0x1d5: {  	[tilespmem:s10], [sflag:$0x1] =	stream.indirect_vreg.gather [hbm4b:s4+s2], $0x80, v4, vm0, $0xb8;
	[tilespmem:$0x10200] =	vst v63  }
0x1d6: {  	s11 =	simm.s32 $0x6A00  }
0x1d7: {  	[tilespmem:s11], [sflag:$0x1] =	stream.indirect_vreg.gather [hbm4b:s5+s2], $0x80, v4, vm0, $0xb8;
	[tilespmem:$0x10200] =	vst v63  }
0x1d8: {  	s12 =	simm.s32 $0x7200  }
0x1d9: {  	[tilespmem:s12], [sflag:$0x1] =	stream.indirect_vreg.gather [hbm4b:s4+s2], $0x80, v3, vm0, $0xb8;
	[tilespmem:$0x10200] =	vst v63  }
0x1da: {  	s13 =	simm.s32 $0x7A00  }
0x1db: {  	[tilespmem:s13], [sflag:$0x1] =	stream.indirect_vreg.gather [hbm4b:s5+s2], $0x80, v3, vm0, $0xb8;
	[tilespmem:$0x10200] =	vst v63  }
0x1dc: {  	_ =	swait.ge [sflag:s16], $0x8000  }
0x1dd: {  	[sflag:s16] =	ssyncset.done $0x0  }
0x1de: {  	s13 =	rddreg [dreg:$0x8];
	[sflag:s16] =	ssyncadd.s32 $0xFFFF8000  }
0x1df: {  	[hbm4b:s13+s2] =	stream.linear.scatter [tilespmem:s24], [sflag:$0x4], $0x8000, $0x38;
	[tilespmem:$0x10200] =	vst v63  }
0x1e0: {  	_ =	swait.ge [sflag:s17], $0x8000  }
0x1e1: {  	[sflag:s17] =	ssyncset.done $0x0  }
0x1e2: {  	[sflag:s17] =	ssyncadd.s32 $0xFFFF8000  }
0x1e3: {  	v3 =	vld [tilespmem:$0x1C0];
	_ =	sdelay $0x4  }
0x1e4: {  	v60 =	vshll.u32 v3, $0x2  }
0x1e5: {  	v3 =	vand.u32 $0x7, v3;
	v4 =	vand.u32 $0xFFFFFFE0, v60  }
0x1e6: {  	v3 =	vor.u32 v3, v4  }
0x1e7: {  	v4 =	vperm.xlane v3, v0;
	_ =	sdelay $0x1  }
0x1e8: {  	v4 =	vadd.s32 v1, v4;
	_ =	sdelay $0x1  }
0x1e9: {  	v3 =	vperm.xlane v3, v2;
	_ =	sdelay $0x1  }
0x1ea: {  	v3 =	vadd.s32 v1, v3  }
0x1eb: {  	[tilespmem:s24], [sflag:$0x2] =	stream.indirect_vreg.gather [hbm4b:s4+s2], $0x80, v4, vm0, $0xb8;
	[tilespmem:$0x10200] =	vst v63  }
0x1ec: {  	s0 =	simm.s32 $0x8A00  }
0x1ed: {  	[tilespmem:s0], [sflag:$0x2] =	stream.indirect_vreg.gather [hbm4b:s5+s2], $0x80, v4, vm0, $0xb8;
	[tilespmem:$0x10200] =	vst v63  }
0x1ee: {  	s1 =	simm.s32 $0x9200  }
0x1ef: {  	[tilespmem:s1], [sflag:$0x2] =	stream.indirect_vreg.gather [hbm4b:s4+s2], $0x80, v3, vm0, $0xb8;
	[tilespmem:$0x10200] =	vst v63  }
0x1f0: {  	s18 =	simm.s32 $0x9A00  }
0x1f1: {  	[tilespmem:s18], [sflag:$0x2] =	stream.indirect_vreg.gather [hbm4b:s5+s2], $0x80, v3, vm0, $0xb8;
	[tilespmem:$0x10200] =	vst v63  }
0x1f2: {  	v3 =	vld [tilespmem:$0x1D0];
	_ =	sdelay $0x4  }
0x1f3: {  	v61 =	vshll.u32 v3, $0x2  }
0x1f4: {  	v3 =	vand.u32 $0x7, v3;
	v4 =	vand.u32 $0xFFFFFFE0, v61  }
0x1f5: {  	v3 =	vor.u32 v3, v4  }
0x1f6: {  	v4 =	vperm.xlane v3, v0;
	_ =	sdelay $0x1  }
0x1f7: {  	v4 =	vadd.s32 v1, v4;
	_ =	sdelay $0x1  }
0x1f8: {  	v3 =	vperm.xlane v3, v2;
	_ =	sdelay $0x1  }
0x1f9: {  	s3 =	simm.s32 $0xA200;
	v3 =	vadd.s32 v1, v3  }
0x1fa: {  	[tilespmem:s3], [sflag:$0x2] =	stream.indirect_vreg.gather [hbm4b:s4+s2], $0x80, v4, vm0, $0xb8;
	[tilespmem:$0x10200] =	vst v63  }
0x1fb: {  	s31 =	simm.s32 $0xAA00  }
0x1fc: {  	[tilespmem:s31], [sflag:$0x2] =	stream.indirect_vreg.gather [hbm4b:s5+s2], $0x80, v4, vm0, $0xb8;
	[tilespmem:$0x10200] =	vst v63  }
0x1fd: {  	s19 =	simm.s32 $0xB200  }
0x1fe: {  	[tilespmem:s19], [sflag:$0x2] =	stream.indirect_vreg.gather [hbm4b:s4+s2], $0x80, v3, vm0, $0xb8;
	[tilespmem:$0x10200] =	vst v63  }
0x1ff: {  	s25 =	simm.s32 $0xBA00  }
0x200: {  	[tilespmem:s25], [sflag:$0x2] =	stream.indirect_vreg.gather [hbm4b:s5+s2], $0x80, v3, vm0, $0xb8;
	[tilespmem:$0x10200] =	vst v63  }
0x201: {  	v3 =	vld [tilespmem:$0x1E0];
	_ =	sdelay $0x4  }
0x202: {  	v62 =	vshll.u32 v3, $0x2  }
0x203: {  	v3 =	vand.u32 $0x7, v3;
	v4 =	vand.u32 $0xFFFFFFE0, v62  }
0x204: {  	v3 =	vor.u32 v3, v4  }
0x205: {  	v4 =	vperm.xlane v3, v0;
	_ =	sdelay $0x1  }
0x206: {  	v4 =	vadd.s32 v1, v4;
	_ =	sdelay $0x1  }
0x207: {  	v3 =	vperm.xlane v3, v2;
	_ =	sdelay $0x1  }
0x208: {  	s22 =	simm.s32 $0xC200;
	v3 =	vadd.s32 v1, v3  }
0x209: {  	[tilespmem:s22], [sflag:$0x2] =	stream.indirect_vreg.gather [hbm4b:s4+s2], $0x80, v4, vm0, $0xb8;
	[tilespmem:$0x10200] =	vst v63  }
0x20a: {  	s23 =	simm.s32 $0xCA00  }
0x20b: {  	[tilespmem:s23], [sflag:$0x2] =	stream.indirect_vreg.gather [hbm4b:s5+s2], $0x80, v4, vm0, $0xb8;
	[tilespmem:$0x10200] =	vst v63  }
0x20c: {  	s28 =	simm.s32 $0xD200  }
0x20d: {  	[tilespmem:s28], [sflag:$0x2] =	stream.indirect_vreg.gather [hbm4b:s4+s2], $0x80, v3, vm0, $0xb8;
	[tilespmem:$0x10200] =	vst v63  }
0x20e: {  	s28 =	simm.s32 $0xDA00  }
0x20f: {  	[tilespmem:s28], [sflag:$0x2] =	stream.indirect_vreg.gather [hbm4b:s5+s2], $0x80, v3, vm0, $0xb8;
	[tilespmem:$0x10200] =	vst v63  }
0x210: {  	v3 =	vld [tilespmem:$0x1F0];
	_ =	sdelay $0x4  }
0x211: {  	v63 =	vshll.u32 v3, $0x2  }
0x212: {  	v3 =	vand.u32 $0x7, v3;
	v4 =	vand.u32 $0xFFFFFFE0, v63  }
0x213: {  	v3 =	vor.u32 v3, v4  }
0x214: {  	v4 =	vperm.xlane v3, v0;
	_ =	sdelay $0x1  }
0x215: {  	v4 =	vadd.s32 v1, v4;
	_ =	sdelay $0x1  }
0x216: {  	v3 =	vperm.xlane v3, v2;
	_ =	sdelay $0x1  }
0x217: {  	s29 =	simm.s32 $0xE200;
	v3 =	vadd.s32 v1, v3  }
0x218: {  	[tilespmem:s29], [sflag:$0x2] =	stream.indirect_vreg.gather [hbm4b:s4+s2], $0x80, v4, vm0, $0xb8;
	[tilespmem:$0x10200] =	vst v63  }
0x219: {  	s20 =	simm.s32 $0xEA00  }
0x21a: {  	[tilespmem:s20], [sflag:$0x2] =	stream.indirect_vreg.gather [hbm4b:s5+s2], $0x80, v4, vm0, $0xb8;
	[tilespmem:$0x10200] =	vst v63  }
0x21b: {  	s30 =	simm.s32 $0xF200  }
0x21c: {  	[tilespmem:s30], [sflag:$0x2] =	stream.indirect_vreg.gather [hbm4b:s4+s2], $0x80, v3, vm0, $0xb8;
	[tilespmem:$0x10200] =	vst v63  }
0x21d: {  	s26 =	simm.s32 $0xFA00  }
0x21e: {  	[tilespmem:s26], [sflag:$0x2] =	stream.indirect_vreg.gather [hbm4b:s5+s2], $0x80, v3, vm0, $0xb8;
	[tilespmem:$0x10200] =	vst v63  }
0x21f: {  	_ =	swait.ge [sflag:s14], $0x8000  }
0x220: {  	[sflag:s14] =	ssyncset.done $0x0  }
0x221: {  	s30 =	rddreg [dreg:$0x9];
	[sflag:s14] =	ssyncadd.s32 $0xFFFF8000  }
0x222: {  	[hbm4b:s30+s2] =	stream.linear.scatter [tilespmem:s21], [sflag:$0x3], $0x8000, $0x38;
	[tilespmem:$0x10200] =	vst v63  }
0x223: {  	_ =	swait.ge [sflag:s16], $0x8000  }
0x224: {  	[sflag:s16] =	ssyncset.done $0x0  }
0x225: {  	s31 =	rddreg [dreg:$0xa];
	[sflag:s16] =	ssyncadd.s32 $0xFFFF8000  }
0x226: {  	[hbm4b:s31+s2] =	stream.linear.scatter [tilespmem:s24], [sflag:$0x4], $0x8000, $0x38;
	[tilespmem:$0x10200] =	vst v63  }
0x227: {  	p0 =	sne.s32 s6, $0x1;
	_ =	swait.ge [sflag:s15], $0x8000  }
.Ltmp0:
0x228: {  	[sflag:s15] =	ssyncset.done $0x0;
	(pc) =	sbr.rel @p0 .LBB2_1-.Ltmp0, $4  }
0x229: {  	[sflag:s15] =	ssyncadd.s32 $0xFFFF8000  }
0x22a: {  	_ =	swait.ge [sflag:s17], $0x8000  }
0x22b: {  	[sflag:s17] =	ssyncset.done $0x0  }
0x22c: {  	s6 =	sadd.s32 $0xFFFFFFFF, s6;
	[sflag:s17] =	ssyncadd.s32 $0xFFFF8000  }
0x22d: {  	_ =	sfence.sel $0x180000  }
0x22e: {  	[bflag:$0x0] =	sbarrier.arrive $0xFFFF  }
0x22f: {  	_ =	strace $0x90000047  }
0x230: {  	s0 =	stileid.u32;
	[bflag:$0x2] =	sbarrier.arrive $0xFFFF  }
0x231: {  	p0 =	sne.s32 s0, $0x0;
	s0 =	rddreg [dreg:$0x2]  }
0x232: {  	s0 =	sadd.s32 @!p0 $0x100000, s0  }
0x233: {  	[sflag:s0] =	ssyncadd.tile.s32 @!p0 $0x1;
	_ =	shalt  }
.Lfunc_end2:
_tile_overlayer_lowered:
.L_overlay_start_2:
0x234: {  	(tag) =	ssettag $0x2  }
0x235: {  	s0 =	rddreg [dreg:$0x0];
	s2 =	stileid.u32  }
0x236: {  	s1 =	rddreg [dreg:$0x1];
	p0 =	sne.s32 s2, $0x0  }
0x237: {  	s3 =	rddreg [dreg:$0x2];
	[bflag:$0x3] =	sbarrier.arrive $0xFFFF;
	s2 =	simm.s32 @!p0 $0x1C05  }
0x238: {  	[timem:s3], [sflag:s2] =	dma.local @!p0 [hbm:s0], s1  }
0x239: {  	s0 =	simm.s32 @!p0 $0x5  }
0x23a: {  	_ =	swait.ge @!p0 [sflag:s0], s1  }
0x23b: {  	s1 =	ssub.s32 @!p0 $0x0, s1;
	[sflag:s0] =	ssyncset.done @!p0 $0x0  }
0x23c: {  	[sflag:s0] =	ssyncadd.s32 @!p0 s1  }
0x23d: {  	[bflag:$0x3] =	sbarrier.arrive $0xFFFF  }
0x23e: {  	_ =	shalt  }

</sc_bundles>
